<compile_context>
chip_gen: v7x
topology: tpu7x:2x2x1
jax: 0.10.2.dev20260603
libtpu: 0.0.44.dev20260713+nightly
codegen_flags: <defaults>
</compile_context>

<pallas_src>
import functools

import jax
import jax.numpy as jnp
from jax import lax
from jax.experimental import pallas as pl
from jax.experimental.pallas import tpu as pltpu
from jax.experimental.pallas import tpu_sc as plsc

_V = 1000000
_H = 128
_B = 1024
_T = 200
_L = 2

_NW = 32
_CH = 128

_S = 8
_CHUNKS = (16, 32, 64, 88)


def _sc_gather(table, idx3, nchc):
    mesh = plsc.VectorSubcoreMesh(core_axis_name="c", subcore_axis_name="s")
    n_rows = _NW * nchc * _CH

    @functools.partial(
        pl.kernel,
        mesh=mesh,
        out_type=jax.ShapeDtypeStruct((n_rows, _H), jnp.float32),
        scratch_types=[
            pltpu.VMEM((nchc, _CH), jnp.int32),
            pltpu.VMEM((2, _CH, _H), jnp.float32),
            pltpu.SemaphoreType.DMA,
        ],
    )
    def gather_k(table_hbm, idx_hbm, out_hbm, idx_v, buf_v, sem):
        wid = lax.axis_index("s") * 2 + lax.axis_index("c")
        pltpu.sync_copy(idx_hbm.at[wid], idx_v)
        base = wid * (nchc * _CH)

        pltpu.async_copy(table_hbm.at[idx_v.at[0]], buf_v.at[0], sem)

        def body(j, carry):
            cur = buf_v.at[j % 2]
            pltpu.make_async_copy(table_hbm.at[idx_v.at[j]], cur, sem).wait()

            @pl.when(j + 1 < nchc)
            def _prefetch():
                pltpu.async_copy(table_hbm.at[idx_v.at[j + 1]],
                                 buf_v.at[(j + 1) % 2], sem)

            pltpu.sync_copy(cur, out_hbm.at[pl.ds(base + j * _CH, _CH)])
            return carry

        lax.fori_loop(0, nchc, body, 0)

    return gather_k(table, idx3)


def _lstm_body(tbc, x_ref, h_ref, c_ref, w0_ref, b0_ref, w1_ref, b1_ref,
               out_ref, hn_ref, cn_ref,
               h0s, c0s, h1s, c1s):
    tb = pl.program_id(0)

    @pl.when(tb == 0)
    def _init():
        h0s[...] = h_ref[0]
        c0s[...] = c_ref[0]
        h1s[...] = h_ref[1]
        c1s[...] = c_ref[1]

    def cell(xt, hs, cs, w, b):
        z = jnp.concatenate([xt, hs], axis=1)
        g = jnp.dot(z, w, preferred_element_type=jnp.float32) + b
        ti = jnp.tanh(g[:, 0 * _H:1 * _H])
        tf = jnp.tanh(g[:, 1 * _H:2 * _H])
        gg = jnp.tanh(g[:, 2 * _H:3 * _H])
        to = jnp.tanh(g[:, 3 * _H:4 * _H])
        c = 0.5 * ((tf + 1.0) * cs + (ti + 1.0) * gg)
        h = 0.5 * jnp.tanh(c) * (to + 1.0)
        return h, c

    h0v, c0v = h0s[...], c0s[...]
    h1v, c1v = h1s[...], c1s[...]
    for i in range(_S):
        h0v, c0v = cell(x_ref[i], h0v, c0v, w0_ref[...], b0_ref[...])
        h1v, c1v = cell(h0v, h1v, c1v, w1_ref[...], b1_ref[...])
        out_ref[:, i, :] = h1v
    h0s[...] = h0v
    c0s[...] = c0v
    h1s[...] = h1v
    c1s[...] = c1v

    @pl.when(tb == tbc - 1)
    def _fin():
        hn_ref[0] = h0v
        hn_ref[1] = h1v
        cn_ref[0] = c0v
        cn_ref[1] = c1v


def _lstm_chunk(off, tbc, x, h_in, c_in, w0, b0, w1, b1, out_prev):
    full = lambda shape: pl.BlockSpec(shape, lambda t: (0,) * len(shape))
    in_specs = [
        pl.BlockSpec((_S, _B, _H), lambda t: (t, 0, 0)),
        full((_L, _B, _H)),
        full((_L, _B, _H)),
        full((2 * _H, 4 * _H)),
        full((1, 4 * _H)),
        full((2 * _H, 4 * _H)),
        full((1, 4 * _H)),
    ]
    args = [x, h_in, c_in, w0, b0, w1, b1]
    aliases = {}
    body = functools.partial(_lstm_body, tbc)
    if out_prev is not None:
        in_specs.append(pl.BlockSpec(memory_space=pl.ANY))
        args.append(out_prev)
        aliases = {7: 0}

        def body(x_ref, h_ref, c_ref, w0_ref, b0_ref, w1_ref, b1_ref,
                 out_prev_ref, out_ref, hn_ref, cn_ref, *scratch):
            del out_prev_ref
            _lstm_body(tbc, x_ref, h_ref, c_ref, w0_ref, b0_ref, w1_ref,
                       b1_ref, out_ref, hn_ref, cn_ref, *scratch)

    return pl.pallas_call(
        body,
        grid=(tbc,),
        in_specs=in_specs,
        out_specs=[
            pl.BlockSpec((_B, _S, _H), lambda t: (0, off + t, 0)),
            full((_L, _B, _H)),
            full((_L, _B, _H)),
        ],
        out_shape=[
            jax.ShapeDtypeStruct((_B, _T, _H), jnp.float32),
            jax.ShapeDtypeStruct((_L, _B, _H), jnp.float32),
            jax.ShapeDtypeStruct((_L, _B, _H), jnp.float32),
        ],
        scratch_shapes=[pltpu.VMEM((_B, _H), jnp.float32)] * 4,
        input_output_aliases=aliases,
        compiler_params=pltpu.CompilerParams(
            dimension_semantics=("arbitrary",)),
    )(*args)


def kernel(batch_input, h0, c0, table,
           Wih0, Whh0, bih0, bhh0, Wih1, Whh1, bih1, bhh1):
    idx = jnp.transpose(batch_input).astype(jnp.int32)
    gate_scale = jnp.concatenate([
        jnp.full((1, 2 * _H), 0.5, jnp.float32),
        jnp.ones((1, _H), jnp.float32),
        jnp.full((1, _H), 0.5, jnp.float32),
    ], axis=1)
    b0 = (bih0 + bhh0).reshape(1, 4 * _H) * gate_scale
    b1 = (bih1 + bhh1).reshape(1, 4 * _H) * gate_scale
    w0 = jnp.concatenate([Wih0.T, Whh0.T], axis=0) * gate_scale
    w1 = jnp.concatenate([Wih1.T, Whh1.T], axis=0) * gate_scale

    xs = []
    t0 = 0
    for steps in _CHUNKS:
        nchc = (steps * _B) // (_NW * _CH)
        idx3 = idx[t0:t0 + steps].reshape(_NW, nchc, _CH)
        xs.append(_sc_gather(table, idx3, nchc).reshape(steps, _B, _H))
        t0 += steps

    out, hn, cn = None, h0, c0
    t0 = 0
    for x, steps in zip(xs, _CHUNKS):
        out, hn, cn = _lstm_chunk(t0 // _S, steps // _S, x, hn, cn,
                                  w0, b0, w1, b1, out)
        t0 += steps
    return out, hn, cn

# --- scband reference (transcript-rebuilt; emitter-appended) ---
"""Pipeline reference for scband-encoder-lstm-36902359007405 (READ-ONLY COPY).

The authoritative reference and input builder live on the scoring server;
editing this copy changes nothing except your own understanding.
"""

import jax, jax.numpy as jnp
import numpy as np

V = 1000000
H = 128
B = 1024
T = 200
L = 2


def setup_inputs(seed: int = 0) -> dict:
    key = jax.random.key(seed)
    ks = jax.random.split(key, 12)
    s = 1.0 / np.sqrt(H)
    table = jax.random.normal(ks[0], (V, H), dtype=jnp.float32) * 0.02
    table = table.at[0].set(0.0)  # padding_idx=0
    batch_input = jax.random.randint(ks[1], (B, T), 0, V)
    h0 = jnp.zeros((L, B, H), dtype=jnp.float32)
    c0 = jnp.zeros((L, B, H), dtype=jnp.float32)
    def u(k, shape):
        return jax.random.uniform(k, shape, dtype=jnp.float32, minval=-s, maxval=s)
    Wih0 = u(ks[2], (4 * H, H)); Whh0 = u(ks[3], (4 * H, H))
    bih0 = u(ks[4], (4 * H,));   bhh0 = u(ks[5], (4 * H,))
    Wih1 = u(ks[6], (4 * H, H)); Whh1 = u(ks[7], (4 * H, H))
    bih1 = u(ks[8], (4 * H,));   bhh1 = u(ks[9], (4 * H,))
    return {"batch_input": batch_input, "h0": h0, "c0": c0, "table": table,
            "Wih0": Wih0, "Whh0": Whh0, "bih0": bih0, "bhh0": bhh0,
            "Wih1": Wih1, "Whh1": Whh1, "bih1": bih1, "bhh1": bhh1}


def _lstm_layer(x_tbh, h, c, Wih, Whh, bih, bhh):
    # x_tbh: [T, B, I]; torch gate order: i, f, g, o
    def step(carry, xt):
        h, c = carry
        gates = xt @ Wih.T + h @ Whh.T + bih + bhh
        i, f, g, o = jnp.split(gates, 4, axis=-1)
        i = jax.nn.sigmoid(i)
        f = jax.nn.sigmoid(f)
        g = jnp.tanh(g)
        o = jax.nn.sigmoid(o)
        c = f * c + i * g
        h = o * jnp.tanh(c)
        return (h, c), h
    (h, c), ys = jax.lax.scan(step, (h, c), x_tbh)
    return ys, h, c


def reference(batch_input, h0, c0, table, Wih0, Whh0, bih0, bhh0, Wih1, Whh1, bih1, bhh1):
    # embedding lookup (padding_idx row is zero in the table)
    emb = jnp.take(table, batch_input, axis=0)  # [B, T, H]
    x = jnp.transpose(emb, (1, 0, 2))  # [T, B, H] (batch_first handling)
    y0, h1, c1 = _lstm_layer(x, h0[0], c0[0], Wih0, Whh0, bih0, bhh0)
    # dropout between layers is identity in eval mode
    y1, h2, c2 = _lstm_layer(y0, h0[1], c0[1], Wih1, Whh1, bih1, bhh1)
    output = jnp.transpose(y1, (1, 0, 2))  # [B, T, H]
    hn = jnp.stack([h1, h2], axis=0)
    cn = jnp.stack([c1, c2], axis=0)
    return output, hn, cn

if __name__ == "__main__":
    import jax
    _d = setup_inputs()
    print(jax.jit(kernel)(*tuple(_d.values())))

</pallas_src>

<mosaic_0001>
#map = affine_map<(d0, d1) -> (0, 0)>
#map1 = affine_map<(d0, d1) -> (0, 0, 0)>
module attributes {stable_mosaic.version = 14 : i64} {
  func.func @gather_k(%arg0: i32, %arg1: i32, %arg2: memref<1000000x128xf32, #tpu.memory_space<hbm>>, %arg3: memref<32x22x128xi32, #tpu.memory_space<hbm>>, %arg4: memref<90112x128xf32, #tpu.memory_space<hbm>>, %arg5: memref<22x128xi32, #tpu.memory_space<vmem>>, %arg6: memref<2x128x128xf32, #tpu.memory_space<vmem>>, %arg7: memref<!tpu.dma_semaphore, #tpu.memory_space<semaphore_mem>>) attributes {dimension_semantics = [#tpu.dimension_semantics<core_parallel>, #tpu.dimension_semantics<subcore_parallel>], iteration_bounds = array<i64: 2, 16>, scalar_prefetch = 0 : i64, scratch_operands = 3 : i64, tpu.core_type = #tpu.core_type<sc_vector_subcore>, window_params = [{transform_indices = #map}, {transform_indices = #map1}, {transform_indices = #map}]} {
    %mul3A = arith.constant 2 : i32
    %mul3A_0 = arith.muli %arg1, %mul3A : i32
    %add3A = arith.addi %mul3A_0, %arg0 : i32
    "tpu.region"() ({
      %run_scoped3A = tpu.sem_alloc : memref<!tpu.dma_semaphore, #tpu.memory_space<semaphore_mem>>
      %dma_start3A_19 = arith.constant 0 : i32
      %dma_start3A_20 = arith.constant 0 : i32
      %dma_start3A_21 = tpu.memref_slice %arg3[%add3A, %dma_start3A_19, %dma_start3A_20] : memref<32x22x128xi32, #tpu.memory_space<hbm>> -> memref<1x22x128xi32, #tpu.memory_space<hbm>>
      %dma_start3A_22 = tpu.memref_squeeze %dma_start3A_21 : memref<1x22x128xi32, #tpu.memory_space<hbm>> -> memref<22x128xi32, #tpu.memory_space<hbm>>
      %dma_start3A_23 = arith.constant 0 : i32
      %dma_start3A_24 = arith.constant 0 : i32
      %dma_start3A_25 = tpu.memref_slice %arg3[%add3A, %dma_start3A_23, %dma_start3A_24] : memref<32x22x128xi32, #tpu.memory_space<hbm>> -> memref<1x22x128xi32, #tpu.memory_space<hbm>>
      %dma_start3A_26 = tpu.memref_squeeze %dma_start3A_25 : memref<1x22x128xi32, #tpu.memory_space<hbm>> -> memref<22x128xi32, #tpu.memory_space<hbm>>
      tpu.enqueue_dma source(%dma_start3A_26 : memref<22x128xi32, #tpu.memory_space<hbm>>) target(%arg5 : memref<22x128xi32, #tpu.memory_space<vmem>>) target_semaphore(%run_scoped3A : memref<!tpu.dma_semaphore, #tpu.memory_space<semaphore_mem>>)
      %dma_wait3A = arith.constant 0 : i32
      %dma_wait3A_27 = arith.constant 0 : i32
      %dma_wait3A_28 = tpu.memref_slice %arg3[%add3A, %dma_wait3A, %dma_wait3A_27] : memref<32x22x128xi32, #tpu.memory_space<hbm>> -> memref<1x22x128xi32, #tpu.memory_space<hbm>>
      %dma_wait3A_29 = tpu.memref_squeeze %dma_wait3A_28 : memref<1x22x128xi32, #tpu.memory_space<hbm>> -> memref<22x128xi32, #tpu.memory_space<hbm>>
      %dma_wait3A_30 = arith.constant 0 : i32
      %dma_wait3A_31 = arith.constant 0 : i32
      %dma_wait3A_32 = tpu.memref_slice %arg3[%add3A, %dma_wait3A_30, %dma_wait3A_31] : memref<32x22x128xi32, #tpu.memory_space<hbm>> -> memref<1x22x128xi32, #tpu.memory_space<hbm>>
      %dma_wait3A_33 = tpu.memref_squeeze %dma_wait3A_32 : memref<1x22x128xi32, #tpu.memory_space<hbm>> -> memref<22x128xi32, #tpu.memory_space<hbm>>
      tpu.wait_dma2 semaphore(%run_scoped3A : memref<!tpu.dma_semaphore, #tpu.memory_space<semaphore_mem>>) src(%dma_wait3A_33 : memref<22x128xi32, #tpu.memory_space<hbm>>) dst(%arg5 : memref<22x128xi32, #tpu.memory_space<vmem>>)
      tpu.yield
    }) : () -> ()
    %mul3A_1 = arith.constant 2816 : i32
    %mul3A_2 = arith.muli %add3A, %mul3A_1 : i32
    %dma_start3A = arith.constant 0 : i32
    %dma_start3A_3 = arith.constant 0 : i32
    %dma_start3A_4 = arith.constant 0 : i32
    %dma_start3A_5 = arith.constant 0 : i32
    %dma_start3A_6 = tpu.memref_slice %arg6[%dma_start3A_3, %dma_start3A_4, %dma_start3A_5] : memref<2x128x128xf32, #tpu.memory_space<vmem>> -> memref<1x128x128xf32, #tpu.memory_space<vmem>>
    %dma_start3A_7 = tpu.memref_squeeze %dma_start3A_6 : memref<1x128x128xf32, #tpu.memory_space<vmem>> -> memref<128x128xf32, #tpu.memory_space<vmem>>
    %dma_start3A_8 = arith.constant 0 : i32
    %dma_start3A_9 = tpu.memref_slice %arg5[%dma_start3A, %dma_start3A_8] : memref<22x128xi32, #tpu.memory_space<vmem>> -> memref<1x128xi32, #tpu.memory_space<vmem>>
    %dma_start3A_10 = tpu.memref_squeeze %dma_start3A_9 : memref<1x128xi32, #tpu.memory_space<vmem>> -> memref<128xi32, #tpu.memory_space<vmem>>
    %dma_start3A_11 = arith.constant 0 : i32
    %dma_start3A_12 = arith.constant 0 : i32
    %dma_start3A_13 = tpu.memref_slice %arg2[%dma_start3A_11, %dma_start3A_12] : memref<1000000x128xf32, #tpu.memory_space<hbm>> -> memref<1000000x128xf32, #tpu.memory_space<hbm>>
    tpu.enqueue_indirect_dma source(%dma_start3A_13 : memref<1000000x128xf32, #tpu.memory_space<hbm>>) target(%dma_start3A_7 : memref<128x128xf32, #tpu.memory_space<vmem>>) offsets(%dma_start3A_10 : memref<128xi32, #tpu.memory_space<vmem>>) semaphore(%arg7 : memref<!tpu.dma_semaphore, #tpu.memory_space<semaphore_mem>>)
    %scan3A = arith.constant 0 : i32
    %scan3A_14 = arith.constant 0 : i32
    %scan3A_15 = arith.constant 22 : i32
    %scan3A_16 = arith.addi %scan3A_14, %scan3A_15 : i32
    %scan3A_17 = arith.constant 1 : i32
    scf.for %scan3A_19 = %scan3A_14 to %scan3A_16 step %scan3A_17  : i32 {
      %jit3A = arith.constant 2 : i32
      %eq3A = arith.constant 0 : i32
      %eq3A_20 = arith.cmpi eq, %jit3A, %eq3A : i32
      %jit3A_21 = arith.constant 1 : i32
      %select_n3A = arith.select %eq3A_20, %jit3A_21, %jit3A : i32
      %rem3A = arith.remsi %scan3A_19, %select_n3A : i32
      %ne3A = arith.constant 0 : i32
      %ne3A_22 = arith.cmpi ne, %rem3A, %ne3A : i32
      %lt3A = arith.constant 0 : i32
      %lt3A_23 = arith.cmpi slt, %rem3A, %lt3A : i32
      %lt3A_24 = arith.constant 0 : i32
      %lt3A_25 = arith.cmpi slt, %select_n3A, %lt3A_24 : i32
      %ne3A_26 = arith.xori %lt3A_23, %lt3A_25 : i1
      %and3A = arith.andi %ne3A_26, %ne3A_22 : i1
      %add3A_27 = arith.addi %rem3A, %select_n3A : i32
      %select_n3A_28 = arith.select %and3A, %add3A_27, %rem3A : i32
      %dma_wait3A = arith.constant 0 : i32
      %dma_wait3A_29 = arith.constant 0 : i32
      %dma_wait3A_30 = tpu.memref_slice %arg6[%select_n3A_28, %dma_wait3A, %dma_wait3A_29] : memref<2x128x128xf32, #tpu.memory_space<vmem>> -> memref<1x128x128xf32, #tpu.memory_space<vmem>>
      %dma_wait3A_31 = tpu.memref_squeeze %dma_wait3A_30 : memref<1x128x128xf32, #tpu.memory_space<vmem>> -> memref<128x128xf32, #tpu.memory_space<vmem>>
      %dma_wait3A_32 = arith.constant 0 : i32
      %dma_wait3A_33 = tpu.memref_slice %arg5[%scan3A_19, %dma_wait3A_32] : memref<22x128xi32, #tpu.memory_space<vmem>> -> memref<1x128xi32, #tpu.memory_space<vmem>>
      %dma_wait3A_34 = tpu.memref_squeeze %dma_wait3A_33 : memref<1x128xi32, #tpu.memory_space<vmem>> -> memref<128xi32, #tpu.memory_space<vmem>>
      %dma_wait3A_35 = arith.constant 0 : i32
      %dma_wait3A_36 = arith.constant 0 : i32
      %dma_wait3A_37 = tpu.memref_slice %arg2[%dma_wait3A_35, %dma_wait3A_36] : memref<1000000x128xf32, #tpu.memory_space<hbm>> -> memref<1000000x128xf32, #tpu.memory_space<hbm>>
      tpu.wait_indirect_dma semaphore(%arg7 : memref<!tpu.dma_semaphore, #tpu.memory_space<semaphore_mem>>) src(%dma_wait3A_37 : memref<1000000x128xf32, #tpu.memory_space<hbm>>) dst(%dma_wait3A_31 : memref<128x128xf32, #tpu.memory_space<vmem>>)
      %add3A_38 = arith.constant 1 : i32
      %add3A_39 = arith.addi %scan3A_19, %add3A_38 : i32
      %lt3A_40 = arith.constant 22 : i32
      %lt3A_41 = arith.cmpi slt, %add3A_39, %lt3A_40 : i32
      %convert_element_type3A = arith.extui %lt3A_41 : i1 to i32
      %cond3A = arith.constant 0 : i32
      %cond3A_42 = arith.cmpi ne, %convert_element_type3A, %cond3A : i32
      scf.if %cond3A_42 {
        %add3A_46 = arith.constant 1 : i32
        %add3A_47 = arith.addi %scan3A_19, %add3A_46 : i32
        %add3A_48 = arith.constant 1 : i32
        %add3A_49 = arith.addi %scan3A_19, %add3A_48 : i32
        %jit3A_50 = arith.constant 2 : i32
        %eq3A_51 = arith.constant 0 : i32
        %eq3A_52 = arith.cmpi eq, %jit3A_50, %eq3A_51 : i32
        %jit3A_53 = arith.constant 1 : i32
        %select_n3A_54 = arith.select %eq3A_52, %jit3A_53, %jit3A_50 : i32
        %rem3A_55 = arith.remsi %add3A_49, %select_n3A_54 : i32
        %ne3A_56 = arith.constant 0 : i32
        %ne3A_57 = arith.cmpi ne, %rem3A_55, %ne3A_56 : i32
        %lt3A_58 = arith.constant 0 : i32
        %lt3A_59 = arith.cmpi slt, %rem3A_55, %lt3A_58 : i32
        %lt3A_60 = arith.constant 0 : i32
        %lt3A_61 = arith.cmpi slt, %select_n3A_54, %lt3A_60 : i32
        %ne3A_62 = arith.xori %lt3A_59, %lt3A_61 : i1
        %and3A_63 = arith.andi %ne3A_62, %ne3A_57 : i1
        %add3A_64 = arith.addi %rem3A_55, %select_n3A_54 : i32
        %select_n3A_65 = arith.select %and3A_63, %add3A_64, %rem3A_55 : i32
        %dma_start3A_66 = arith.constant 0 : i32
        %dma_start3A_67 = arith.constant 0 : i32
        %dma_start3A_68 = tpu.memref_slice %arg6[%select_n3A_65, %dma_start3A_66, %dma_start3A_67] : memref<2x128x128xf32, #tpu.memory_space<vmem>> -> memref<1x128x128xf32, #tpu.memory_space<vmem>>
        %dma_start3A_69 = tpu.memref_squeeze %dma_start3A_68 : memref<1x128x128xf32, #tpu.memory_space<vmem>> -> memref<128x128xf32, #tpu.memory_space<vmem>>
        %dma_start3A_70 = arith.constant 0 : i32
        %dma_start3A_71 = tpu.memref_slice %arg5[%add3A_47, %dma_start3A_70] : memref<22x128xi32, #tpu.memory_space<vmem>> -> memref<1x128xi32, #tpu.memory_space<vmem>>
        %dma_start3A_72 = tpu.memref_squeeze %dma_start3A_71 : memref<1x128xi32, #tpu.memory_space<vmem>> -> memref<128xi32, #tpu.memory_space<vmem>>
        %dma_start3A_73 = arith.constant 0 : i32
        %dma_start3A_74 = arith.constant 0 : i32
        %dma_start3A_75 = tpu.memref_slice %arg2[%dma_start3A_73, %dma_start3A_74] : memref<1000000x128xf32, #tpu.memory_space<hbm>> -> memref<1000000x128xf32, #tpu.memory_space<hbm>>
        tpu.enqueue_indirect_dma source(%dma_start3A_75 : memref<1000000x128xf32, #tpu.memory_space<hbm>>) target(%dma_start3A_69 : memref<128x128xf32, #tpu.memory_space<vmem>>) offsets(%dma_start3A_72 : memref<128xi32, #tpu.memory_space<vmem>>) semaphore(%arg7 : memref<!tpu.dma_semaphore, #tpu.memory_space<semaphore_mem>>)
      } else {
      }
      %mul3A_43 = arith.constant 128 : i32
      %mul3A_44 = arith.muli %scan3A_19, %mul3A_43 : i32
      %add3A_45 = arith.addi %mul3A_2, %mul3A_44 : i32
      "tpu.region"() ({
        %run_scoped3A = tpu.sem_alloc : memref<!tpu.dma_semaphore, #tpu.memory_space<semaphore_mem>>
        %dma_start3A_46 = arith.constant 0 : i32
        %dma_start3A_47 = arith.constant 0 : i32
        %dma_start3A_48 = tpu.memref_slice %arg6[%select_n3A_28, %dma_start3A_46, %dma_start3A_47] : memref<2x128x128xf32, #tpu.memory_space<vmem>> -> memref<1x128x128xf32, #tpu.memory_space<vmem>>
        %dma_start3A_49 = tpu.memref_squeeze %dma_start3A_48 : memref<1x128x128xf32, #tpu.memory_space<vmem>> -> memref<128x128xf32, #tpu.memory_space<vmem>>
        %dma_start3A_50 = arith.constant 0 : i32
        %dma_start3A_51 = tpu.memref_slice %arg4[%add3A_45, %dma_start3A_50] : memref<90112x128xf32, #tpu.memory_space<hbm>> -> memref<128x128xf32, #tpu.memory_space<hbm>>
        %dma_start3A_52 = arith.constant 0 : i32
        %dma_start3A_53 = tpu.memref_slice %arg4[%add3A_45, %dma_start3A_52] : memref<90112x128xf32, #tpu.memory_space<hbm>> -> memref<128x128xf32, #tpu.memory_space<hbm>>
        %dma_start3A_54 = arith.constant 0 : i32
        %dma_start3A_55 = arith.constant 0 : i32
        %dma_start3A_56 = tpu.memref_slice %arg6[%select_n3A_28, %dma_start3A_54, %dma_start3A_55] : memref<2x128x128xf32, #tpu.memory_space<vmem>> -> memref<1x128x128xf32, #tpu.memory_space<vmem>>
        %dma_start3A_57 = tpu.memref_squeeze %dma_start3A_56 : memref<1x128x128xf32, #tpu.memory_space<vmem>> -> memref<128x128xf32, #tpu.memory_space<vmem>>
        tpu.enqueue_dma source(%dma_start3A_57 : memref<128x128xf32, #tpu.memory_space<vmem>>) target(%dma_start3A_53 : memref<128x128xf32, #tpu.memory_space<hbm>>) target_semaphore(%run_scoped3A : memref<!tpu.dma_semaphore, #tpu.memory_space<semaphore_mem>>)
        %dma_wait3A_58 = arith.constant 0 : i32
        %dma_wait3A_59 = arith.constant 0 : i32
        %dma_wait3A_60 = tpu.memref_slice %arg6[%select_n3A_28, %dma_wait3A_58, %dma_wait3A_59] : memref<2x128x128xf32, #tpu.memory_space<vmem>> -> memref<1x128x128xf32, #tpu.memory_space<vmem>>
        %dma_wait3A_61 = tpu.memref_squeeze %dma_wait3A_60 : memref<1x128x128xf32, #tpu.memory_space<vmem>> -> memref<128x128xf32, #tpu.memory_space<vmem>>
        %dma_wait3A_62 = arith.constant 0 : i32
        %dma_wait3A_63 = tpu.memref_slice %arg4[%add3A_45, %dma_wait3A_62] : memref<90112x128xf32, #tpu.memory_space<hbm>> -> memref<128x128xf32, #tpu.memory_space<hbm>>
        %dma_wait3A_64 = arith.constant 0 : i32
        %dma_wait3A_65 = tpu.memref_slice %arg4[%add3A_45, %dma_wait3A_64] : memref<90112x128xf32, #tpu.memory_space<hbm>> -> memref<128x128xf32, #tpu.memory_space<hbm>>
        %dma_wait3A_66 = arith.constant 0 : i32
        %dma_wait3A_67 = arith.constant 0 : i32
        %dma_wait3A_68 = tpu.memref_slice %arg6[%select_n3A_28, %dma_wait3A_66, %dma_wait3A_67] : memref<2x128x128xf32, #tpu.memory_space<vmem>> -> memref<1x128x128xf32, #tpu.memory_space<vmem>>
        %dma_wait3A_69 = tpu.memref_squeeze %dma_wait3A_68 : memref<1x128x128xf32, #tpu.memory_space<vmem>> -> memref<128x128xf32, #tpu.memory_space<vmem>>
        tpu.wait_dma2 semaphore(%run_scoped3A : memref<!tpu.dma_semaphore, #tpu.memory_space<semaphore_mem>>) src(%dma_wait3A_69 : memref<128x128xf32, #tpu.memory_space<vmem>>) dst(%dma_wait3A_65 : memref<128x128xf32, #tpu.memory_space<hbm>>)
        tpu.yield
      }) : () -> ()
    }
    %scan3A_18 = arith.constant 22 : i32
    return
  }
}

#map = affine_map<(d0, d1) -> (0, 0)>
#map1 = affine_map<(d0, d1) -> (0, 0, 0)>
module attributes {stable_mosaic.version = 14 : i64} {
  func.func @gather_k(%arg0: i32, %arg1: i32, %arg2: memref<1000000x128xf32, #tpu.memory_space<hbm>>, %arg3: memref<32x4x128xi32, #tpu.memory_space<hbm>>, %arg4: memref<16384x128xf32, #tpu.memory_space<hbm>>, %arg5: memref<4x128xi32, #tpu.memory_space<vmem>>, %arg6: memref<2x128x128xf32, #tpu.memory_space<vmem>>, %arg7: memref<!tpu.dma_semaphore, #tpu.memory_space<semaphore_mem>>) attributes {dimension_semantics = [#tpu.dimension_semantics<core_parallel>, #tpu.dimension_semantics<subcore_parallel>], iteration_bounds = array<i64: 2, 16>, scalar_prefetch = 0 : i64, scratch_operands = 3 : i64, tpu.core_type = #tpu.core_type<sc_vector_subcore>, window_params = [{transform_indices = #map}, {transform_indices = #map1}, {transform_indices = #map}]} {
    %mul3A = arith.constant 2 : i32
    %mul3A_0 = arith.muli %arg1, %mul3A : i32
    %add3A = arith.addi %mul3A_0, %arg0 : i32
    "tpu.region"() ({
      %run_scoped3A = tpu.sem_alloc : memref<!tpu.dma_semaphore, #tpu.memory_space<semaphore_mem>>
      %dma_start3A_19 = arith.constant 0 : i32
      %dma_start3A_20 = arith.constant 0 : i32
      %dma_start3A_21 = tpu.memref_slice %arg3[%add3A, %dma_start3A_19, %dma_start3A_20] : memref<32x4x128xi32, #tpu.memory_space<hbm>> -> memref<1x4x128xi32, #tpu.memory_space<hbm>>
      %dma_start3A_22 = tpu.memref_squeeze %dma_start3A_21 : memref<1x4x128xi32, #tpu.memory_space<hbm>> -> memref<4x128xi32, #tpu.memory_space<hbm>>
      %dma_start3A_23 = arith.constant 0 : i32
      %dma_start3A_24 = arith.constant 0 : i32
      %dma_start3A_25 = tpu.memref_slice %arg3[%add3A, %dma_start3A_23, %dma_start3A_24] : memref<32x4x128xi32, #tpu.memory_space<hbm>> -> memref<1x4x128xi32, #tpu.memory_space<hbm>>
      %dma_start3A_26 = tpu.memref_squeeze %dma_start3A_25 : memref<1x4x128xi32, #tpu.memory_space<hbm>> -> memref<4x128xi32, #tpu.memory_space<hbm>>
      tpu.enqueue_dma source(%dma_start3A_26 : memref<4x128xi32, #tpu.memory_space<hbm>>) target(%arg5 : memref<4x128xi32, #tpu.memory_space<vmem>>) target_semaphore(%run_scoped3A : memref<!tpu.dma_semaphore, #tpu.memory_space<semaphore_mem>>)
      %dma_wait3A = arith.constant 0 : i32
      %dma_wait3A_27 = arith.constant 0 : i32
      %dma_wait3A_28 = tpu.memref_slice %arg3[%add3A, %dma_wait3A, %dma_wait3A_27] : memref<32x4x128xi32, #tpu.memory_space<hbm>> -> memref<1x4x128xi32, #tpu.memory_space<hbm>>
      %dma_wait3A_29 = tpu.memref_squeeze %dma_wait3A_28 : memref<1x4x128xi32, #tpu.memory_space<hbm>> -> memref<4x128xi32, #tpu.memory_space<hbm>>
      %dma_wait3A_30 = arith.constant 0 : i32
      %dma_wait3A_31 = arith.constant 0 : i32
      %dma_wait3A_32 = tpu.memref_slice %arg3[%add3A, %dma_wait3A_30, %dma_wait3A_31] : memref<32x4x128xi32, #tpu.memory_space<hbm>> -> memref<1x4x128xi32, #tpu.memory_space<hbm>>
      %dma_wait3A_33 = tpu.memref_squeeze %dma_wait3A_32 : memref<1x4x128xi32, #tpu.memory_space<hbm>> -> memref<4x128xi32, #tpu.memory_space<hbm>>
      tpu.wait_dma2 semaphore(%run_scoped3A : memref<!tpu.dma_semaphore, #tpu.memory_space<semaphore_mem>>) src(%dma_wait3A_33 : memref<4x128xi32, #tpu.memory_space<hbm>>) dst(%arg5 : memref<4x128xi32, #tpu.memory_space<vmem>>)
      tpu.yield
    }) : () -> ()
    %mul3A_1 = arith.constant 512 : i32
    %mul3A_2 = arith.muli %add3A, %mul3A_1 : i32
    %dma_start3A = arith.constant 0 : i32
    %dma_start3A_3 = arith.constant 0 : i32
    %dma_start3A_4 = arith.constant 0 : i32
    %dma_start3A_5 = arith.constant 0 : i32
    %dma_start3A_6 = tpu.memref_slice %arg6[%dma_start3A_3, %dma_start3A_4, %dma_start3A_5] : memref<2x128x128xf32, #tpu.memory_space<vmem>> -> memref<1x128x128xf32, #tpu.memory_space<vmem>>
    %dma_start3A_7 = tpu.memref_squeeze %dma_start3A_6 : memref<1x128x128xf32, #tpu.memory_space<vmem>> -> memref<128x128xf32, #tpu.memory_space<vmem>>
    %dma_start3A_8 = arith.constant 0 : i32
    %dma_start3A_9 = tpu.memref_slice %arg5[%dma_start3A, %dma_start3A_8] : memref<4x128xi32, #tpu.memory_space<vmem>> -> memref<1x128xi32, #tpu.memory_space<vmem>>
    %dma_start3A_10 = tpu.memref_squeeze %dma_start3A_9 : memref<1x128xi32, #tpu.memory_space<vmem>> -> memref<128xi32, #tpu.memory_space<vmem>>
    %dma_start3A_11 = arith.constant 0 : i32
    %dma_start3A_12 = arith.constant 0 : i32
    %dma_start3A_13 = tpu.memref_slice %arg2[%dma_start3A_11, %dma_start3A_12] : memref<1000000x128xf32, #tpu.memory_space<hbm>> -> memref<1000000x128xf32, #tpu.memory_space<hbm>>
    tpu.enqueue_indirect_dma source(%dma_start3A_13 : memref<1000000x128xf32, #tpu.memory_space<hbm>>) target(%dma_start3A_7 : memref<128x128xf32, #tpu.memory_space<vmem>>) offsets(%dma_start3A_10 : memref<128xi32, #tpu.memory_space<vmem>>) semaphore(%arg7 : memref<!tpu.dma_semaphore, #tpu.memory_space<semaphore_mem>>)
    %scan3A = arith.constant 0 : i32
    %scan3A_14 = arith.constant 0 : i32
    %scan3A_15 = arith.constant 4 : i32
    %scan3A_16 = arith.addi %scan3A_14, %scan3A_15 : i32
    %scan3A_17 = arith.constant 1 : i32
    scf.for %scan3A_19 = %scan3A_14 to %scan3A_16 step %scan3A_17  : i32 {
      %jit3A = arith.constant 2 : i32
      %eq3A = arith.constant 0 : i32
      %eq3A_20 = arith.cmpi eq, %jit3A, %eq3A : i32
      %jit3A_21 = arith.constant 1 : i32
      %select_n3A = arith.select %eq3A_20, %jit3A_21, %jit3A : i32
      %rem3A = arith.remsi %scan3A_19, %select_n3A : i32
      %ne3A = arith.constant 0 : i32
      %ne3A_22 = arith.cmpi ne, %rem3A, %ne3A : i32
      %lt3A = arith.constant 0 : i32
      %lt3A_23 = arith.cmpi slt, %rem3A, %lt3A : i32
      %lt3A_24 = arith.constant 0 : i32
      %lt3A_25 = arith.cmpi slt, %select_n3A, %lt3A_24 : i32
      %ne3A_26 = arith.xori %lt3A_23, %lt3A_25 : i1
      %and3A = arith.andi %ne3A_26, %ne3A_22 : i1
      %add3A_27 = arith.addi %rem3A, %select_n3A : i32
      %select_n3A_28 = arith.select %and3A, %add3A_27, %rem3A : i32
      %dma_wait3A = arith.constant 0 : i32
      %dma_wait3A_29 = arith.constant 0 : i32
      %dma_wait3A_30 = tpu.memref_slice %arg6[%select_n3A_28, %dma_wait3A, %dma_wait3A_29] : memref<2x128x128xf32, #tpu.memory_space<vmem>> -> memref<1x128x128xf32, #tpu.memory_space<vmem>>
      %dma_wait3A_31 = tpu.memref_squeeze %dma_wait3A_30 : memref<1x128x128xf32, #tpu.memory_space<vmem>> -> memref<128x128xf32, #tpu.memory_space<vmem>>
      %dma_wait3A_32 = arith.constant 0 : i32
      %dma_wait3A_33 = tpu.memref_slice %arg5[%scan3A_19, %dma_wait3A_32] : memref<4x128xi32, #tpu.memory_space<vmem>> -> memref<1x128xi32, #tpu.memory_space<vmem>>
      %dma_wait3A_34 = tpu.memref_squeeze %dma_wait3A_33 : memref<1x128xi32, #tpu.memory_space<vmem>> -> memref<128xi32, #tpu.memory_space<vmem>>
      %dma_wait3A_35 = arith.constant 0 : i32
      %dma_wait3A_36 = arith.constant 0 : i32
      %dma_wait3A_37 = tpu.memref_slice %arg2[%dma_wait3A_35, %dma_wait3A_36] : memref<1000000x128xf32, #tpu.memory_space<hbm>> -> memref<1000000x128xf32, #tpu.memory_space<hbm>>
      tpu.wait_indirect_dma semaphore(%arg7 : memref<!tpu.dma_semaphore, #tpu.memory_space<semaphore_mem>>) src(%dma_wait3A_37 : memref<1000000x128xf32, #tpu.memory_space<hbm>>) dst(%dma_wait3A_31 : memref<128x128xf32, #tpu.memory_space<vmem>>)
      %add3A_38 = arith.constant 1 : i32
      %add3A_39 = arith.addi %scan3A_19, %add3A_38 : i32
      %lt3A_40 = arith.constant 4 : i32
      %lt3A_41 = arith.cmpi slt, %add3A_39, %lt3A_40 : i32
      %convert_element_type3A = arith.extui %lt3A_41 : i1 to i32
      %cond3A = arith.constant 0 : i32
      %cond3A_42 = arith.cmpi ne, %convert_element_type3A, %cond3A : i32
      scf.if %cond3A_42 {
        %add3A_46 = arith.constant 1 : i32
        %add3A_47 = arith.addi %scan3A_19, %add3A_46 : i32
        %add3A_48 = arith.constant 1 : i32
        %add3A_49 = arith.addi %scan3A_19, %add3A_48 : i32
        %jit3A_50 = arith.constant 2 : i32
        %eq3A_51 = arith.constant 0 : i32
        %eq3A_52 = arith.cmpi eq, %jit3A_50, %eq3A_51 : i32
        %jit3A_53 = arith.constant 1 : i32
        %select_n3A_54 = arith.select %eq3A_52, %jit3A_53, %jit3A_50 : i32
        %rem3A_55 = arith.remsi %add3A_49, %select_n3A_54 : i32
        %ne3A_56 = arith.constant 0 : i32
        %ne3A_57 = arith.cmpi ne, %rem3A_55, %ne3A_56 : i32
        %lt3A_58 = arith.constant 0 : i32
        %lt3A_59 = arith.cmpi slt, %rem3A_55, %lt3A_58 : i32
        %lt3A_60 = arith.constant 0 : i32
        %lt3A_61 = arith.cmpi slt, %select_n3A_54, %lt3A_60 : i32
        %ne3A_62 = arith.xori %lt3A_59, %lt3A_61 : i1
        %and3A_63 = arith.andi %ne3A_62, %ne3A_57 : i1
        %add3A_64 = arith.addi %rem3A_55, %select_n3A_54 : i32
        %select_n3A_65 = arith.select %and3A_63, %add3A_64, %rem3A_55 : i32
        %dma_start3A_66 = arith.constant 0 : i32
        %dma_start3A_67 = arith.constant 0 : i32
        %dma_start3A_68 = tpu.memref_slice %arg6[%select_n3A_65, %dma_start3A_66, %dma_start3A_67] : memref<2x128x128xf32, #tpu.memory_space<vmem>> -> memref<1x128x128xf32, #tpu.memory_space<vmem>>
        %dma_start3A_69 = tpu.memref_squeeze %dma_start3A_68 : memref<1x128x128xf32, #tpu.memory_space<vmem>> -> memref<128x128xf32, #tpu.memory_space<vmem>>
        %dma_start3A_70 = arith.constant 0 : i32
        %dma_start3A_71 = tpu.memref_slice %arg5[%add3A_47, %dma_start3A_70] : memref<4x128xi32, #tpu.memory_space<vmem>> -> memref<1x128xi32, #tpu.memory_space<vmem>>
        %dma_start3A_72 = tpu.memref_squeeze %dma_start3A_71 : memref<1x128xi32, #tpu.memory_space<vmem>> -> memref<128xi32, #tpu.memory_space<vmem>>
        %dma_start3A_73 = arith.constant 0 : i32
        %dma_start3A_74 = arith.constant 0 : i32
        %dma_start3A_75 = tpu.memref_slice %arg2[%dma_start3A_73, %dma_start3A_74] : memref<1000000x128xf32, #tpu.memory_space<hbm>> -> memref<1000000x128xf32, #tpu.memory_space<hbm>>
        tpu.enqueue_indirect_dma source(%dma_start3A_75 : memref<1000000x128xf32, #tpu.memory_space<hbm>>) target(%dma_start3A_69 : memref<128x128xf32, #tpu.memory_space<vmem>>) offsets(%dma_start3A_72 : memref<128xi32, #tpu.memory_space<vmem>>) semaphore(%arg7 : memref<!tpu.dma_semaphore, #tpu.memory_space<semaphore_mem>>)
      } else {
      }
      %mul3A_43 = arith.constant 128 : i32
      %mul3A_44 = arith.muli %scan3A_19, %mul3A_43 : i32
      %add3A_45 = arith.addi %mul3A_2, %mul3A_44 : i32
      "tpu.region"() ({
        %run_scoped3A = tpu.sem_alloc : memref<!tpu.dma_semaphore, #tpu.memory_space<semaphore_mem>>
        %dma_start3A_46 = arith.constant 0 : i32
        %dma_start3A_47 = arith.constant 0 : i32
        %dma_start3A_48 = tpu.memref_slice %arg6[%select_n3A_28, %dma_start3A_46, %dma_start3A_47] : memref<2x128x128xf32, #tpu.memory_space<vmem>> -> memref<1x128x128xf32, #tpu.memory_space<vmem>>
        %dma_start3A_49 = tpu.memref_squeeze %dma_start3A_48 : memref<1x128x128xf32, #tpu.memory_space<vmem>> -> memref<128x128xf32, #tpu.memory_space<vmem>>
        %dma_start3A_50 = arith.constant 0 : i32
        %dma_start3A_51 = tpu.memref_slice %arg4[%add3A_45, %dma_start3A_50] : memref<16384x128xf32, #tpu.memory_space<hbm>> -> memref<128x128xf32, #tpu.memory_space<hbm>>
        %dma_start3A_52 = arith.constant 0 : i32
        %dma_start3A_53 = tpu.memref_slice %arg4[%add3A_45, %dma_start3A_52] : memref<16384x128xf32, #tpu.memory_space<hbm>> -> memref<128x128xf32, #tpu.memory_space<hbm>>
        %dma_start3A_54 = arith.constant 0 : i32
        %dma_start3A_55 = arith.constant 0 : i32
        %dma_start3A_56 = tpu.memref_slice %arg6[%select_n3A_28, %dma_start3A_54, %dma_start3A_55] : memref<2x128x128xf32, #tpu.memory_space<vmem>> -> memref<1x128x128xf32, #tpu.memory_space<vmem>>
        %dma_start3A_57 = tpu.memref_squeeze %dma_start3A_56 : memref<1x128x128xf32, #tpu.memory_space<vmem>> -> memref<128x128xf32, #tpu.memory_space<vmem>>
        tpu.enqueue_dma source(%dma_start3A_57 : memref<128x128xf32, #tpu.memory_space<vmem>>) target(%dma_start3A_53 : memref<128x128xf32, #tpu.memory_space<hbm>>) target_semaphore(%run_scoped3A : memref<!tpu.dma_semaphore, #tpu.memory_space<semaphore_mem>>)
        %dma_wait3A_58 = arith.constant 0 : i32
        %dma_wait3A_59 = arith.constant 0 : i32
        %dma_wait3A_60 = tpu.memref_slice %arg6[%select_n3A_28, %dma_wait3A_58, %dma_wait3A_59] : memref<2x128x128xf32, #tpu.memory_space<vmem>> -> memref<1x128x128xf32, #tpu.memory_space<vmem>>
        %dma_wait3A_61 = tpu.memref_squeeze %dma_wait3A_60 : memref<1x128x128xf32, #tpu.memory_space<vmem>> -> memref<128x128xf32, #tpu.memory_space<vmem>>
        %dma_wait3A_62 = arith.constant 0 : i32
        %dma_wait3A_63 = tpu.memref_slice %arg4[%add3A_45, %dma_wait3A_62] : memref<16384x128xf32, #tpu.memory_space<hbm>> -> memref<128x128xf32, #tpu.memory_space<hbm>>
        %dma_wait3A_64 = arith.constant 0 : i32
        %dma_wait3A_65 = tpu.memref_slice %arg4[%add3A_45, %dma_wait3A_64] : memref<16384x128xf32, #tpu.memory_space<hbm>> -> memref<128x128xf32, #tpu.memory_space<hbm>>
        %dma_wait3A_66 = arith.constant 0 : i32
        %dma_wait3A_67 = arith.constant 0 : i32
        %dma_wait3A_68 = tpu.memref_slice %arg6[%select_n3A_28, %dma_wait3A_66, %dma_wait3A_67] : memref<2x128x128xf32, #tpu.memory_space<vmem>> -> memref<1x128x128xf32, #tpu.memory_space<vmem>>
        %dma_wait3A_69 = tpu.memref_squeeze %dma_wait3A_68 : memref<1x128x128xf32, #tpu.memory_space<vmem>> -> memref<128x128xf32, #tpu.memory_space<vmem>>
        tpu.wait_dma2 semaphore(%run_scoped3A : memref<!tpu.dma_semaphore, #tpu.memory_space<semaphore_mem>>) src(%dma_wait3A_69 : memref<128x128xf32, #tpu.memory_space<vmem>>) dst(%dma_wait3A_65 : memref<128x128xf32, #tpu.memory_space<hbm>>)
        tpu.yield
      }) : () -> ()
    }
    %scan3A_18 = arith.constant 4 : i32
    return
  }
}

#map = affine_map<(d0, d1) -> (0, 0)>
#map1 = affine_map<(d0, d1) -> (0, 0, 0)>
module attributes {stable_mosaic.version = 14 : i64} {
  func.func @gather_k(%arg0: i32, %arg1: i32, %arg2: memref<1000000x128xf32, #tpu.memory_space<hbm>>, %arg3: memref<32x16x128xi32, #tpu.memory_space<hbm>>, %arg4: memref<65536x128xf32, #tpu.memory_space<hbm>>, %arg5: memref<16x128xi32, #tpu.memory_space<vmem>>, %arg6: memref<2x128x128xf32, #tpu.memory_space<vmem>>, %arg7: memref<!tpu.dma_semaphore, #tpu.memory_space<semaphore_mem>>) attributes {dimension_semantics = [#tpu.dimension_semantics<core_parallel>, #tpu.dimension_semantics<subcore_parallel>], iteration_bounds = array<i64: 2, 16>, scalar_prefetch = 0 : i64, scratch_operands = 3 : i64, tpu.core_type = #tpu.core_type<sc_vector_subcore>, window_params = [{transform_indices = #map}, {transform_indices = #map1}, {transform_indices = #map}]} {
    %mul3A = arith.constant 2 : i32
    %mul3A_0 = arith.muli %arg1, %mul3A : i32
    %add3A = arith.addi %mul3A_0, %arg0 : i32
    "tpu.region"() ({
      %run_scoped3A = tpu.sem_alloc : memref<!tpu.dma_semaphore, #tpu.memory_space<semaphore_mem>>
      %dma_start3A_19 = arith.constant 0 : i32
      %dma_start3A_20 = arith.constant 0 : i32
      %dma_start3A_21 = tpu.memref_slice %arg3[%add3A, %dma_start3A_19, %dma_start3A_20] : memref<32x16x128xi32, #tpu.memory_space<hbm>> -> memref<1x16x128xi32, #tpu.memory_space<hbm>>
      %dma_start3A_22 = tpu.memref_squeeze %dma_start3A_21 : memref<1x16x128xi32, #tpu.memory_space<hbm>> -> memref<16x128xi32, #tpu.memory_space<hbm>>
      %dma_start3A_23 = arith.constant 0 : i32
      %dma_start3A_24 = arith.constant 0 : i32
      %dma_start3A_25 = tpu.memref_slice %arg3[%add3A, %dma_start3A_23, %dma_start3A_24] : memref<32x16x128xi32, #tpu.memory_space<hbm>> -> memref<1x16x128xi32, #tpu.memory_space<hbm>>
      %dma_start3A_26 = tpu.memref_squeeze %dma_start3A_25 : memref<1x16x128xi32, #tpu.memory_space<hbm>> -> memref<16x128xi32, #tpu.memory_space<hbm>>
      tpu.enqueue_dma source(%dma_start3A_26 : memref<16x128xi32, #tpu.memory_space<hbm>>) target(%arg5 : memref<16x128xi32, #tpu.memory_space<vmem>>) target_semaphore(%run_scoped3A : memref<!tpu.dma_semaphore, #tpu.memory_space<semaphore_mem>>)
      %dma_wait3A = arith.constant 0 : i32
      %dma_wait3A_27 = arith.constant 0 : i32
      %dma_wait3A_28 = tpu.memref_slice %arg3[%add3A, %dma_wait3A, %dma_wait3A_27] : memref<32x16x128xi32, #tpu.memory_space<hbm>> -> memref<1x16x128xi32, #tpu.memory_space<hbm>>
      %dma_wait3A_29 = tpu.memref_squeeze %dma_wait3A_28 : memref<1x16x128xi32, #tpu.memory_space<hbm>> -> memref<16x128xi32, #tpu.memory_space<hbm>>
      %dma_wait3A_30 = arith.constant 0 : i32
      %dma_wait3A_31 = arith.constant 0 : i32
      %dma_wait3A_32 = tpu.memref_slice %arg3[%add3A, %dma_wait3A_30, %dma_wait3A_31] : memref<32x16x128xi32, #tpu.memory_space<hbm>> -> memref<1x16x128xi32, #tpu.memory_space<hbm>>
      %dma_wait3A_33 = tpu.memref_squeeze %dma_wait3A_32 : memref<1x16x128xi32, #tpu.memory_space<hbm>> -> memref<16x128xi32, #tpu.memory_space<hbm>>
      tpu.wait_dma2 semaphore(%run_scoped3A : memref<!tpu.dma_semaphore, #tpu.memory_space<semaphore_mem>>) src(%dma_wait3A_33 : memref<16x128xi32, #tpu.memory_space<hbm>>) dst(%arg5 : memref<16x128xi32, #tpu.memory_space<vmem>>)
      tpu.yield
    }) : () -> ()
    %mul3A_1 = arith.constant 2048 : i32
    %mul3A_2 = arith.muli %add3A, %mul3A_1 : i32
    %dma_start3A = arith.constant 0 : i32
    %dma_start3A_3 = arith.constant 0 : i32
    %dma_start3A_4 = arith.constant 0 : i32
    %dma_start3A_5 = arith.constant 0 : i32
    %dma_start3A_6 = tpu.memref_slice %arg6[%dma_start3A_3, %dma_start3A_4, %dma_start3A_5] : memref<2x128x128xf32, #tpu.memory_space<vmem>> -> memref<1x128x128xf32, #tpu.memory_space<vmem>>
    %dma_start3A_7 = tpu.memref_squeeze %dma_start3A_6 : memref<1x128x128xf32, #tpu.memory_space<vmem>> -> memref<128x128xf32, #tpu.memory_space<vmem>>
    %dma_start3A_8 = arith.constant 0 : i32
    %dma_start3A_9 = tpu.memref_slice %arg5[%dma_start3A, %dma_start3A_8] : memref<16x128xi32, #tpu.memory_space<vmem>> -> memref<1x128xi32, #tpu.memory_space<vmem>>
    %dma_start3A_10 = tpu.memref_squeeze %dma_start3A_9 : memref<1x128xi32, #tpu.memory_space<vmem>> -> memref<128xi32, #tpu.memory_space<vmem>>
    %dma_start3A_11 = arith.constant 0 : i32
    %dma_start3A_12 = arith.constant 0 : i32
    %dma_start3A_13 = tpu.memref_slice %arg2[%dma_start3A_11, %dma_start3A_12] : memref<1000000x128xf32, #tpu.memory_space<hbm>> -> memref<1000000x128xf32, #tpu.memory_space<hbm>>
    tpu.enqueue_indirect_dma source(%dma_start3A_13 : memref<1000000x128xf32, #tpu.memory_space<hbm>>) target(%dma_start3A_7 : memref<128x128xf32, #tpu.memory_space<vmem>>) offsets(%dma_start3A_10 : memref<128xi32, #tpu.memory_space<vmem>>) semaphore(%arg7 : memref<!tpu.dma_semaphore, #tpu.memory_space<semaphore_mem>>)
    %scan3A = arith.constant 0 : i32
    %scan3A_14 = arith.constant 0 : i32
    %scan3A_15 = arith.constant 16 : i32
    %scan3A_16 = arith.addi %scan3A_14, %scan3A_15 : i32
    %scan3A_17 = arith.constant 1 : i32
    scf.for %scan3A_19 = %scan3A_14 to %scan3A_16 step %scan3A_17  : i32 {
      %jit3A = arith.constant 2 : i32
      %eq3A = arith.constant 0 : i32
      %eq3A_20 = arith.cmpi eq, %jit3A, %eq3A : i32
      %jit3A_21 = arith.constant 1 : i32
      %select_n3A = arith.select %eq3A_20, %jit3A_21, %jit3A : i32
      %rem3A = arith.remsi %scan3A_19, %select_n3A : i32
      %ne3A = arith.constant 0 : i32
      %ne3A_22 = arith.cmpi ne, %rem3A, %ne3A : i32
      %lt3A = arith.constant 0 : i32
      %lt3A_23 = arith.cmpi slt, %rem3A, %lt3A : i32
      %lt3A_24 = arith.constant 0 : i32
      %lt3A_25 = arith.cmpi slt, %select_n3A, %lt3A_24 : i32
      %ne3A_26 = arith.xori %lt3A_23, %lt3A_25 : i1
      %and3A = arith.andi %ne3A_26, %ne3A_22 : i1
      %add3A_27 = arith.addi %rem3A, %select_n3A : i32
      %select_n3A_28 = arith.select %and3A, %add3A_27, %rem3A : i32
      %dma_wait3A = arith.constant 0 : i32
      %dma_wait3A_29 = arith.constant 0 : i32
      %dma_wait3A_30 = tpu.memref_slice %arg6[%select_n3A_28, %dma_wait3A, %dma_wait3A_29] : memref<2x128x128xf32, #tpu.memory_space<vmem>> -> memref<1x128x128xf32, #tpu.memory_space<vmem>>
      %dma_wait3A_31 = tpu.memref_squeeze %dma_wait3A_30 : memref<1x128x128xf32, #tpu.memory_space<vmem>> -> memref<128x128xf32, #tpu.memory_space<vmem>>
      %dma_wait3A_32 = arith.constant 0 : i32
      %dma_wait3A_33 = tpu.memref_slice %arg5[%scan3A_19, %dma_wait3A_32] : memref<16x128xi32, #tpu.memory_space<vmem>> -> memref<1x128xi32, #tpu.memory_space<vmem>>
      %dma_wait3A_34 = tpu.memref_squeeze %dma_wait3A_33 : memref<1x128xi32, #tpu.memory_space<vmem>> -> memref<128xi32, #tpu.memory_space<vmem>>
      %dma_wait3A_35 = arith.constant 0 : i32
      %dma_wait3A_36 = arith.constant 0 : i32
      %dma_wait3A_37 = tpu.memref_slice %arg2[%dma_wait3A_35, %dma_wait3A_36] : memref<1000000x128xf32, #tpu.memory_space<hbm>> -> memref<1000000x128xf32, #tpu.memory_space<hbm>>
      tpu.wait_indirect_dma semaphore(%arg7 : memref<!tpu.dma_semaphore, #tpu.memory_space<semaphore_mem>>) src(%dma_wait3A_37 : memref<1000000x128xf32, #tpu.memory_space<hbm>>) dst(%dma_wait3A_31 : memref<128x128xf32, #tpu.memory_space<vmem>>)
      %add3A_38 = arith.constant 1 : i32
      %add3A_39 = arith.addi %scan3A_19, %add3A_38 : i32
      %lt3A_40 = arith.constant 16 : i32
      %lt3A_41 = arith.cmpi slt, %add3A_39, %lt3A_40 : i32
      %convert_element_type3A = arith.extui %lt3A_41 : i1 to i32
      %cond3A = arith.constant 0 : i32
      %cond3A_42 = arith.cmpi ne, %convert_element_type3A, %cond3A : i32
      scf.if %cond3A_42 {
        %add3A_46 = arith.constant 1 : i32
        %add3A_47 = arith.addi %scan3A_19, %add3A_46 : i32
        %add3A_48 = arith.constant 1 : i32
        %add3A_49 = arith.addi %scan3A_19, %add3A_48 : i32
        %jit3A_50 = arith.constant 2 : i32
        %eq3A_51 = arith.constant 0 : i32
        %eq3A_52 = arith.cmpi eq, %jit3A_50, %eq3A_51 : i32
        %jit3A_53 = arith.constant 1 : i32
        %select_n3A_54 = arith.select %eq3A_52, %jit3A_53, %jit3A_50 : i32
        %rem3A_55 = arith.remsi %add3A_49, %select_n3A_54 : i32
        %ne3A_56 = arith.constant 0 : i32
        %ne3A_57 = arith.cmpi ne, %rem3A_55, %ne3A_56 : i32
        %lt3A_58 = arith.constant 0 : i32
        %lt3A_59 = arith.cmpi slt, %rem3A_55, %lt3A_58 : i32
        %lt3A_60 = arith.constant 0 : i32
        %lt3A_61 = arith.cmpi slt, %select_n3A_54, %lt3A_60 : i32
        %ne3A_62 = arith.xori %lt3A_59, %lt3A_61 : i1
        %and3A_63 = arith.andi %ne3A_62, %ne3A_57 : i1
        %add3A_64 = arith.addi %rem3A_55, %select_n3A_54 : i32
        %select_n3A_65 = arith.select %and3A_63, %add3A_64, %rem3A_55 : i32
        %dma_start3A_66 = arith.constant 0 : i32
        %dma_start3A_67 = arith.constant 0 : i32
        %dma_start3A_68 = tpu.memref_slice %arg6[%select_n3A_65, %dma_start3A_66, %dma_start3A_67] : memref<2x128x128xf32, #tpu.memory_space<vmem>> -> memref<1x128x128xf32, #tpu.memory_space<vmem>>
        %dma_start3A_69 = tpu.memref_squeeze %dma_start3A_68 : memref<1x128x128xf32, #tpu.memory_space<vmem>> -> memref<128x128xf32, #tpu.memory_space<vmem>>
        %dma_start3A_70 = arith.constant 0 : i32
        %dma_start3A_71 = tpu.memref_slice %arg5[%add3A_47, %dma_start3A_70] : memref<16x128xi32, #tpu.memory_space<vmem>> -> memref<1x128xi32, #tpu.memory_space<vmem>>
        %dma_start3A_72 = tpu.memref_squeeze %dma_start3A_71 : memref<1x128xi32, #tpu.memory_space<vmem>> -> memref<128xi32, #tpu.memory_space<vmem>>
        %dma_start3A_73 = arith.constant 0 : i32
        %dma_start3A_74 = arith.constant 0 : i32
        %dma_start3A_75 = tpu.memref_slice %arg2[%dma_start3A_73, %dma_start3A_74] : memref<1000000x128xf32, #tpu.memory_space<hbm>> -> memref<1000000x128xf32, #tpu.memory_space<hbm>>
        tpu.enqueue_indirect_dma source(%dma_start3A_75 : memref<1000000x128xf32, #tpu.memory_space<hbm>>) target(%dma_start3A_69 : memref<128x128xf32, #tpu.memory_space<vmem>>) offsets(%dma_start3A_72 : memref<128xi32, #tpu.memory_space<vmem>>) semaphore(%arg7 : memref<!tpu.dma_semaphore, #tpu.memory_space<semaphore_mem>>)
      } else {
      }
      %mul3A_43 = arith.constant 128 : i32
      %mul3A_44 = arith.muli %scan3A_19, %mul3A_43 : i32
      %add3A_45 = arith.addi %mul3A_2, %mul3A_44 : i32
      "tpu.region"() ({
        %run_scoped3A = tpu.sem_alloc : memref<!tpu.dma_semaphore, #tpu.memory_space<semaphore_mem>>
        %dma_start3A_46 = arith.constant 0 : i32
        %dma_start3A_47 = arith.constant 0 : i32
        %dma_start3A_48 = tpu.memref_slice %arg6[%select_n3A_28, %dma_start3A_46, %dma_start3A_47] : memref<2x128x128xf32, #tpu.memory_space<vmem>> -> memref<1x128x128xf32, #tpu.memory_space<vmem>>
        %dma_start3A_49 = tpu.memref_squeeze %dma_start3A_48 : memref<1x128x128xf32, #tpu.memory_space<vmem>> -> memref<128x128xf32, #tpu.memory_space<vmem>>
        %dma_start3A_50 = arith.constant 0 : i32
        %dma_start3A_51 = tpu.memref_slice %arg4[%add3A_45, %dma_start3A_50] : memref<65536x128xf32, #tpu.memory_space<hbm>> -> memref<128x128xf32, #tpu.memory_space<hbm>>
        %dma_start3A_52 = arith.constant 0 : i32
        %dma_start3A_53 = tpu.memref_slice %arg4[%add3A_45, %dma_start3A_52] : memref<65536x128xf32, #tpu.memory_space<hbm>> -> memref<128x128xf32, #tpu.memory_space<hbm>>
        %dma_start3A_54 = arith.constant 0 : i32
        %dma_start3A_55 = arith.constant 0 : i32
        %dma_start3A_56 = tpu.memref_slice %arg6[%select_n3A_28, %dma_start3A_54, %dma_start3A_55] : memref<2x128x128xf32, #tpu.memory_space<vmem>> -> memref<1x128x128xf32, #tpu.memory_space<vmem>>
        %dma_start3A_57 = tpu.memref_squeeze %dma_start3A_56 : memref<1x128x128xf32, #tpu.memory_space<vmem>> -> memref<128x128xf32, #tpu.memory_space<vmem>>
        tpu.enqueue_dma source(%dma_start3A_57 : memref<128x128xf32, #tpu.memory_space<vmem>>) target(%dma_start3A_53 : memref<128x128xf32, #tpu.memory_space<hbm>>) target_semaphore(%run_scoped3A : memref<!tpu.dma_semaphore, #tpu.memory_space<semaphore_mem>>)
        %dma_wait3A_58 = arith.constant 0 : i32
        %dma_wait3A_59 = arith.constant 0 : i32
        %dma_wait3A_60 = tpu.memref_slice %arg6[%select_n3A_28, %dma_wait3A_58, %dma_wait3A_59] : memref<2x128x128xf32, #tpu.memory_space<vmem>> -> memref<1x128x128xf32, #tpu.memory_space<vmem>>
        %dma_wait3A_61 = tpu.memref_squeeze %dma_wait3A_60 : memref<1x128x128xf32, #tpu.memory_space<vmem>> -> memref<128x128xf32, #tpu.memory_space<vmem>>
        %dma_wait3A_62 = arith.constant 0 : i32
        %dma_wait3A_63 = tpu.memref_slice %arg4[%add3A_45, %dma_wait3A_62] : memref<65536x128xf32, #tpu.memory_space<hbm>> -> memref<128x128xf32, #tpu.memory_space<hbm>>
        %dma_wait3A_64 = arith.constant 0 : i32
        %dma_wait3A_65 = tpu.memref_slice %arg4[%add3A_45, %dma_wait3A_64] : memref<65536x128xf32, #tpu.memory_space<hbm>> -> memref<128x128xf32, #tpu.memory_space<hbm>>
        %dma_wait3A_66 = arith.constant 0 : i32
        %dma_wait3A_67 = arith.constant 0 : i32
        %dma_wait3A_68 = tpu.memref_slice %arg6[%select_n3A_28, %dma_wait3A_66, %dma_wait3A_67] : memref<2x128x128xf32, #tpu.memory_space<vmem>> -> memref<1x128x128xf32, #tpu.memory_space<vmem>>
        %dma_wait3A_69 = tpu.memref_squeeze %dma_wait3A_68 : memref<1x128x128xf32, #tpu.memory_space<vmem>> -> memref<128x128xf32, #tpu.memory_space<vmem>>
        tpu.wait_dma2 semaphore(%run_scoped3A : memref<!tpu.dma_semaphore, #tpu.memory_space<semaphore_mem>>) src(%dma_wait3A_69 : memref<128x128xf32, #tpu.memory_space<vmem>>) dst(%dma_wait3A_65 : memref<128x128xf32, #tpu.memory_space<hbm>>)
        tpu.yield
      }) : () -> ()
    }
    %scan3A_18 = arith.constant 16 : i32
    return
  }
}

#map = affine_map<(d0, d1) -> (0, 0)>
#map1 = affine_map<(d0, d1) -> (0, 0, 0)>
module attributes {stable_mosaic.version = 14 : i64} {
  func.func @gather_k(%arg0: i32, %arg1: i32, %arg2: memref<1000000x128xf32, #tpu.memory_space<hbm>>, %arg3: memref<32x8x128xi32, #tpu.memory_space<hbm>>, %arg4: memref<32768x128xf32, #tpu.memory_space<hbm>>, %arg5: memref<8x128xi32, #tpu.memory_space<vmem>>, %arg6: memref<2x128x128xf32, #tpu.memory_space<vmem>>, %arg7: memref<!tpu.dma_semaphore, #tpu.memory_space<semaphore_mem>>) attributes {dimension_semantics = [#tpu.dimension_semantics<core_parallel>, #tpu.dimension_semantics<subcore_parallel>], iteration_bounds = array<i64: 2, 16>, scalar_prefetch = 0 : i64, scratch_operands = 3 : i64, tpu.core_type = #tpu.core_type<sc_vector_subcore>, window_params = [{transform_indices = #map}, {transform_indices = #map1}, {transform_indices = #map}]} {
    %mul3A = arith.constant 2 : i32
    %mul3A_0 = arith.muli %arg1, %mul3A : i32
    %add3A = arith.addi %mul3A_0, %arg0 : i32
    "tpu.region"() ({
      %run_scoped3A = tpu.sem_alloc : memref<!tpu.dma_semaphore, #tpu.memory_space<semaphore_mem>>
      %dma_start3A_19 = arith.constant 0 : i32
      %dma_start3A_20 = arith.constant 0 : i32
      %dma_start3A_21 = tpu.memref_slice %arg3[%add3A, %dma_start3A_19, %dma_start3A_20] : memref<32x8x128xi32, #tpu.memory_space<hbm>> -> memref<1x8x128xi32, #tpu.memory_space<hbm>>
      %dma_start3A_22 = tpu.memref_squeeze %dma_start3A_21 : memref<1x8x128xi32, #tpu.memory_space<hbm>> -> memref<8x128xi32, #tpu.memory_space<hbm>>
      %dma_start3A_23 = arith.constant 0 : i32
      %dma_start3A_24 = arith.constant 0 : i32
      %dma_start3A_25 = tpu.memref_slice %arg3[%add3A, %dma_start3A_23, %dma_start3A_24] : memref<32x8x128xi32, #tpu.memory_space<hbm>> -> memref<1x8x128xi32, #tpu.memory_space<hbm>>
      %dma_start3A_26 = tpu.memref_squeeze %dma_start3A_25 : memref<1x8x128xi32, #tpu.memory_space<hbm>> -> memref<8x128xi32, #tpu.memory_space<hbm>>
      tpu.enqueue_dma source(%dma_start3A_26 : memref<8x128xi32, #tpu.memory_space<hbm>>) target(%arg5 : memref<8x128xi32, #tpu.memory_space<vmem>>) target_semaphore(%run_scoped3A : memref<!tpu.dma_semaphore, #tpu.memory_space<semaphore_mem>>)
      %dma_wait3A = arith.constant 0 : i32
      %dma_wait3A_27 = arith.constant 0 : i32
      %dma_wait3A_28 = tpu.memref_slice %arg3[%add3A, %dma_wait3A, %dma_wait3A_27] : memref<32x8x128xi32, #tpu.memory_space<hbm>> -> memref<1x8x128xi32, #tpu.memory_space<hbm>>
      %dma_wait3A_29 = tpu.memref_squeeze %dma_wait3A_28 : memref<1x8x128xi32, #tpu.memory_space<hbm>> -> memref<8x128xi32, #tpu.memory_space<hbm>>
      %dma_wait3A_30 = arith.constant 0 : i32
      %dma_wait3A_31 = arith.constant 0 : i32
      %dma_wait3A_32 = tpu.memref_slice %arg3[%add3A, %dma_wait3A_30, %dma_wait3A_31] : memref<32x8x128xi32, #tpu.memory_space<hbm>> -> memref<1x8x128xi32, #tpu.memory_space<hbm>>
      %dma_wait3A_33 = tpu.memref_squeeze %dma_wait3A_32 : memref<1x8x128xi32, #tpu.memory_space<hbm>> -> memref<8x128xi32, #tpu.memory_space<hbm>>
      tpu.wait_dma2 semaphore(%run_scoped3A : memref<!tpu.dma_semaphore, #tpu.memory_space<semaphore_mem>>) src(%dma_wait3A_33 : memref<8x128xi32, #tpu.memory_space<hbm>>) dst(%arg5 : memref<8x128xi32, #tpu.memory_space<vmem>>)
      tpu.yield
    }) : () -> ()
    %mul3A_1 = arith.constant 1024 : i32
    %mul3A_2 = arith.muli %add3A, %mul3A_1 : i32
    %dma_start3A = arith.constant 0 : i32
    %dma_start3A_3 = arith.constant 0 : i32
    %dma_start3A_4 = arith.constant 0 : i32
    %dma_start3A_5 = arith.constant 0 : i32
    %dma_start3A_6 = tpu.memref_slice %arg6[%dma_start3A_3, %dma_start3A_4, %dma_start3A_5] : memref<2x128x128xf32, #tpu.memory_space<vmem>> -> memref<1x128x128xf32, #tpu.memory_space<vmem>>
    %dma_start3A_7 = tpu.memref_squeeze %dma_start3A_6 : memref<1x128x128xf32, #tpu.memory_space<vmem>> -> memref<128x128xf32, #tpu.memory_space<vmem>>
    %dma_start3A_8 = arith.constant 0 : i32
    %dma_start3A_9 = tpu.memref_slice %arg5[%dma_start3A, %dma_start3A_8] : memref<8x128xi32, #tpu.memory_space<vmem>> -> memref<1x128xi32, #tpu.memory_space<vmem>>
    %dma_start3A_10 = tpu.memref_squeeze %dma_start3A_9 : memref<1x128xi32, #tpu.memory_space<vmem>> -> memref<128xi32, #tpu.memory_space<vmem>>
    %dma_start3A_11 = arith.constant 0 : i32
    %dma_start3A_12 = arith.constant 0 : i32
    %dma_start3A_13 = tpu.memref_slice %arg2[%dma_start3A_11, %dma_start3A_12] : memref<1000000x128xf32, #tpu.memory_space<hbm>> -> memref<1000000x128xf32, #tpu.memory_space<hbm>>
    tpu.enqueue_indirect_dma source(%dma_start3A_13 : memref<1000000x128xf32, #tpu.memory_space<hbm>>) target(%dma_start3A_7 : memref<128x128xf32, #tpu.memory_space<vmem>>) offsets(%dma_start3A_10 : memref<128xi32, #tpu.memory_space<vmem>>) semaphore(%arg7 : memref<!tpu.dma_semaphore, #tpu.memory_space<semaphore_mem>>)
    %scan3A = arith.constant 0 : i32
    %scan3A_14 = arith.constant 0 : i32
    %scan3A_15 = arith.constant 8 : i32
    %scan3A_16 = arith.addi %scan3A_14, %scan3A_15 : i32
    %scan3A_17 = arith.constant 1 : i32
    scf.for %scan3A_19 = %scan3A_14 to %scan3A_16 step %scan3A_17  : i32 {
      %jit3A = arith.constant 2 : i32
      %eq3A = arith.constant 0 : i32
      %eq3A_20 = arith.cmpi eq, %jit3A, %eq3A : i32
      %jit3A_21 = arith.constant 1 : i32
      %select_n3A = arith.select %eq3A_20, %jit3A_21, %jit3A : i32
      %rem3A = arith.remsi %scan3A_19, %select_n3A : i32
      %ne3A = arith.constant 0 : i32
      %ne3A_22 = arith.cmpi ne, %rem3A, %ne3A : i32
      %lt3A = arith.constant 0 : i32
      %lt3A_23 = arith.cmpi slt, %rem3A, %lt3A : i32
      %lt3A_24 = arith.constant 0 : i32
      %lt3A_25 = arith.cmpi slt, %select_n3A, %lt3A_24 : i32
      %ne3A_26 = arith.xori %lt3A_23, %lt3A_25 : i1
      %and3A = arith.andi %ne3A_26, %ne3A_22 : i1
      %add3A_27 = arith.addi %rem3A, %select_n3A : i32
      %select_n3A_28 = arith.select %and3A, %add3A_27, %rem3A : i32
      %dma_wait3A = arith.constant 0 : i32
      %dma_wait3A_29 = arith.constant 0 : i32
      %dma_wait3A_30 = tpu.memref_slice %arg6[%select_n3A_28, %dma_wait3A, %dma_wait3A_29] : memref<2x128x128xf32, #tpu.memory_space<vmem>> -> memref<1x128x128xf32, #tpu.memory_space<vmem>>
      %dma_wait3A_31 = tpu.memref_squeeze %dma_wait3A_30 : memref<1x128x128xf32, #tpu.memory_space<vmem>> -> memref<128x128xf32, #tpu.memory_space<vmem>>
      %dma_wait3A_32 = arith.constant 0 : i32
      %dma_wait3A_33 = tpu.memref_slice %arg5[%scan3A_19, %dma_wait3A_32] : memref<8x128xi32, #tpu.memory_space<vmem>> -> memref<1x128xi32, #tpu.memory_space<vmem>>
      %dma_wait3A_34 = tpu.memref_squeeze %dma_wait3A_33 : memref<1x128xi32, #tpu.memory_space<vmem>> -> memref<128xi32, #tpu.memory_space<vmem>>
      %dma_wait3A_35 = arith.constant 0 : i32
      %dma_wait3A_36 = arith.constant 0 : i32
      %dma_wait3A_37 = tpu.memref_slice %arg2[%dma_wait3A_35, %dma_wait3A_36] : memref<1000000x128xf32, #tpu.memory_space<hbm>> -> memref<1000000x128xf32, #tpu.memory_space<hbm>>
      tpu.wait_indirect_dma semaphore(%arg7 : memref<!tpu.dma_semaphore, #tpu.memory_space<semaphore_mem>>) src(%dma_wait3A_37 : memref<1000000x128xf32, #tpu.memory_space<hbm>>) dst(%dma_wait3A_31 : memref<128x128xf32, #tpu.memory_space<vmem>>)
      %add3A_38 = arith.constant 1 : i32
      %add3A_39 = arith.addi %scan3A_19, %add3A_38 : i32
      %lt3A_40 = arith.constant 8 : i32
      %lt3A_41 = arith.cmpi slt, %add3A_39, %lt3A_40 : i32
      %convert_element_type3A = arith.extui %lt3A_41 : i1 to i32
      %cond3A = arith.constant 0 : i32
      %cond3A_42 = arith.cmpi ne, %convert_element_type3A, %cond3A : i32
      scf.if %cond3A_42 {
        %add3A_46 = arith.constant 1 : i32
        %add3A_47 = arith.addi %scan3A_19, %add3A_46 : i32
        %add3A_48 = arith.constant 1 : i32
        %add3A_49 = arith.addi %scan3A_19, %add3A_48 : i32
        %jit3A_50 = arith.constant 2 : i32
        %eq3A_51 = arith.constant 0 : i32
        %eq3A_52 = arith.cmpi eq, %jit3A_50, %eq3A_51 : i32
        %jit3A_53 = arith.constant 1 : i32
        %select_n3A_54 = arith.select %eq3A_52, %jit3A_53, %jit3A_50 : i32
        %rem3A_55 = arith.remsi %add3A_49, %select_n3A_54 : i32
        %ne3A_56 = arith.constant 0 : i32
        %ne3A_57 = arith.cmpi ne, %rem3A_55, %ne3A_56 : i32
        %lt3A_58 = arith.constant 0 : i32
        %lt3A_59 = arith.cmpi slt, %rem3A_55, %lt3A_58 : i32
        %lt3A_60 = arith.constant 0 : i32
        %lt3A_61 = arith.cmpi slt, %select_n3A_54, %lt3A_60 : i32
        %ne3A_62 = arith.xori %lt3A_59, %lt3A_61 : i1
        %and3A_63 = arith.andi %ne3A_62, %ne3A_57 : i1
        %add3A_64 = arith.addi %rem3A_55, %select_n3A_54 : i32
        %select_n3A_65 = arith.select %and3A_63, %add3A_64, %rem3A_55 : i32
        %dma_start3A_66 = arith.constant 0 : i32
        %dma_start3A_67 = arith.constant 0 : i32
        %dma_start3A_68 = tpu.memref_slice %arg6[%select_n3A_65, %dma_start3A_66, %dma_start3A_67] : memref<2x128x128xf32, #tpu.memory_space<vmem>> -> memref<1x128x128xf32, #tpu.memory_space<vmem>>
        %dma_start3A_69 = tpu.memref_squeeze %dma_start3A_68 : memref<1x128x128xf32, #tpu.memory_space<vmem>> -> memref<128x128xf32, #tpu.memory_space<vmem>>
        %dma_start3A_70 = arith.constant 0 : i32
        %dma_start3A_71 = tpu.memref_slice %arg5[%add3A_47, %dma_start3A_70] : memref<8x128xi32, #tpu.memory_space<vmem>> -> memref<1x128xi32, #tpu.memory_space<vmem>>
        %dma_start3A_72 = tpu.memref_squeeze %dma_start3A_71 : memref<1x128xi32, #tpu.memory_space<vmem>> -> memref<128xi32, #tpu.memory_space<vmem>>
        %dma_start3A_73 = arith.constant 0 : i32
        %dma_start3A_74 = arith.constant 0 : i32
        %dma_start3A_75 = tpu.memref_slice %arg2[%dma_start3A_73, %dma_start3A_74] : memref<1000000x128xf32, #tpu.memory_space<hbm>> -> memref<1000000x128xf32, #tpu.memory_space<hbm>>
        tpu.enqueue_indirect_dma source(%dma_start3A_75 : memref<1000000x128xf32, #tpu.memory_space<hbm>>) target(%dma_start3A_69 : memref<128x128xf32, #tpu.memory_space<vmem>>) offsets(%dma_start3A_72 : memref<128xi32, #tpu.memory_space<vmem>>) semaphore(%arg7 : memref<!tpu.dma_semaphore, #tpu.memory_space<semaphore_mem>>)
      } else {
      }
      %mul3A_43 = arith.constant 128 : i32
      %mul3A_44 = arith.muli %scan3A_19, %mul3A_43 : i32
      %add3A_45 = arith.addi %mul3A_2, %mul3A_44 : i32
      "tpu.region"() ({
        %run_scoped3A = tpu.sem_alloc : memref<!tpu.dma_semaphore, #tpu.memory_space<semaphore_mem>>
        %dma_start3A_46 = arith.constant 0 : i32
        %dma_start3A_47 = arith.constant 0 : i32
        %dma_start3A_48 = tpu.memref_slice %arg6[%select_n3A_28, %dma_start3A_46, %dma_start3A_47] : memref<2x128x128xf32, #tpu.memory_space<vmem>> -> memref<1x128x128xf32, #tpu.memory_space<vmem>>
        %dma_start3A_49 = tpu.memref_squeeze %dma_start3A_48 : memref<1x128x128xf32, #tpu.memory_space<vmem>> -> memref<128x128xf32, #tpu.memory_space<vmem>>
        %dma_start3A_50 = arith.constant 0 : i32
        %dma_start3A_51 = tpu.memref_slice %arg4[%add3A_45, %dma_start3A_50] : memref<32768x128xf32, #tpu.memory_space<hbm>> -> memref<128x128xf32, #tpu.memory_space<hbm>>
        %dma_start3A_52 = arith.constant 0 : i32
        %dma_start3A_53 = tpu.memref_slice %arg4[%add3A_45, %dma_start3A_52] : memref<32768x128xf32, #tpu.memory_space<hbm>> -> memref<128x128xf32, #tpu.memory_space<hbm>>
        %dma_start3A_54 = arith.constant 0 : i32
        %dma_start3A_55 = arith.constant 0 : i32
        %dma_start3A_56 = tpu.memref_slice %arg6[%select_n3A_28, %dma_start3A_54, %dma_start3A_55] : memref<2x128x128xf32, #tpu.memory_space<vmem>> -> memref<1x128x128xf32, #tpu.memory_space<vmem>>
        %dma_start3A_57 = tpu.memref_squeeze %dma_start3A_56 : memref<1x128x128xf32, #tpu.memory_space<vmem>> -> memref<128x128xf32, #tpu.memory_space<vmem>>
        tpu.enqueue_dma source(%dma_start3A_57 : memref<128x128xf32, #tpu.memory_space<vmem>>) target(%dma_start3A_53 : memref<128x128xf32, #tpu.memory_space<hbm>>) target_semaphore(%run_scoped3A : memref<!tpu.dma_semaphore, #tpu.memory_space<semaphore_mem>>)
        %dma_wait3A_58 = arith.constant 0 : i32
        %dma_wait3A_59 = arith.constant 0 : i32
        %dma_wait3A_60 = tpu.memref_slice %arg6[%select_n3A_28, %dma_wait3A_58, %dma_wait3A_59] : memref<2x128x128xf32, #tpu.memory_space<vmem>> -> memref<1x128x128xf32, #tpu.memory_space<vmem>>
        %dma_wait3A_61 = tpu.memref_squeeze %dma_wait3A_60 : memref<1x128x128xf32, #tpu.memory_space<vmem>> -> memref<128x128xf32, #tpu.memory_space<vmem>>
        %dma_wait3A_62 = arith.constant 0 : i32
        %dma_wait3A_63 = tpu.memref_slice %arg4[%add3A_45, %dma_wait3A_62] : memref<32768x128xf32, #tpu.memory_space<hbm>> -> memref<128x128xf32, #tpu.memory_space<hbm>>
        %dma_wait3A_64 = arith.constant 0 : i32
        %dma_wait3A_65 = tpu.memref_slice %arg4[%add3A_45, %dma_wait3A_64] : memref<32768x128xf32, #tpu.memory_space<hbm>> -> memref<128x128xf32, #tpu.memory_space<hbm>>
        %dma_wait3A_66 = arith.constant 0 : i32
        %dma_wait3A_67 = arith.constant 0 : i32
        %dma_wait3A_68 = tpu.memref_slice %arg6[%select_n3A_28, %dma_wait3A_66, %dma_wait3A_67] : memref<2x128x128xf32, #tpu.memory_space<vmem>> -> memref<1x128x128xf32, #tpu.memory_space<vmem>>
        %dma_wait3A_69 = tpu.memref_squeeze %dma_wait3A_68 : memref<1x128x128xf32, #tpu.memory_space<vmem>> -> memref<128x128xf32, #tpu.memory_space<vmem>>
        tpu.wait_dma2 semaphore(%run_scoped3A : memref<!tpu.dma_semaphore, #tpu.memory_space<semaphore_mem>>) src(%dma_wait3A_69 : memref<128x128xf32, #tpu.memory_space<vmem>>) dst(%dma_wait3A_65 : memref<128x128xf32, #tpu.memory_space<hbm>>)
        tpu.yield
      }) : () -> ()
    }
    %scan3A_18 = arith.constant 8 : i32
    return
  }
}

module attributes {stable_mosaic.version = 14 : i64} {
  func.func @_lstm_body(%arg0: i32, %arg1: memref<8x1024x128xf32, #tpu.memory_space<vmem>>, %arg2: memref<2x1024x128xf32, #tpu.memory_space<vmem>>, %arg3: memref<2x1024x128xf32, #tpu.memory_space<vmem>>, %arg4: memref<256x512xf32, #tpu.memory_space<vmem>>, %arg5: memref<1x512xf32, #tpu.memory_space<vmem>>, %arg6: memref<256x512xf32, #tpu.memory_space<vmem>>, %arg7: memref<1x512xf32, #tpu.memory_space<vmem>>, %arg8: memref<1024x8x128xf32, #tpu.memory_space<vmem>>, %arg9: memref<2x1024x128xf32, #tpu.memory_space<vmem>>, %arg10: memref<2x1024x128xf32, #tpu.memory_space<vmem>>, %arg11: memref<1024x128xf32, #tpu.memory_space<vmem>>, %arg12: memref<1024x128xf32, #tpu.memory_space<vmem>>, %arg13: memref<1024x128xf32, #tpu.memory_space<vmem>>, %arg14: memref<1024x128xf32, #tpu.memory_space<vmem>>) attributes {dimension_semantics = [#tpu.dimension_semantics<arbitrary>], iteration_bounds = array<i64: 2>, scalar_prefetch = 0 : i64, scratch_operands = 4 : i64, tpu.core_type = #tpu.core_type<tc>, window_params = [{transform_indices = @transform_0, window_bounds = array<i64: 8, 1024, 128>}, {pipeline_mode = #tpu.pipeline_mode<synchronous>, transform_indices = @transform_1, window_bounds = array<i64: 2, 1024, 128>}, {pipeline_mode = #tpu.pipeline_mode<synchronous>, transform_indices = @transform_2, window_bounds = array<i64: 2, 1024, 128>}, {pipeline_mode = #tpu.pipeline_mode<synchronous>, transform_indices = @transform_3, window_bounds = array<i64: 256, 512>}, {pipeline_mode = #tpu.pipeline_mode<synchronous>, transform_indices = @transform_4, window_bounds = array<i64: 1, 512>}, {pipeline_mode = #tpu.pipeline_mode<synchronous>, transform_indices = @transform_5, window_bounds = array<i64: 256, 512>}, {pipeline_mode = #tpu.pipeline_mode<synchronous>, transform_indices = @transform_6, window_bounds = array<i64: 1, 512>}, {transform_indices = @transform_7, window_bounds = array<i64: 1024, 8, 128>}, {pipeline_mode = #tpu.pipeline_mode<synchronous>, transform_indices = @transform_8, window_bounds = array<i64: 2, 1024, 128>}, {pipeline_mode = #tpu.pipeline_mode<synchronous>, transform_indices = @transform_9, window_bounds = array<i64: 2, 1024, 128>}]} {
    %eq3A = arith.constant 0 : i32
    %eq3A_0 = arith.cmpi eq, %arg0, %eq3A : i32
    %convert_element_type3A = arith.extui %eq3A_0 : i1 to i32
    %cond3A = arith.constant 0 : i32
    %cond3A_1 = arith.cmpi ne, %convert_element_type3A, %cond3A : i32
    scf.if %cond3A_1 {
      %get3A_735 = arith.constant 0 : index
      %get3A_736 = arith.constant 0 : index
      %get3A_737 = arith.constant 0 : index
      %get3A_738 = vector.load %arg2[%get3A_735, %get3A_736, %get3A_737] : memref<2x1024x128xf32, #tpu.memory_space<vmem>>, vector<1x1024x128xf32>
      %get3A_739 = vector.shape_cast %get3A_738 : vector<1x1024x128xf32> to vector<1024x128xf32>
      %swap3A_740 = arith.constant 0 : index
      %swap3A_741 = arith.constant 0 : index
      %swap3A_742 = vector.load %arg11[%swap3A_740, %swap3A_741] : memref<1024x128xf32, #tpu.memory_space<vmem>>, vector<1024x128xf32>
      tpu.vector_store %arg11[%swap3A_740, %swap3A_741], %get3A_739 {strides = array<i32>} : memref<1024x128xf32, #tpu.memory_space<vmem>>, vector<1024x128xf32>,
      %get3A_743 = arith.constant 0 : index
      %get3A_744 = arith.constant 0 : index
      %get3A_745 = arith.constant 0 : index
      %get3A_746 = vector.load %arg3[%get3A_743, %get3A_744, %get3A_745] : memref<2x1024x128xf32, #tpu.memory_space<vmem>>, vector<1x1024x128xf32>
      %get3A_747 = vector.shape_cast %get3A_746 : vector<1x1024x128xf32> to vector<1024x128xf32>
      %swap3A_748 = arith.constant 0 : index
      %swap3A_749 = arith.constant 0 : index
      %swap3A_750 = vector.load %arg12[%swap3A_748, %swap3A_749] : memref<1024x128xf32, #tpu.memory_space<vmem>>, vector<1024x128xf32>
      tpu.vector_store %arg12[%swap3A_748, %swap3A_749], %get3A_747 {strides = array<i32>} : memref<1024x128xf32, #tpu.memory_space<vmem>>, vector<1024x128xf32>,
      %get3A_751 = arith.constant 1 : index
      %get3A_752 = arith.constant 0 : index
      %get3A_753 = arith.constant 0 : index
      %get3A_754 = vector.load %arg2[%get3A_751, %get3A_752, %get3A_753] : memref<2x1024x128xf32, #tpu.memory_space<vmem>>, vector<1x1024x128xf32>
      %get3A_755 = vector.shape_cast %get3A_754 : vector<1x1024x128xf32> to vector<1024x128xf32>
      %swap3A_756 = arith.constant 0 : index
      %swap3A_757 = arith.constant 0 : index
      %swap3A_758 = vector.load %arg13[%swap3A_756, %swap3A_757] : memref<1024x128xf32, #tpu.memory_space<vmem>>, vector<1024x128xf32>
      tpu.vector_store %arg13[%swap3A_756, %swap3A_757], %get3A_755 {strides = array<i32>} : memref<1024x128xf32, #tpu.memory_space<vmem>>, vector<1024x128xf32>,
      %get3A_759 = arith.constant 1 : index
      %get3A_760 = arith.constant 0 : index
      %get3A_761 = arith.constant 0 : index
      %get3A_762 = vector.load %arg3[%get3A_759, %get3A_760, %get3A_761] : memref<2x1024x128xf32, #tpu.memory_space<vmem>>, vector<1x1024x128xf32>
      %get3A_763 = vector.shape_cast %get3A_762 : vector<1x1024x128xf32> to vector<1024x128xf32>
      %swap3A_764 = arith.constant 0 : index
      %swap3A_765 = arith.constant 0 : index
      %swap3A_766 = vector.load %arg14[%swap3A_764, %swap3A_765] : memref<1024x128xf32, #tpu.memory_space<vmem>>, vector<1024x128xf32>
      tpu.vector_store %arg14[%swap3A_764, %swap3A_765], %get3A_763 {strides = array<i32>} : memref<1024x128xf32, #tpu.memory_space<vmem>>, vector<1024x128xf32>,
    } else {
    }
    %get3A = arith.constant 0 : index
    %get3A_2 = arith.constant 0 : index
    %get3A_3 = vector.load %arg11[%get3A, %get3A_2] : memref<1024x128xf32, #tpu.memory_space<vmem>>, vector<1024x128xf32>
    %get3A_4 = arith.constant 0 : index
    %get3A_5 = arith.constant 0 : index
    %get3A_6 = vector.load %arg12[%get3A_4, %get3A_5] : memref<1024x128xf32, #tpu.memory_space<vmem>>, vector<1024x128xf32>
    %get3A_7 = arith.constant 0 : index
    %get3A_8 = arith.constant 0 : index
    %get3A_9 = vector.load %arg13[%get3A_7, %get3A_8] : memref<1024x128xf32, #tpu.memory_space<vmem>>, vector<1024x128xf32>
    %get3A_10 = arith.constant 0 : index
    %get3A_11 = arith.constant 0 : index
    %get3A_12 = vector.load %arg14[%get3A_10, %get3A_11] : memref<1024x128xf32, #tpu.memory_space<vmem>>, vector<1024x128xf32>
    %get3A_13 = arith.constant 0 : index
    %get3A_14 = arith.constant 0 : index
    %get3A_15 = arith.constant 0 : index
    %get3A_16 = vector.load %arg1[%get3A_13, %get3A_14, %get3A_15] : memref<8x1024x128xf32, #tpu.memory_space<vmem>>, vector<1x1024x128xf32>
    %get3A_17 = vector.shape_cast %get3A_16 : vector<1x1024x128xf32> to vector<1024x128xf32>
    %get3A_18 = arith.constant 0 : index
    %get3A_19 = arith.constant 0 : index
    %get3A_20 = vector.load %arg4[%get3A_18, %get3A_19] : memref<256x512xf32, #tpu.memory_space<vmem>>, vector<256x512xf32>
    %get3A_21 = arith.constant 0 : index
    %get3A_22 = arith.constant 0 : index
    %get3A_23 = vector.load %arg5[%get3A_21, %get3A_22] : memref<1x512xf32, #tpu.memory_space<vmem>>, vector<1x512xf32>
    %concatenate3A = tpu.concatenate %get3A_17, %get3A_3 in 1 : vector<1024x128xf32>, vector<1024x128xf32> -> vector<1024x256xf32>
    %dot_general3A = arith.constant dense<0.000000e+00> : vector<1024x512xf32>
    %dot_general3A_24 = tpu.matmul %concatenate3A, %get3A_20, %dot_general3A {dimension_numbers = #tpu.dot_dimension_numbers<[1], [0], [0], [1], [0, 0, 1, 1], [], []>, transpose_lhs_hint = false} : vector<1024x256xf32>, vector<256x512xf32>, vector<1024x512xf32> -> vector<1024x512xf32>
    %add3A = vector.broadcast %get3A_23 : vector<1x512xf32> to vector<1024x512xf32>
    %add3A_25 = arith.addf %dot_general3A_24, %add3A : vector<1024x512xf32>
    %slice3A = vector.extract_strided_slice %add3A_25 {offsets = [0, 0], sizes = [1024, 128], strides = [1, 1]} : vector<1024x512xf32> to vector<1024x128xf32>
    %tanh3A = math.tanh %slice3A : vector<1024x128xf32>
    %slice3A_26 = vector.extract_strided_slice %add3A_25 {offsets = [0, 128], sizes = [1024, 128], strides = [1, 1]} : vector<1024x512xf32> to vector<1024x128xf32>
    %tanh3A_27 = math.tanh %slice3A_26 : vector<1024x128xf32>
    %slice3A_28 = vector.extract_strided_slice %add3A_25 {offsets = [0, 256], sizes = [1024, 128], strides = [1, 1]} : vector<1024x512xf32> to vector<1024x128xf32>
    %tanh3A_29 = math.tanh %slice3A_28 : vector<1024x128xf32>
    %slice3A_30 = vector.extract_strided_slice %add3A_25 {offsets = [0, 384], sizes = [1024, 128], strides = [1, 1]} : vector<1024x512xf32> to vector<1024x128xf32>
    %tanh3A_31 = math.tanh %slice3A_30 : vector<1024x128xf32>
    %add3A_32 = arith.constant 1.000000e+00 : f32
    %add3A_33 = vector.broadcast %add3A_32 : f32 to vector<1024x128xf32>
    %add3A_34 = arith.addf %tanh3A_27, %add3A_33 : vector<1024x128xf32>
    %mul3A = arith.mulf %add3A_34, %get3A_6 : vector<1024x128xf32>
    %add3A_35 = arith.constant 1.000000e+00 : f32
    %add3A_36 = vector.broadcast %add3A_35 : f32 to vector<1024x128xf32>
    %add3A_37 = arith.addf %tanh3A, %add3A_36 : vector<1024x128xf32>
    %mul3A_38 = arith.mulf %add3A_37, %tanh3A_29 : vector<1024x128xf32>
    %add3A_39 = arith.addf %mul3A, %mul3A_38 : vector<1024x128xf32>
    %mul3A_40 = arith.constant 5.000000e-01 : f32
    %mul3A_41 = vector.broadcast %mul3A_40 : f32 to vector<1024x128xf32>
    %mul3A_42 = arith.mulf %mul3A_41, %add3A_39 : vector<1024x128xf32>
    %tanh3A_43 = math.tanh %mul3A_42 : vector<1024x128xf32>
    %mul3A_44 = arith.constant 5.000000e-01 : f32
    %mul3A_45 = vector.broadcast %mul3A_44 : f32 to vector<1024x128xf32>
    %mul3A_46 = arith.mulf %mul3A_45, %tanh3A_43 : vector<1024x128xf32>
    %add3A_47 = arith.constant 1.000000e+00 : f32
    %add3A_48 = vector.broadcast %add3A_47 : f32 to vector<1024x128xf32>
    %add3A_49 = arith.addf %tanh3A_31, %add3A_48 : vector<1024x128xf32>
    %mul3A_50 = arith.mulf %mul3A_46, %add3A_49 : vector<1024x128xf32>
    %get3A_51 = arith.constant 0 : index
    %get3A_52 = arith.constant 0 : index
    %get3A_53 = vector.load %arg6[%get3A_51, %get3A_52] : memref<256x512xf32, #tpu.memory_space<vmem>>, vector<256x512xf32>
    %get3A_54 = arith.constant 0 : index
    %get3A_55 = arith.constant 0 : index
    %get3A_56 = vector.load %arg7[%get3A_54, %get3A_55] : memref<1x512xf32, #tpu.memory_space<vmem>>, vector<1x512xf32>
    %concatenate3A_57 = tpu.concatenate %mul3A_50, %get3A_9 in 1 : vector<1024x128xf32>, vector<1024x128xf32> -> vector<1024x256xf32>
    %dot_general3A_58 = arith.constant dense<0.000000e+00> : vector<1024x512xf32>
    %dot_general3A_59 = tpu.matmul %concatenate3A_57, %get3A_53, %dot_general3A_58 {dimension_numbers = #tpu.dot_dimension_numbers<[1], [0], [0], [1], [0, 0, 1, 1], [], []>, transpose_lhs_hint = false} : vector<1024x256xf32>, vector<256x512xf32>, vector<1024x512xf32> -> vector<1024x512xf32>
    %add3A_60 = vector.broadcast %get3A_56 : vector<1x512xf32> to vector<1024x512xf32>
    %add3A_61 = arith.addf %dot_general3A_59, %add3A_60 : vector<1024x512xf32>
    %slice3A_62 = vector.extract_strided_slice %add3A_61 {offsets = [0, 0], sizes = [1024, 128], strides = [1, 1]} : vector<1024x512xf32> to vector<1024x128xf32>
    %tanh3A_63 = math.tanh %slice3A_62 : vector<1024x128xf32>
    %slice3A_64 = vector.extract_strided_slice %add3A_61 {offsets = [0, 128], sizes = [1024, 128], strides = [1, 1]} : vector<1024x512xf32> to vector<1024x128xf32>
    %tanh3A_65 = math.tanh %slice3A_64 : vector<1024x128xf32>
    %slice3A_66 = vector.extract_strided_slice %add3A_61 {offsets = [0, 256], sizes = [1024, 128], strides = [1, 1]} : vector<1024x512xf32> to vector<1024x128xf32>
    %tanh3A_67 = math.tanh %slice3A_66 : vector<1024x128xf32>
    %slice3A_68 = vector.extract_strided_slice %add3A_61 {offsets = [0, 384], sizes = [1024, 128], strides = [1, 1]} : vector<1024x512xf32> to vector<1024x128xf32>
    %tanh3A_69 = math.tanh %slice3A_68 : vector<1024x128xf32>
    %add3A_70 = arith.constant 1.000000e+00 : f32
    %add3A_71 = vector.broadcast %add3A_70 : f32 to vector<1024x128xf32>
    %add3A_72 = arith.addf %tanh3A_65, %add3A_71 : vector<1024x128xf32>
    %mul3A_73 = arith.mulf %add3A_72, %get3A_12 : vector<1024x128xf32>
    %add3A_74 = arith.constant 1.000000e+00 : f32
    %add3A_75 = vector.broadcast %add3A_74 : f32 to vector<1024x128xf32>
    %add3A_76 = arith.addf %tanh3A_63, %add3A_75 : vector<1024x128xf32>
    %mul3A_77 = arith.mulf %add3A_76, %tanh3A_67 : vector<1024x128xf32>
    %add3A_78 = arith.addf %mul3A_73, %mul3A_77 : vector<1024x128xf32>
    %mul3A_79 = arith.constant 5.000000e-01 : f32
    %mul3A_80 = vector.broadcast %mul3A_79 : f32 to vector<1024x128xf32>
    %mul3A_81 = arith.mulf %mul3A_80, %add3A_78 : vector<1024x128xf32>
    %tanh3A_82 = math.tanh %mul3A_81 : vector<1024x128xf32>
    %mul3A_83 = arith.constant 5.000000e-01 : f32
    %mul3A_84 = vector.broadcast %mul3A_83 : f32 to vector<1024x128xf32>
    %mul3A_85 = arith.mulf %mul3A_84, %tanh3A_82 : vector<1024x128xf32>
    %add3A_86 = arith.constant 1.000000e+00 : f32
    %add3A_87 = vector.broadcast %add3A_86 : f32 to vector<1024x128xf32>
    %add3A_88 = arith.addf %tanh3A_69, %add3A_87 : vector<1024x128xf32>
    %mul3A_89 = arith.mulf %mul3A_85, %add3A_88 : vector<1024x128xf32>
    %swap3A = arith.constant 0 : index
    %swap3A_90 = arith.constant 0 : index
    %swap3A_91 = arith.constant 0 : index
    %swap3A_92 = vector.load %arg8[%swap3A, %swap3A_90, %swap3A_91] : memref<1024x8x128xf32, #tpu.memory_space<vmem>>, vector<1024x1x128xf32>
    %swap3A_93 = vector.shape_cast %swap3A_92 : vector<1024x1x128xf32> to vector<1024x128xf32>
    %swap3A_94 = vector.shape_cast %mul3A_89 : vector<1024x128xf32> to vector<1024x1x128xf32>
    tpu.vector_store %arg8[%swap3A, %swap3A_90, %swap3A_91], %swap3A_94 {strides = array<i32>} : memref<1024x8x128xf32, #tpu.memory_space<vmem>>, vector<1024x1x128xf32>,
    %get3A_95 = arith.constant 1 : index
    %get3A_96 = arith.constant 0 : index
    %get3A_97 = arith.constant 0 : index
    %get3A_98 = vector.load %arg1[%get3A_95, %get3A_96, %get3A_97] : memref<8x1024x128xf32, #tpu.memory_space<vmem>>, vector<1x1024x128xf32>
    %get3A_99 = vector.shape_cast %get3A_98 : vector<1x1024x128xf32> to vector<1024x128xf32>
    %get3A_100 = arith.constant 0 : index
    %get3A_101 = arith.constant 0 : index
    %get3A_102 = vector.load %arg4[%get3A_100, %get3A_101] : memref<256x512xf32, #tpu.memory_space<vmem>>, vector<256x512xf32>
    %get3A_103 = arith.constant 0 : index
    %get3A_104 = arith.constant 0 : index
    %get3A_105 = vector.load %arg5[%get3A_103, %get3A_104] : memref<1x512xf32, #tpu.memory_space<vmem>>, vector<1x512xf32>
    %concatenate3A_106 = tpu.concatenate %get3A_99, %mul3A_50 in 1 : vector<1024x128xf32>, vector<1024x128xf32> -> vector<1024x256xf32>
    %dot_general3A_107 = arith.constant dense<0.000000e+00> : vector<1024x512xf32>
    %dot_general3A_108 = tpu.matmul %concatenate3A_106, %get3A_102, %dot_general3A_107 {dimension_numbers = #tpu.dot_dimension_numbers<[1], [0], [0], [1], [0, 0, 1, 1], [], []>, transpose_lhs_hint = false} : vector<1024x256xf32>, vector<256x512xf32>, vector<1024x512xf32> -> vector<1024x512xf32>
    %add3A_109 = vector.broadcast %get3A_105 : vector<1x512xf32> to vector<1024x512xf32>
    %add3A_110 = arith.addf %dot_general3A_108, %add3A_109 : vector<1024x512xf32>
    %slice3A_111 = vector.extract_strided_slice %add3A_110 {offsets = [0, 0], sizes = [1024, 128], strides = [1, 1]} : vector<1024x512xf32> to vector<1024x128xf32>
    %tanh3A_112 = math.tanh %slice3A_111 : vector<1024x128xf32>
    %slice3A_113 = vector.extract_strided_slice %add3A_110 {offsets = [0, 128], sizes = [1024, 128], strides = [1, 1]} : vector<1024x512xf32> to vector<1024x128xf32>
    %tanh3A_114 = math.tanh %slice3A_113 : vector<1024x128xf32>
    %slice3A_115 = vector.extract_strided_slice %add3A_110 {offsets = [0, 256], sizes = [1024, 128], strides = [1, 1]} : vector<1024x512xf32> to vector<1024x128xf32>
    %tanh3A_116 = math.tanh %slice3A_115 : vector<1024x128xf32>
    %slice3A_117 = vector.extract_strided_slice %add3A_110 {offsets = [0, 384], sizes = [1024, 128], strides = [1, 1]} : vector<1024x512xf32> to vector<1024x128xf32>
    %tanh3A_118 = math.tanh %slice3A_117 : vector<1024x128xf32>
    %add3A_119 = arith.constant 1.000000e+00 : f32
    %add3A_120 = vector.broadcast %add3A_119 : f32 to vector<1024x128xf32>
    %add3A_121 = arith.addf %tanh3A_114, %add3A_120 : vector<1024x128xf32>
    %mul3A_122 = arith.mulf %add3A_121, %mul3A_42 : vector<1024x128xf32>
    %add3A_123 = arith.constant 1.000000e+00 : f32
    %add3A_124 = vector.broadcast %add3A_123 : f32 to vector<1024x128xf32>
    %add3A_125 = arith.addf %tanh3A_112, %add3A_124 : vector<1024x128xf32>
    %mul3A_126 = arith.mulf %add3A_125, %tanh3A_116 : vector<1024x128xf32>
    %add3A_127 = arith.addf %mul3A_122, %mul3A_126 : vector<1024x128xf32>
    %mul3A_128 = arith.constant 5.000000e-01 : f32
    %mul3A_129 = vector.broadcast %mul3A_128 : f32 to vector<1024x128xf32>
    %mul3A_130 = arith.mulf %mul3A_129, %add3A_127 : vector<1024x128xf32>
    %tanh3A_131 = math.tanh %mul3A_130 : vector<1024x128xf32>
    %mul3A_132 = arith.constant 5.000000e-01 : f32
    %mul3A_133 = vector.broadcast %mul3A_132 : f32 to vector<1024x128xf32>
    %mul3A_134 = arith.mulf %mul3A_133, %tanh3A_131 : vector<1024x128xf32>
    %add3A_135 = arith.constant 1.000000e+00 : f32
    %add3A_136 = vector.broadcast %add3A_135 : f32 to vector<1024x128xf32>
    %add3A_137 = arith.addf %tanh3A_118, %add3A_136 : vector<1024x128xf32>
    %mul3A_138 = arith.mulf %mul3A_134, %add3A_137 : vector<1024x128xf32>
    %get3A_139 = arith.constant 0 : index
    %get3A_140 = arith.constant 0 : index
    %get3A_141 = vector.load %arg6[%get3A_139, %get3A_140] : memref<256x512xf32, #tpu.memory_space<vmem>>, vector<256x512xf32>
    %get3A_142 = arith.constant 0 : index
    %get3A_143 = arith.constant 0 : index
    %get3A_144 = vector.load %arg7[%get3A_142, %get3A_143] : memref<1x512xf32, #tpu.memory_space<vmem>>, vector<1x512xf32>
    %concatenate3A_145 = tpu.concatenate %mul3A_138, %mul3A_89 in 1 : vector<1024x128xf32>, vector<1024x128xf32> -> vector<1024x256xf32>
    %dot_general3A_146 = arith.constant dense<0.000000e+00> : vector<1024x512xf32>
    %dot_general3A_147 = tpu.matmul %concatenate3A_145, %get3A_141, %dot_general3A_146 {dimension_numbers = #tpu.dot_dimension_numbers<[1], [0], [0], [1], [0, 0, 1, 1], [], []>, transpose_lhs_hint = false} : vector<1024x256xf32>, vector<256x512xf32>, vector<1024x512xf32> -> vector<1024x512xf32>
    %add3A_148 = vector.broadcast %get3A_144 : vector<1x512xf32> to vector<1024x512xf32>
    %add3A_149 = arith.addf %dot_general3A_147, %add3A_148 : vector<1024x512xf32>
    %slice3A_150 = vector.extract_strided_slice %add3A_149 {offsets = [0, 0], sizes = [1024, 128], strides = [1, 1]} : vector<1024x512xf32> to vector<1024x128xf32>
    %tanh3A_151 = math.tanh %slice3A_150 : vector<1024x128xf32>
    %slice3A_152 = vector.extract_strided_slice %add3A_149 {offsets = [0, 128], sizes = [1024, 128], strides = [1, 1]} : vector<1024x512xf32> to vector<1024x128xf32>
    %tanh3A_153 = math.tanh %slice3A_152 : vector<1024x128xf32>
    %slice3A_154 = vector.extract_strided_slice %add3A_149 {offsets = [0, 256], sizes = [1024, 128], strides = [1, 1]} : vector<1024x512xf32> to vector<1024x128xf32>
    %tanh3A_155 = math.tanh %slice3A_154 : vector<1024x128xf32>
    %slice3A_156 = vector.extract_strided_slice %add3A_149 {offsets = [0, 384], sizes = [1024, 128], strides = [1, 1]} : vector<1024x512xf32> to vector<1024x128xf32>
    %tanh3A_157 = math.tanh %slice3A_156 : vector<1024x128xf32>
    %add3A_158 = arith.constant 1.000000e+00 : f32
    %add3A_159 = vector.broadcast %add3A_158 : f32 to vector<1024x128xf32>
    %add3A_160 = arith.addf %tanh3A_153, %add3A_159 : vector<1024x128xf32>
    %mul3A_161 = arith.mulf %add3A_160, %mul3A_81 : vector<1024x128xf32>
    %add3A_162 = arith.constant 1.000000e+00 : f32
    %add3A_163 = vector.broadcast %add3A_162 : f32 to vector<1024x128xf32>
    %add3A_164 = arith.addf %tanh3A_151, %add3A_163 : vector<1024x128xf32>
    %mul3A_165 = arith.mulf %add3A_164, %tanh3A_155 : vector<1024x128xf32>
    %add3A_166 = arith.addf %mul3A_161, %mul3A_165 : vector<1024x128xf32>
    %mul3A_167 = arith.constant 5.000000e-01 : f32
    %mul3A_168 = vector.broadcast %mul3A_167 : f32 to vector<1024x128xf32>
    %mul3A_169 = arith.mulf %mul3A_168, %add3A_166 : vector<1024x128xf32>
    %tanh3A_170 = math.tanh %mul3A_169 : vector<1024x128xf32>
    %mul3A_171 = arith.constant 5.000000e-01 : f32
    %mul3A_172 = vector.broadcast %mul3A_171 : f32 to vector<1024x128xf32>
    %mul3A_173 = arith.mulf %mul3A_172, %tanh3A_170 : vector<1024x128xf32>
    %add3A_174 = arith.constant 1.000000e+00 : f32
    %add3A_175 = vector.broadcast %add3A_174 : f32 to vector<1024x128xf32>
    %add3A_176 = arith.addf %tanh3A_157, %add3A_175 : vector<1024x128xf32>
    %mul3A_177 = arith.mulf %mul3A_173, %add3A_176 : vector<1024x128xf32>
    %swap3A_178 = arith.constant 0 : index
    %swap3A_179 = arith.constant 1 : index
    %swap3A_180 = arith.constant 0 : index
    %swap3A_181 = vector.load %arg8[%swap3A_178, %swap3A_179, %swap3A_180] : memref<1024x8x128xf32, #tpu.memory_space<vmem>>, vector<1024x1x128xf32>
    %swap3A_182 = vector.shape_cast %swap3A_181 : vector<1024x1x128xf32> to vector<1024x128xf32>
    %swap3A_183 = vector.shape_cast %mul3A_177 : vector<1024x128xf32> to vector<1024x1x128xf32>
    tpu.vector_store %arg8[%swap3A_178, %swap3A_179, %swap3A_180], %swap3A_183 {strides = array<i32>} : memref<1024x8x128xf32, #tpu.memory_space<vmem>>, vector<1024x1x128xf32>,
    %get3A_184 = arith.constant 2 : index
    %get3A_185 = arith.constant 0 : index
    %get3A_186 = arith.constant 0 : index
    %get3A_187 = vector.load %arg1[%get3A_184, %get3A_185, %get3A_186] : memref<8x1024x128xf32, #tpu.memory_space<vmem>>, vector<1x1024x128xf32>
    %get3A_188 = vector.shape_cast %get3A_187 : vector<1x1024x128xf32> to vector<1024x128xf32>
    %get3A_189 = arith.constant 0 : index
    %get3A_190 = arith.constant 0 : index
    %get3A_191 = vector.load %arg4[%get3A_189, %get3A_190] : memref<256x512xf32, #tpu.memory_space<vmem>>, vector<256x512xf32>
    %get3A_192 = arith.constant 0 : index
    %get3A_193 = arith.constant 0 : index
    %get3A_194 = vector.load %arg5[%get3A_192, %get3A_193] : memref<1x512xf32, #tpu.memory_space<vmem>>, vector<1x512xf32>
    %concatenate3A_195 = tpu.concatenate %get3A_188, %mul3A_138 in 1 : vector<1024x128xf32>, vector<1024x128xf32> -> vector<1024x256xf32>
    %dot_general3A_196 = arith.constant dense<0.000000e+00> : vector<1024x512xf32>
    %dot_general3A_197 = tpu.matmul %concatenate3A_195, %get3A_191, %dot_general3A_196 {dimension_numbers = #tpu.dot_dimension_numbers<[1], [0], [0], [1], [0, 0, 1, 1], [], []>, transpose_lhs_hint = false} : vector<1024x256xf32>, vector<256x512xf32>, vector<1024x512xf32> -> vector<1024x512xf32>
    %add3A_198 = vector.broadcast %get3A_194 : vector<1x512xf32> to vector<1024x512xf32>
    %add3A_199 = arith.addf %dot_general3A_197, %add3A_198 : vector<1024x512xf32>
    %slice3A_200 = vector.extract_strided_slice %add3A_199 {offsets = [0, 0], sizes = [1024, 128], strides = [1, 1]} : vector<1024x512xf32> to vector<1024x128xf32>
    %tanh3A_201 = math.tanh %slice3A_200 : vector<1024x128xf32>
    %slice3A_202 = vector.extract_strided_slice %add3A_199 {offsets = [0, 128], sizes = [1024, 128], strides = [1, 1]} : vector<1024x512xf32> to vector<1024x128xf32>
    %tanh3A_203 = math.tanh %slice3A_202 : vector<1024x128xf32>
    %slice3A_204 = vector.extract_strided_slice %add3A_199 {offsets = [0, 256], sizes = [1024, 128], strides = [1, 1]} : vector<1024x512xf32> to vector<1024x128xf32>
    %tanh3A_205 = math.tanh %slice3A_204 : vector<1024x128xf32>
    %slice3A_206 = vector.extract_strided_slice %add3A_199 {offsets = [0, 384], sizes = [1024, 128], strides = [1, 1]} : vector<1024x512xf32> to vector<1024x128xf32>
    %tanh3A_207 = math.tanh %slice3A_206 : vector<1024x128xf32>
    %add3A_208 = arith.constant 1.000000e+00 : f32
    %add3A_209 = vector.broadcast %add3A_208 : f32 to vector<1024x128xf32>
    %add3A_210 = arith.addf %tanh3A_203, %add3A_209 : vector<1024x128xf32>
    %mul3A_211 = arith.mulf %add3A_210, %mul3A_130 : vector<1024x128xf32>
    %add3A_212 = arith.constant 1.000000e+00 : f32
    %add3A_213 = vector.broadcast %add3A_212 : f32 to vector<1024x128xf32>
    %add3A_214 = arith.addf %tanh3A_201, %add3A_213 : vector<1024x128xf32>
    %mul3A_215 = arith.mulf %add3A_214, %tanh3A_205 : vector<1024x128xf32>
    %add3A_216 = arith.addf %mul3A_211, %mul3A_215 : vector<1024x128xf32>
    %mul3A_217 = arith.constant 5.000000e-01 : f32
    %mul3A_218 = vector.broadcast %mul3A_217 : f32 to vector<1024x128xf32>
    %mul3A_219 = arith.mulf %mul3A_218, %add3A_216 : vector<1024x128xf32>
    %tanh3A_220 = math.tanh %mul3A_219 : vector<1024x128xf32>
    %mul3A_221 = arith.constant 5.000000e-01 : f32
    %mul3A_222 = vector.broadcast %mul3A_221 : f32 to vector<1024x128xf32>
    %mul3A_223 = arith.mulf %mul3A_222, %tanh3A_220 : vector<1024x128xf32>
    %add3A_224 = arith.constant 1.000000e+00 : f32
    %add3A_225 = vector.broadcast %add3A_224 : f32 to vector<1024x128xf32>
    %add3A_226 = arith.addf %tanh3A_207, %add3A_225 : vector<1024x128xf32>
    %mul3A_227 = arith.mulf %mul3A_223, %add3A_226 : vector<1024x128xf32>
    %get3A_228 = arith.constant 0 : index
    %get3A_229 = arith.constant 0 : index
    %get3A_230 = vector.load %arg6[%get3A_228, %get3A_229] : memref<256x512xf32, #tpu.memory_space<vmem>>, vector<256x512xf32>
    %get3A_231 = arith.constant 0 : index
    %get3A_232 = arith.constant 0 : index
    %get3A_233 = vector.load %arg7[%get3A_231, %get3A_232] : memref<1x512xf32, #tpu.memory_space<vmem>>, vector<1x512xf32>
    %concatenate3A_234 = tpu.concatenate %mul3A_227, %mul3A_177 in 1 : vector<1024x128xf32>, vector<1024x128xf32> -> vector<1024x256xf32>
    %dot_general3A_235 = arith.constant dense<0.000000e+00> : vector<1024x512xf32>
    %dot_general3A_236 = tpu.matmul %concatenate3A_234, %get3A_230, %dot_general3A_235 {dimension_numbers = #tpu.dot_dimension_numbers<[1], [0], [0], [1], [0, 0, 1, 1], [], []>, transpose_lhs_hint = false} : vector<1024x256xf32>, vector<256x512xf32>, vector<1024x512xf32> -> vector<1024x512xf32>
    %add3A_237 = vector.broadcast %get3A_233 : vector<1x512xf32> to vector<1024x512xf32>
    %add3A_238 = arith.addf %dot_general3A_236, %add3A_237 : vector<1024x512xf32>
    %slice3A_239 = vector.extract_strided_slice %add3A_238 {offsets = [0, 0], sizes = [1024, 128], strides = [1, 1]} : vector<1024x512xf32> to vector<1024x128xf32>
    %tanh3A_240 = math.tanh %slice3A_239 : vector<1024x128xf32>
    %slice3A_241 = vector.extract_strided_slice %add3A_238 {offsets = [0, 128], sizes = [1024, 128], strides = [1, 1]} : vector<1024x512xf32> to vector<1024x128xf32>
    %tanh3A_242 = math.tanh %slice3A_241 : vector<1024x128xf32>
    %slice3A_243 = vector.extract_strided_slice %add3A_238 {offsets = [0, 256], sizes = [1024, 128], strides = [1, 1]} : vector<1024x512xf32> to vector<1024x128xf32>
    %tanh3A_244 = math.tanh %slice3A_243 : vector<1024x128xf32>
    %slice3A_245 = vector.extract_strided_slice %add3A_238 {offsets = [0, 384], sizes = [1024, 128], strides = [1, 1]} : vector<1024x512xf32> to vector<1024x128xf32>
    %tanh3A_246 = math.tanh %slice3A_245 : vector<1024x128xf32>
    %add3A_247 = arith.constant 1.000000e+00 : f32
    %add3A_248 = vector.broadcast %add3A_247 : f32 to vector<1024x128xf32>
    %add3A_249 = arith.addf %tanh3A_242, %add3A_248 : vector<1024x128xf32>
    %mul3A_250 = arith.mulf %add3A_249, %mul3A_169 : vector<1024x128xf32>
    %add3A_251 = arith.constant 1.000000e+00 : f32
    %add3A_252 = vector.broadcast %add3A_251 : f32 to vector<1024x128xf32>
    %add3A_253 = arith.addf %tanh3A_240, %add3A_252 : vector<1024x128xf32>
    %mul3A_254 = arith.mulf %add3A_253, %tanh3A_244 : vector<1024x128xf32>
    %add3A_255 = arith.addf %mul3A_250, %mul3A_254 : vector<1024x128xf32>
    %mul3A_256 = arith.constant 5.000000e-01 : f32
    %mul3A_257 = vector.broadcast %mul3A_256 : f32 to vector<1024x128xf32>
    %mul3A_258 = arith.mulf %mul3A_257, %add3A_255 : vector<1024x128xf32>
    %tanh3A_259 = math.tanh %mul3A_258 : vector<1024x128xf32>
    %mul3A_260 = arith.constant 5.000000e-01 : f32
    %mul3A_261 = vector.broadcast %mul3A_260 : f32 to vector<1024x128xf32>
    %mul3A_262 = arith.mulf %mul3A_261, %tanh3A_259 : vector<1024x128xf32>
    %add3A_263 = arith.constant 1.000000e+00 : f32
    %add3A_264 = vector.broadcast %add3A_263 : f32 to vector<1024x128xf32>
    %add3A_265 = arith.addf %tanh3A_246, %add3A_264 : vector<1024x128xf32>
    %mul3A_266 = arith.mulf %mul3A_262, %add3A_265 : vector<1024x128xf32>
    %swap3A_267 = arith.constant 0 : index
    %swap3A_268 = arith.constant 2 : index
    %swap3A_269 = arith.constant 0 : index
    %swap3A_270 = vector.load %arg8[%swap3A_267, %swap3A_268, %swap3A_269] : memref<1024x8x128xf32, #tpu.memory_space<vmem>>, vector<1024x1x128xf32>
    %swap3A_271 = vector.shape_cast %swap3A_270 : vector<1024x1x128xf32> to vector<1024x128xf32>
    %swap3A_272 = vector.shape_cast %mul3A_266 : vector<1024x128xf32> to vector<1024x1x128xf32>
    tpu.vector_store %arg8[%swap3A_267, %swap3A_268, %swap3A_269], %swap3A_272 {strides = array<i32>} : memref<1024x8x128xf32, #tpu.memory_space<vmem>>, vector<1024x1x128xf32>,
    %get3A_273 = arith.constant 3 : index
    %get3A_274 = arith.constant 0 : index
    %get3A_275 = arith.constant 0 : index
    %get3A_276 = vector.load %arg1[%get3A_273, %get3A_274, %get3A_275] : memref<8x1024x128xf32, #tpu.memory_space<vmem>>, vector<1x1024x128xf32>
    %get3A_277 = vector.shape_cast %get3A_276 : vector<1x1024x128xf32> to vector<1024x128xf32>
    %get3A_278 = arith.constant 0 : index
    %get3A_279 = arith.constant 0 : index
    %get3A_280 = vector.load %arg4[%get3A_278, %get3A_279] : memref<256x512xf32, #tpu.memory_space<vmem>>, vector<256x512xf32>
    %get3A_281 = arith.constant 0 : index
    %get3A_282 = arith.constant 0 : index
    %get3A_283 = vector.load %arg5[%get3A_281, %get3A_282] : memref<1x512xf32, #tpu.memory_space<vmem>>, vector<1x512xf32>
    %concatenate3A_284 = tpu.concatenate %get3A_277, %mul3A_227 in 1 : vector<1024x128xf32>, vector<1024x128xf32> -> vector<1024x256xf32>
    %dot_general3A_285 = arith.constant dense<0.000000e+00> : vector<1024x512xf32>
    %dot_general3A_286 = tpu.matmul %concatenate3A_284, %get3A_280, %dot_general3A_285 {dimension_numbers = #tpu.dot_dimension_numbers<[1], [0], [0], [1], [0, 0, 1, 1], [], []>, transpose_lhs_hint = false} : vector<1024x256xf32>, vector<256x512xf32>, vector<1024x512xf32> -> vector<1024x512xf32>
    %add3A_287 = vector.broadcast %get3A_283 : vector<1x512xf32> to vector<1024x512xf32>
    %add3A_288 = arith.addf %dot_general3A_286, %add3A_287 : vector<1024x512xf32>
    %slice3A_289 = vector.extract_strided_slice %add3A_288 {offsets = [0, 0], sizes = [1024, 128], strides = [1, 1]} : vector<1024x512xf32> to vector<1024x128xf32>
    %tanh3A_290 = math.tanh %slice3A_289 : vector<1024x128xf32>
    %slice3A_291 = vector.extract_strided_slice %add3A_288 {offsets = [0, 128], sizes = [1024, 128], strides = [1, 1]} : vector<1024x512xf32> to vector<1024x128xf32>
    %tanh3A_292 = math.tanh %slice3A_291 : vector<1024x128xf32>
    %slice3A_293 = vector.extract_strided_slice %add3A_288 {offsets = [0, 256], sizes = [1024, 128], strides = [1, 1]} : vector<1024x512xf32> to vector<1024x128xf32>
    %tanh3A_294 = math.tanh %slice3A_293 : vector<1024x128xf32>
    %slice3A_295 = vector.extract_strided_slice %add3A_288 {offsets = [0, 384], sizes = [1024, 128], strides = [1, 1]} : vector<1024x512xf32> to vector<1024x128xf32>
    %tanh3A_296 = math.tanh %slice3A_295 : vector<1024x128xf32>
    %add3A_297 = arith.constant 1.000000e+00 : f32
    %add3A_298 = vector.broadcast %add3A_297 : f32 to vector<1024x128xf32>
    %add3A_299 = arith.addf %tanh3A_292, %add3A_298 : vector<1024x128xf32>
    %mul3A_300 = arith.mulf %add3A_299, %mul3A_219 : vector<1024x128xf32>
    %add3A_301 = arith.constant 1.000000e+00 : f32
    %add3A_302 = vector.broadcast %add3A_301 : f32 to vector<1024x128xf32>
    %add3A_303 = arith.addf %tanh3A_290, %add3A_302 : vector<1024x128xf32>
    %mul3A_304 = arith.mulf %add3A_303, %tanh3A_294 : vector<1024x128xf32>
    %add3A_305 = arith.addf %mul3A_300, %mul3A_304 : vector<1024x128xf32>
    %mul3A_306 = arith.constant 5.000000e-01 : f32
    %mul3A_307 = vector.broadcast %mul3A_306 : f32 to vector<1024x128xf32>
    %mul3A_308 = arith.mulf %mul3A_307, %add3A_305 : vector<1024x128xf32>
    %tanh3A_309 = math.tanh %mul3A_308 : vector<1024x128xf32>
    %mul3A_310 = arith.constant 5.000000e-01 : f32
    %mul3A_311 = vector.broadcast %mul3A_310 : f32 to vector<1024x128xf32>
    %mul3A_312 = arith.mulf %mul3A_311, %tanh3A_309 : vector<1024x128xf32>
    %add3A_313 = arith.constant 1.000000e+00 : f32
    %add3A_314 = vector.broadcast %add3A_313 : f32 to vector<1024x128xf32>
    %add3A_315 = arith.addf %tanh3A_296, %add3A_314 : vector<1024x128xf32>
    %mul3A_316 = arith.mulf %mul3A_312, %add3A_315 : vector<1024x128xf32>
    %get3A_317 = arith.constant 0 : index
    %get3A_318 = arith.constant 0 : index
    %get3A_319 = vector.load %arg6[%get3A_317, %get3A_318] : memref<256x512xf32, #tpu.memory_space<vmem>>, vector<256x512xf32>
    %get3A_320 = arith.constant 0 : index
    %get3A_321 = arith.constant 0 : index
    %get3A_322 = vector.load %arg7[%get3A_320, %get3A_321] : memref<1x512xf32, #tpu.memory_space<vmem>>, vector<1x512xf32>
    %concatenate3A_323 = tpu.concatenate %mul3A_316, %mul3A_266 in 1 : vector<1024x128xf32>, vector<1024x128xf32> -> vector<1024x256xf32>
    %dot_general3A_324 = arith.constant dense<0.000000e+00> : vector<1024x512xf32>
    %dot_general3A_325 = tpu.matmul %concatenate3A_323, %get3A_319, %dot_general3A_324 {dimension_numbers = #tpu.dot_dimension_numbers<[1], [0], [0], [1], [0, 0, 1, 1], [], []>, transpose_lhs_hint = false} : vector<1024x256xf32>, vector<256x512xf32>, vector<1024x512xf32> -> vector<1024x512xf32>
    %add3A_326 = vector.broadcast %get3A_322 : vector<1x512xf32> to vector<1024x512xf32>
    %add3A_327 = arith.addf %dot_general3A_325, %add3A_326 : vector<1024x512xf32>
    %slice3A_328 = vector.extract_strided_slice %add3A_327 {offsets = [0, 0], sizes = [1024, 128], strides = [1, 1]} : vector<1024x512xf32> to vector<1024x128xf32>
    %tanh3A_329 = math.tanh %slice3A_328 : vector<1024x128xf32>
    %slice3A_330 = vector.extract_strided_slice %add3A_327 {offsets = [0, 128], sizes = [1024, 128], strides = [1, 1]} : vector<1024x512xf32> to vector<1024x128xf32>
    %tanh3A_331 = math.tanh %slice3A_330 : vector<1024x128xf32>
    %slice3A_332 = vector.extract_strided_slice %add3A_327 {offsets = [0, 256], sizes = [1024, 128], strides = [1, 1]} : vector<1024x512xf32> to vector<1024x128xf32>
    %tanh3A_333 = math.tanh %slice3A_332 : vector<1024x128xf32>
    %slice3A_334 = vector.extract_strided_slice %add3A_327 {offsets = [0, 384], sizes = [1024, 128], strides = [1, 1]} : vector<1024x512xf32> to vector<1024x128xf32>
    %tanh3A_335 = math.tanh %slice3A_334 : vector<1024x128xf32>
    %add3A_336 = arith.constant 1.000000e+00 : f32
    %add3A_337 = vector.broadcast %add3A_336 : f32 to vector<1024x128xf32>
    %add3A_338 = arith.addf %tanh3A_331, %add3A_337 : vector<1024x128xf32>
    %mul3A_339 = arith.mulf %add3A_338, %mul3A_258 : vector<1024x128xf32>
    %add3A_340 = arith.constant 1.000000e+00 : f32
    %add3A_341 = vector.broadcast %add3A_340 : f32 to vector<1024x128xf32>
    %add3A_342 = arith.addf %tanh3A_329, %add3A_341 : vector<1024x128xf32>
    %mul3A_343 = arith.mulf %add3A_342, %tanh3A_333 : vector<1024x128xf32>
    %add3A_344 = arith.addf %mul3A_339, %mul3A_343 : vector<1024x128xf32>
    %mul3A_345 = arith.constant 5.000000e-01 : f32
    %mul3A_346 = vector.broadcast %mul3A_345 : f32 to vector<1024x128xf32>
    %mul3A_347 = arith.mulf %mul3A_346, %add3A_344 : vector<1024x128xf32>
    %tanh3A_348 = math.tanh %mul3A_347 : vector<1024x128xf32>
    %mul3A_349 = arith.constant 5.000000e-01 : f32
    %mul3A_350 = vector.broadcast %mul3A_349 : f32 to vector<1024x128xf32>
    %mul3A_351 = arith.mulf %mul3A_350, %tanh3A_348 : vector<1024x128xf32>
    %add3A_352 = arith.constant 1.000000e+00 : f32
    %add3A_353 = vector.broadcast %add3A_352 : f32 to vector<1024x128xf32>
    %add3A_354 = arith.addf %tanh3A_335, %add3A_353 : vector<1024x128xf32>
    %mul3A_355 = arith.mulf %mul3A_351, %add3A_354 : vector<1024x128xf32>
    %swap3A_356 = arith.constant 0 : index
    %swap3A_357 = arith.constant 3 : index
    %swap3A_358 = arith.constant 0 : index
    %swap3A_359 = vector.load %arg8[%swap3A_356, %swap3A_357, %swap3A_358] : memref<1024x8x128xf32, #tpu.memory_space<vmem>>, vector<1024x1x128xf32>
    %swap3A_360 = vector.shape_cast %swap3A_359 : vector<1024x1x128xf32> to vector<1024x128xf32>
    %swap3A_361 = vector.shape_cast %mul3A_355 : vector<1024x128xf32> to vector<1024x1x128xf32>
    tpu.vector_store %arg8[%swap3A_356, %swap3A_357, %swap3A_358], %swap3A_361 {strides = array<i32>} : memref<1024x8x128xf32, #tpu.memory_space<vmem>>, vector<1024x1x128xf32>,
    %get3A_362 = arith.constant 4 : index
    %get3A_363 = arith.constant 0 : index
    %get3A_364 = arith.constant 0 : index
    %get3A_365 = vector.load %arg1[%get3A_362, %get3A_363, %get3A_364] : memref<8x1024x128xf32, #tpu.memory_space<vmem>>, vector<1x1024x128xf32>
    %get3A_366 = vector.shape_cast %get3A_365 : vector<1x1024x128xf32> to vector<1024x128xf32>
    %get3A_367 = arith.constant 0 : index
    %get3A_368 = arith.constant 0 : index
    %get3A_369 = vector.load %arg4[%get3A_367, %get3A_368] : memref<256x512xf32, #tpu.memory_space<vmem>>, vector<256x512xf32>
    %get3A_370 = arith.constant 0 : index
    %get3A_371 = arith.constant 0 : index
    %get3A_372 = vector.load %arg5[%get3A_370, %get3A_371] : memref<1x512xf32, #tpu.memory_space<vmem>>, vector<1x512xf32>
    %concatenate3A_373 = tpu.concatenate %get3A_366, %mul3A_316 in 1 : vector<1024x128xf32>, vector<1024x128xf32> -> vector<1024x256xf32>
    %dot_general3A_374 = arith.constant dense<0.000000e+00> : vector<1024x512xf32>
    %dot_general3A_375 = tpu.matmul %concatenate3A_373, %get3A_369, %dot_general3A_374 {dimension_numbers = #tpu.dot_dimension_numbers<[1], [0], [0], [1], [0, 0, 1, 1], [], []>, transpose_lhs_hint = false} : vector<1024x256xf32>, vector<256x512xf32>, vector<1024x512xf32> -> vector<1024x512xf32>
    %add3A_376 = vector.broadcast %get3A_372 : vector<1x512xf32> to vector<1024x512xf32>
    %add3A_377 = arith.addf %dot_general3A_375, %add3A_376 : vector<1024x512xf32>
    %slice3A_378 = vector.extract_strided_slice %add3A_377 {offsets = [0, 0], sizes = [1024, 128], strides = [1, 1]} : vector<1024x512xf32> to vector<1024x128xf32>
    %tanh3A_379 = math.tanh %slice3A_378 : vector<1024x128xf32>
    %slice3A_380 = vector.extract_strided_slice %add3A_377 {offsets = [0, 128], sizes = [1024, 128], strides = [1, 1]} : vector<1024x512xf32> to vector<1024x128xf32>
    %tanh3A_381 = math.tanh %slice3A_380 : vector<1024x128xf32>
    %slice3A_382 = vector.extract_strided_slice %add3A_377 {offsets = [0, 256], sizes = [1024, 128], strides = [1, 1]} : vector<1024x512xf32> to vector<1024x128xf32>
    %tanh3A_383 = math.tanh %slice3A_382 : vector<1024x128xf32>
    %slice3A_384 = vector.extract_strided_slice %add3A_377 {offsets = [0, 384], sizes = [1024, 128], strides = [1, 1]} : vector<1024x512xf32> to vector<1024x128xf32>
    %tanh3A_385 = math.tanh %slice3A_384 : vector<1024x128xf32>
    %add3A_386 = arith.constant 1.000000e+00 : f32
    %add3A_387 = vector.broadcast %add3A_386 : f32 to vector<1024x128xf32>
    %add3A_388 = arith.addf %tanh3A_381, %add3A_387 : vector<1024x128xf32>
    %mul3A_389 = arith.mulf %add3A_388, %mul3A_308 : vector<1024x128xf32>
    %add3A_390 = arith.constant 1.000000e+00 : f32
    %add3A_391 = vector.broadcast %add3A_390 : f32 to vector<1024x128xf32>
    %add3A_392 = arith.addf %tanh3A_379, %add3A_391 : vector<1024x128xf32>
    %mul3A_393 = arith.mulf %add3A_392, %tanh3A_383 : vector<1024x128xf32>
    %add3A_394 = arith.addf %mul3A_389, %mul3A_393 : vector<1024x128xf32>
    %mul3A_395 = arith.constant 5.000000e-01 : f32
    %mul3A_396 = vector.broadcast %mul3A_395 : f32 to vector<1024x128xf32>
    %mul3A_397 = arith.mulf %mul3A_396, %add3A_394 : vector<1024x128xf32>
    %tanh3A_398 = math.tanh %mul3A_397 : vector<1024x128xf32>
    %mul3A_399 = arith.constant 5.000000e-01 : f32
    %mul3A_400 = vector.broadcast %mul3A_399 : f32 to vector<1024x128xf32>
    %mul3A_401 = arith.mulf %mul3A_400, %tanh3A_398 : vector<1024x128xf32>
    %add3A_402 = arith.constant 1.000000e+00 : f32
    %add3A_403 = vector.broadcast %add3A_402 : f32 to vector<1024x128xf32>
    %add3A_404 = arith.addf %tanh3A_385, %add3A_403 : vector<1024x128xf32>
    %mul3A_405 = arith.mulf %mul3A_401, %add3A_404 : vector<1024x128xf32>
    %get3A_406 = arith.constant 0 : index
    %get3A_407 = arith.constant 0 : index
    %get3A_408 = vector.load %arg6[%get3A_406, %get3A_407] : memref<256x512xf32, #tpu.memory_space<vmem>>, vector<256x512xf32>
    %get3A_409 = arith.constant 0 : index
    %get3A_410 = arith.constant 0 : index
    %get3A_411 = vector.load %arg7[%get3A_409, %get3A_410] : memref<1x512xf32, #tpu.memory_space<vmem>>, vector<1x512xf32>
    %concatenate3A_412 = tpu.concatenate %mul3A_405, %mul3A_355 in 1 : vector<1024x128xf32>, vector<1024x128xf32> -> vector<1024x256xf32>
    %dot_general3A_413 = arith.constant dense<0.000000e+00> : vector<1024x512xf32>
    %dot_general3A_414 = tpu.matmul %concatenate3A_412, %get3A_408, %dot_general3A_413 {dimension_numbers = #tpu.dot_dimension_numbers<[1], [0], [0], [1], [0, 0, 1, 1], [], []>, transpose_lhs_hint = false} : vector<1024x256xf32>, vector<256x512xf32>, vector<1024x512xf32> -> vector<1024x512xf32>
    %add3A_415 = vector.broadcast %get3A_411 : vector<1x512xf32> to vector<1024x512xf32>
    %add3A_416 = arith.addf %dot_general3A_414, %add3A_415 : vector<1024x512xf32>
    %slice3A_417 = vector.extract_strided_slice %add3A_416 {offsets = [0, 0], sizes = [1024, 128], strides = [1, 1]} : vector<1024x512xf32> to vector<1024x128xf32>
    %tanh3A_418 = math.tanh %slice3A_417 : vector<1024x128xf32>
    %slice3A_419 = vector.extract_strided_slice %add3A_416 {offsets = [0, 128], sizes = [1024, 128], strides = [1, 1]} : vector<1024x512xf32> to vector<1024x128xf32>
    %tanh3A_420 = math.tanh %slice3A_419 : vector<1024x128xf32>
    %slice3A_421 = vector.extract_strided_slice %add3A_416 {offsets = [0, 256], sizes = [1024, 128], strides = [1, 1]} : vector<1024x512xf32> to vector<1024x128xf32>
    %tanh3A_422 = math.tanh %slice3A_421 : vector<1024x128xf32>
    %slice3A_423 = vector.extract_strided_slice %add3A_416 {offsets = [0, 384], sizes = [1024, 128], strides = [1, 1]} : vector<1024x512xf32> to vector<1024x128xf32>
    %tanh3A_424 = math.tanh %slice3A_423 : vector<1024x128xf32>
    %add3A_425 = arith.constant 1.000000e+00 : f32
    %add3A_426 = vector.broadcast %add3A_425 : f32 to vector<1024x128xf32>
    %add3A_427 = arith.addf %tanh3A_420, %add3A_426 : vector<1024x128xf32>
    %mul3A_428 = arith.mulf %add3A_427, %mul3A_347 : vector<1024x128xf32>
    %add3A_429 = arith.constant 1.000000e+00 : f32
    %add3A_430 = vector.broadcast %add3A_429 : f32 to vector<1024x128xf32>
    %add3A_431 = arith.addf %tanh3A_418, %add3A_430 : vector<1024x128xf32>
    %mul3A_432 = arith.mulf %add3A_431, %tanh3A_422 : vector<1024x128xf32>
    %add3A_433 = arith.addf %mul3A_428, %mul3A_432 : vector<1024x128xf32>
    %mul3A_434 = arith.constant 5.000000e-01 : f32
    %mul3A_435 = vector.broadcast %mul3A_434 : f32 to vector<1024x128xf32>
    %mul3A_436 = arith.mulf %mul3A_435, %add3A_433 : vector<1024x128xf32>
    %tanh3A_437 = math.tanh %mul3A_436 : vector<1024x128xf32>
    %mul3A_438 = arith.constant 5.000000e-01 : f32
    %mul3A_439 = vector.broadcast %mul3A_438 : f32 to vector<1024x128xf32>
    %mul3A_440 = arith.mulf %mul3A_439, %tanh3A_437 : vector<1024x128xf32>
    %add3A_441 = arith.constant 1.000000e+00 : f32
    %add3A_442 = vector.broadcast %add3A_441 : f32 to vector<1024x128xf32>
    %add3A_443 = arith.addf %tanh3A_424, %add3A_442 : vector<1024x128xf32>
    %mul3A_444 = arith.mulf %mul3A_440, %add3A_443 : vector<1024x128xf32>
    %swap3A_445 = arith.constant 0 : index
    %swap3A_446 = arith.constant 4 : index
    %swap3A_447 = arith.constant 0 : index
    %swap3A_448 = vector.load %arg8[%swap3A_445, %swap3A_446, %swap3A_447] : memref<1024x8x128xf32, #tpu.memory_space<vmem>>, vector<1024x1x128xf32>
    %swap3A_449 = vector.shape_cast %swap3A_448 : vector<1024x1x128xf32> to vector<1024x128xf32>
    %swap3A_450 = vector.shape_cast %mul3A_444 : vector<1024x128xf32> to vector<1024x1x128xf32>
    tpu.vector_store %arg8[%swap3A_445, %swap3A_446, %swap3A_447], %swap3A_450 {strides = array<i32>} : memref<1024x8x128xf32, #tpu.memory_space<vmem>>, vector<1024x1x128xf32>,
    %get3A_451 = arith.constant 5 : index
    %get3A_452 = arith.constant 0 : index
    %get3A_453 = arith.constant 0 : index
    %get3A_454 = vector.load %arg1[%get3A_451, %get3A_452, %get3A_453] : memref<8x1024x128xf32, #tpu.memory_space<vmem>>, vector<1x1024x128xf32>
    %get3A_455 = vector.shape_cast %get3A_454 : vector<1x1024x128xf32> to vector<1024x128xf32>
    %get3A_456 = arith.constant 0 : index
    %get3A_457 = arith.constant 0 : index
    %get3A_458 = vector.load %arg4[%get3A_456, %get3A_457] : memref<256x512xf32, #tpu.memory_space<vmem>>, vector<256x512xf32>
    %get3A_459 = arith.constant 0 : index
    %get3A_460 = arith.constant 0 : index
    %get3A_461 = vector.load %arg5[%get3A_459, %get3A_460] : memref<1x512xf32, #tpu.memory_space<vmem>>, vector<1x512xf32>
    %concatenate3A_462 = tpu.concatenate %get3A_455, %mul3A_405 in 1 : vector<1024x128xf32>, vector<1024x128xf32> -> vector<1024x256xf32>
    %dot_general3A_463 = arith.constant dense<0.000000e+00> : vector<1024x512xf32>
    %dot_general3A_464 = tpu.matmul %concatenate3A_462, %get3A_458, %dot_general3A_463 {dimension_numbers = #tpu.dot_dimension_numbers<[1], [0], [0], [1], [0, 0, 1, 1], [], []>, transpose_lhs_hint = false} : vector<1024x256xf32>, vector<256x512xf32>, vector<1024x512xf32> -> vector<1024x512xf32>
    %add3A_465 = vector.broadcast %get3A_461 : vector<1x512xf32> to vector<1024x512xf32>
    %add3A_466 = arith.addf %dot_general3A_464, %add3A_465 : vector<1024x512xf32>
    %slice3A_467 = vector.extract_strided_slice %add3A_466 {offsets = [0, 0], sizes = [1024, 128], strides = [1, 1]} : vector<1024x512xf32> to vector<1024x128xf32>
    %tanh3A_468 = math.tanh %slice3A_467 : vector<1024x128xf32>
    %slice3A_469 = vector.extract_strided_slice %add3A_466 {offsets = [0, 128], sizes = [1024, 128], strides = [1, 1]} : vector<1024x512xf32> to vector<1024x128xf32>
    %tanh3A_470 = math.tanh %slice3A_469 : vector<1024x128xf32>
    %slice3A_471 = vector.extract_strided_slice %add3A_466 {offsets = [0, 256], sizes = [1024, 128], strides = [1, 1]} : vector<1024x512xf32> to vector<1024x128xf32>
    %tanh3A_472 = math.tanh %slice3A_471 : vector<1024x128xf32>
    %slice3A_473 = vector.extract_strided_slice %add3A_466 {offsets = [0, 384], sizes = [1024, 128], strides = [1, 1]} : vector<1024x512xf32> to vector<1024x128xf32>
    %tanh3A_474 = math.tanh %slice3A_473 : vector<1024x128xf32>
    %add3A_475 = arith.constant 1.000000e+00 : f32
    %add3A_476 = vector.broadcast %add3A_475 : f32 to vector<1024x128xf32>
    %add3A_477 = arith.addf %tanh3A_470, %add3A_476 : vector<1024x128xf32>
    %mul3A_478 = arith.mulf %add3A_477, %mul3A_397 : vector<1024x128xf32>
    %add3A_479 = arith.constant 1.000000e+00 : f32
    %add3A_480 = vector.broadcast %add3A_479 : f32 to vector<1024x128xf32>
    %add3A_481 = arith.addf %tanh3A_468, %add3A_480 : vector<1024x128xf32>
    %mul3A_482 = arith.mulf %add3A_481, %tanh3A_472 : vector<1024x128xf32>
    %add3A_483 = arith.addf %mul3A_478, %mul3A_482 : vector<1024x128xf32>
    %mul3A_484 = arith.constant 5.000000e-01 : f32
    %mul3A_485 = vector.broadcast %mul3A_484 : f32 to vector<1024x128xf32>
    %mul3A_486 = arith.mulf %mul3A_485, %add3A_483 : vector<1024x128xf32>
    %tanh3A_487 = math.tanh %mul3A_486 : vector<1024x128xf32>
    %mul3A_488 = arith.constant 5.000000e-01 : f32
    %mul3A_489 = vector.broadcast %mul3A_488 : f32 to vector<1024x128xf32>
    %mul3A_490 = arith.mulf %mul3A_489, %tanh3A_487 : vector<1024x128xf32>
    %add3A_491 = arith.constant 1.000000e+00 : f32
    %add3A_492 = vector.broadcast %add3A_491 : f32 to vector<1024x128xf32>
    %add3A_493 = arith.addf %tanh3A_474, %add3A_492 : vector<1024x128xf32>
    %mul3A_494 = arith.mulf %mul3A_490, %add3A_493 : vector<1024x128xf32>
    %get3A_495 = arith.constant 0 : index
    %get3A_496 = arith.constant 0 : index
    %get3A_497 = vector.load %arg6[%get3A_495, %get3A_496] : memref<256x512xf32, #tpu.memory_space<vmem>>, vector<256x512xf32>
    %get3A_498 = arith.constant 0 : index
    %get3A_499 = arith.constant 0 : index
    %get3A_500 = vector.load %arg7[%get3A_498, %get3A_499] : memref<1x512xf32, #tpu.memory_space<vmem>>, vector<1x512xf32>
    %concatenate3A_501 = tpu.concatenate %mul3A_494, %mul3A_444 in 1 : vector<1024x128xf32>, vector<1024x128xf32> -> vector<1024x256xf32>
    %dot_general3A_502 = arith.constant dense<0.000000e+00> : vector<1024x512xf32>
    %dot_general3A_503 = tpu.matmul %concatenate3A_501, %get3A_497, %dot_general3A_502 {dimension_numbers = #tpu.dot_dimension_numbers<[1], [0], [0], [1], [0, 0, 1, 1], [], []>, transpose_lhs_hint = false} : vector<1024x256xf32>, vector<256x512xf32>, vector<1024x512xf32> -> vector<1024x512xf32>
    %add3A_504 = vector.broadcast %get3A_500 : vector<1x512xf32> to vector<1024x512xf32>
    %add3A_505 = arith.addf %dot_general3A_503, %add3A_504 : vector<1024x512xf32>
    %slice3A_506 = vector.extract_strided_slice %add3A_505 {offsets = [0, 0], sizes = [1024, 128], strides = [1, 1]} : vector<1024x512xf32> to vector<1024x128xf32>
    %tanh3A_507 = math.tanh %slice3A_506 : vector<1024x128xf32>
    %slice3A_508 = vector.extract_strided_slice %add3A_505 {offsets = [0, 128], sizes = [1024, 128], strides = [1, 1]} : vector<1024x512xf32> to vector<1024x128xf32>
    %tanh3A_509 = math.tanh %slice3A_508 : vector<1024x128xf32>
    %slice3A_510 = vector.extract_strided_slice %add3A_505 {offsets = [0, 256], sizes = [1024, 128], strides = [1, 1]} : vector<1024x512xf32> to vector<1024x128xf32>
    %tanh3A_511 = math.tanh %slice3A_510 : vector<1024x128xf32>
    %slice3A_512 = vector.extract_strided_slice %add3A_505 {offsets = [0, 384], sizes = [1024, 128], strides = [1, 1]} : vector<1024x512xf32> to vector<1024x128xf32>
    %tanh3A_513 = math.tanh %slice3A_512 : vector<1024x128xf32>
    %add3A_514 = arith.constant 1.000000e+00 : f32
    %add3A_515 = vector.broadcast %add3A_514 : f32 to vector<1024x128xf32>
    %add3A_516 = arith.addf %tanh3A_509, %add3A_515 : vector<1024x128xf32>
    %mul3A_517 = arith.mulf %add3A_516, %mul3A_436 : vector<1024x128xf32>
    %add3A_518 = arith.constant 1.000000e+00 : f32
    %add3A_519 = vector.broadcast %add3A_518 : f32 to vector<1024x128xf32>
    %add3A_520 = arith.addf %tanh3A_507, %add3A_519 : vector<1024x128xf32>
    %mul3A_521 = arith.mulf %add3A_520, %tanh3A_511 : vector<1024x128xf32>
    %add3A_522 = arith.addf %mul3A_517, %mul3A_521 : vector<1024x128xf32>
    %mul3A_523 = arith.constant 5.000000e-01 : f32
    %mul3A_524 = vector.broadcast %mul3A_523 : f32 to vector<1024x128xf32>
    %mul3A_525 = arith.mulf %mul3A_524, %add3A_522 : vector<1024x128xf32>
    %tanh3A_526 = math.tanh %mul3A_525 : vector<1024x128xf32>
    %mul3A_527 = arith.constant 5.000000e-01 : f32
    %mul3A_528 = vector.broadcast %mul3A_527 : f32 to vector<1024x128xf32>
    %mul3A_529 = arith.mulf %mul3A_528, %tanh3A_526 : vector<1024x128xf32>
    %add3A_530 = arith.constant 1.000000e+00 : f32
    %add3A_531 = vector.broadcast %add3A_530 : f32 to vector<1024x128xf32>
    %add3A_532 = arith.addf %tanh3A_513, %add3A_531 : vector<1024x128xf32>
    %mul3A_533 = arith.mulf %mul3A_529, %add3A_532 : vector<1024x128xf32>
    %swap3A_534 = arith.constant 0 : index
    %swap3A_535 = arith.constant 5 : index
    %swap3A_536 = arith.constant 0 : index
    %swap3A_537 = vector.load %arg8[%swap3A_534, %swap3A_535, %swap3A_536] : memref<1024x8x128xf32, #tpu.memory_space<vmem>>, vector<1024x1x128xf32>
    %swap3A_538 = vector.shape_cast %swap3A_537 : vector<1024x1x128xf32> to vector<1024x128xf32>
    %swap3A_539 = vector.shape_cast %mul3A_533 : vector<1024x128xf32> to vector<1024x1x128xf32>
    tpu.vector_store %arg8[%swap3A_534, %swap3A_535, %swap3A_536], %swap3A_539 {strides = array<i32>} : memref<1024x8x128xf32, #tpu.memory_space<vmem>>, vector<1024x1x128xf32>,
    %get3A_540 = arith.constant 6 : index
    %get3A_541 = arith.constant 0 : index
    %get3A_542 = arith.constant 0 : index
    %get3A_543 = vector.load %arg1[%get3A_540, %get3A_541, %get3A_542] : memref<8x1024x128xf32, #tpu.memory_space<vmem>>, vector<1x1024x128xf32>
    %get3A_544 = vector.shape_cast %get3A_543 : vector<1x1024x128xf32> to vector<1024x128xf32>
    %get3A_545 = arith.constant 0 : index
    %get3A_546 = arith.constant 0 : index
    %get3A_547 = vector.load %arg4[%get3A_545, %get3A_546] : memref<256x512xf32, #tpu.memory_space<vmem>>, vector<256x512xf32>
    %get3A_548 = arith.constant 0 : index
    %get3A_549 = arith.constant 0 : index
    %get3A_550 = vector.load %arg5[%get3A_548, %get3A_549] : memref<1x512xf32, #tpu.memory_space<vmem>>, vector<1x512xf32>
    %concatenate3A_551 = tpu.concatenate %get3A_544, %mul3A_494 in 1 : vector<1024x128xf32>, vector<1024x128xf32> -> vector<1024x256xf32>
    %dot_general3A_552 = arith.constant dense<0.000000e+00> : vector<1024x512xf32>
    %dot_general3A_553 = tpu.matmul %concatenate3A_551, %get3A_547, %dot_general3A_552 {dimension_numbers = #tpu.dot_dimension_numbers<[1], [0], [0], [1], [0, 0, 1, 1], [], []>, transpose_lhs_hint = false} : vector<1024x256xf32>, vector<256x512xf32>, vector<1024x512xf32> -> vector<1024x512xf32>
    %add3A_554 = vector.broadcast %get3A_550 : vector<1x512xf32> to vector<1024x512xf32>
    %add3A_555 = arith.addf %dot_general3A_553, %add3A_554 : vector<1024x512xf32>
    %slice3A_556 = vector.extract_strided_slice %add3A_555 {offsets = [0, 0], sizes = [1024, 128], strides = [1, 1]} : vector<1024x512xf32> to vector<1024x128xf32>
    %tanh3A_557 = math.tanh %slice3A_556 : vector<1024x128xf32>
    %slice3A_558 = vector.extract_strided_slice %add3A_555 {offsets = [0, 128], sizes = [1024, 128], strides = [1, 1]} : vector<1024x512xf32> to vector<1024x128xf32>
    %tanh3A_559 = math.tanh %slice3A_558 : vector<1024x128xf32>
    %slice3A_560 = vector.extract_strided_slice %add3A_555 {offsets = [0, 256], sizes = [1024, 128], strides = [1, 1]} : vector<1024x512xf32> to vector<1024x128xf32>
    %tanh3A_561 = math.tanh %slice3A_560 : vector<1024x128xf32>
    %slice3A_562 = vector.extract_strided_slice %add3A_555 {offsets = [0, 384], sizes = [1024, 128], strides = [1, 1]} : vector<1024x512xf32> to vector<1024x128xf32>
    %tanh3A_563 = math.tanh %slice3A_562 : vector<1024x128xf32>
    %add3A_564 = arith.constant 1.000000e+00 : f32
    %add3A_565 = vector.broadcast %add3A_564 : f32 to vector<1024x128xf32>
    %add3A_566 = arith.addf %tanh3A_559, %add3A_565 : vector<1024x128xf32>
    %mul3A_567 = arith.mulf %add3A_566, %mul3A_486 : vector<1024x128xf32>
    %add3A_568 = arith.constant 1.000000e+00 : f32
    %add3A_569 = vector.broadcast %add3A_568 : f32 to vector<1024x128xf32>
    %add3A_570 = arith.addf %tanh3A_557, %add3A_569 : vector<1024x128xf32>
    %mul3A_571 = arith.mulf %add3A_570, %tanh3A_561 : vector<1024x128xf32>
    %add3A_572 = arith.addf %mul3A_567, %mul3A_571 : vector<1024x128xf32>
    %mul3A_573 = arith.constant 5.000000e-01 : f32
    %mul3A_574 = vector.broadcast %mul3A_573 : f32 to vector<1024x128xf32>
    %mul3A_575 = arith.mulf %mul3A_574, %add3A_572 : vector<1024x128xf32>
    %tanh3A_576 = math.tanh %mul3A_575 : vector<1024x128xf32>
    %mul3A_577 = arith.constant 5.000000e-01 : f32
    %mul3A_578 = vector.broadcast %mul3A_577 : f32 to vector<1024x128xf32>
    %mul3A_579 = arith.mulf %mul3A_578, %tanh3A_576 : vector<1024x128xf32>
    %add3A_580 = arith.constant 1.000000e+00 : f32
    %add3A_581 = vector.broadcast %add3A_580 : f32 to vector<1024x128xf32>
    %add3A_582 = arith.addf %tanh3A_563, %add3A_581 : vector<1024x128xf32>
    %mul3A_583 = arith.mulf %mul3A_579, %add3A_582 : vector<1024x128xf32>
    %get3A_584 = arith.constant 0 : index
    %get3A_585 = arith.constant 0 : index
    %get3A_586 = vector.load %arg6[%get3A_584, %get3A_585] : memref<256x512xf32, #tpu.memory_space<vmem>>, vector<256x512xf32>
    %get3A_587 = arith.constant 0 : index
    %get3A_588 = arith.constant 0 : index
    %get3A_589 = vector.load %arg7[%get3A_587, %get3A_588] : memref<1x512xf32, #tpu.memory_space<vmem>>, vector<1x512xf32>
    %concatenate3A_590 = tpu.concatenate %mul3A_583, %mul3A_533 in 1 : vector<1024x128xf32>, vector<1024x128xf32> -> vector<1024x256xf32>
    %dot_general3A_591 = arith.constant dense<0.000000e+00> : vector<1024x512xf32>
    %dot_general3A_592 = tpu.matmul %concatenate3A_590, %get3A_586, %dot_general3A_591 {dimension_numbers = #tpu.dot_dimension_numbers<[1], [0], [0], [1], [0, 0, 1, 1], [], []>, transpose_lhs_hint = false} : vector<1024x256xf32>, vector<256x512xf32>, vector<1024x512xf32> -> vector<1024x512xf32>
    %add3A_593 = vector.broadcast %get3A_589 : vector<1x512xf32> to vector<1024x512xf32>
    %add3A_594 = arith.addf %dot_general3A_592, %add3A_593 : vector<1024x512xf32>
    %slice3A_595 = vector.extract_strided_slice %add3A_594 {offsets = [0, 0], sizes = [1024, 128], strides = [1, 1]} : vector<1024x512xf32> to vector<1024x128xf32>
    %tanh3A_596 = math.tanh %slice3A_595 : vector<1024x128xf32>
    %slice3A_597 = vector.extract_strided_slice %add3A_594 {offsets = [0, 128], sizes = [1024, 128], strides = [1, 1]} : vector<1024x512xf32> to vector<1024x128xf32>
    %tanh3A_598 = math.tanh %slice3A_597 : vector<1024x128xf32>
    %slice3A_599 = vector.extract_strided_slice %add3A_594 {offsets = [0, 256], sizes = [1024, 128], strides = [1, 1]} : vector<1024x512xf32> to vector<1024x128xf32>
    %tanh3A_600 = math.tanh %slice3A_599 : vector<1024x128xf32>
    %slice3A_601 = vector.extract_strided_slice %add3A_594 {offsets = [0, 384], sizes = [1024, 128], strides = [1, 1]} : vector<1024x512xf32> to vector<1024x128xf32>
    %tanh3A_602 = math.tanh %slice3A_601 : vector<1024x128xf32>
    %add3A_603 = arith.constant 1.000000e+00 : f32
    %add3A_604 = vector.broadcast %add3A_603 : f32 to vector<1024x128xf32>
    %add3A_605 = arith.addf %tanh3A_598, %add3A_604 : vector<1024x128xf32>
    %mul3A_606 = arith.mulf %add3A_605, %mul3A_525 : vector<1024x128xf32>
    %add3A_607 = arith.constant 1.000000e+00 : f32
    %add3A_608 = vector.broadcast %add3A_607 : f32 to vector<1024x128xf32>
    %add3A_609 = arith.addf %tanh3A_596, %add3A_608 : vector<1024x128xf32>
    %mul3A_610 = arith.mulf %add3A_609, %tanh3A_600 : vector<1024x128xf32>
    %add3A_611 = arith.addf %mul3A_606, %mul3A_610 : vector<1024x128xf32>
    %mul3A_612 = arith.constant 5.000000e-01 : f32
    %mul3A_613 = vector.broadcast %mul3A_612 : f32 to vector<1024x128xf32>
    %mul3A_614 = arith.mulf %mul3A_613, %add3A_611 : vector<1024x128xf32>
    %tanh3A_615 = math.tanh %mul3A_614 : vector<1024x128xf32>
    %mul3A_616 = arith.constant 5.000000e-01 : f32
    %mul3A_617 = vector.broadcast %mul3A_616 : f32 to vector<1024x128xf32>
    %mul3A_618 = arith.mulf %mul3A_617, %tanh3A_615 : vector<1024x128xf32>
    %add3A_619 = arith.constant 1.000000e+00 : f32
    %add3A_620 = vector.broadcast %add3A_619 : f32 to vector<1024x128xf32>
    %add3A_621 = arith.addf %tanh3A_602, %add3A_620 : vector<1024x128xf32>
    %mul3A_622 = arith.mulf %mul3A_618, %add3A_621 : vector<1024x128xf32>
    %swap3A_623 = arith.constant 0 : index
    %swap3A_624 = arith.constant 6 : index
    %swap3A_625 = arith.constant 0 : index
    %swap3A_626 = vector.load %arg8[%swap3A_623, %swap3A_624, %swap3A_625] : memref<1024x8x128xf32, #tpu.memory_space<vmem>>, vector<1024x1x128xf32>
    %swap3A_627 = vector.shape_cast %swap3A_626 : vector<1024x1x128xf32> to vector<1024x128xf32>
    %swap3A_628 = vector.shape_cast %mul3A_622 : vector<1024x128xf32> to vector<1024x1x128xf32>
    tpu.vector_store %arg8[%swap3A_623, %swap3A_624, %swap3A_625], %swap3A_628 {strides = array<i32>} : memref<1024x8x128xf32, #tpu.memory_space<vmem>>, vector<1024x1x128xf32>,
    %get3A_629 = arith.constant 7 : index
    %get3A_630 = arith.constant 0 : index
    %get3A_631 = arith.constant 0 : index
    %get3A_632 = vector.load %arg1[%get3A_629, %get3A_630, %get3A_631] : memref<8x1024x128xf32, #tpu.memory_space<vmem>>, vector<1x1024x128xf32>
    %get3A_633 = vector.shape_cast %get3A_632 : vector<1x1024x128xf32> to vector<1024x128xf32>
    %get3A_634 = arith.constant 0 : index
    %get3A_635 = arith.constant 0 : index
    %get3A_636 = vector.load %arg4[%get3A_634, %get3A_635] : memref<256x512xf32, #tpu.memory_space<vmem>>, vector<256x512xf32>
    %get3A_637 = arith.constant 0 : index
    %get3A_638 = arith.constant 0 : index
    %get3A_639 = vector.load %arg5[%get3A_637, %get3A_638] : memref<1x512xf32, #tpu.memory_space<vmem>>, vector<1x512xf32>
    %concatenate3A_640 = tpu.concatenate %get3A_633, %mul3A_583 in 1 : vector<1024x128xf32>, vector<1024x128xf32> -> vector<1024x256xf32>
    %dot_general3A_641 = arith.constant dense<0.000000e+00> : vector<1024x512xf32>
    %dot_general3A_642 = tpu.matmul %concatenate3A_640, %get3A_636, %dot_general3A_641 {dimension_numbers = #tpu.dot_dimension_numbers<[1], [0], [0], [1], [0, 0, 1, 1], [], []>, transpose_lhs_hint = false} : vector<1024x256xf32>, vector<256x512xf32>, vector<1024x512xf32> -> vector<1024x512xf32>
    %add3A_643 = vector.broadcast %get3A_639 : vector<1x512xf32> to vector<1024x512xf32>
    %add3A_644 = arith.addf %dot_general3A_642, %add3A_643 : vector<1024x512xf32>
    %slice3A_645 = vector.extract_strided_slice %add3A_644 {offsets = [0, 0], sizes = [1024, 128], strides = [1, 1]} : vector<1024x512xf32> to vector<1024x128xf32>
    %tanh3A_646 = math.tanh %slice3A_645 : vector<1024x128xf32>
    %slice3A_647 = vector.extract_strided_slice %add3A_644 {offsets = [0, 128], sizes = [1024, 128], strides = [1, 1]} : vector<1024x512xf32> to vector<1024x128xf32>
    %tanh3A_648 = math.tanh %slice3A_647 : vector<1024x128xf32>
    %slice3A_649 = vector.extract_strided_slice %add3A_644 {offsets = [0, 256], sizes = [1024, 128], strides = [1, 1]} : vector<1024x512xf32> to vector<1024x128xf32>
    %tanh3A_650 = math.tanh %slice3A_649 : vector<1024x128xf32>
    %slice3A_651 = vector.extract_strided_slice %add3A_644 {offsets = [0, 384], sizes = [1024, 128], strides = [1, 1]} : vector<1024x512xf32> to vector<1024x128xf32>
    %tanh3A_652 = math.tanh %slice3A_651 : vector<1024x128xf32>
    %add3A_653 = arith.constant 1.000000e+00 : f32
    %add3A_654 = vector.broadcast %add3A_653 : f32 to vector<1024x128xf32>
    %add3A_655 = arith.addf %tanh3A_648, %add3A_654 : vector<1024x128xf32>
    %mul3A_656 = arith.mulf %add3A_655, %mul3A_575 : vector<1024x128xf32>
    %add3A_657 = arith.constant 1.000000e+00 : f32
    %add3A_658 = vector.broadcast %add3A_657 : f32 to vector<1024x128xf32>
    %add3A_659 = arith.addf %tanh3A_646, %add3A_658 : vector<1024x128xf32>
    %mul3A_660 = arith.mulf %add3A_659, %tanh3A_650 : vector<1024x128xf32>
    %add3A_661 = arith.addf %mul3A_656, %mul3A_660 : vector<1024x128xf32>
    %mul3A_662 = arith.constant 5.000000e-01 : f32
    %mul3A_663 = vector.broadcast %mul3A_662 : f32 to vector<1024x128xf32>
    %mul3A_664 = arith.mulf %mul3A_663, %add3A_661 : vector<1024x128xf32>
    %tanh3A_665 = math.tanh %mul3A_664 : vector<1024x128xf32>
    %mul3A_666 = arith.constant 5.000000e-01 : f32
    %mul3A_667 = vector.broadcast %mul3A_666 : f32 to vector<1024x128xf32>
    %mul3A_668 = arith.mulf %mul3A_667, %tanh3A_665 : vector<1024x128xf32>
    %add3A_669 = arith.constant 1.000000e+00 : f32
    %add3A_670 = vector.broadcast %add3A_669 : f32 to vector<1024x128xf32>
    %add3A_671 = arith.addf %tanh3A_652, %add3A_670 : vector<1024x128xf32>
    %mul3A_672 = arith.mulf %mul3A_668, %add3A_671 : vector<1024x128xf32>
    %get3A_673 = arith.constant 0 : index
    %get3A_674 = arith.constant 0 : index
    %get3A_675 = vector.load %arg6[%get3A_673, %get3A_674] : memref<256x512xf32, #tpu.memory_space<vmem>>, vector<256x512xf32>
    %get3A_676 = arith.constant 0 : index
    %get3A_677 = arith.constant 0 : index
    %get3A_678 = vector.load %arg7[%get3A_676, %get3A_677] : memref<1x512xf32, #tpu.memory_space<vmem>>, vector<1x512xf32>
    %concatenate3A_679 = tpu.concatenate %mul3A_672, %mul3A_622 in 1 : vector<1024x128xf32>, vector<1024x128xf32> -> vector<1024x256xf32>
    %dot_general3A_680 = arith.constant dense<0.000000e+00> : vector<1024x512xf32>
    %dot_general3A_681 = tpu.matmul %concatenate3A_679, %get3A_675, %dot_general3A_680 {dimension_numbers = #tpu.dot_dimension_numbers<[1], [0], [0], [1], [0, 0, 1, 1], [], []>, transpose_lhs_hint = false} : vector<1024x256xf32>, vector<256x512xf32>, vector<1024x512xf32> -> vector<1024x512xf32>
    %add3A_682 = vector.broadcast %get3A_678 : vector<1x512xf32> to vector<1024x512xf32>
    %add3A_683 = arith.addf %dot_general3A_681, %add3A_682 : vector<1024x512xf32>
    %slice3A_684 = vector.extract_strided_slice %add3A_683 {offsets = [0, 0], sizes = [1024, 128], strides = [1, 1]} : vector<1024x512xf32> to vector<1024x128xf32>
    %tanh3A_685 = math.tanh %slice3A_684 : vector<1024x128xf32>
    %slice3A_686 = vector.extract_strided_slice %add3A_683 {offsets = [0, 128], sizes = [1024, 128], strides = [1, 1]} : vector<1024x512xf32> to vector<1024x128xf32>
    %tanh3A_687 = math.tanh %slice3A_686 : vector<1024x128xf32>
    %slice3A_688 = vector.extract_strided_slice %add3A_683 {offsets = [0, 256], sizes = [1024, 128], strides = [1, 1]} : vector<1024x512xf32> to vector<1024x128xf32>
    %tanh3A_689 = math.tanh %slice3A_688 : vector<1024x128xf32>
    %slice3A_690 = vector.extract_strided_slice %add3A_683 {offsets = [0, 384], sizes = [1024, 128], strides = [1, 1]} : vector<1024x512xf32> to vector<1024x128xf32>
    %tanh3A_691 = math.tanh %slice3A_690 : vector<1024x128xf32>
    %add3A_692 = arith.constant 1.000000e+00 : f32
    %add3A_693 = vector.broadcast %add3A_692 : f32 to vector<1024x128xf32>
    %add3A_694 = arith.addf %tanh3A_687, %add3A_693 : vector<1024x128xf32>
    %mul3A_695 = arith.mulf %add3A_694, %mul3A_614 : vector<1024x128xf32>
    %add3A_696 = arith.constant 1.000000e+00 : f32
    %add3A_697 = vector.broadcast %add3A_696 : f32 to vector<1024x128xf32>
    %add3A_698 = arith.addf %tanh3A_685, %add3A_697 : vector<1024x128xf32>
    %mul3A_699 = arith.mulf %add3A_698, %tanh3A_689 : vector<1024x128xf32>
    %add3A_700 = arith.addf %mul3A_695, %mul3A_699 : vector<1024x128xf32>
    %mul3A_701 = arith.constant 5.000000e-01 : f32
    %mul3A_702 = vector.broadcast %mul3A_701 : f32 to vector<1024x128xf32>
    %mul3A_703 = arith.mulf %mul3A_702, %add3A_700 : vector<1024x128xf32>
    %tanh3A_704 = math.tanh %mul3A_703 : vector<1024x128xf32>
    %mul3A_705 = arith.constant 5.000000e-01 : f32
    %mul3A_706 = vector.broadcast %mul3A_705 : f32 to vector<1024x128xf32>
    %mul3A_707 = arith.mulf %mul3A_706, %tanh3A_704 : vector<1024x128xf32>
    %add3A_708 = arith.constant 1.000000e+00 : f32
    %add3A_709 = vector.broadcast %add3A_708 : f32 to vector<1024x128xf32>
    %add3A_710 = arith.addf %tanh3A_691, %add3A_709 : vector<1024x128xf32>
    %mul3A_711 = arith.mulf %mul3A_707, %add3A_710 : vector<1024x128xf32>
    %swap3A_712 = arith.constant 0 : index
    %swap3A_713 = arith.constant 7 : index
    %swap3A_714 = arith.constant 0 : index
    %swap3A_715 = vector.load %arg8[%swap3A_712, %swap3A_713, %swap3A_714] : memref<1024x8x128xf32, #tpu.memory_space<vmem>>, vector<1024x1x128xf32>
    %swap3A_716 = vector.shape_cast %swap3A_715 : vector<1024x1x128xf32> to vector<1024x128xf32>
    %swap3A_717 = vector.shape_cast %mul3A_711 : vector<1024x128xf32> to vector<1024x1x128xf32>
    tpu.vector_store %arg8[%swap3A_712, %swap3A_713, %swap3A_714], %swap3A_717 {strides = array<i32>} : memref<1024x8x128xf32, #tpu.memory_space<vmem>>, vector<1024x1x128xf32>,
    %swap3A_718 = arith.constant 0 : index
    %swap3A_719 = arith.constant 0 : index
    %swap3A_720 = vector.load %arg11[%swap3A_718, %swap3A_719] : memref<1024x128xf32, #tpu.memory_space<vmem>>, vector<1024x128xf32>
    tpu.vector_store %arg11[%swap3A_718, %swap3A_719], %mul3A_672 {strides = array<i32>} : memref<1024x128xf32, #tpu.memory_space<vmem>>, vector<1024x128xf32>,
    %swap3A_721 = arith.constant 0 : index
    %swap3A_722 = arith.constant 0 : index
    %swap3A_723 = vector.load %arg12[%swap3A_721, %swap3A_722] : memref<1024x128xf32, #tpu.memory_space<vmem>>, vector<1024x128xf32>
    tpu.vector_store %arg12[%swap3A_721, %swap3A_722], %mul3A_664 {strides = array<i32>} : memref<1024x128xf32, #tpu.memory_space<vmem>>, vector<1024x128xf32>,
    %swap3A_724 = arith.constant 0 : index
    %swap3A_725 = arith.constant 0 : index
    %swap3A_726 = vector.load %arg13[%swap3A_724, %swap3A_725] : memref<1024x128xf32, #tpu.memory_space<vmem>>, vector<1024x128xf32>
    tpu.vector_store %arg13[%swap3A_724, %swap3A_725], %mul3A_711 {strides = array<i32>} : memref<1024x128xf32, #tpu.memory_space<vmem>>, vector<1024x128xf32>,
    %swap3A_727 = arith.constant 0 : index
    %swap3A_728 = arith.constant 0 : index
    %swap3A_729 = vector.load %arg14[%swap3A_727, %swap3A_728] : memref<1024x128xf32, #tpu.memory_space<vmem>>, vector<1024x128xf32>
    tpu.vector_store %arg14[%swap3A_727, %swap3A_728], %mul3A_703 {strides = array<i32>} : memref<1024x128xf32, #tpu.memory_space<vmem>>, vector<1024x128xf32>,
    %eq3A_730 = arith.constant 1 : i32
    %eq3A_731 = arith.cmpi eq, %arg0, %eq3A_730 : i32
    %convert_element_type3A_732 = arith.extui %eq3A_731 : i1 to i32
    %cond3A_733 = arith.constant 0 : i32
    %cond3A_734 = arith.cmpi ne, %convert_element_type3A_732, %cond3A_733 : i32
    scf.if %cond3A_734 {
      %swap3A_735 = arith.constant 0 : index
      %swap3A_736 = arith.constant 0 : index
      %swap3A_737 = arith.constant 0 : index
      %swap3A_738 = vector.load %arg9[%swap3A_735, %swap3A_736, %swap3A_737] : memref<2x1024x128xf32, #tpu.memory_space<vmem>>, vector<1x1024x128xf32>
      %swap3A_739 = vector.shape_cast %swap3A_738 : vector<1x1024x128xf32> to vector<1024x128xf32>
      %swap3A_740 = vector.shape_cast %mul3A_672 : vector<1024x128xf32> to vector<1x1024x128xf32>
      tpu.vector_store %arg9[%swap3A_735, %swap3A_736, %swap3A_737], %swap3A_740 {strides = array<i32>} : memref<2x1024x128xf32, #tpu.memory_space<vmem>>, vector<1x1024x128xf32>,
      %swap3A_741 = arith.constant 1 : index
      %swap3A_742 = arith.constant 0 : index
      %swap3A_743 = arith.constant 0 : index
      %swap3A_744 = vector.load %arg9[%swap3A_741, %swap3A_742, %swap3A_743] : memref<2x1024x128xf32, #tpu.memory_space<vmem>>, vector<1x1024x128xf32>
      %swap3A_745 = vector.shape_cast %swap3A_744 : vector<1x1024x128xf32> to vector<1024x128xf32>
      %swap3A_746 = vector.shape_cast %mul3A_711 : vector<1024x128xf32> to vector<1x1024x128xf32>
      tpu.vector_store %arg9[%swap3A_741, %swap3A_742, %swap3A_743], %swap3A_746 {strides = array<i32>} : memref<2x1024x128xf32, #tpu.memory_space<vmem>>, vector<1x1024x128xf32>,
      %swap3A_747 = arith.constant 0 : index
      %swap3A_748 = arith.constant 0 : index
      %swap3A_749 = arith.constant 0 : index
      %swap3A_750 = vector.load %arg10[%swap3A_747, %swap3A_748, %swap3A_749] : memref<2x1024x128xf32, #tpu.memory_space<vmem>>, vector<1x1024x128xf32>
      %swap3A_751 = vector.shape_cast %swap3A_750 : vector<1x1024x128xf32> to vector<1024x128xf32>
      %swap3A_752 = vector.shape_cast %mul3A_664 : vector<1024x128xf32> to vector<1x1024x128xf32>
      tpu.vector_store %arg10[%swap3A_747, %swap3A_748, %swap3A_749], %swap3A_752 {strides = array<i32>} : memref<2x1024x128xf32, #tpu.memory_space<vmem>>, vector<1x1024x128xf32>,
      %swap3A_753 = arith.constant 1 : index
      %swap3A_754 = arith.constant 0 : index
      %swap3A_755 = arith.constant 0 : index
      %swap3A_756 = vector.load %arg10[%swap3A_753, %swap3A_754, %swap3A_755] : memref<2x1024x128xf32, #tpu.memory_space<vmem>>, vector<1x1024x128xf32>
      %swap3A_757 = vector.shape_cast %swap3A_756 : vector<1x1024x128xf32> to vector<1024x128xf32>
      %swap3A_758 = vector.shape_cast %mul3A_703 : vector<1024x128xf32> to vector<1x1024x128xf32>
      tpu.vector_store %arg10[%swap3A_753, %swap3A_754, %swap3A_755], %swap3A_758 {strides = array<i32>} : memref<2x1024x128xf32, #tpu.memory_space<vmem>>, vector<1x1024x128xf32>,
    } else {
    }
    return
  }
  func.func @transform_0(%arg0: i32) -> (i32, i32, i32) {
    %c0_i32 = arith.constant 0 : i32
    %c0_i32_0 = arith.constant 0 : i32
    %c0_i32_1 = arith.constant 0 : i32
    return %arg0, %c0_i32, %c0_i32_0 : i32, i32, i32
  }
  func.func @transform_1(%arg0: i32) -> (i32, i32, i32) {
    %c0_i32 = arith.constant 0 : i32
    %c0_i32_0 = arith.constant 0 : i32
    %c0_i32_1 = arith.constant 0 : i32
    %c0_i32_2 = arith.constant 0 : i32
    return %c0_i32, %c0_i32_0, %c0_i32_1 : i32, i32, i32
  }
  func.func @transform_2(%arg0: i32) -> (i32, i32, i32) {
    %c0_i32 = arith.constant 0 : i32
    %c0_i32_0 = arith.constant 0 : i32
    %c0_i32_1 = arith.constant 0 : i32
    %c0_i32_2 = arith.constant 0 : i32
    return %c0_i32, %c0_i32_0, %c0_i32_1 : i32, i32, i32
  }
  func.func @transform_3(%arg0: i32) -> (i32, i32) {
    %c0_i32 = arith.constant 0 : i32
    %c0_i32_0 = arith.constant 0 : i32
    %c0_i32_1 = arith.constant 0 : i32
    return %c0_i32, %c0_i32_0 : i32, i32
  }
  func.func @transform_4(%arg0: i32) -> (i32, i32) {
    %c0_i32 = arith.constant 0 : i32
    %c0_i32_0 = arith.constant 0 : i32
    %c0_i32_1 = arith.constant 0 : i32
    return %c0_i32, %c0_i32_0 : i32, i32
  }
  func.func @transform_5(%arg0: i32) -> (i32, i32) {
    %c0_i32 = arith.constant 0 : i32
    %c0_i32_0 = arith.constant 0 : i32
    %c0_i32_1 = arith.constant 0 : i32
    return %c0_i32, %c0_i32_0 : i32, i32
  }
  func.func @transform_6(%arg0: i32) -> (i32, i32) {
    %c0_i32 = arith.constant 0 : i32
    %c0_i32_0 = arith.constant 0 : i32
    %c0_i32_1 = arith.constant 0 : i32
    return %c0_i32, %c0_i32_0 : i32, i32
  }
  func.func @transform_7(%arg0: i32) -> (i32, i32, i32) {
    %add3A = arith.constant 0 : i32
    %add3A_0 = arith.addi %add3A, %arg0 : i32
    %c0_i32 = arith.constant 0 : i32
    %c0_i32_1 = arith.constant 0 : i32
    %c0_i32_2 = arith.constant 0 : i32
    return %c0_i32, %add3A_0, %c0_i32_1 : i32, i32, i32
  }
  func.func @transform_8(%arg0: i32) -> (i32, i32, i32) {
    %c0_i32 = arith.constant 0 : i32
    %c0_i32_0 = arith.constant 0 : i32
    %c0_i32_1 = arith.constant 0 : i32
    %c0_i32_2 = arith.constant 0 : i32
    return %c0_i32, %c0_i32_0, %c0_i32_1 : i32, i32, i32
  }
  func.func @transform_9(%arg0: i32) -> (i32, i32, i32) {
    %c0_i32 = arith.constant 0 : i32
    %c0_i32_0 = arith.constant 0 : i32
    %c0_i32_1 = arith.constant 0 : i32
    %c0_i32_2 = arith.constant 0 : i32
    return %c0_i32, %c0_i32_0, %c0_i32_1 : i32, i32, i32
  }
}

module attributes {stable_mosaic.version = 14 : i64} {
  func.func @body(%arg0: i32, %arg1: memref<8x1024x128xf32, #tpu.memory_space<vmem>>, %arg2: memref<2x1024x128xf32, #tpu.memory_space<vmem>>, %arg3: memref<2x1024x128xf32, #tpu.memory_space<vmem>>, %arg4: memref<256x512xf32, #tpu.memory_space<vmem>>, %arg5: memref<1x512xf32, #tpu.memory_space<vmem>>, %arg6: memref<256x512xf32, #tpu.memory_space<vmem>>, %arg7: memref<1x512xf32, #tpu.memory_space<vmem>>, %arg8: memref<1024x200x128xf32, #tpu.memory_space<any>>, %arg9: memref<1024x8x128xf32, #tpu.memory_space<vmem>>, %arg10: memref<2x1024x128xf32, #tpu.memory_space<vmem>>, %arg11: memref<2x1024x128xf32, #tpu.memory_space<vmem>>, %arg12: memref<1024x128xf32, #tpu.memory_space<vmem>>, %arg13: memref<1024x128xf32, #tpu.memory_space<vmem>>, %arg14: memref<1024x128xf32, #tpu.memory_space<vmem>>, %arg15: memref<1024x128xf32, #tpu.memory_space<vmem>>) attributes {dimension_semantics = [#tpu.dimension_semantics<arbitrary>], iteration_bounds = array<i64: 4>, scalar_prefetch = 0 : i64, scratch_operands = 4 : i64, tpu.core_type = #tpu.core_type<tc>, window_params = [{transform_indices = @transform_0, window_bounds = array<i64: 8, 1024, 128>}, {pipeline_mode = #tpu.pipeline_mode<synchronous>, transform_indices = @transform_1, window_bounds = array<i64: 2, 1024, 128>}, {pipeline_mode = #tpu.pipeline_mode<synchronous>, transform_indices = @transform_2, window_bounds = array<i64: 2, 1024, 128>}, {pipeline_mode = #tpu.pipeline_mode<synchronous>, transform_indices = @transform_3, window_bounds = array<i64: 256, 512>}, {pipeline_mode = #tpu.pipeline_mode<synchronous>, transform_indices = @transform_4, window_bounds = array<i64: 1, 512>}, {pipeline_mode = #tpu.pipeline_mode<synchronous>, transform_indices = @transform_5, window_bounds = array<i64: 256, 512>}, {pipeline_mode = #tpu.pipeline_mode<synchronous>, transform_indices = @transform_6, window_bounds = array<i64: 1, 512>}, {}, {transform_indices = @transform_8, window_bounds = array<i64: 1024, 8, 128>}, {pipeline_mode = #tpu.pipeline_mode<synchronous>, transform_indices = @transform_9, window_bounds = array<i64: 2, 1024, 128>}, {pipeline_mode = #tpu.pipeline_mode<synchronous>, transform_indices = @transform_10, window_bounds = array<i64: 2, 1024, 128>}]} {
    %eq3A = arith.constant 0 : i32
    %eq3A_0 = arith.cmpi eq, %arg0, %eq3A : i32
    %convert_element_type3A = arith.extui %eq3A_0 : i1 to i32
    %cond3A = arith.constant 0 : i32
    %cond3A_1 = arith.cmpi ne, %convert_element_type3A, %cond3A : i32
    scf.if %cond3A_1 {
      %get3A_735 = arith.constant 0 : index
      %get3A_736 = arith.constant 0 : index
      %get3A_737 = arith.constant 0 : index
      %get3A_738 = vector.load %arg2[%get3A_735, %get3A_736, %get3A_737] : memref<2x1024x128xf32, #tpu.memory_space<vmem>>, vector<1x1024x128xf32>
      %get3A_739 = vector.shape_cast %get3A_738 : vector<1x1024x128xf32> to vector<1024x128xf32>
      %swap3A_740 = arith.constant 0 : index
      %swap3A_741 = arith.constant 0 : index
      %swap3A_742 = vector.load %arg12[%swap3A_740, %swap3A_741] : memref<1024x128xf32, #tpu.memory_space<vmem>>, vector<1024x128xf32>
      tpu.vector_store %arg12[%swap3A_740, %swap3A_741], %get3A_739 {strides = array<i32>} : memref<1024x128xf32, #tpu.memory_space<vmem>>, vector<1024x128xf32>,
      %get3A_743 = arith.constant 0 : index
      %get3A_744 = arith.constant 0 : index
      %get3A_745 = arith.constant 0 : index
      %get3A_746 = vector.load %arg3[%get3A_743, %get3A_744, %get3A_745] : memref<2x1024x128xf32, #tpu.memory_space<vmem>>, vector<1x1024x128xf32>
      %get3A_747 = vector.shape_cast %get3A_746 : vector<1x1024x128xf32> to vector<1024x128xf32>
      %swap3A_748 = arith.constant 0 : index
      %swap3A_749 = arith.constant 0 : index
      %swap3A_750 = vector.load %arg13[%swap3A_748, %swap3A_749] : memref<1024x128xf32, #tpu.memory_space<vmem>>, vector<1024x128xf32>
      tpu.vector_store %arg13[%swap3A_748, %swap3A_749], %get3A_747 {strides = array<i32>} : memref<1024x128xf32, #tpu.memory_space<vmem>>, vector<1024x128xf32>,
      %get3A_751 = arith.constant 1 : index
      %get3A_752 = arith.constant 0 : index
      %get3A_753 = arith.constant 0 : index
      %get3A_754 = vector.load %arg2[%get3A_751, %get3A_752, %get3A_753] : memref<2x1024x128xf32, #tpu.memory_space<vmem>>, vector<1x1024x128xf32>
      %get3A_755 = vector.shape_cast %get3A_754 : vector<1x1024x128xf32> to vector<1024x128xf32>
      %swap3A_756 = arith.constant 0 : index
      %swap3A_757 = arith.constant 0 : index
      %swap3A_758 = vector.load %arg14[%swap3A_756, %swap3A_757] : memref<1024x128xf32, #tpu.memory_space<vmem>>, vector<1024x128xf32>
      tpu.vector_store %arg14[%swap3A_756, %swap3A_757], %get3A_755 {strides = array<i32>} : memref<1024x128xf32, #tpu.memory_space<vmem>>, vector<1024x128xf32>,
      %get3A_759 = arith.constant 1 : index
      %get3A_760 = arith.constant 0 : index
      %get3A_761 = arith.constant 0 : index
      %get3A_762 = vector.load %arg3[%get3A_759, %get3A_760, %get3A_761] : memref<2x1024x128xf32, #tpu.memory_space<vmem>>, vector<1x1024x128xf32>
      %get3A_763 = vector.shape_cast %get3A_762 : vector<1x1024x128xf32> to vector<1024x128xf32>
      %swap3A_764 = arith.constant 0 : index
      %swap3A_765 = arith.constant 0 : index
      %swap3A_766 = vector.load %arg15[%swap3A_764, %swap3A_765] : memref<1024x128xf32, #tpu.memory_space<vmem>>, vector<1024x128xf32>
      tpu.vector_store %arg15[%swap3A_764, %swap3A_765], %get3A_763 {strides = array<i32>} : memref<1024x128xf32, #tpu.memory_space<vmem>>, vector<1024x128xf32>,
    } else {
    }
    %get3A = arith.constant 0 : index
    %get3A_2 = arith.constant 0 : index
    %get3A_3 = vector.load %arg12[%get3A, %get3A_2] : memref<1024x128xf32, #tpu.memory_space<vmem>>, vector<1024x128xf32>
    %get3A_4 = arith.constant 0 : index
    %get3A_5 = arith.constant 0 : index
    %get3A_6 = vector.load %arg13[%get3A_4, %get3A_5] : memref<1024x128xf32, #tpu.memory_space<vmem>>, vector<1024x128xf32>
    %get3A_7 = arith.constant 0 : index
    %get3A_8 = arith.constant 0 : index
    %get3A_9 = vector.load %arg14[%get3A_7, %get3A_8] : memref<1024x128xf32, #tpu.memory_space<vmem>>, vector<1024x128xf32>
    %get3A_10 = arith.constant 0 : index
    %get3A_11 = arith.constant 0 : index
    %get3A_12 = vector.load %arg15[%get3A_10, %get3A_11] : memref<1024x128xf32, #tpu.memory_space<vmem>>, vector<1024x128xf32>
    %get3A_13 = arith.constant 0 : index
    %get3A_14 = arith.constant 0 : index
    %get3A_15 = arith.constant 0 : index
    %get3A_16 = vector.load %arg1[%get3A_13, %get3A_14, %get3A_15] : memref<8x1024x128xf32, #tpu.memory_space<vmem>>, vector<1x1024x128xf32>
    %get3A_17 = vector.shape_cast %get3A_16 : vector<1x1024x128xf32> to vector<1024x128xf32>
    %get3A_18 = arith.constant 0 : index
    %get3A_19 = arith.constant 0 : index
    %get3A_20 = vector.load %arg4[%get3A_18, %get3A_19] : memref<256x512xf32, #tpu.memory_space<vmem>>, vector<256x512xf32>
    %get3A_21 = arith.constant 0 : index
    %get3A_22 = arith.constant 0 : index
    %get3A_23 = vector.load %arg5[%get3A_21, %get3A_22] : memref<1x512xf32, #tpu.memory_space<vmem>>, vector<1x512xf32>
    %concatenate3A = tpu.concatenate %get3A_17, %get3A_3 in 1 : vector<1024x128xf32>, vector<1024x128xf32> -> vector<1024x256xf32>
    %dot_general3A = arith.constant dense<0.000000e+00> : vector<1024x512xf32>
    %dot_general3A_24 = tpu.matmul %concatenate3A, %get3A_20, %dot_general3A {dimension_numbers = #tpu.dot_dimension_numbers<[1], [0], [0], [1], [0, 0, 1, 1], [], []>, transpose_lhs_hint = false} : vector<1024x256xf32>, vector<256x512xf32>, vector<1024x512xf32> -> vector<1024x512xf32>
    %add3A = vector.broadcast %get3A_23 : vector<1x512xf32> to vector<1024x512xf32>
    %add3A_25 = arith.addf %dot_general3A_24, %add3A : vector<1024x512xf32>
    %slice3A = vector.extract_strided_slice %add3A_25 {offsets = [0, 0], sizes = [1024, 128], strides = [1, 1]} : vector<1024x512xf32> to vector<1024x128xf32>
    %tanh3A = math.tanh %slice3A : vector<1024x128xf32>
    %slice3A_26 = vector.extract_strided_slice %add3A_25 {offsets = [0, 128], sizes = [1024, 128], strides = [1, 1]} : vector<1024x512xf32> to vector<1024x128xf32>
    %tanh3A_27 = math.tanh %slice3A_26 : vector<1024x128xf32>
    %slice3A_28 = vector.extract_strided_slice %add3A_25 {offsets = [0, 256], sizes = [1024, 128], strides = [1, 1]} : vector<1024x512xf32> to vector<1024x128xf32>
    %tanh3A_29 = math.tanh %slice3A_28 : vector<1024x128xf32>
    %slice3A_30 = vector.extract_strided_slice %add3A_25 {offsets = [0, 384], sizes = [1024, 128], strides = [1, 1]} : vector<1024x512xf32> to vector<1024x128xf32>
    %tanh3A_31 = math.tanh %slice3A_30 : vector<1024x128xf32>
    %add3A_32 = arith.constant 1.000000e+00 : f32
    %add3A_33 = vector.broadcast %add3A_32 : f32 to vector<1024x128xf32>
    %add3A_34 = arith.addf %tanh3A_27, %add3A_33 : vector<1024x128xf32>
    %mul3A = arith.mulf %add3A_34, %get3A_6 : vector<1024x128xf32>
    %add3A_35 = arith.constant 1.000000e+00 : f32
    %add3A_36 = vector.broadcast %add3A_35 : f32 to vector<1024x128xf32>
    %add3A_37 = arith.addf %tanh3A, %add3A_36 : vector<1024x128xf32>
    %mul3A_38 = arith.mulf %add3A_37, %tanh3A_29 : vector<1024x128xf32>
    %add3A_39 = arith.addf %mul3A, %mul3A_38 : vector<1024x128xf32>
    %mul3A_40 = arith.constant 5.000000e-01 : f32
    %mul3A_41 = vector.broadcast %mul3A_40 : f32 to vector<1024x128xf32>
    %mul3A_42 = arith.mulf %mul3A_41, %add3A_39 : vector<1024x128xf32>
    %tanh3A_43 = math.tanh %mul3A_42 : vector<1024x128xf32>
    %mul3A_44 = arith.constant 5.000000e-01 : f32
    %mul3A_45 = vector.broadcast %mul3A_44 : f32 to vector<1024x128xf32>
    %mul3A_46 = arith.mulf %mul3A_45, %tanh3A_43 : vector<1024x128xf32>
    %add3A_47 = arith.constant 1.000000e+00 : f32
    %add3A_48 = vector.broadcast %add3A_47 : f32 to vector<1024x128xf32>
    %add3A_49 = arith.addf %tanh3A_31, %add3A_48 : vector<1024x128xf32>
    %mul3A_50 = arith.mulf %mul3A_46, %add3A_49 : vector<1024x128xf32>
    %get3A_51 = arith.constant 0 : index
    %get3A_52 = arith.constant 0 : index
    %get3A_53 = vector.load %arg6[%get3A_51, %get3A_52] : memref<256x512xf32, #tpu.memory_space<vmem>>, vector<256x512xf32>
    %get3A_54 = arith.constant 0 : index
    %get3A_55 = arith.constant 0 : index
    %get3A_56 = vector.load %arg7[%get3A_54, %get3A_55] : memref<1x512xf32, #tpu.memory_space<vmem>>, vector<1x512xf32>
    %concatenate3A_57 = tpu.concatenate %mul3A_50, %get3A_9 in 1 : vector<1024x128xf32>, vector<1024x128xf32> -> vector<1024x256xf32>
    %dot_general3A_58 = arith.constant dense<0.000000e+00> : vector<1024x512xf32>
    %dot_general3A_59 = tpu.matmul %concatenate3A_57, %get3A_53, %dot_general3A_58 {dimension_numbers = #tpu.dot_dimension_numbers<[1], [0], [0], [1], [0, 0, 1, 1], [], []>, transpose_lhs_hint = false} : vector<1024x256xf32>, vector<256x512xf32>, vector<1024x512xf32> -> vector<1024x512xf32>
    %add3A_60 = vector.broadcast %get3A_56 : vector<1x512xf32> to vector<1024x512xf32>
    %add3A_61 = arith.addf %dot_general3A_59, %add3A_60 : vector<1024x512xf32>
    %slice3A_62 = vector.extract_strided_slice %add3A_61 {offsets = [0, 0], sizes = [1024, 128], strides = [1, 1]} : vector<1024x512xf32> to vector<1024x128xf32>
    %tanh3A_63 = math.tanh %slice3A_62 : vector<1024x128xf32>
    %slice3A_64 = vector.extract_strided_slice %add3A_61 {offsets = [0, 128], sizes = [1024, 128], strides = [1, 1]} : vector<1024x512xf32> to vector<1024x128xf32>
    %tanh3A_65 = math.tanh %slice3A_64 : vector<1024x128xf32>
    %slice3A_66 = vector.extract_strided_slice %add3A_61 {offsets = [0, 256], sizes = [1024, 128], strides = [1, 1]} : vector<1024x512xf32> to vector<1024x128xf32>
    %tanh3A_67 = math.tanh %slice3A_66 : vector<1024x128xf32>
    %slice3A_68 = vector.extract_strided_slice %add3A_61 {offsets = [0, 384], sizes = [1024, 128], strides = [1, 1]} : vector<1024x512xf32> to vector<1024x128xf32>
    %tanh3A_69 = math.tanh %slice3A_68 : vector<1024x128xf32>
    %add3A_70 = arith.constant 1.000000e+00 : f32
    %add3A_71 = vector.broadcast %add3A_70 : f32 to vector<1024x128xf32>
    %add3A_72 = arith.addf %tanh3A_65, %add3A_71 : vector<1024x128xf32>
    %mul3A_73 = arith.mulf %add3A_72, %get3A_12 : vector<1024x128xf32>
    %add3A_74 = arith.constant 1.000000e+00 : f32
    %add3A_75 = vector.broadcast %add3A_74 : f32 to vector<1024x128xf32>
    %add3A_76 = arith.addf %tanh3A_63, %add3A_75 : vector<1024x128xf32>
    %mul3A_77 = arith.mulf %add3A_76, %tanh3A_67 : vector<1024x128xf32>
    %add3A_78 = arith.addf %mul3A_73, %mul3A_77 : vector<1024x128xf32>
    %mul3A_79 = arith.constant 5.000000e-01 : f32
    %mul3A_80 = vector.broadcast %mul3A_79 : f32 to vector<1024x128xf32>
    %mul3A_81 = arith.mulf %mul3A_80, %add3A_78 : vector<1024x128xf32>
    %tanh3A_82 = math.tanh %mul3A_81 : vector<1024x128xf32>
    %mul3A_83 = arith.constant 5.000000e-01 : f32
    %mul3A_84 = vector.broadcast %mul3A_83 : f32 to vector<1024x128xf32>
    %mul3A_85 = arith.mulf %mul3A_84, %tanh3A_82 : vector<1024x128xf32>
    %add3A_86 = arith.constant 1.000000e+00 : f32
    %add3A_87 = vector.broadcast %add3A_86 : f32 to vector<1024x128xf32>
    %add3A_88 = arith.addf %tanh3A_69, %add3A_87 : vector<1024x128xf32>
    %mul3A_89 = arith.mulf %mul3A_85, %add3A_88 : vector<1024x128xf32>
    %swap3A = arith.constant 0 : index
    %swap3A_90 = arith.constant 0 : index
    %swap3A_91 = arith.constant 0 : index
    %swap3A_92 = vector.load %arg9[%swap3A, %swap3A_90, %swap3A_91] : memref<1024x8x128xf32, #tpu.memory_space<vmem>>, vector<1024x1x128xf32>
    %swap3A_93 = vector.shape_cast %swap3A_92 : vector<1024x1x128xf32> to vector<1024x128xf32>
    %swap3A_94 = vector.shape_cast %mul3A_89 : vector<1024x128xf32> to vector<1024x1x128xf32>
    tpu.vector_store %arg9[%swap3A, %swap3A_90, %swap3A_91], %swap3A_94 {strides = array<i32>} : memref<1024x8x128xf32, #tpu.memory_space<vmem>>, vector<1024x1x128xf32>,
    %get3A_95 = arith.constant 1 : index
    %get3A_96 = arith.constant 0 : index
    %get3A_97 = arith.constant 0 : index
    %get3A_98 = vector.load %arg1[%get3A_95, %get3A_96, %get3A_97] : memref<8x1024x128xf32, #tpu.memory_space<vmem>>, vector<1x1024x128xf32>
    %get3A_99 = vector.shape_cast %get3A_98 : vector<1x1024x128xf32> to vector<1024x128xf32>
    %get3A_100 = arith.constant 0 : index
    %get3A_101 = arith.constant 0 : index
    %get3A_102 = vector.load %arg4[%get3A_100, %get3A_101] : memref<256x512xf32, #tpu.memory_space<vmem>>, vector<256x512xf32>
    %get3A_103 = arith.constant 0 : index
    %get3A_104 = arith.constant 0 : index
    %get3A_105 = vector.load %arg5[%get3A_103, %get3A_104] : memref<1x512xf32, #tpu.memory_space<vmem>>, vector<1x512xf32>
    %concatenate3A_106 = tpu.concatenate %get3A_99, %mul3A_50 in 1 : vector<1024x128xf32>, vector<1024x128xf32> -> vector<1024x256xf32>
    %dot_general3A_107 = arith.constant dense<0.000000e+00> : vector<1024x512xf32>
    %dot_general3A_108 = tpu.matmul %concatenate3A_106, %get3A_102, %dot_general3A_107 {dimension_numbers = #tpu.dot_dimension_numbers<[1], [0], [0], [1], [0, 0, 1, 1], [], []>, transpose_lhs_hint = false} : vector<1024x256xf32>, vector<256x512xf32>, vector<1024x512xf32> -> vector<1024x512xf32>
    %add3A_109 = vector.broadcast %get3A_105 : vector<1x512xf32> to vector<1024x512xf32>
    %add3A_110 = arith.addf %dot_general3A_108, %add3A_109 : vector<1024x512xf32>
    %slice3A_111 = vector.extract_strided_slice %add3A_110 {offsets = [0, 0], sizes = [1024, 128], strides = [1, 1]} : vector<1024x512xf32> to vector<1024x128xf32>
    %tanh3A_112 = math.tanh %slice3A_111 : vector<1024x128xf32>
    %slice3A_113 = vector.extract_strided_slice %add3A_110 {offsets = [0, 128], sizes = [1024, 128], strides = [1, 1]} : vector<1024x512xf32> to vector<1024x128xf32>
    %tanh3A_114 = math.tanh %slice3A_113 : vector<1024x128xf32>
    %slice3A_115 = vector.extract_strided_slice %add3A_110 {offsets = [0, 256], sizes = [1024, 128], strides = [1, 1]} : vector<1024x512xf32> to vector<1024x128xf32>
    %tanh3A_116 = math.tanh %slice3A_115 : vector<1024x128xf32>
    %slice3A_117 = vector.extract_strided_slice %add3A_110 {offsets = [0, 384], sizes = [1024, 128], strides = [1, 1]} : vector<1024x512xf32> to vector<1024x128xf32>
    %tanh3A_118 = math.tanh %slice3A_117 : vector<1024x128xf32>
    %add3A_119 = arith.constant 1.000000e+00 : f32
    %add3A_120 = vector.broadcast %add3A_119 : f32 to vector<1024x128xf32>
    %add3A_121 = arith.addf %tanh3A_114, %add3A_120 : vector<1024x128xf32>
    %mul3A_122 = arith.mulf %add3A_121, %mul3A_42 : vector<1024x128xf32>
    %add3A_123 = arith.constant 1.000000e+00 : f32
    %add3A_124 = vector.broadcast %add3A_123 : f32 to vector<1024x128xf32>
    %add3A_125 = arith.addf %tanh3A_112, %add3A_124 : vector<1024x128xf32>
    %mul3A_126 = arith.mulf %add3A_125, %tanh3A_116 : vector<1024x128xf32>
    %add3A_127 = arith.addf %mul3A_122, %mul3A_126 : vector<1024x128xf32>
    %mul3A_128 = arith.constant 5.000000e-01 : f32
    %mul3A_129 = vector.broadcast %mul3A_128 : f32 to vector<1024x128xf32>
    %mul3A_130 = arith.mulf %mul3A_129, %add3A_127 : vector<1024x128xf32>
    %tanh3A_131 = math.tanh %mul3A_130 : vector<1024x128xf32>
    %mul3A_132 = arith.constant 5.000000e-01 : f32
    %mul3A_133 = vector.broadcast %mul3A_132 : f32 to vector<1024x128xf32>
    %mul3A_134 = arith.mulf %mul3A_133, %tanh3A_131 : vector<1024x128xf32>
    %add3A_135 = arith.constant 1.000000e+00 : f32
    %add3A_136 = vector.broadcast %add3A_135 : f32 to vector<1024x128xf32>
    %add3A_137 = arith.addf %tanh3A_118, %add3A_136 : vector<1024x128xf32>
    %mul3A_138 = arith.mulf %mul3A_134, %add3A_137 : vector<1024x128xf32>
    %get3A_139 = arith.constant 0 : index
    %get3A_140 = arith.constant 0 : index
    %get3A_141 = vector.load %arg6[%get3A_139, %get3A_140] : memref<256x512xf32, #tpu.memory_space<vmem>>, vector<256x512xf32>
    %get3A_142 = arith.constant 0 : index
    %get3A_143 = arith.constant 0 : index
    %get3A_144 = vector.load %arg7[%get3A_142, %get3A_143] : memref<1x512xf32, #tpu.memory_space<vmem>>, vector<1x512xf32>
    %concatenate3A_145 = tpu.concatenate %mul3A_138, %mul3A_89 in 1 : vector<1024x128xf32>, vector<1024x128xf32> -> vector<1024x256xf32>
    %dot_general3A_146 = arith.constant dense<0.000000e+00> : vector<1024x512xf32>
    %dot_general3A_147 = tpu.matmul %concatenate3A_145, %get3A_141, %dot_general3A_146 {dimension_numbers = #tpu.dot_dimension_numbers<[1], [0], [0], [1], [0, 0, 1, 1], [], []>, transpose_lhs_hint = false} : vector<1024x256xf32>, vector<256x512xf32>, vector<1024x512xf32> -> vector<1024x512xf32>
    %add3A_148 = vector.broadcast %get3A_144 : vector<1x512xf32> to vector<1024x512xf32>
    %add3A_149 = arith.addf %dot_general3A_147, %add3A_148 : vector<1024x512xf32>
    %slice3A_150 = vector.extract_strided_slice %add3A_149 {offsets = [0, 0], sizes = [1024, 128], strides = [1, 1]} : vector<1024x512xf32> to vector<1024x128xf32>
    %tanh3A_151 = math.tanh %slice3A_150 : vector<1024x128xf32>
    %slice3A_152 = vector.extract_strided_slice %add3A_149 {offsets = [0, 128], sizes = [1024, 128], strides = [1, 1]} : vector<1024x512xf32> to vector<1024x128xf32>
    %tanh3A_153 = math.tanh %slice3A_152 : vector<1024x128xf32>
    %slice3A_154 = vector.extract_strided_slice %add3A_149 {offsets = [0, 256], sizes = [1024, 128], strides = [1, 1]} : vector<1024x512xf32> to vector<1024x128xf32>
    %tanh3A_155 = math.tanh %slice3A_154 : vector<1024x128xf32>
    %slice3A_156 = vector.extract_strided_slice %add3A_149 {offsets = [0, 384], sizes = [1024, 128], strides = [1, 1]} : vector<1024x512xf32> to vector<1024x128xf32>
    %tanh3A_157 = math.tanh %slice3A_156 : vector<1024x128xf32>
    %add3A_158 = arith.constant 1.000000e+00 : f32
    %add3A_159 = vector.broadcast %add3A_158 : f32 to vector<1024x128xf32>
    %add3A_160 = arith.addf %tanh3A_153, %add3A_159 : vector<1024x128xf32>
    %mul3A_161 = arith.mulf %add3A_160, %mul3A_81 : vector<1024x128xf32>
    %add3A_162 = arith.constant 1.000000e+00 : f32
    %add3A_163 = vector.broadcast %add3A_162 : f32 to vector<1024x128xf32>
    %add3A_164 = arith.addf %tanh3A_151, %add3A_163 : vector<1024x128xf32>
    %mul3A_165 = arith.mulf %add3A_164, %tanh3A_155 : vector<1024x128xf32>
    %add3A_166 = arith.addf %mul3A_161, %mul3A_165 : vector<1024x128xf32>
    %mul3A_167 = arith.constant 5.000000e-01 : f32
    %mul3A_168 = vector.broadcast %mul3A_167 : f32 to vector<1024x128xf32>
    %mul3A_169 = arith.mulf %mul3A_168, %add3A_166 : vector<1024x128xf32>
    %tanh3A_170 = math.tanh %mul3A_169 : vector<1024x128xf32>
    %mul3A_171 = arith.constant 5.000000e-01 : f32
    %mul3A_172 = vector.broadcast %mul3A_171 : f32 to vector<1024x128xf32>
    %mul3A_173 = arith.mulf %mul3A_172, %tanh3A_170 : vector<1024x128xf32>
    %add3A_174 = arith.constant 1.000000e+00 : f32
    %add3A_175 = vector.broadcast %add3A_174 : f32 to vector<1024x128xf32>
    %add3A_176 = arith.addf %tanh3A_157, %add3A_175 : vector<1024x128xf32>
    %mul3A_177 = arith.mulf %mul3A_173, %add3A_176 : vector<1024x128xf32>
    %swap3A_178 = arith.constant 0 : index
    %swap3A_179 = arith.constant 1 : index
    %swap3A_180 = arith.constant 0 : index
    %swap3A_181 = vector.load %arg9[%swap3A_178, %swap3A_179, %swap3A_180] : memref<1024x8x128xf32, #tpu.memory_space<vmem>>, vector<1024x1x128xf32>
    %swap3A_182 = vector.shape_cast %swap3A_181 : vector<1024x1x128xf32> to vector<1024x128xf32>
    %swap3A_183 = vector.shape_cast %mul3A_177 : vector<1024x128xf32> to vector<1024x1x128xf32>
    tpu.vector_store %arg9[%swap3A_178, %swap3A_179, %swap3A_180], %swap3A_183 {strides = array<i32>} : memref<1024x8x128xf32, #tpu.memory_space<vmem>>, vector<1024x1x128xf32>,
    %get3A_184 = arith.constant 2 : index
    %get3A_185 = arith.constant 0 : index
    %get3A_186 = arith.constant 0 : index
    %get3A_187 = vector.load %arg1[%get3A_184, %get3A_185, %get3A_186] : memref<8x1024x128xf32, #tpu.memory_space<vmem>>, vector<1x1024x128xf32>
    %get3A_188 = vector.shape_cast %get3A_187 : vector<1x1024x128xf32> to vector<1024x128xf32>
    %get3A_189 = arith.constant 0 : index
    %get3A_190 = arith.constant 0 : index
    %get3A_191 = vector.load %arg4[%get3A_189, %get3A_190] : memref<256x512xf32, #tpu.memory_space<vmem>>, vector<256x512xf32>
    %get3A_192 = arith.constant 0 : index
    %get3A_193 = arith.constant 0 : index
    %get3A_194 = vector.load %arg5[%get3A_192, %get3A_193] : memref<1x512xf32, #tpu.memory_space<vmem>>, vector<1x512xf32>
    %concatenate3A_195 = tpu.concatenate %get3A_188, %mul3A_138 in 1 : vector<1024x128xf32>, vector<1024x128xf32> -> vector<1024x256xf32>
    %dot_general3A_196 = arith.constant dense<0.000000e+00> : vector<1024x512xf32>
    %dot_general3A_197 = tpu.matmul %concatenate3A_195, %get3A_191, %dot_general3A_196 {dimension_numbers = #tpu.dot_dimension_numbers<[1], [0], [0], [1], [0, 0, 1, 1], [], []>, transpose_lhs_hint = false} : vector<1024x256xf32>, vector<256x512xf32>, vector<1024x512xf32> -> vector<1024x512xf32>
    %add3A_198 = vector.broadcast %get3A_194 : vector<1x512xf32> to vector<1024x512xf32>
    %add3A_199 = arith.addf %dot_general3A_197, %add3A_198 : vector<1024x512xf32>
    %slice3A_200 = vector.extract_strided_slice %add3A_199 {offsets = [0, 0], sizes = [1024, 128], strides = [1, 1]} : vector<1024x512xf32> to vector<1024x128xf32>
    %tanh3A_201 = math.tanh %slice3A_200 : vector<1024x128xf32>
    %slice3A_202 = vector.extract_strided_slice %add3A_199 {offsets = [0, 128], sizes = [1024, 128], strides = [1, 1]} : vector<1024x512xf32> to vector<1024x128xf32>
    %tanh3A_203 = math.tanh %slice3A_202 : vector<1024x128xf32>
    %slice3A_204 = vector.extract_strided_slice %add3A_199 {offsets = [0, 256], sizes = [1024, 128], strides = [1, 1]} : vector<1024x512xf32> to vector<1024x128xf32>
    %tanh3A_205 = math.tanh %slice3A_204 : vector<1024x128xf32>
    %slice3A_206 = vector.extract_strided_slice %add3A_199 {offsets = [0, 384], sizes = [1024, 128], strides = [1, 1]} : vector<1024x512xf32> to vector<1024x128xf32>
    %tanh3A_207 = math.tanh %slice3A_206 : vector<1024x128xf32>
    %add3A_208 = arith.constant 1.000000e+00 : f32
    %add3A_209 = vector.broadcast %add3A_208 : f32 to vector<1024x128xf32>
    %add3A_210 = arith.addf %tanh3A_203, %add3A_209 : vector<1024x128xf32>
    %mul3A_211 = arith.mulf %add3A_210, %mul3A_130 : vector<1024x128xf32>
    %add3A_212 = arith.constant 1.000000e+00 : f32
    %add3A_213 = vector.broadcast %add3A_212 : f32 to vector<1024x128xf32>
    %add3A_214 = arith.addf %tanh3A_201, %add3A_213 : vector<1024x128xf32>
    %mul3A_215 = arith.mulf %add3A_214, %tanh3A_205 : vector<1024x128xf32>
    %add3A_216 = arith.addf %mul3A_211, %mul3A_215 : vector<1024x128xf32>
    %mul3A_217 = arith.constant 5.000000e-01 : f32
    %mul3A_218 = vector.broadcast %mul3A_217 : f32 to vector<1024x128xf32>
    %mul3A_219 = arith.mulf %mul3A_218, %add3A_216 : vector<1024x128xf32>
    %tanh3A_220 = math.tanh %mul3A_219 : vector<1024x128xf32>
    %mul3A_221 = arith.constant 5.000000e-01 : f32
    %mul3A_222 = vector.broadcast %mul3A_221 : f32 to vector<1024x128xf32>
    %mul3A_223 = arith.mulf %mul3A_222, %tanh3A_220 : vector<1024x128xf32>
    %add3A_224 = arith.constant 1.000000e+00 : f32
    %add3A_225 = vector.broadcast %add3A_224 : f32 to vector<1024x128xf32>
    %add3A_226 = arith.addf %tanh3A_207, %add3A_225 : vector<1024x128xf32>
    %mul3A_227 = arith.mulf %mul3A_223, %add3A_226 : vector<1024x128xf32>
    %get3A_228 = arith.constant 0 : index
    %get3A_229 = arith.constant 0 : index
    %get3A_230 = vector.load %arg6[%get3A_228, %get3A_229] : memref<256x512xf32, #tpu.memory_space<vmem>>, vector<256x512xf32>
    %get3A_231 = arith.constant 0 : index
    %get3A_232 = arith.constant 0 : index
    %get3A_233 = vector.load %arg7[%get3A_231, %get3A_232] : memref<1x512xf32, #tpu.memory_space<vmem>>, vector<1x512xf32>
    %concatenate3A_234 = tpu.concatenate %mul3A_227, %mul3A_177 in 1 : vector<1024x128xf32>, vector<1024x128xf32> -> vector<1024x256xf32>
    %dot_general3A_235 = arith.constant dense<0.000000e+00> : vector<1024x512xf32>
    %dot_general3A_236 = tpu.matmul %concatenate3A_234, %get3A_230, %dot_general3A_235 {dimension_numbers = #tpu.dot_dimension_numbers<[1], [0], [0], [1], [0, 0, 1, 1], [], []>, transpose_lhs_hint = false} : vector<1024x256xf32>, vector<256x512xf32>, vector<1024x512xf32> -> vector<1024x512xf32>
    %add3A_237 = vector.broadcast %get3A_233 : vector<1x512xf32> to vector<1024x512xf32>
    %add3A_238 = arith.addf %dot_general3A_236, %add3A_237 : vector<1024x512xf32>
    %slice3A_239 = vector.extract_strided_slice %add3A_238 {offsets = [0, 0], sizes = [1024, 128], strides = [1, 1]} : vector<1024x512xf32> to vector<1024x128xf32>
    %tanh3A_240 = math.tanh %slice3A_239 : vector<1024x128xf32>
    %slice3A_241 = vector.extract_strided_slice %add3A_238 {offsets = [0, 128], sizes = [1024, 128], strides = [1, 1]} : vector<1024x512xf32> to vector<1024x128xf32>
    %tanh3A_242 = math.tanh %slice3A_241 : vector<1024x128xf32>
    %slice3A_243 = vector.extract_strided_slice %add3A_238 {offsets = [0, 256], sizes = [1024, 128], strides = [1, 1]} : vector<1024x512xf32> to vector<1024x128xf32>
    %tanh3A_244 = math.tanh %slice3A_243 : vector<1024x128xf32>
    %slice3A_245 = vector.extract_strided_slice %add3A_238 {offsets = [0, 384], sizes = [1024, 128], strides = [1, 1]} : vector<1024x512xf32> to vector<1024x128xf32>
    %tanh3A_246 = math.tanh %slice3A_245 : vector<1024x128xf32>
    %add3A_247 = arith.constant 1.000000e+00 : f32
    %add3A_248 = vector.broadcast %add3A_247 : f32 to vector<1024x128xf32>
    %add3A_249 = arith.addf %tanh3A_242, %add3A_248 : vector<1024x128xf32>
    %mul3A_250 = arith.mulf %add3A_249, %mul3A_169 : vector<1024x128xf32>
    %add3A_251 = arith.constant 1.000000e+00 : f32
    %add3A_252 = vector.broadcast %add3A_251 : f32 to vector<1024x128xf32>
    %add3A_253 = arith.addf %tanh3A_240, %add3A_252 : vector<1024x128xf32>
    %mul3A_254 = arith.mulf %add3A_253, %tanh3A_244 : vector<1024x128xf32>
    %add3A_255 = arith.addf %mul3A_250, %mul3A_254 : vector<1024x128xf32>
    %mul3A_256 = arith.constant 5.000000e-01 : f32
    %mul3A_257 = vector.broadcast %mul3A_256 : f32 to vector<1024x128xf32>
    %mul3A_258 = arith.mulf %mul3A_257, %add3A_255 : vector<1024x128xf32>
    %tanh3A_259 = math.tanh %mul3A_258 : vector<1024x128xf32>
    %mul3A_260 = arith.constant 5.000000e-01 : f32
    %mul3A_261 = vector.broadcast %mul3A_260 : f32 to vector<1024x128xf32>
    %mul3A_262 = arith.mulf %mul3A_261, %tanh3A_259 : vector<1024x128xf32>
    %add3A_263 = arith.constant 1.000000e+00 : f32
    %add3A_264 = vector.broadcast %add3A_263 : f32 to vector<1024x128xf32>
    %add3A_265 = arith.addf %tanh3A_246, %add3A_264 : vector<1024x128xf32>
    %mul3A_266 = arith.mulf %mul3A_262, %add3A_265 : vector<1024x128xf32>
    %swap3A_267 = arith.constant 0 : index
    %swap3A_268 = arith.constant 2 : index
    %swap3A_269 = arith.constant 0 : index
    %swap3A_270 = vector.load %arg9[%swap3A_267, %swap3A_268, %swap3A_269] : memref<1024x8x128xf32, #tpu.memory_space<vmem>>, vector<1024x1x128xf32>
    %swap3A_271 = vector.shape_cast %swap3A_270 : vector<1024x1x128xf32> to vector<1024x128xf32>
    %swap3A_272 = vector.shape_cast %mul3A_266 : vector<1024x128xf32> to vector<1024x1x128xf32>
    tpu.vector_store %arg9[%swap3A_267, %swap3A_268, %swap3A_269], %swap3A_272 {strides = array<i32>} : memref<1024x8x128xf32, #tpu.memory_space<vmem>>, vector<1024x1x128xf32>,
    %get3A_273 = arith.constant 3 : index
    %get3A_274 = arith.constant 0 : index
    %get3A_275 = arith.constant 0 : index
    %get3A_276 = vector.load %arg1[%get3A_273, %get3A_274, %get3A_275] : memref<8x1024x128xf32, #tpu.memory_space<vmem>>, vector<1x1024x128xf32>
    %get3A_277 = vector.shape_cast %get3A_276 : vector<1x1024x128xf32> to vector<1024x128xf32>
    %get3A_278 = arith.constant 0 : index
    %get3A_279 = arith.constant 0 : index
    %get3A_280 = vector.load %arg4[%get3A_278, %get3A_279] : memref<256x512xf32, #tpu.memory_space<vmem>>, vector<256x512xf32>
    %get3A_281 = arith.constant 0 : index
    %get3A_282 = arith.constant 0 : index
    %get3A_283 = vector.load %arg5[%get3A_281, %get3A_282] : memref<1x512xf32, #tpu.memory_space<vmem>>, vector<1x512xf32>
    %concatenate3A_284 = tpu.concatenate %get3A_277, %mul3A_227 in 1 : vector<1024x128xf32>, vector<1024x128xf32> -> vector<1024x256xf32>
    %dot_general3A_285 = arith.constant dense<0.000000e+00> : vector<1024x512xf32>
    %dot_general3A_286 = tpu.matmul %concatenate3A_284, %get3A_280, %dot_general3A_285 {dimension_numbers = #tpu.dot_dimension_numbers<[1], [0], [0], [1], [0, 0, 1, 1], [], []>, transpose_lhs_hint = false} : vector<1024x256xf32>, vector<256x512xf32>, vector<1024x512xf32> -> vector<1024x512xf32>
    %add3A_287 = vector.broadcast %get3A_283 : vector<1x512xf32> to vector<1024x512xf32>
    %add3A_288 = arith.addf %dot_general3A_286, %add3A_287 : vector<1024x512xf32>
    %slice3A_289 = vector.extract_strided_slice %add3A_288 {offsets = [0, 0], sizes = [1024, 128], strides = [1, 1]} : vector<1024x512xf32> to vector<1024x128xf32>
    %tanh3A_290 = math.tanh %slice3A_289 : vector<1024x128xf32>
    %slice3A_291 = vector.extract_strided_slice %add3A_288 {offsets = [0, 128], sizes = [1024, 128], strides = [1, 1]} : vector<1024x512xf32> to vector<1024x128xf32>
    %tanh3A_292 = math.tanh %slice3A_291 : vector<1024x128xf32>
    %slice3A_293 = vector.extract_strided_slice %add3A_288 {offsets = [0, 256], sizes = [1024, 128], strides = [1, 1]} : vector<1024x512xf32> to vector<1024x128xf32>
    %tanh3A_294 = math.tanh %slice3A_293 : vector<1024x128xf32>
    %slice3A_295 = vector.extract_strided_slice %add3A_288 {offsets = [0, 384], sizes = [1024, 128], strides = [1, 1]} : vector<1024x512xf32> to vector<1024x128xf32>
    %tanh3A_296 = math.tanh %slice3A_295 : vector<1024x128xf32>
    %add3A_297 = arith.constant 1.000000e+00 : f32
    %add3A_298 = vector.broadcast %add3A_297 : f32 to vector<1024x128xf32>
    %add3A_299 = arith.addf %tanh3A_292, %add3A_298 : vector<1024x128xf32>
    %mul3A_300 = arith.mulf %add3A_299, %mul3A_219 : vector<1024x128xf32>
    %add3A_301 = arith.constant 1.000000e+00 : f32
    %add3A_302 = vector.broadcast %add3A_301 : f32 to vector<1024x128xf32>
    %add3A_303 = arith.addf %tanh3A_290, %add3A_302 : vector<1024x128xf32>
    %mul3A_304 = arith.mulf %add3A_303, %tanh3A_294 : vector<1024x128xf32>
    %add3A_305 = arith.addf %mul3A_300, %mul3A_304 : vector<1024x128xf32>
    %mul3A_306 = arith.constant 5.000000e-01 : f32
    %mul3A_307 = vector.broadcast %mul3A_306 : f32 to vector<1024x128xf32>
    %mul3A_308 = arith.mulf %mul3A_307, %add3A_305 : vector<1024x128xf32>
    %tanh3A_309 = math.tanh %mul3A_308 : vector<1024x128xf32>
    %mul3A_310 = arith.constant 5.000000e-01 : f32
    %mul3A_311 = vector.broadcast %mul3A_310 : f32 to vector<1024x128xf32>
    %mul3A_312 = arith.mulf %mul3A_311, %tanh3A_309 : vector<1024x128xf32>
    %add3A_313 = arith.constant 1.000000e+00 : f32
    %add3A_314 = vector.broadcast %add3A_313 : f32 to vector<1024x128xf32>
    %add3A_315 = arith.addf %tanh3A_296, %add3A_314 : vector<1024x128xf32>
    %mul3A_316 = arith.mulf %mul3A_312, %add3A_315 : vector<1024x128xf32>
    %get3A_317 = arith.constant 0 : index
    %get3A_318 = arith.constant 0 : index
    %get3A_319 = vector.load %arg6[%get3A_317, %get3A_318] : memref<256x512xf32, #tpu.memory_space<vmem>>, vector<256x512xf32>
    %get3A_320 = arith.constant 0 : index
    %get3A_321 = arith.constant 0 : index
    %get3A_322 = vector.load %arg7[%get3A_320, %get3A_321] : memref<1x512xf32, #tpu.memory_space<vmem>>, vector<1x512xf32>
    %concatenate3A_323 = tpu.concatenate %mul3A_316, %mul3A_266 in 1 : vector<1024x128xf32>, vector<1024x128xf32> -> vector<1024x256xf32>
    %dot_general3A_324 = arith.constant dense<0.000000e+00> : vector<1024x512xf32>
    %dot_general3A_325 = tpu.matmul %concatenate3A_323, %get3A_319, %dot_general3A_324 {dimension_numbers = #tpu.dot_dimension_numbers<[1], [0], [0], [1], [0, 0, 1, 1], [], []>, transpose_lhs_hint = false} : vector<1024x256xf32>, vector<256x512xf32>, vector<1024x512xf32> -> vector<1024x512xf32>
    %add3A_326 = vector.broadcast %get3A_322 : vector<1x512xf32> to vector<1024x512xf32>
    %add3A_327 = arith.addf %dot_general3A_325, %add3A_326 : vector<1024x512xf32>
    %slice3A_328 = vector.extract_strided_slice %add3A_327 {offsets = [0, 0], sizes = [1024, 128], strides = [1, 1]} : vector<1024x512xf32> to vector<1024x128xf32>
    %tanh3A_329 = math.tanh %slice3A_328 : vector<1024x128xf32>
    %slice3A_330 = vector.extract_strided_slice %add3A_327 {offsets = [0, 128], sizes = [1024, 128], strides = [1, 1]} : vector<1024x512xf32> to vector<1024x128xf32>
    %tanh3A_331 = math.tanh %slice3A_330 : vector<1024x128xf32>
    %slice3A_332 = vector.extract_strided_slice %add3A_327 {offsets = [0, 256], sizes = [1024, 128], strides = [1, 1]} : vector<1024x512xf32> to vector<1024x128xf32>
    %tanh3A_333 = math.tanh %slice3A_332 : vector<1024x128xf32>
    %slice3A_334 = vector.extract_strided_slice %add3A_327 {offsets = [0, 384], sizes = [1024, 128], strides = [1, 1]} : vector<1024x512xf32> to vector<1024x128xf32>
    %tanh3A_335 = math.tanh %slice3A_334 : vector<1024x128xf32>
    %add3A_336 = arith.constant 1.000000e+00 : f32
    %add3A_337 = vector.broadcast %add3A_336 : f32 to vector<1024x128xf32>
    %add3A_338 = arith.addf %tanh3A_331, %add3A_337 : vector<1024x128xf32>
    %mul3A_339 = arith.mulf %add3A_338, %mul3A_258 : vector<1024x128xf32>
    %add3A_340 = arith.constant 1.000000e+00 : f32
    %add3A_341 = vector.broadcast %add3A_340 : f32 to vector<1024x128xf32>
    %add3A_342 = arith.addf %tanh3A_329, %add3A_341 : vector<1024x128xf32>
    %mul3A_343 = arith.mulf %add3A_342, %tanh3A_333 : vector<1024x128xf32>
    %add3A_344 = arith.addf %mul3A_339, %mul3A_343 : vector<1024x128xf32>
    %mul3A_345 = arith.constant 5.000000e-01 : f32
    %mul3A_346 = vector.broadcast %mul3A_345 : f32 to vector<1024x128xf32>
    %mul3A_347 = arith.mulf %mul3A_346, %add3A_344 : vector<1024x128xf32>
    %tanh3A_348 = math.tanh %mul3A_347 : vector<1024x128xf32>
    %mul3A_349 = arith.constant 5.000000e-01 : f32
    %mul3A_350 = vector.broadcast %mul3A_349 : f32 to vector<1024x128xf32>
    %mul3A_351 = arith.mulf %mul3A_350, %tanh3A_348 : vector<1024x128xf32>
    %add3A_352 = arith.constant 1.000000e+00 : f32
    %add3A_353 = vector.broadcast %add3A_352 : f32 to vector<1024x128xf32>
    %add3A_354 = arith.addf %tanh3A_335, %add3A_353 : vector<1024x128xf32>
    %mul3A_355 = arith.mulf %mul3A_351, %add3A_354 : vector<1024x128xf32>
    %swap3A_356 = arith.constant 0 : index
    %swap3A_357 = arith.constant 3 : index
    %swap3A_358 = arith.constant 0 : index
    %swap3A_359 = vector.load %arg9[%swap3A_356, %swap3A_357, %swap3A_358] : memref<1024x8x128xf32, #tpu.memory_space<vmem>>, vector<1024x1x128xf32>
    %swap3A_360 = vector.shape_cast %swap3A_359 : vector<1024x1x128xf32> to vector<1024x128xf32>
    %swap3A_361 = vector.shape_cast %mul3A_355 : vector<1024x128xf32> to vector<1024x1x128xf32>
    tpu.vector_store %arg9[%swap3A_356, %swap3A_357, %swap3A_358], %swap3A_361 {strides = array<i32>} : memref<1024x8x128xf32, #tpu.memory_space<vmem>>, vector<1024x1x128xf32>,
    %get3A_362 = arith.constant 4 : index
    %get3A_363 = arith.constant 0 : index
    %get3A_364 = arith.constant 0 : index
    %get3A_365 = vector.load %arg1[%get3A_362, %get3A_363, %get3A_364] : memref<8x1024x128xf32, #tpu.memory_space<vmem>>, vector<1x1024x128xf32>
    %get3A_366 = vector.shape_cast %get3A_365 : vector<1x1024x128xf32> to vector<1024x128xf32>
    %get3A_367 = arith.constant 0 : index
    %get3A_368 = arith.constant 0 : index
    %get3A_369 = vector.load %arg4[%get3A_367, %get3A_368] : memref<256x512xf32, #tpu.memory_space<vmem>>, vector<256x512xf32>
    %get3A_370 = arith.constant 0 : index
    %get3A_371 = arith.constant 0 : index
    %get3A_372 = vector.load %arg5[%get3A_370, %get3A_371] : memref<1x512xf32, #tpu.memory_space<vmem>>, vector<1x512xf32>
    %concatenate3A_373 = tpu.concatenate %get3A_366, %mul3A_316 in 1 : vector<1024x128xf32>, vector<1024x128xf32> -> vector<1024x256xf32>
    %dot_general3A_374 = arith.constant dense<0.000000e+00> : vector<1024x512xf32>
    %dot_general3A_375 = tpu.matmul %concatenate3A_373, %get3A_369, %dot_general3A_374 {dimension_numbers = #tpu.dot_dimension_numbers<[1], [0], [0], [1], [0, 0, 1, 1], [], []>, transpose_lhs_hint = false} : vector<1024x256xf32>, vector<256x512xf32>, vector<1024x512xf32> -> vector<1024x512xf32>
    %add3A_376 = vector.broadcast %get3A_372 : vector<1x512xf32> to vector<1024x512xf32>
    %add3A_377 = arith.addf %dot_general3A_375, %add3A_376 : vector<1024x512xf32>
    %slice3A_378 = vector.extract_strided_slice %add3A_377 {offsets = [0, 0], sizes = [1024, 128], strides = [1, 1]} : vector<1024x512xf32> to vector<1024x128xf32>
    %tanh3A_379 = math.tanh %slice3A_378 : vector<1024x128xf32>
    %slice3A_380 = vector.extract_strided_slice %add3A_377 {offsets = [0, 128], sizes = [1024, 128], strides = [1, 1]} : vector<1024x512xf32> to vector<1024x128xf32>
    %tanh3A_381 = math.tanh %slice3A_380 : vector<1024x128xf32>
    %slice3A_382 = vector.extract_strided_slice %add3A_377 {offsets = [0, 256], sizes = [1024, 128], strides = [1, 1]} : vector<1024x512xf32> to vector<1024x128xf32>
    %tanh3A_383 = math.tanh %slice3A_382 : vector<1024x128xf32>
    %slice3A_384 = vector.extract_strided_slice %add3A_377 {offsets = [0, 384], sizes = [1024, 128], strides = [1, 1]} : vector<1024x512xf32> to vector<1024x128xf32>
    %tanh3A_385 = math.tanh %slice3A_384 : vector<1024x128xf32>
    %add3A_386 = arith.constant 1.000000e+00 : f32
    %add3A_387 = vector.broadcast %add3A_386 : f32 to vector<1024x128xf32>
    %add3A_388 = arith.addf %tanh3A_381, %add3A_387 : vector<1024x128xf32>
    %mul3A_389 = arith.mulf %add3A_388, %mul3A_308 : vector<1024x128xf32>
    %add3A_390 = arith.constant 1.000000e+00 : f32
    %add3A_391 = vector.broadcast %add3A_390 : f32 to vector<1024x128xf32>
    %add3A_392 = arith.addf %tanh3A_379, %add3A_391 : vector<1024x128xf32>
    %mul3A_393 = arith.mulf %add3A_392, %tanh3A_383 : vector<1024x128xf32>
    %add3A_394 = arith.addf %mul3A_389, %mul3A_393 : vector<1024x128xf32>
    %mul3A_395 = arith.constant 5.000000e-01 : f32
    %mul3A_396 = vector.broadcast %mul3A_395 : f32 to vector<1024x128xf32>
    %mul3A_397 = arith.mulf %mul3A_396, %add3A_394 : vector<1024x128xf32>
    %tanh3A_398 = math.tanh %mul3A_397 : vector<1024x128xf32>
    %mul3A_399 = arith.constant 5.000000e-01 : f32
    %mul3A_400 = vector.broadcast %mul3A_399 : f32 to vector<1024x128xf32>
    %mul3A_401 = arith.mulf %mul3A_400, %tanh3A_398 : vector<1024x128xf32>
    %add3A_402 = arith.constant 1.000000e+00 : f32
    %add3A_403 = vector.broadcast %add3A_402 : f32 to vector<1024x128xf32>
    %add3A_404 = arith.addf %tanh3A_385, %add3A_403 : vector<1024x128xf32>
    %mul3A_405 = arith.mulf %mul3A_401, %add3A_404 : vector<1024x128xf32>
    %get3A_406 = arith.constant 0 : index
    %get3A_407 = arith.constant 0 : index
    %get3A_408 = vector.load %arg6[%get3A_406, %get3A_407] : memref<256x512xf32, #tpu.memory_space<vmem>>, vector<256x512xf32>
    %get3A_409 = arith.constant 0 : index
    %get3A_410 = arith.constant 0 : index
    %get3A_411 = vector.load %arg7[%get3A_409, %get3A_410] : memref<1x512xf32, #tpu.memory_space<vmem>>, vector<1x512xf32>
    %concatenate3A_412 = tpu.concatenate %mul3A_405, %mul3A_355 in 1 : vector<1024x128xf32>, vector<1024x128xf32> -> vector<1024x256xf32>
    %dot_general3A_413 = arith.constant dense<0.000000e+00> : vector<1024x512xf32>
    %dot_general3A_414 = tpu.matmul %concatenate3A_412, %get3A_408, %dot_general3A_413 {dimension_numbers = #tpu.dot_dimension_numbers<[1], [0], [0], [1], [0, 0, 1, 1], [], []>, transpose_lhs_hint = false} : vector<1024x256xf32>, vector<256x512xf32>, vector<1024x512xf32> -> vector<1024x512xf32>
    %add3A_415 = vector.broadcast %get3A_411 : vector<1x512xf32> to vector<1024x512xf32>
    %add3A_416 = arith.addf %dot_general3A_414, %add3A_415 : vector<1024x512xf32>
    %slice3A_417 = vector.extract_strided_slice %add3A_416 {offsets = [0, 0], sizes = [1024, 128], strides = [1, 1]} : vector<1024x512xf32> to vector<1024x128xf32>
    %tanh3A_418 = math.tanh %slice3A_417 : vector<1024x128xf32>
    %slice3A_419 = vector.extract_strided_slice %add3A_416 {offsets = [0, 128], sizes = [1024, 128], strides = [1, 1]} : vector<1024x512xf32> to vector<1024x128xf32>
    %tanh3A_420 = math.tanh %slice3A_419 : vector<1024x128xf32>
    %slice3A_421 = vector.extract_strided_slice %add3A_416 {offsets = [0, 256], sizes = [1024, 128], strides = [1, 1]} : vector<1024x512xf32> to vector<1024x128xf32>
    %tanh3A_422 = math.tanh %slice3A_421 : vector<1024x128xf32>
    %slice3A_423 = vector.extract_strided_slice %add3A_416 {offsets = [0, 384], sizes = [1024, 128], strides = [1, 1]} : vector<1024x512xf32> to vector<1024x128xf32>
    %tanh3A_424 = math.tanh %slice3A_423 : vector<1024x128xf32>
    %add3A_425 = arith.constant 1.000000e+00 : f32
    %add3A_426 = vector.broadcast %add3A_425 : f32 to vector<1024x128xf32>
    %add3A_427 = arith.addf %tanh3A_420, %add3A_426 : vector<1024x128xf32>
    %mul3A_428 = arith.mulf %add3A_427, %mul3A_347 : vector<1024x128xf32>
    %add3A_429 = arith.constant 1.000000e+00 : f32
    %add3A_430 = vector.broadcast %add3A_429 : f32 to vector<1024x128xf32>
    %add3A_431 = arith.addf %tanh3A_418, %add3A_430 : vector<1024x128xf32>
    %mul3A_432 = arith.mulf %add3A_431, %tanh3A_422 : vector<1024x128xf32>
    %add3A_433 = arith.addf %mul3A_428, %mul3A_432 : vector<1024x128xf32>
    %mul3A_434 = arith.constant 5.000000e-01 : f32
    %mul3A_435 = vector.broadcast %mul3A_434 : f32 to vector<1024x128xf32>
    %mul3A_436 = arith.mulf %mul3A_435, %add3A_433 : vector<1024x128xf32>
    %tanh3A_437 = math.tanh %mul3A_436 : vector<1024x128xf32>
    %mul3A_438 = arith.constant 5.000000e-01 : f32
    %mul3A_439 = vector.broadcast %mul3A_438 : f32 to vector<1024x128xf32>
    %mul3A_440 = arith.mulf %mul3A_439, %tanh3A_437 : vector<1024x128xf32>
    %add3A_441 = arith.constant 1.000000e+00 : f32
    %add3A_442 = vector.broadcast %add3A_441 : f32 to vector<1024x128xf32>
    %add3A_443 = arith.addf %tanh3A_424, %add3A_442 : vector<1024x128xf32>
    %mul3A_444 = arith.mulf %mul3A_440, %add3A_443 : vector<1024x128xf32>
    %swap3A_445 = arith.constant 0 : index
    %swap3A_446 = arith.constant 4 : index
    %swap3A_447 = arith.constant 0 : index
    %swap3A_448 = vector.load %arg9[%swap3A_445, %swap3A_446, %swap3A_447] : memref<1024x8x128xf32, #tpu.memory_space<vmem>>, vector<1024x1x128xf32>
    %swap3A_449 = vector.shape_cast %swap3A_448 : vector<1024x1x128xf32> to vector<1024x128xf32>
    %swap3A_450 = vector.shape_cast %mul3A_444 : vector<1024x128xf32> to vector<1024x1x128xf32>
    tpu.vector_store %arg9[%swap3A_445, %swap3A_446, %swap3A_447], %swap3A_450 {strides = array<i32>} : memref<1024x8x128xf32, #tpu.memory_space<vmem>>, vector<1024x1x128xf32>,
    %get3A_451 = arith.constant 5 : index
    %get3A_452 = arith.constant 0 : index
    %get3A_453 = arith.constant 0 : index
    %get3A_454 = vector.load %arg1[%get3A_451, %get3A_452, %get3A_453] : memref<8x1024x128xf32, #tpu.memory_space<vmem>>, vector<1x1024x128xf32>
    %get3A_455 = vector.shape_cast %get3A_454 : vector<1x1024x128xf32> to vector<1024x128xf32>
    %get3A_456 = arith.constant 0 : index
    %get3A_457 = arith.constant 0 : index
    %get3A_458 = vector.load %arg4[%get3A_456, %get3A_457] : memref<256x512xf32, #tpu.memory_space<vmem>>, vector<256x512xf32>
    %get3A_459 = arith.constant 0 : index
    %get3A_460 = arith.constant 0 : index
    %get3A_461 = vector.load %arg5[%get3A_459, %get3A_460] : memref<1x512xf32, #tpu.memory_space<vmem>>, vector<1x512xf32>
    %concatenate3A_462 = tpu.concatenate %get3A_455, %mul3A_405 in 1 : vector<1024x128xf32>, vector<1024x128xf32> -> vector<1024x256xf32>
    %dot_general3A_463 = arith.constant dense<0.000000e+00> : vector<1024x512xf32>
    %dot_general3A_464 = tpu.matmul %concatenate3A_462, %get3A_458, %dot_general3A_463 {dimension_numbers = #tpu.dot_dimension_numbers<[1], [0], [0], [1], [0, 0, 1, 1], [], []>, transpose_lhs_hint = false} : vector<1024x256xf32>, vector<256x512xf32>, vector<1024x512xf32> -> vector<1024x512xf32>
    %add3A_465 = vector.broadcast %get3A_461 : vector<1x512xf32> to vector<1024x512xf32>
    %add3A_466 = arith.addf %dot_general3A_464, %add3A_465 : vector<1024x512xf32>
    %slice3A_467 = vector.extract_strided_slice %add3A_466 {offsets = [0, 0], sizes = [1024, 128], strides = [1, 1]} : vector<1024x512xf32> to vector<1024x128xf32>
    %tanh3A_468 = math.tanh %slice3A_467 : vector<1024x128xf32>
    %slice3A_469 = vector.extract_strided_slice %add3A_466 {offsets = [0, 128], sizes = [1024, 128], strides = [1, 1]} : vector<1024x512xf32> to vector<1024x128xf32>
    %tanh3A_470 = math.tanh %slice3A_469 : vector<1024x128xf32>
    %slice3A_471 = vector.extract_strided_slice %add3A_466 {offsets = [0, 256], sizes = [1024, 128], strides = [1, 1]} : vector<1024x512xf32> to vector<1024x128xf32>
    %tanh3A_472 = math.tanh %slice3A_471 : vector<1024x128xf32>
    %slice3A_473 = vector.extract_strided_slice %add3A_466 {offsets = [0, 384], sizes = [1024, 128], strides = [1, 1]} : vector<1024x512xf32> to vector<1024x128xf32>
    %tanh3A_474 = math.tanh %slice3A_473 : vector<1024x128xf32>
    %add3A_475 = arith.constant 1.000000e+00 : f32
    %add3A_476 = vector.broadcast %add3A_475 : f32 to vector<1024x128xf32>
    %add3A_477 = arith.addf %tanh3A_470, %add3A_476 : vector<1024x128xf32>
    %mul3A_478 = arith.mulf %add3A_477, %mul3A_397 : vector<1024x128xf32>
    %add3A_479 = arith.constant 1.000000e+00 : f32
    %add3A_480 = vector.broadcast %add3A_479 : f32 to vector<1024x128xf32>
    %add3A_481 = arith.addf %tanh3A_468, %add3A_480 : vector<1024x128xf32>
    %mul3A_482 = arith.mulf %add3A_481, %tanh3A_472 : vector<1024x128xf32>
    %add3A_483 = arith.addf %mul3A_478, %mul3A_482 : vector<1024x128xf32>
    %mul3A_484 = arith.constant 5.000000e-01 : f32
    %mul3A_485 = vector.broadcast %mul3A_484 : f32 to vector<1024x128xf32>
    %mul3A_486 = arith.mulf %mul3A_485, %add3A_483 : vector<1024x128xf32>
    %tanh3A_487 = math.tanh %mul3A_486 : vector<1024x128xf32>
    %mul3A_488 = arith.constant 5.000000e-01 : f32
    %mul3A_489 = vector.broadcast %mul3A_488 : f32 to vector<1024x128xf32>
    %mul3A_490 = arith.mulf %mul3A_489, %tanh3A_487 : vector<1024x128xf32>
    %add3A_491 = arith.constant 1.000000e+00 : f32
    %add3A_492 = vector.broadcast %add3A_491 : f32 to vector<1024x128xf32>
    %add3A_493 = arith.addf %tanh3A_474, %add3A_492 : vector<1024x128xf32>
    %mul3A_494 = arith.mulf %mul3A_490, %add3A_493 : vector<1024x128xf32>
    %get3A_495 = arith.constant 0 : index
    %get3A_496 = arith.constant 0 : index
    %get3A_497 = vector.load %arg6[%get3A_495, %get3A_496] : memref<256x512xf32, #tpu.memory_space<vmem>>, vector<256x512xf32>
    %get3A_498 = arith.constant 0 : index
    %get3A_499 = arith.constant 0 : index
    %get3A_500 = vector.load %arg7[%get3A_498, %get3A_499] : memref<1x512xf32, #tpu.memory_space<vmem>>, vector<1x512xf32>
    %concatenate3A_501 = tpu.concatenate %mul3A_494, %mul3A_444 in 1 : vector<1024x128xf32>, vector<1024x128xf32> -> vector<1024x256xf32>
    %dot_general3A_502 = arith.constant dense<0.000000e+00> : vector<1024x512xf32>
    %dot_general3A_503 = tpu.matmul %concatenate3A_501, %get3A_497, %dot_general3A_502 {dimension_numbers = #tpu.dot_dimension_numbers<[1], [0], [0], [1], [0, 0, 1, 1], [], []>, transpose_lhs_hint = false} : vector<1024x256xf32>, vector<256x512xf32>, vector<1024x512xf32> -> vector<1024x512xf32>
    %add3A_504 = vector.broadcast %get3A_500 : vector<1x512xf32> to vector<1024x512xf32>
    %add3A_505 = arith.addf %dot_general3A_503, %add3A_504 : vector<1024x512xf32>
    %slice3A_506 = vector.extract_strided_slice %add3A_505 {offsets = [0, 0], sizes = [1024, 128], strides = [1, 1]} : vector<1024x512xf32> to vector<1024x128xf32>
    %tanh3A_507 = math.tanh %slice3A_506 : vector<1024x128xf32>
    %slice3A_508 = vector.extract_strided_slice %add3A_505 {offsets = [0, 128], sizes = [1024, 128], strides = [1, 1]} : vector<1024x512xf32> to vector<1024x128xf32>
    %tanh3A_509 = math.tanh %slice3A_508 : vector<1024x128xf32>
    %slice3A_510 = vector.extract_strided_slice %add3A_505 {offsets = [0, 256], sizes = [1024, 128], strides = [1, 1]} : vector<1024x512xf32> to vector<1024x128xf32>
    %tanh3A_511 = math.tanh %slice3A_510 : vector<1024x128xf32>
    %slice3A_512 = vector.extract_strided_slice %add3A_505 {offsets = [0, 384], sizes = [1024, 128], strides = [1, 1]} : vector<1024x512xf32> to vector<1024x128xf32>
    %tanh3A_513 = math.tanh %slice3A_512 : vector<1024x128xf32>
    %add3A_514 = arith.constant 1.000000e+00 : f32
    %add3A_515 = vector.broadcast %add3A_514 : f32 to vector<1024x128xf32>
    %add3A_516 = arith.addf %tanh3A_509, %add3A_515 : vector<1024x128xf32>
    %mul3A_517 = arith.mulf %add3A_516, %mul3A_436 : vector<1024x128xf32>
    %add3A_518 = arith.constant 1.000000e+00 : f32
    %add3A_519 = vector.broadcast %add3A_518 : f32 to vector<1024x128xf32>
    %add3A_520 = arith.addf %tanh3A_507, %add3A_519 : vector<1024x128xf32>
    %mul3A_521 = arith.mulf %add3A_520, %tanh3A_511 : vector<1024x128xf32>
    %add3A_522 = arith.addf %mul3A_517, %mul3A_521 : vector<1024x128xf32>
    %mul3A_523 = arith.constant 5.000000e-01 : f32
    %mul3A_524 = vector.broadcast %mul3A_523 : f32 to vector<1024x128xf32>
    %mul3A_525 = arith.mulf %mul3A_524, %add3A_522 : vector<1024x128xf32>
    %tanh3A_526 = math.tanh %mul3A_525 : vector<1024x128xf32>
    %mul3A_527 = arith.constant 5.000000e-01 : f32
    %mul3A_528 = vector.broadcast %mul3A_527 : f32 to vector<1024x128xf32>
    %mul3A_529 = arith.mulf %mul3A_528, %tanh3A_526 : vector<1024x128xf32>
    %add3A_530 = arith.constant 1.000000e+00 : f32
    %add3A_531 = vector.broadcast %add3A_530 : f32 to vector<1024x128xf32>
    %add3A_532 = arith.addf %tanh3A_513, %add3A_531 : vector<1024x128xf32>
    %mul3A_533 = arith.mulf %mul3A_529, %add3A_532 : vector<1024x128xf32>
    %swap3A_534 = arith.constant 0 : index
    %swap3A_535 = arith.constant 5 : index
    %swap3A_536 = arith.constant 0 : index
    %swap3A_537 = vector.load %arg9[%swap3A_534, %swap3A_535, %swap3A_536] : memref<1024x8x128xf32, #tpu.memory_space<vmem>>, vector<1024x1x128xf32>
    %swap3A_538 = vector.shape_cast %swap3A_537 : vector<1024x1x128xf32> to vector<1024x128xf32>
    %swap3A_539 = vector.shape_cast %mul3A_533 : vector<1024x128xf32> to vector<1024x1x128xf32>
    tpu.vector_store %arg9[%swap3A_534, %swap3A_535, %swap3A_536], %swap3A_539 {strides = array<i32>} : memref<1024x8x128xf32, #tpu.memory_space<vmem>>, vector<1024x1x128xf32>,
    %get3A_540 = arith.constant 6 : index
    %get3A_541 = arith.constant 0 : index
    %get3A_542 = arith.constant 0 : index
    %get3A_543 = vector.load %arg1[%get3A_540, %get3A_541, %get3A_542] : memref<8x1024x128xf32, #tpu.memory_space<vmem>>, vector<1x1024x128xf32>
    %get3A_544 = vector.shape_cast %get3A_543 : vector<1x1024x128xf32> to vector<1024x128xf32>
    %get3A_545 = arith.constant 0 : index
    %get3A_546 = arith.constant 0 : index
    %get3A_547 = vector.load %arg4[%get3A_545, %get3A_546] : memref<256x512xf32, #tpu.memory_space<vmem>>, vector<256x512xf32>
    %get3A_548 = arith.constant 0 : index
    %get3A_549 = arith.constant 0 : index
    %get3A_550 = vector.load %arg5[%get3A_548, %get3A_549] : memref<1x512xf32, #tpu.memory_space<vmem>>, vector<1x512xf32>
    %concatenate3A_551 = tpu.concatenate %get3A_544, %mul3A_494 in 1 : vector<1024x128xf32>, vector<1024x128xf32> -> vector<1024x256xf32>
    %dot_general3A_552 = arith.constant dense<0.000000e+00> : vector<1024x512xf32>
    %dot_general3A_553 = tpu.matmul %concatenate3A_551, %get3A_547, %dot_general3A_552 {dimension_numbers = #tpu.dot_dimension_numbers<[1], [0], [0], [1], [0, 0, 1, 1], [], []>, transpose_lhs_hint = false} : vector<1024x256xf32>, vector<256x512xf32>, vector<1024x512xf32> -> vector<1024x512xf32>
    %add3A_554 = vector.broadcast %get3A_550 : vector<1x512xf32> to vector<1024x512xf32>
    %add3A_555 = arith.addf %dot_general3A_553, %add3A_554 : vector<1024x512xf32>
    %slice3A_556 = vector.extract_strided_slice %add3A_555 {offsets = [0, 0], sizes = [1024, 128], strides = [1, 1]} : vector<1024x512xf32> to vector<1024x128xf32>
    %tanh3A_557 = math.tanh %slice3A_556 : vector<1024x128xf32>
    %slice3A_558 = vector.extract_strided_slice %add3A_555 {offsets = [0, 128], sizes = [1024, 128], strides = [1, 1]} : vector<1024x512xf32> to vector<1024x128xf32>
    %tanh3A_559 = math.tanh %slice3A_558 : vector<1024x128xf32>
    %slice3A_560 = vector.extract_strided_slice %add3A_555 {offsets = [0, 256], sizes = [1024, 128], strides = [1, 1]} : vector<1024x512xf32> to vector<1024x128xf32>
    %tanh3A_561 = math.tanh %slice3A_560 : vector<1024x128xf32>
    %slice3A_562 = vector.extract_strided_slice %add3A_555 {offsets = [0, 384], sizes = [1024, 128], strides = [1, 1]} : vector<1024x512xf32> to vector<1024x128xf32>
    %tanh3A_563 = math.tanh %slice3A_562 : vector<1024x128xf32>
    %add3A_564 = arith.constant 1.000000e+00 : f32
    %add3A_565 = vector.broadcast %add3A_564 : f32 to vector<1024x128xf32>
    %add3A_566 = arith.addf %tanh3A_559, %add3A_565 : vector<1024x128xf32>
    %mul3A_567 = arith.mulf %add3A_566, %mul3A_486 : vector<1024x128xf32>
    %add3A_568 = arith.constant 1.000000e+00 : f32
    %add3A_569 = vector.broadcast %add3A_568 : f32 to vector<1024x128xf32>
    %add3A_570 = arith.addf %tanh3A_557, %add3A_569 : vector<1024x128xf32>
    %mul3A_571 = arith.mulf %add3A_570, %tanh3A_561 : vector<1024x128xf32>
    %add3A_572 = arith.addf %mul3A_567, %mul3A_571 : vector<1024x128xf32>
    %mul3A_573 = arith.constant 5.000000e-01 : f32
    %mul3A_574 = vector.broadcast %mul3A_573 : f32 to vector<1024x128xf32>
    %mul3A_575 = arith.mulf %mul3A_574, %add3A_572 : vector<1024x128xf32>
    %tanh3A_576 = math.tanh %mul3A_575 : vector<1024x128xf32>
    %mul3A_577 = arith.constant 5.000000e-01 : f32
    %mul3A_578 = vector.broadcast %mul3A_577 : f32 to vector<1024x128xf32>
    %mul3A_579 = arith.mulf %mul3A_578, %tanh3A_576 : vector<1024x128xf32>
    %add3A_580 = arith.constant 1.000000e+00 : f32
    %add3A_581 = vector.broadcast %add3A_580 : f32 to vector<1024x128xf32>
    %add3A_582 = arith.addf %tanh3A_563, %add3A_581 : vector<1024x128xf32>
    %mul3A_583 = arith.mulf %mul3A_579, %add3A_582 : vector<1024x128xf32>
    %get3A_584 = arith.constant 0 : index
    %get3A_585 = arith.constant 0 : index
    %get3A_586 = vector.load %arg6[%get3A_584, %get3A_585] : memref<256x512xf32, #tpu.memory_space<vmem>>, vector<256x512xf32>
    %get3A_587 = arith.constant 0 : index
    %get3A_588 = arith.constant 0 : index
    %get3A_589 = vector.load %arg7[%get3A_587, %get3A_588] : memref<1x512xf32, #tpu.memory_space<vmem>>, vector<1x512xf32>
    %concatenate3A_590 = tpu.concatenate %mul3A_583, %mul3A_533 in 1 : vector<1024x128xf32>, vector<1024x128xf32> -> vector<1024x256xf32>
    %dot_general3A_591 = arith.constant dense<0.000000e+00> : vector<1024x512xf32>
    %dot_general3A_592 = tpu.matmul %concatenate3A_590, %get3A_586, %dot_general3A_591 {dimension_numbers = #tpu.dot_dimension_numbers<[1], [0], [0], [1], [0, 0, 1, 1], [], []>, transpose_lhs_hint = false} : vector<1024x256xf32>, vector<256x512xf32>, vector<1024x512xf32> -> vector<1024x512xf32>
    %add3A_593 = vector.broadcast %get3A_589 : vector<1x512xf32> to vector<1024x512xf32>
    %add3A_594 = arith.addf %dot_general3A_592, %add3A_593 : vector<1024x512xf32>
    %slice3A_595 = vector.extract_strided_slice %add3A_594 {offsets = [0, 0], sizes = [1024, 128], strides = [1, 1]} : vector<1024x512xf32> to vector<1024x128xf32>
    %tanh3A_596 = math.tanh %slice3A_595 : vector<1024x128xf32>
    %slice3A_597 = vector.extract_strided_slice %add3A_594 {offsets = [0, 128], sizes = [1024, 128], strides = [1, 1]} : vector<1024x512xf32> to vector<1024x128xf32>
    %tanh3A_598 = math.tanh %slice3A_597 : vector<1024x128xf32>
    %slice3A_599 = vector.extract_strided_slice %add3A_594 {offsets = [0, 256], sizes = [1024, 128], strides = [1, 1]} : vector<1024x512xf32> to vector<1024x128xf32>
    %tanh3A_600 = math.tanh %slice3A_599 : vector<1024x128xf32>
    %slice3A_601 = vector.extract_strided_slice %add3A_594 {offsets = [0, 384], sizes = [1024, 128], strides = [1, 1]} : vector<1024x512xf32> to vector<1024x128xf32>
    %tanh3A_602 = math.tanh %slice3A_601 : vector<1024x128xf32>
    %add3A_603 = arith.constant 1.000000e+00 : f32
    %add3A_604 = vector.broadcast %add3A_603 : f32 to vector<1024x128xf32>
    %add3A_605 = arith.addf %tanh3A_598, %add3A_604 : vector<1024x128xf32>
    %mul3A_606 = arith.mulf %add3A_605, %mul3A_525 : vector<1024x128xf32>
    %add3A_607 = arith.constant 1.000000e+00 : f32
    %add3A_608 = vector.broadcast %add3A_607 : f32 to vector<1024x128xf32>
    %add3A_609 = arith.addf %tanh3A_596, %add3A_608 : vector<1024x128xf32>
    %mul3A_610 = arith.mulf %add3A_609, %tanh3A_600 : vector<1024x128xf32>
    %add3A_611 = arith.addf %mul3A_606, %mul3A_610 : vector<1024x128xf32>
    %mul3A_612 = arith.constant 5.000000e-01 : f32
    %mul3A_613 = vector.broadcast %mul3A_612 : f32 to vector<1024x128xf32>
    %mul3A_614 = arith.mulf %mul3A_613, %add3A_611 : vector<1024x128xf32>
    %tanh3A_615 = math.tanh %mul3A_614 : vector<1024x128xf32>
    %mul3A_616 = arith.constant 5.000000e-01 : f32
    %mul3A_617 = vector.broadcast %mul3A_616 : f32 to vector<1024x128xf32>
    %mul3A_618 = arith.mulf %mul3A_617, %tanh3A_615 : vector<1024x128xf32>
    %add3A_619 = arith.constant 1.000000e+00 : f32
    %add3A_620 = vector.broadcast %add3A_619 : f32 to vector<1024x128xf32>
    %add3A_621 = arith.addf %tanh3A_602, %add3A_620 : vector<1024x128xf32>
    %mul3A_622 = arith.mulf %mul3A_618, %add3A_621 : vector<1024x128xf32>
    %swap3A_623 = arith.constant 0 : index
    %swap3A_624 = arith.constant 6 : index
    %swap3A_625 = arith.constant 0 : index
    %swap3A_626 = vector.load %arg9[%swap3A_623, %swap3A_624, %swap3A_625] : memref<1024x8x128xf32, #tpu.memory_space<vmem>>, vector<1024x1x128xf32>
    %swap3A_627 = vector.shape_cast %swap3A_626 : vector<1024x1x128xf32> to vector<1024x128xf32>
    %swap3A_628 = vector.shape_cast %mul3A_622 : vector<1024x128xf32> to vector<1024x1x128xf32>
    tpu.vector_store %arg9[%swap3A_623, %swap3A_624, %swap3A_625], %swap3A_628 {strides = array<i32>} : memref<1024x8x128xf32, #tpu.memory_space<vmem>>, vector<1024x1x128xf32>,
    %get3A_629 = arith.constant 7 : index
    %get3A_630 = arith.constant 0 : index
    %get3A_631 = arith.constant 0 : index
    %get3A_632 = vector.load %arg1[%get3A_629, %get3A_630, %get3A_631] : memref<8x1024x128xf32, #tpu.memory_space<vmem>>, vector<1x1024x128xf32>
    %get3A_633 = vector.shape_cast %get3A_632 : vector<1x1024x128xf32> to vector<1024x128xf32>
    %get3A_634 = arith.constant 0 : index
    %get3A_635 = arith.constant 0 : index
    %get3A_636 = vector.load %arg4[%get3A_634, %get3A_635] : memref<256x512xf32, #tpu.memory_space<vmem>>, vector<256x512xf32>
    %get3A_637 = arith.constant 0 : index
    %get3A_638 = arith.constant 0 : index
    %get3A_639 = vector.load %arg5[%get3A_637, %get3A_638] : memref<1x512xf32, #tpu.memory_space<vmem>>, vector<1x512xf32>
    %concatenate3A_640 = tpu.concatenate %get3A_633, %mul3A_583 in 1 : vector<1024x128xf32>, vector<1024x128xf32> -> vector<1024x256xf32>
    %dot_general3A_641 = arith.constant dense<0.000000e+00> : vector<1024x512xf32>
    %dot_general3A_642 = tpu.matmul %concatenate3A_640, %get3A_636, %dot_general3A_641 {dimension_numbers = #tpu.dot_dimension_numbers<[1], [0], [0], [1], [0, 0, 1, 1], [], []>, transpose_lhs_hint = false} : vector<1024x256xf32>, vector<256x512xf32>, vector<1024x512xf32> -> vector<1024x512xf32>
    %add3A_643 = vector.broadcast %get3A_639 : vector<1x512xf32> to vector<1024x512xf32>
    %add3A_644 = arith.addf %dot_general3A_642, %add3A_643 : vector<1024x512xf32>
    %slice3A_645 = vector.extract_strided_slice %add3A_644 {offsets = [0, 0], sizes = [1024, 128], strides = [1, 1]} : vector<1024x512xf32> to vector<1024x128xf32>
    %tanh3A_646 = math.tanh %slice3A_645 : vector<1024x128xf32>
    %slice3A_647 = vector.extract_strided_slice %add3A_644 {offsets = [0, 128], sizes = [1024, 128], strides = [1, 1]} : vector<1024x512xf32> to vector<1024x128xf32>
    %tanh3A_648 = math.tanh %slice3A_647 : vector<1024x128xf32>
    %slice3A_649 = vector.extract_strided_slice %add3A_644 {offsets = [0, 256], sizes = [1024, 128], strides = [1, 1]} : vector<1024x512xf32> to vector<1024x128xf32>
    %tanh3A_650 = math.tanh %slice3A_649 : vector<1024x128xf32>
    %slice3A_651 = vector.extract_strided_slice %add3A_644 {offsets = [0, 384], sizes = [1024, 128], strides = [1, 1]} : vector<1024x512xf32> to vector<1024x128xf32>
    %tanh3A_652 = math.tanh %slice3A_651 : vector<1024x128xf32>
    %add3A_653 = arith.constant 1.000000e+00 : f32
    %add3A_654 = vector.broadcast %add3A_653 : f32 to vector<1024x128xf32>
    %add3A_655 = arith.addf %tanh3A_648, %add3A_654 : vector<1024x128xf32>
    %mul3A_656 = arith.mulf %add3A_655, %mul3A_575 : vector<1024x128xf32>
    %add3A_657 = arith.constant 1.000000e+00 : f32
    %add3A_658 = vector.broadcast %add3A_657 : f32 to vector<1024x128xf32>
    %add3A_659 = arith.addf %tanh3A_646, %add3A_658 : vector<1024x128xf32>
    %mul3A_660 = arith.mulf %add3A_659, %tanh3A_650 : vector<1024x128xf32>
    %add3A_661 = arith.addf %mul3A_656, %mul3A_660 : vector<1024x128xf32>
    %mul3A_662 = arith.constant 5.000000e-01 : f32
    %mul3A_663 = vector.broadcast %mul3A_662 : f32 to vector<1024x128xf32>
    %mul3A_664 = arith.mulf %mul3A_663, %add3A_661 : vector<1024x128xf32>
    %tanh3A_665 = math.tanh %mul3A_664 : vector<1024x128xf32>
    %mul3A_666 = arith.constant 5.000000e-01 : f32
    %mul3A_667 = vector.broadcast %mul3A_666 : f32 to vector<1024x128xf32>
    %mul3A_668 = arith.mulf %mul3A_667, %tanh3A_665 : vector<1024x128xf32>
    %add3A_669 = arith.constant 1.000000e+00 : f32
    %add3A_670 = vector.broadcast %add3A_669 : f32 to vector<1024x128xf32>
    %add3A_671 = arith.addf %tanh3A_652, %add3A_670 : vector<1024x128xf32>
    %mul3A_672 = arith.mulf %mul3A_668, %add3A_671 : vector<1024x128xf32>
    %get3A_673 = arith.constant 0 : index
    %get3A_674 = arith.constant 0 : index
    %get3A_675 = vector.load %arg6[%get3A_673, %get3A_674] : memref<256x512xf32, #tpu.memory_space<vmem>>, vector<256x512xf32>
    %get3A_676 = arith.constant 0 : index
    %get3A_677 = arith.constant 0 : index
    %get3A_678 = vector.load %arg7[%get3A_676, %get3A_677] : memref<1x512xf32, #tpu.memory_space<vmem>>, vector<1x512xf32>
    %concatenate3A_679 = tpu.concatenate %mul3A_672, %mul3A_622 in 1 : vector<1024x128xf32>, vector<1024x128xf32> -> vector<1024x256xf32>
    %dot_general3A_680 = arith.constant dense<0.000000e+00> : vector<1024x512xf32>
    %dot_general3A_681 = tpu.matmul %concatenate3A_679, %get3A_675, %dot_general3A_680 {dimension_numbers = #tpu.dot_dimension_numbers<[1], [0], [0], [1], [0, 0, 1, 1], [], []>, transpose_lhs_hint = false} : vector<1024x256xf32>, vector<256x512xf32>, vector<1024x512xf32> -> vector<1024x512xf32>
    %add3A_682 = vector.broadcast %get3A_678 : vector<1x512xf32> to vector<1024x512xf32>
    %add3A_683 = arith.addf %dot_general3A_681, %add3A_682 : vector<1024x512xf32>
    %slice3A_684 = vector.extract_strided_slice %add3A_683 {offsets = [0, 0], sizes = [1024, 128], strides = [1, 1]} : vector<1024x512xf32> to vector<1024x128xf32>
    %tanh3A_685 = math.tanh %slice3A_684 : vector<1024x128xf32>
    %slice3A_686 = vector.extract_strided_slice %add3A_683 {offsets = [0, 128], sizes = [1024, 128], strides = [1, 1]} : vector<1024x512xf32> to vector<1024x128xf32>
    %tanh3A_687 = math.tanh %slice3A_686 : vector<1024x128xf32>
    %slice3A_688 = vector.extract_strided_slice %add3A_683 {offsets = [0, 256], sizes = [1024, 128], strides = [1, 1]} : vector<1024x512xf32> to vector<1024x128xf32>
    %tanh3A_689 = math.tanh %slice3A_688 : vector<1024x128xf32>
    %slice3A_690 = vector.extract_strided_slice %add3A_683 {offsets = [0, 384], sizes = [1024, 128], strides = [1, 1]} : vector<1024x512xf32> to vector<1024x128xf32>
    %tanh3A_691 = math.tanh %slice3A_690 : vector<1024x128xf32>
    %add3A_692 = arith.constant 1.000000e+00 : f32
    %add3A_693 = vector.broadcast %add3A_692 : f32 to vector<1024x128xf32>
    %add3A_694 = arith.addf %tanh3A_687, %add3A_693 : vector<1024x128xf32>
    %mul3A_695 = arith.mulf %add3A_694, %mul3A_614 : vector<1024x128xf32>
    %add3A_696 = arith.constant 1.000000e+00 : f32
    %add3A_697 = vector.broadcast %add3A_696 : f32 to vector<1024x128xf32>
    %add3A_698 = arith.addf %tanh3A_685, %add3A_697 : vector<1024x128xf32>
    %mul3A_699 = arith.mulf %add3A_698, %tanh3A_689 : vector<1024x128xf32>
    %add3A_700 = arith.addf %mul3A_695, %mul3A_699 : vector<1024x128xf32>
    %mul3A_701 = arith.constant 5.000000e-01 : f32
    %mul3A_702 = vector.broadcast %mul3A_701 : f32 to vector<1024x128xf32>
    %mul3A_703 = arith.mulf %mul3A_702, %add3A_700 : vector<1024x128xf32>
    %tanh3A_704 = math.tanh %mul3A_703 : vector<1024x128xf32>
    %mul3A_705 = arith.constant 5.000000e-01 : f32
    %mul3A_706 = vector.broadcast %mul3A_705 : f32 to vector<1024x128xf32>
    %mul3A_707 = arith.mulf %mul3A_706, %tanh3A_704 : vector<1024x128xf32>
    %add3A_708 = arith.constant 1.000000e+00 : f32
    %add3A_709 = vector.broadcast %add3A_708 : f32 to vector<1024x128xf32>
    %add3A_710 = arith.addf %tanh3A_691, %add3A_709 : vector<1024x128xf32>
    %mul3A_711 = arith.mulf %mul3A_707, %add3A_710 : vector<1024x128xf32>
    %swap3A_712 = arith.constant 0 : index
    %swap3A_713 = arith.constant 7 : index
    %swap3A_714 = arith.constant 0 : index
    %swap3A_715 = vector.load %arg9[%swap3A_712, %swap3A_713, %swap3A_714] : memref<1024x8x128xf32, #tpu.memory_space<vmem>>, vector<1024x1x128xf32>
    %swap3A_716 = vector.shape_cast %swap3A_715 : vector<1024x1x128xf32> to vector<1024x128xf32>
    %swap3A_717 = vector.shape_cast %mul3A_711 : vector<1024x128xf32> to vector<1024x1x128xf32>
    tpu.vector_store %arg9[%swap3A_712, %swap3A_713, %swap3A_714], %swap3A_717 {strides = array<i32>} : memref<1024x8x128xf32, #tpu.memory_space<vmem>>, vector<1024x1x128xf32>,
    %swap3A_718 = arith.constant 0 : index
    %swap3A_719 = arith.constant 0 : index
    %swap3A_720 = vector.load %arg12[%swap3A_718, %swap3A_719] : memref<1024x128xf32, #tpu.memory_space<vmem>>, vector<1024x128xf32>
    tpu.vector_store %arg12[%swap3A_718, %swap3A_719], %mul3A_672 {strides = array<i32>} : memref<1024x128xf32, #tpu.memory_space<vmem>>, vector<1024x128xf32>,
    %swap3A_721 = arith.constant 0 : index
    %swap3A_722 = arith.constant 0 : index
    %swap3A_723 = vector.load %arg13[%swap3A_721, %swap3A_722] : memref<1024x128xf32, #tpu.memory_space<vmem>>, vector<1024x128xf32>
    tpu.vector_store %arg13[%swap3A_721, %swap3A_722], %mul3A_664 {strides = array<i32>} : memref<1024x128xf32, #tpu.memory_space<vmem>>, vector<1024x128xf32>,
    %swap3A_724 = arith.constant 0 : index
    %swap3A_725 = arith.constant 0 : index
    %swap3A_726 = vector.load %arg14[%swap3A_724, %swap3A_725] : memref<1024x128xf32, #tpu.memory_space<vmem>>, vector<1024x128xf32>
    tpu.vector_store %arg14[%swap3A_724, %swap3A_725], %mul3A_711 {strides = array<i32>} : memref<1024x128xf32, #tpu.memory_space<vmem>>, vector<1024x128xf32>,
    %swap3A_727 = arith.constant 0 : index
    %swap3A_728 = arith.constant 0 : index
    %swap3A_729 = vector.load %arg15[%swap3A_727, %swap3A_728] : memref<1024x128xf32, #tpu.memory_space<vmem>>, vector<1024x128xf32>
    tpu.vector_store %arg15[%swap3A_727, %swap3A_728], %mul3A_703 {strides = array<i32>} : memref<1024x128xf32, #tpu.memory_space<vmem>>, vector<1024x128xf32>,
    %eq3A_730 = arith.constant 3 : i32
    %eq3A_731 = arith.cmpi eq, %arg0, %eq3A_730 : i32
    %convert_element_type3A_732 = arith.extui %eq3A_731 : i1 to i32
    %cond3A_733 = arith.constant 0 : i32
    %cond3A_734 = arith.cmpi ne, %convert_element_type3A_732, %cond3A_733 : i32
    scf.if %cond3A_734 {
      %swap3A_735 = arith.constant 0 : index
      %swap3A_736 = arith.constant 0 : index
      %swap3A_737 = arith.constant 0 : index
      %swap3A_738 = vector.load %arg10[%swap3A_735, %swap3A_736, %swap3A_737] : memref<2x1024x128xf32, #tpu.memory_space<vmem>>, vector<1x1024x128xf32>
      %swap3A_739 = vector.shape_cast %swap3A_738 : vector<1x1024x128xf32> to vector<1024x128xf32>
      %swap3A_740 = vector.shape_cast %mul3A_672 : vector<1024x128xf32> to vector<1x1024x128xf32>
      tpu.vector_store %arg10[%swap3A_735, %swap3A_736, %swap3A_737], %swap3A_740 {strides = array<i32>} : memref<2x1024x128xf32, #tpu.memory_space<vmem>>, vector<1x1024x128xf32>,
      %swap3A_741 = arith.constant 1 : index
      %swap3A_742 = arith.constant 0 : index
      %swap3A_743 = arith.constant 0 : index
      %swap3A_744 = vector.load %arg10[%swap3A_741, %swap3A_742, %swap3A_743] : memref<2x1024x128xf32, #tpu.memory_space<vmem>>, vector<1x1024x128xf32>
      %swap3A_745 = vector.shape_cast %swap3A_744 : vector<1x1024x128xf32> to vector<1024x128xf32>
      %swap3A_746 = vector.shape_cast %mul3A_711 : vector<1024x128xf32> to vector<1x1024x128xf32>
      tpu.vector_store %arg10[%swap3A_741, %swap3A_742, %swap3A_743], %swap3A_746 {strides = array<i32>} : memref<2x1024x128xf32, #tpu.memory_space<vmem>>, vector<1x1024x128xf32>,
      %swap3A_747 = arith.constant 0 : index
      %swap3A_748 = arith.constant 0 : index
      %swap3A_749 = arith.constant 0 : index
      %swap3A_750 = vector.load %arg11[%swap3A_747, %swap3A_748, %swap3A_749] : memref<2x1024x128xf32, #tpu.memory_space<vmem>>, vector<1x1024x128xf32>
      %swap3A_751 = vector.shape_cast %swap3A_750 : vector<1x1024x128xf32> to vector<1024x128xf32>
      %swap3A_752 = vector.shape_cast %mul3A_664 : vector<1024x128xf32> to vector<1x1024x128xf32>
      tpu.vector_store %arg11[%swap3A_747, %swap3A_748, %swap3A_749], %swap3A_752 {strides = array<i32>} : memref<2x1024x128xf32, #tpu.memory_space<vmem>>, vector<1x1024x128xf32>,
      %swap3A_753 = arith.constant 1 : index
      %swap3A_754 = arith.constant 0 : index
      %swap3A_755 = arith.constant 0 : index
      %swap3A_756 = vector.load %arg11[%swap3A_753, %swap3A_754, %swap3A_755] : memref<2x1024x128xf32, #tpu.memory_space<vmem>>, vector<1x1024x128xf32>
      %swap3A_757 = vector.shape_cast %swap3A_756 : vector<1x1024x128xf32> to vector<1024x128xf32>
      %swap3A_758 = vector.shape_cast %mul3A_703 : vector<1024x128xf32> to vector<1x1024x128xf32>
      tpu.vector_store %arg11[%swap3A_753, %swap3A_754, %swap3A_755], %swap3A_758 {strides = array<i32>} : memref<2x1024x128xf32, #tpu.memory_space<vmem>>, vector<1x1024x128xf32>,
    } else {
    }
    return
  }
  func.func @transform_0(%arg0: i32) -> (i32, i32, i32) {
    %c0_i32 = arith.constant 0 : i32
    %c0_i32_0 = arith.constant 0 : i32
    %c0_i32_1 = arith.constant 0 : i32
    return %arg0, %c0_i32, %c0_i32_0 : i32, i32, i32
  }
  func.func @transform_1(%arg0: i32) -> (i32, i32, i32) {
    %c0_i32 = arith.constant 0 : i32
    %c0_i32_0 = arith.constant 0 : i32
    %c0_i32_1 = arith.constant 0 : i32
    %c0_i32_2 = arith.constant 0 : i32
    return %c0_i32, %c0_i32_0, %c0_i32_1 : i32, i32, i32
  }
  func.func @transform_2(%arg0: i32) -> (i32, i32, i32) {
    %c0_i32 = arith.constant 0 : i32
    %c0_i32_0 = arith.constant 0 : i32
    %c0_i32_1 = arith.constant 0 : i32
    %c0_i32_2 = arith.constant 0 : i32
    return %c0_i32, %c0_i32_0, %c0_i32_1 : i32, i32, i32
  }
  func.func @transform_3(%arg0: i32) -> (i32, i32) {
    %c0_i32 = arith.constant 0 : i32
    %c0_i32_0 = arith.constant 0 : i32
    %c0_i32_1 = arith.constant 0 : i32
    return %c0_i32, %c0_i32_0 : i32, i32
  }
  func.func @transform_4(%arg0: i32) -> (i32, i32) {
    %c0_i32 = arith.constant 0 : i32
    %c0_i32_0 = arith.constant 0 : i32
    %c0_i32_1 = arith.constant 0 : i32
    return %c0_i32, %c0_i32_0 : i32, i32
  }
  func.func @transform_5(%arg0: i32) -> (i32, i32) {
    %c0_i32 = arith.constant 0 : i32
    %c0_i32_0 = arith.constant 0 : i32
    %c0_i32_1 = arith.constant 0 : i32
    return %c0_i32, %c0_i32_0 : i32, i32
  }
  func.func @transform_6(%arg0: i32) -> (i32, i32) {
    %c0_i32 = arith.constant 0 : i32
    %c0_i32_0 = arith.constant 0 : i32
    %c0_i32_1 = arith.constant 0 : i32
    return %c0_i32, %c0_i32_0 : i32, i32
  }
  func.func @transform_8(%arg0: i32) -> (i32, i32, i32) {
    %add3A = arith.constant 2 : i32
    %add3A_0 = arith.addi %add3A, %arg0 : i32
    %c0_i32 = arith.constant 0 : i32
    %c0_i32_1 = arith.constant 0 : i32
    %c0_i32_2 = arith.constant 0 : i32
    return %c0_i32, %add3A_0, %c0_i32_1 : i32, i32, i32
  }
  func.func @transform_9(%arg0: i32) -> (i32, i32, i32) {
    %c0_i32 = arith.constant 0 : i32
    %c0_i32_0 = arith.constant 0 : i32
    %c0_i32_1 = arith.constant 0 : i32
    %c0_i32_2 = arith.constant 0 : i32
    return %c0_i32, %c0_i32_0, %c0_i32_1 : i32, i32, i32
  }
  func.func @transform_10(%arg0: i32) -> (i32, i32, i32) {
    %c0_i32 = arith.constant 0 : i32
    %c0_i32_0 = arith.constant 0 : i32
    %c0_i32_1 = arith.constant 0 : i32
    %c0_i32_2 = arith.constant 0 : i32
    return %c0_i32, %c0_i32_0, %c0_i32_1 : i32, i32, i32
  }
}

module attributes {stable_mosaic.version = 14 : i64} {
  func.func @body(%arg0: i32, %arg1: memref<8x1024x128xf32, #tpu.memory_space<vmem>>, %arg2: memref<2x1024x128xf32, #tpu.memory_space<vmem>>, %arg3: memref<2x1024x128xf32, #tpu.memory_space<vmem>>, %arg4: memref<256x512xf32, #tpu.memory_space<vmem>>, %arg5: memref<1x512xf32, #tpu.memory_space<vmem>>, %arg6: memref<256x512xf32, #tpu.memory_space<vmem>>, %arg7: memref<1x512xf32, #tpu.memory_space<vmem>>, %arg8: memref<1024x200x128xf32, #tpu.memory_space<any>>, %arg9: memref<1024x8x128xf32, #tpu.memory_space<vmem>>, %arg10: memref<2x1024x128xf32, #tpu.memory_space<vmem>>, %arg11: memref<2x1024x128xf32, #tpu.memory_space<vmem>>, %arg12: memref<1024x128xf32, #tpu.memory_space<vmem>>, %arg13: memref<1024x128xf32, #tpu.memory_space<vmem>>, %arg14: memref<1024x128xf32, #tpu.memory_space<vmem>>, %arg15: memref<1024x128xf32, #tpu.memory_space<vmem>>) attributes {dimension_semantics = [#tpu.dimension_semantics<arbitrary>], iteration_bounds = array<i64: 8>, scalar_prefetch = 0 : i64, scratch_operands = 4 : i64, tpu.core_type = #tpu.core_type<tc>, window_params = [{transform_indices = @transform_0, window_bounds = array<i64: 8, 1024, 128>}, {pipeline_mode = #tpu.pipeline_mode<synchronous>, transform_indices = @transform_1, window_bounds = array<i64: 2, 1024, 128>}, {pipeline_mode = #tpu.pipeline_mode<synchronous>, transform_indices = @transform_2, window_bounds = array<i64: 2, 1024, 128>}, {pipeline_mode = #tpu.pipeline_mode<synchronous>, transform_indices = @transform_3, window_bounds = array<i64: 256, 512>}, {pipeline_mode = #tpu.pipeline_mode<synchronous>, transform_indices = @transform_4, window_bounds = array<i64: 1, 512>}, {pipeline_mode = #tpu.pipeline_mode<synchronous>, transform_indices = @transform_5, window_bounds = array<i64: 256, 512>}, {pipeline_mode = #tpu.pipeline_mode<synchronous>, transform_indices = @transform_6, window_bounds = array<i64: 1, 512>}, {}, {transform_indices = @transform_8, window_bounds = array<i64: 1024, 8, 128>}, {pipeline_mode = #tpu.pipeline_mode<synchronous>, transform_indices = @transform_9, window_bounds = array<i64: 2, 1024, 128>}, {pipeline_mode = #tpu.pipeline_mode<synchronous>, transform_indices = @transform_10, window_bounds = array<i64: 2, 1024, 128>}]} {
    %eq3A = arith.constant 0 : i32
    %eq3A_0 = arith.cmpi eq, %arg0, %eq3A : i32
    %convert_element_type3A = arith.extui %eq3A_0 : i1 to i32
    %cond3A = arith.constant 0 : i32
    %cond3A_1 = arith.cmpi ne, %convert_element_type3A, %cond3A : i32
    scf.if %cond3A_1 {
      %get3A_735 = arith.constant 0 : index
      %get3A_736 = arith.constant 0 : index
      %get3A_737 = arith.constant 0 : index
      %get3A_738 = vector.load %arg2[%get3A_735, %get3A_736, %get3A_737] : memref<2x1024x128xf32, #tpu.memory_space<vmem>>, vector<1x1024x128xf32>
      %get3A_739 = vector.shape_cast %get3A_738 : vector<1x1024x128xf32> to vector<1024x128xf32>
      %swap3A_740 = arith.constant 0 : index
      %swap3A_741 = arith.constant 0 : index
      %swap3A_742 = vector.load %arg12[%swap3A_740, %swap3A_741] : memref<1024x128xf32, #tpu.memory_space<vmem>>, vector<1024x128xf32>
      tpu.vector_store %arg12[%swap3A_740, %swap3A_741], %get3A_739 {strides = array<i32>} : memref<1024x128xf32, #tpu.memory_space<vmem>>, vector<1024x128xf32>,
      %get3A_743 = arith.constant 0 : index
      %get3A_744 = arith.constant 0 : index
      %get3A_745 = arith.constant 0 : index
      %get3A_746 = vector.load %arg3[%get3A_743, %get3A_744, %get3A_745] : memref<2x1024x128xf32, #tpu.memory_space<vmem>>, vector<1x1024x128xf32>
      %get3A_747 = vector.shape_cast %get3A_746 : vector<1x1024x128xf32> to vector<1024x128xf32>
      %swap3A_748 = arith.constant 0 : index
      %swap3A_749 = arith.constant 0 : index
      %swap3A_750 = vector.load %arg13[%swap3A_748, %swap3A_749] : memref<1024x128xf32, #tpu.memory_space<vmem>>, vector<1024x128xf32>
      tpu.vector_store %arg13[%swap3A_748, %swap3A_749], %get3A_747 {strides = array<i32>} : memref<1024x128xf32, #tpu.memory_space<vmem>>, vector<1024x128xf32>,
      %get3A_751 = arith.constant 1 : index
      %get3A_752 = arith.constant 0 : index
      %get3A_753 = arith.constant 0 : index
      %get3A_754 = vector.load %arg2[%get3A_751, %get3A_752, %get3A_753] : memref<2x1024x128xf32, #tpu.memory_space<vmem>>, vector<1x1024x128xf32>
      %get3A_755 = vector.shape_cast %get3A_754 : vector<1x1024x128xf32> to vector<1024x128xf32>
      %swap3A_756 = arith.constant 0 : index
      %swap3A_757 = arith.constant 0 : index
      %swap3A_758 = vector.load %arg14[%swap3A_756, %swap3A_757] : memref<1024x128xf32, #tpu.memory_space<vmem>>, vector<1024x128xf32>
      tpu.vector_store %arg14[%swap3A_756, %swap3A_757], %get3A_755 {strides = array<i32>} : memref<1024x128xf32, #tpu.memory_space<vmem>>, vector<1024x128xf32>,
      %get3A_759 = arith.constant 1 : index
      %get3A_760 = arith.constant 0 : index
      %get3A_761 = arith.constant 0 : index
      %get3A_762 = vector.load %arg3[%get3A_759, %get3A_760, %get3A_761] : memref<2x1024x128xf32, #tpu.memory_space<vmem>>, vector<1x1024x128xf32>
      %get3A_763 = vector.shape_cast %get3A_762 : vector<1x1024x128xf32> to vector<1024x128xf32>
      %swap3A_764 = arith.constant 0 : index
      %swap3A_765 = arith.constant 0 : index
      %swap3A_766 = vector.load %arg15[%swap3A_764, %swap3A_765] : memref<1024x128xf32, #tpu.memory_space<vmem>>, vector<1024x128xf32>
      tpu.vector_store %arg15[%swap3A_764, %swap3A_765], %get3A_763 {strides = array<i32>} : memref<1024x128xf32, #tpu.memory_space<vmem>>, vector<1024x128xf32>,
    } else {
    }
    %get3A = arith.constant 0 : index
    %get3A_2 = arith.constant 0 : index
    %get3A_3 = vector.load %arg12[%get3A, %get3A_2] : memref<1024x128xf32, #tpu.memory_space<vmem>>, vector<1024x128xf32>
    %get3A_4 = arith.constant 0 : index
    %get3A_5 = arith.constant 0 : index
    %get3A_6 = vector.load %arg13[%get3A_4, %get3A_5] : memref<1024x128xf32, #tpu.memory_space<vmem>>, vector<1024x128xf32>
    %get3A_7 = arith.constant 0 : index
    %get3A_8 = arith.constant 0 : index
    %get3A_9 = vector.load %arg14[%get3A_7, %get3A_8] : memref<1024x128xf32, #tpu.memory_space<vmem>>, vector<1024x128xf32>
    %get3A_10 = arith.constant 0 : index
    %get3A_11 = arith.constant 0 : index
    %get3A_12 = vector.load %arg15[%get3A_10, %get3A_11] : memref<1024x128xf32, #tpu.memory_space<vmem>>, vector<1024x128xf32>
    %get3A_13 = arith.constant 0 : index
    %get3A_14 = arith.constant 0 : index
    %get3A_15 = arith.constant 0 : index
    %get3A_16 = vector.load %arg1[%get3A_13, %get3A_14, %get3A_15] : memref<8x1024x128xf32, #tpu.memory_space<vmem>>, vector<1x1024x128xf32>
    %get3A_17 = vector.shape_cast %get3A_16 : vector<1x1024x128xf32> to vector<1024x128xf32>
    %get3A_18 = arith.constant 0 : index
    %get3A_19 = arith.constant 0 : index
    %get3A_20 = vector.load %arg4[%get3A_18, %get3A_19] : memref<256x512xf32, #tpu.memory_space<vmem>>, vector<256x512xf32>
    %get3A_21 = arith.constant 0 : index
    %get3A_22 = arith.constant 0 : index
    %get3A_23 = vector.load %arg5[%get3A_21, %get3A_22] : memref<1x512xf32, #tpu.memory_space<vmem>>, vector<1x512xf32>
    %concatenate3A = tpu.concatenate %get3A_17, %get3A_3 in 1 : vector<1024x128xf32>, vector<1024x128xf32> -> vector<1024x256xf32>
    %dot_general3A = arith.constant dense<0.000000e+00> : vector<1024x512xf32>
    %dot_general3A_24 = tpu.matmul %concatenate3A, %get3A_20, %dot_general3A {dimension_numbers = #tpu.dot_dimension_numbers<[1], [0], [0], [1], [0, 0, 1, 1], [], []>, transpose_lhs_hint = false} : vector<1024x256xf32>, vector<256x512xf32>, vector<1024x512xf32> -> vector<1024x512xf32>
    %add3A = vector.broadcast %get3A_23 : vector<1x512xf32> to vector<1024x512xf32>
    %add3A_25 = arith.addf %dot_general3A_24, %add3A : vector<1024x512xf32>
    %slice3A = vector.extract_strided_slice %add3A_25 {offsets = [0, 0], sizes = [1024, 128], strides = [1, 1]} : vector<1024x512xf32> to vector<1024x128xf32>
    %tanh3A = math.tanh %slice3A : vector<1024x128xf32>
    %slice3A_26 = vector.extract_strided_slice %add3A_25 {offsets = [0, 128], sizes = [1024, 128], strides = [1, 1]} : vector<1024x512xf32> to vector<1024x128xf32>
    %tanh3A_27 = math.tanh %slice3A_26 : vector<1024x128xf32>
    %slice3A_28 = vector.extract_strided_slice %add3A_25 {offsets = [0, 256], sizes = [1024, 128], strides = [1, 1]} : vector<1024x512xf32> to vector<1024x128xf32>
    %tanh3A_29 = math.tanh %slice3A_28 : vector<1024x128xf32>
    %slice3A_30 = vector.extract_strided_slice %add3A_25 {offsets = [0, 384], sizes = [1024, 128], strides = [1, 1]} : vector<1024x512xf32> to vector<1024x128xf32>
    %tanh3A_31 = math.tanh %slice3A_30 : vector<1024x128xf32>
    %add3A_32 = arith.constant 1.000000e+00 : f32
    %add3A_33 = vector.broadcast %add3A_32 : f32 to vector<1024x128xf32>
    %add3A_34 = arith.addf %tanh3A_27, %add3A_33 : vector<1024x128xf32>
    %mul3A = arith.mulf %add3A_34, %get3A_6 : vector<1024x128xf32>
    %add3A_35 = arith.constant 1.000000e+00 : f32
    %add3A_36 = vector.broadcast %add3A_35 : f32 to vector<1024x128xf32>
    %add3A_37 = arith.addf %tanh3A, %add3A_36 : vector<1024x128xf32>
    %mul3A_38 = arith.mulf %add3A_37, %tanh3A_29 : vector<1024x128xf32>
    %add3A_39 = arith.addf %mul3A, %mul3A_38 : vector<1024x128xf32>
    %mul3A_40 = arith.constant 5.000000e-01 : f32
    %mul3A_41 = vector.broadcast %mul3A_40 : f32 to vector<1024x128xf32>
    %mul3A_42 = arith.mulf %mul3A_41, %add3A_39 : vector<1024x128xf32>
    %tanh3A_43 = math.tanh %mul3A_42 : vector<1024x128xf32>
    %mul3A_44 = arith.constant 5.000000e-01 : f32
    %mul3A_45 = vector.broadcast %mul3A_44 : f32 to vector<1024x128xf32>
    %mul3A_46 = arith.mulf %mul3A_45, %tanh3A_43 : vector<1024x128xf32>
    %add3A_47 = arith.constant 1.000000e+00 : f32
    %add3A_48 = vector.broadcast %add3A_47 : f32 to vector<1024x128xf32>
    %add3A_49 = arith.addf %tanh3A_31, %add3A_48 : vector<1024x128xf32>
    %mul3A_50 = arith.mulf %mul3A_46, %add3A_49 : vector<1024x128xf32>
    %get3A_51 = arith.constant 0 : index
    %get3A_52 = arith.constant 0 : index
    %get3A_53 = vector.load %arg6[%get3A_51, %get3A_52] : memref<256x512xf32, #tpu.memory_space<vmem>>, vector<256x512xf32>
    %get3A_54 = arith.constant 0 : index
    %get3A_55 = arith.constant 0 : index
    %get3A_56 = vector.load %arg7[%get3A_54, %get3A_55] : memref<1x512xf32, #tpu.memory_space<vmem>>, vector<1x512xf32>
    %concatenate3A_57 = tpu.concatenate %mul3A_50, %get3A_9 in 1 : vector<1024x128xf32>, vector<1024x128xf32> -> vector<1024x256xf32>
    %dot_general3A_58 = arith.constant dense<0.000000e+00> : vector<1024x512xf32>
    %dot_general3A_59 = tpu.matmul %concatenate3A_57, %get3A_53, %dot_general3A_58 {dimension_numbers = #tpu.dot_dimension_numbers<[1], [0], [0], [1], [0, 0, 1, 1], [], []>, transpose_lhs_hint = false} : vector<1024x256xf32>, vector<256x512xf32>, vector<1024x512xf32> -> vector<1024x512xf32>
    %add3A_60 = vector.broadcast %get3A_56 : vector<1x512xf32> to vector<1024x512xf32>
    %add3A_61 = arith.addf %dot_general3A_59, %add3A_60 : vector<1024x512xf32>
    %slice3A_62 = vector.extract_strided_slice %add3A_61 {offsets = [0, 0], sizes = [1024, 128], strides = [1, 1]} : vector<1024x512xf32> to vector<1024x128xf32>
    %tanh3A_63 = math.tanh %slice3A_62 : vector<1024x128xf32>
    %slice3A_64 = vector.extract_strided_slice %add3A_61 {offsets = [0, 128], sizes = [1024, 128], strides = [1, 1]} : vector<1024x512xf32> to vector<1024x128xf32>
    %tanh3A_65 = math.tanh %slice3A_64 : vector<1024x128xf32>
    %slice3A_66 = vector.extract_strided_slice %add3A_61 {offsets = [0, 256], sizes = [1024, 128], strides = [1, 1]} : vector<1024x512xf32> to vector<1024x128xf32>
    %tanh3A_67 = math.tanh %slice3A_66 : vector<1024x128xf32>
    %slice3A_68 = vector.extract_strided_slice %add3A_61 {offsets = [0, 384], sizes = [1024, 128], strides = [1, 1]} : vector<1024x512xf32> to vector<1024x128xf32>
    %tanh3A_69 = math.tanh %slice3A_68 : vector<1024x128xf32>
    %add3A_70 = arith.constant 1.000000e+00 : f32
    %add3A_71 = vector.broadcast %add3A_70 : f32 to vector<1024x128xf32>
    %add3A_72 = arith.addf %tanh3A_65, %add3A_71 : vector<1024x128xf32>
    %mul3A_73 = arith.mulf %add3A_72, %get3A_12 : vector<1024x128xf32>
    %add3A_74 = arith.constant 1.000000e+00 : f32
    %add3A_75 = vector.broadcast %add3A_74 : f32 to vector<1024x128xf32>
    %add3A_76 = arith.addf %tanh3A_63, %add3A_75 : vector<1024x128xf32>
    %mul3A_77 = arith.mulf %add3A_76, %tanh3A_67 : vector<1024x128xf32>
    %add3A_78 = arith.addf %mul3A_73, %mul3A_77 : vector<1024x128xf32>
    %mul3A_79 = arith.constant 5.000000e-01 : f32
    %mul3A_80 = vector.broadcast %mul3A_79 : f32 to vector<1024x128xf32>
    %mul3A_81 = arith.mulf %mul3A_80, %add3A_78 : vector<1024x128xf32>
    %tanh3A_82 = math.tanh %mul3A_81 : vector<1024x128xf32>
    %mul3A_83 = arith.constant 5.000000e-01 : f32
    %mul3A_84 = vector.broadcast %mul3A_83 : f32 to vector<1024x128xf32>
    %mul3A_85 = arith.mulf %mul3A_84, %tanh3A_82 : vector<1024x128xf32>
    %add3A_86 = arith.constant 1.000000e+00 : f32
    %add3A_87 = vector.broadcast %add3A_86 : f32 to vector<1024x128xf32>
    %add3A_88 = arith.addf %tanh3A_69, %add3A_87 : vector<1024x128xf32>
    %mul3A_89 = arith.mulf %mul3A_85, %add3A_88 : vector<1024x128xf32>
    %swap3A = arith.constant 0 : index
    %swap3A_90 = arith.constant 0 : index
    %swap3A_91 = arith.constant 0 : index
    %swap3A_92 = vector.load %arg9[%swap3A, %swap3A_90, %swap3A_91] : memref<1024x8x128xf32, #tpu.memory_space<vmem>>, vector<1024x1x128xf32>
    %swap3A_93 = vector.shape_cast %swap3A_92 : vector<1024x1x128xf32> to vector<1024x128xf32>
    %swap3A_94 = vector.shape_cast %mul3A_89 : vector<1024x128xf32> to vector<1024x1x128xf32>
    tpu.vector_store %arg9[%swap3A, %swap3A_90, %swap3A_91], %swap3A_94 {strides = array<i32>} : memref<1024x8x128xf32, #tpu.memory_space<vmem>>, vector<1024x1x128xf32>,
    %get3A_95 = arith.constant 1 : index
    %get3A_96 = arith.constant 0 : index
    %get3A_97 = arith.constant 0 : index
    %get3A_98 = vector.load %arg1[%get3A_95, %get3A_96, %get3A_97] : memref<8x1024x128xf32, #tpu.memory_space<vmem>>, vector<1x1024x128xf32>
    %get3A_99 = vector.shape_cast %get3A_98 : vector<1x1024x128xf32> to vector<1024x128xf32>
    %get3A_100 = arith.constant 0 : index
    %get3A_101 = arith.constant 0 : index
    %get3A_102 = vector.load %arg4[%get3A_100, %get3A_101] : memref<256x512xf32, #tpu.memory_space<vmem>>, vector<256x512xf32>
    %get3A_103 = arith.constant 0 : index
    %get3A_104 = arith.constant 0 : index
    %get3A_105 = vector.load %arg5[%get3A_103, %get3A_104] : memref<1x512xf32, #tpu.memory_space<vmem>>, vector<1x512xf32>
    %concatenate3A_106 = tpu.concatenate %get3A_99, %mul3A_50 in 1 : vector<1024x128xf32>, vector<1024x128xf32> -> vector<1024x256xf32>
    %dot_general3A_107 = arith.constant dense<0.000000e+00> : vector<1024x512xf32>
    %dot_general3A_108 = tpu.matmul %concatenate3A_106, %get3A_102, %dot_general3A_107 {dimension_numbers = #tpu.dot_dimension_numbers<[1], [0], [0], [1], [0, 0, 1, 1], [], []>, transpose_lhs_hint = false} : vector<1024x256xf32>, vector<256x512xf32>, vector<1024x512xf32> -> vector<1024x512xf32>
    %add3A_109 = vector.broadcast %get3A_105 : vector<1x512xf32> to vector<1024x512xf32>
    %add3A_110 = arith.addf %dot_general3A_108, %add3A_109 : vector<1024x512xf32>
    %slice3A_111 = vector.extract_strided_slice %add3A_110 {offsets = [0, 0], sizes = [1024, 128], strides = [1, 1]} : vector<1024x512xf32> to vector<1024x128xf32>
    %tanh3A_112 = math.tanh %slice3A_111 : vector<1024x128xf32>
    %slice3A_113 = vector.extract_strided_slice %add3A_110 {offsets = [0, 128], sizes = [1024, 128], strides = [1, 1]} : vector<1024x512xf32> to vector<1024x128xf32>
    %tanh3A_114 = math.tanh %slice3A_113 : vector<1024x128xf32>
    %slice3A_115 = vector.extract_strided_slice %add3A_110 {offsets = [0, 256], sizes = [1024, 128], strides = [1, 1]} : vector<1024x512xf32> to vector<1024x128xf32>
    %tanh3A_116 = math.tanh %slice3A_115 : vector<1024x128xf32>
    %slice3A_117 = vector.extract_strided_slice %add3A_110 {offsets = [0, 384], sizes = [1024, 128], strides = [1, 1]} : vector<1024x512xf32> to vector<1024x128xf32>
    %tanh3A_118 = math.tanh %slice3A_117 : vector<1024x128xf32>
    %add3A_119 = arith.constant 1.000000e+00 : f32
    %add3A_120 = vector.broadcast %add3A_119 : f32 to vector<1024x128xf32>
    %add3A_121 = arith.addf %tanh3A_114, %add3A_120 : vector<1024x128xf32>
    %mul3A_122 = arith.mulf %add3A_121, %mul3A_42 : vector<1024x128xf32>
    %add3A_123 = arith.constant 1.000000e+00 : f32
    %add3A_124 = vector.broadcast %add3A_123 : f32 to vector<1024x128xf32>
    %add3A_125 = arith.addf %tanh3A_112, %add3A_124 : vector<1024x128xf32>
    %mul3A_126 = arith.mulf %add3A_125, %tanh3A_116 : vector<1024x128xf32>
    %add3A_127 = arith.addf %mul3A_122, %mul3A_126 : vector<1024x128xf32>
    %mul3A_128 = arith.constant 5.000000e-01 : f32
    %mul3A_129 = vector.broadcast %mul3A_128 : f32 to vector<1024x128xf32>
    %mul3A_130 = arith.mulf %mul3A_129, %add3A_127 : vector<1024x128xf32>
    %tanh3A_131 = math.tanh %mul3A_130 : vector<1024x128xf32>
    %mul3A_132 = arith.constant 5.000000e-01 : f32
    %mul3A_133 = vector.broadcast %mul3A_132 : f32 to vector<1024x128xf32>
    %mul3A_134 = arith.mulf %mul3A_133, %tanh3A_131 : vector<1024x128xf32>
    %add3A_135 = arith.constant 1.000000e+00 : f32
    %add3A_136 = vector.broadcast %add3A_135 : f32 to vector<1024x128xf32>
    %add3A_137 = arith.addf %tanh3A_118, %add3A_136 : vector<1024x128xf32>
    %mul3A_138 = arith.mulf %mul3A_134, %add3A_137 : vector<1024x128xf32>
    %get3A_139 = arith.constant 0 : index
    %get3A_140 = arith.constant 0 : index
    %get3A_141 = vector.load %arg6[%get3A_139, %get3A_140] : memref<256x512xf32, #tpu.memory_space<vmem>>, vector<256x512xf32>
    %get3A_142 = arith.constant 0 : index
    %get3A_143 = arith.constant 0 : index
    %get3A_144 = vector.load %arg7[%get3A_142, %get3A_143] : memref<1x512xf32, #tpu.memory_space<vmem>>, vector<1x512xf32>
    %concatenate3A_145 = tpu.concatenate %mul3A_138, %mul3A_89 in 1 : vector<1024x128xf32>, vector<1024x128xf32> -> vector<1024x256xf32>
    %dot_general3A_146 = arith.constant dense<0.000000e+00> : vector<1024x512xf32>
    %dot_general3A_147 = tpu.matmul %concatenate3A_145, %get3A_141, %dot_general3A_146 {dimension_numbers = #tpu.dot_dimension_numbers<[1], [0], [0], [1], [0, 0, 1, 1], [], []>, transpose_lhs_hint = false} : vector<1024x256xf32>, vector<256x512xf32>, vector<1024x512xf32> -> vector<1024x512xf32>
    %add3A_148 = vector.broadcast %get3A_144 : vector<1x512xf32> to vector<1024x512xf32>
    %add3A_149 = arith.addf %dot_general3A_147, %add3A_148 : vector<1024x512xf32>
    %slice3A_150 = vector.extract_strided_slice %add3A_149 {offsets = [0, 0], sizes = [1024, 128], strides = [1, 1]} : vector<1024x512xf32> to vector<1024x128xf32>
    %tanh3A_151 = math.tanh %slice3A_150 : vector<1024x128xf32>
    %slice3A_152 = vector.extract_strided_slice %add3A_149 {offsets = [0, 128], sizes = [1024, 128], strides = [1, 1]} : vector<1024x512xf32> to vector<1024x128xf32>
    %tanh3A_153 = math.tanh %slice3A_152 : vector<1024x128xf32>
    %slice3A_154 = vector.extract_strided_slice %add3A_149 {offsets = [0, 256], sizes = [1024, 128], strides = [1, 1]} : vector<1024x512xf32> to vector<1024x128xf32>
    %tanh3A_155 = math.tanh %slice3A_154 : vector<1024x128xf32>
    %slice3A_156 = vector.extract_strided_slice %add3A_149 {offsets = [0, 384], sizes = [1024, 128], strides = [1, 1]} : vector<1024x512xf32> to vector<1024x128xf32>
    %tanh3A_157 = math.tanh %slice3A_156 : vector<1024x128xf32>
    %add3A_158 = arith.constant 1.000000e+00 : f32
    %add3A_159 = vector.broadcast %add3A_158 : f32 to vector<1024x128xf32>
    %add3A_160 = arith.addf %tanh3A_153, %add3A_159 : vector<1024x128xf32>
    %mul3A_161 = arith.mulf %add3A_160, %mul3A_81 : vector<1024x128xf32>
    %add3A_162 = arith.constant 1.000000e+00 : f32
    %add3A_163 = vector.broadcast %add3A_162 : f32 to vector<1024x128xf32>
    %add3A_164 = arith.addf %tanh3A_151, %add3A_163 : vector<1024x128xf32>
    %mul3A_165 = arith.mulf %add3A_164, %tanh3A_155 : vector<1024x128xf32>
    %add3A_166 = arith.addf %mul3A_161, %mul3A_165 : vector<1024x128xf32>
    %mul3A_167 = arith.constant 5.000000e-01 : f32
    %mul3A_168 = vector.broadcast %mul3A_167 : f32 to vector<1024x128xf32>
    %mul3A_169 = arith.mulf %mul3A_168, %add3A_166 : vector<1024x128xf32>
    %tanh3A_170 = math.tanh %mul3A_169 : vector<1024x128xf32>
    %mul3A_171 = arith.constant 5.000000e-01 : f32
    %mul3A_172 = vector.broadcast %mul3A_171 : f32 to vector<1024x128xf32>
    %mul3A_173 = arith.mulf %mul3A_172, %tanh3A_170 : vector<1024x128xf32>
    %add3A_174 = arith.constant 1.000000e+00 : f32
    %add3A_175 = vector.broadcast %add3A_174 : f32 to vector<1024x128xf32>
    %add3A_176 = arith.addf %tanh3A_157, %add3A_175 : vector<1024x128xf32>
    %mul3A_177 = arith.mulf %mul3A_173, %add3A_176 : vector<1024x128xf32>
    %swap3A_178 = arith.constant 0 : index
    %swap3A_179 = arith.constant 1 : index
    %swap3A_180 = arith.constant 0 : index
    %swap3A_181 = vector.load %arg9[%swap3A_178, %swap3A_179, %swap3A_180] : memref<1024x8x128xf32, #tpu.memory_space<vmem>>, vector<1024x1x128xf32>
    %swap3A_182 = vector.shape_cast %swap3A_181 : vector<1024x1x128xf32> to vector<1024x128xf32>
    %swap3A_183 = vector.shape_cast %mul3A_177 : vector<1024x128xf32> to vector<1024x1x128xf32>
    tpu.vector_store %arg9[%swap3A_178, %swap3A_179, %swap3A_180], %swap3A_183 {strides = array<i32>} : memref<1024x8x128xf32, #tpu.memory_space<vmem>>, vector<1024x1x128xf32>,
    %get3A_184 = arith.constant 2 : index
    %get3A_185 = arith.constant 0 : index
    %get3A_186 = arith.constant 0 : index
    %get3A_187 = vector.load %arg1[%get3A_184, %get3A_185, %get3A_186] : memref<8x1024x128xf32, #tpu.memory_space<vmem>>, vector<1x1024x128xf32>
    %get3A_188 = vector.shape_cast %get3A_187 : vector<1x1024x128xf32> to vector<1024x128xf32>
    %get3A_189 = arith.constant 0 : index
    %get3A_190 = arith.constant 0 : index
    %get3A_191 = vector.load %arg4[%get3A_189, %get3A_190] : memref<256x512xf32, #tpu.memory_space<vmem>>, vector<256x512xf32>
    %get3A_192 = arith.constant 0 : index
    %get3A_193 = arith.constant 0 : index
    %get3A_194 = vector.load %arg5[%get3A_192, %get3A_193] : memref<1x512xf32, #tpu.memory_space<vmem>>, vector<1x512xf32>
    %concatenate3A_195 = tpu.concatenate %get3A_188, %mul3A_138 in 1 : vector<1024x128xf32>, vector<1024x128xf32> -> vector<1024x256xf32>
    %dot_general3A_196 = arith.constant dense<0.000000e+00> : vector<1024x512xf32>
    %dot_general3A_197 = tpu.matmul %concatenate3A_195, %get3A_191, %dot_general3A_196 {dimension_numbers = #tpu.dot_dimension_numbers<[1], [0], [0], [1], [0, 0, 1, 1], [], []>, transpose_lhs_hint = false} : vector<1024x256xf32>, vector<256x512xf32>, vector<1024x512xf32> -> vector<1024x512xf32>
    %add3A_198 = vector.broadcast %get3A_194 : vector<1x512xf32> to vector<1024x512xf32>
    %add3A_199 = arith.addf %dot_general3A_197, %add3A_198 : vector<1024x512xf32>
    %slice3A_200 = vector.extract_strided_slice %add3A_199 {offsets = [0, 0], sizes = [1024, 128], strides = [1, 1]} : vector<1024x512xf32> to vector<1024x128xf32>
    %tanh3A_201 = math.tanh %slice3A_200 : vector<1024x128xf32>
    %slice3A_202 = vector.extract_strided_slice %add3A_199 {offsets = [0, 128], sizes = [1024, 128], strides = [1, 1]} : vector<1024x512xf32> to vector<1024x128xf32>
    %tanh3A_203 = math.tanh %slice3A_202 : vector<1024x128xf32>
    %slice3A_204 = vector.extract_strided_slice %add3A_199 {offsets = [0, 256], sizes = [1024, 128], strides = [1, 1]} : vector<1024x512xf32> to vector<1024x128xf32>
    %tanh3A_205 = math.tanh %slice3A_204 : vector<1024x128xf32>
    %slice3A_206 = vector.extract_strided_slice %add3A_199 {offsets = [0, 384], sizes = [1024, 128], strides = [1, 1]} : vector<1024x512xf32> to vector<1024x128xf32>
    %tanh3A_207 = math.tanh %slice3A_206 : vector<1024x128xf32>
    %add3A_208 = arith.constant 1.000000e+00 : f32
    %add3A_209 = vector.broadcast %add3A_208 : f32 to vector<1024x128xf32>
    %add3A_210 = arith.addf %tanh3A_203, %add3A_209 : vector<1024x128xf32>
    %mul3A_211 = arith.mulf %add3A_210, %mul3A_130 : vector<1024x128xf32>
    %add3A_212 = arith.constant 1.000000e+00 : f32
    %add3A_213 = vector.broadcast %add3A_212 : f32 to vector<1024x128xf32>
    %add3A_214 = arith.addf %tanh3A_201, %add3A_213 : vector<1024x128xf32>
    %mul3A_215 = arith.mulf %add3A_214, %tanh3A_205 : vector<1024x128xf32>
    %add3A_216 = arith.addf %mul3A_211, %mul3A_215 : vector<1024x128xf32>
    %mul3A_217 = arith.constant 5.000000e-01 : f32
    %mul3A_218 = vector.broadcast %mul3A_217 : f32 to vector<1024x128xf32>
    %mul3A_219 = arith.mulf %mul3A_218, %add3A_216 : vector<1024x128xf32>
    %tanh3A_220 = math.tanh %mul3A_219 : vector<1024x128xf32>
    %mul3A_221 = arith.constant 5.000000e-01 : f32
    %mul3A_222 = vector.broadcast %mul3A_221 : f32 to vector<1024x128xf32>
    %mul3A_223 = arith.mulf %mul3A_222, %tanh3A_220 : vector<1024x128xf32>
    %add3A_224 = arith.constant 1.000000e+00 : f32
    %add3A_225 = vector.broadcast %add3A_224 : f32 to vector<1024x128xf32>
    %add3A_226 = arith.addf %tanh3A_207, %add3A_225 : vector<1024x128xf32>
    %mul3A_227 = arith.mulf %mul3A_223, %add3A_226 : vector<1024x128xf32>
    %get3A_228 = arith.constant 0 : index
    %get3A_229 = arith.constant 0 : index
    %get3A_230 = vector.load %arg6[%get3A_228, %get3A_229] : memref<256x512xf32, #tpu.memory_space<vmem>>, vector<256x512xf32>
    %get3A_231 = arith.constant 0 : index
    %get3A_232 = arith.constant 0 : index
    %get3A_233 = vector.load %arg7[%get3A_231, %get3A_232] : memref<1x512xf32, #tpu.memory_space<vmem>>, vector<1x512xf32>
    %concatenate3A_234 = tpu.concatenate %mul3A_227, %mul3A_177 in 1 : vector<1024x128xf32>, vector<1024x128xf32> -> vector<1024x256xf32>
    %dot_general3A_235 = arith.constant dense<0.000000e+00> : vector<1024x512xf32>
    %dot_general3A_236 = tpu.matmul %concatenate3A_234, %get3A_230, %dot_general3A_235 {dimension_numbers = #tpu.dot_dimension_numbers<[1], [0], [0], [1], [0, 0, 1, 1], [], []>, transpose_lhs_hint = false} : vector<1024x256xf32>, vector<256x512xf32>, vector<1024x512xf32> -> vector<1024x512xf32>
    %add3A_237 = vector.broadcast %get3A_233 : vector<1x512xf32> to vector<1024x512xf32>
    %add3A_238 = arith.addf %dot_general3A_236, %add3A_237 : vector<1024x512xf32>
    %slice3A_239 = vector.extract_strided_slice %add3A_238 {offsets = [0, 0], sizes = [1024, 128], strides = [1, 1]} : vector<1024x512xf32> to vector<1024x128xf32>
    %tanh3A_240 = math.tanh %slice3A_239 : vector<1024x128xf32>
    %slice3A_241 = vector.extract_strided_slice %add3A_238 {offsets = [0, 128], sizes = [1024, 128], strides = [1, 1]} : vector<1024x512xf32> to vector<1024x128xf32>
    %tanh3A_242 = math.tanh %slice3A_241 : vector<1024x128xf32>
    %slice3A_243 = vector.extract_strided_slice %add3A_238 {offsets = [0, 256], sizes = [1024, 128], strides = [1, 1]} : vector<1024x512xf32> to vector<1024x128xf32>
    %tanh3A_244 = math.tanh %slice3A_243 : vector<1024x128xf32>
    %slice3A_245 = vector.extract_strided_slice %add3A_238 {offsets = [0, 384], sizes = [1024, 128], strides = [1, 1]} : vector<1024x512xf32> to vector<1024x128xf32>
    %tanh3A_246 = math.tanh %slice3A_245 : vector<1024x128xf32>
    %add3A_247 = arith.constant 1.000000e+00 : f32
    %add3A_248 = vector.broadcast %add3A_247 : f32 to vector<1024x128xf32>
    %add3A_249 = arith.addf %tanh3A_242, %add3A_248 : vector<1024x128xf32>
    %mul3A_250 = arith.mulf %add3A_249, %mul3A_169 : vector<1024x128xf32>
    %add3A_251 = arith.constant 1.000000e+00 : f32
    %add3A_252 = vector.broadcast %add3A_251 : f32 to vector<1024x128xf32>
    %add3A_253 = arith.addf %tanh3A_240, %add3A_252 : vector<1024x128xf32>
    %mul3A_254 = arith.mulf %add3A_253, %tanh3A_244 : vector<1024x128xf32>
    %add3A_255 = arith.addf %mul3A_250, %mul3A_254 : vector<1024x128xf32>
    %mul3A_256 = arith.constant 5.000000e-01 : f32
    %mul3A_257 = vector.broadcast %mul3A_256 : f32 to vector<1024x128xf32>
    %mul3A_258 = arith.mulf %mul3A_257, %add3A_255 : vector<1024x128xf32>
    %tanh3A_259 = math.tanh %mul3A_258 : vector<1024x128xf32>
    %mul3A_260 = arith.constant 5.000000e-01 : f32
    %mul3A_261 = vector.broadcast %mul3A_260 : f32 to vector<1024x128xf32>
    %mul3A_262 = arith.mulf %mul3A_261, %tanh3A_259 : vector<1024x128xf32>
    %add3A_263 = arith.constant 1.000000e+00 : f32
    %add3A_264 = vector.broadcast %add3A_263 : f32 to vector<1024x128xf32>
    %add3A_265 = arith.addf %tanh3A_246, %add3A_264 : vector<1024x128xf32>
    %mul3A_266 = arith.mulf %mul3A_262, %add3A_265 : vector<1024x128xf32>
    %swap3A_267 = arith.constant 0 : index
    %swap3A_268 = arith.constant 2 : index
    %swap3A_269 = arith.constant 0 : index
    %swap3A_270 = vector.load %arg9[%swap3A_267, %swap3A_268, %swap3A_269] : memref<1024x8x128xf32, #tpu.memory_space<vmem>>, vector<1024x1x128xf32>
    %swap3A_271 = vector.shape_cast %swap3A_270 : vector<1024x1x128xf32> to vector<1024x128xf32>
    %swap3A_272 = vector.shape_cast %mul3A_266 : vector<1024x128xf32> to vector<1024x1x128xf32>
    tpu.vector_store %arg9[%swap3A_267, %swap3A_268, %swap3A_269], %swap3A_272 {strides = array<i32>} : memref<1024x8x128xf32, #tpu.memory_space<vmem>>, vector<1024x1x128xf32>,
    %get3A_273 = arith.constant 3 : index
    %get3A_274 = arith.constant 0 : index
    %get3A_275 = arith.constant 0 : index
    %get3A_276 = vector.load %arg1[%get3A_273, %get3A_274, %get3A_275] : memref<8x1024x128xf32, #tpu.memory_space<vmem>>, vector<1x1024x128xf32>
    %get3A_277 = vector.shape_cast %get3A_276 : vector<1x1024x128xf32> to vector<1024x128xf32>
    %get3A_278 = arith.constant 0 : index
    %get3A_279 = arith.constant 0 : index
    %get3A_280 = vector.load %arg4[%get3A_278, %get3A_279] : memref<256x512xf32, #tpu.memory_space<vmem>>, vector<256x512xf32>
    %get3A_281 = arith.constant 0 : index
    %get3A_282 = arith.constant 0 : index
    %get3A_283 = vector.load %arg5[%get3A_281, %get3A_282] : memref<1x512xf32, #tpu.memory_space<vmem>>, vector<1x512xf32>
    %concatenate3A_284 = tpu.concatenate %get3A_277, %mul3A_227 in 1 : vector<1024x128xf32>, vector<1024x128xf32> -> vector<1024x256xf32>
    %dot_general3A_285 = arith.constant dense<0.000000e+00> : vector<1024x512xf32>
    %dot_general3A_286 = tpu.matmul %concatenate3A_284, %get3A_280, %dot_general3A_285 {dimension_numbers = #tpu.dot_dimension_numbers<[1], [0], [0], [1], [0, 0, 1, 1], [], []>, transpose_lhs_hint = false} : vector<1024x256xf32>, vector<256x512xf32>, vector<1024x512xf32> -> vector<1024x512xf32>
    %add3A_287 = vector.broadcast %get3A_283 : vector<1x512xf32> to vector<1024x512xf32>
    %add3A_288 = arith.addf %dot_general3A_286, %add3A_287 : vector<1024x512xf32>
    %slice3A_289 = vector.extract_strided_slice %add3A_288 {offsets = [0, 0], sizes = [1024, 128], strides = [1, 1]} : vector<1024x512xf32> to vector<1024x128xf32>
    %tanh3A_290 = math.tanh %slice3A_289 : vector<1024x128xf32>
    %slice3A_291 = vector.extract_strided_slice %add3A_288 {offsets = [0, 128], sizes = [1024, 128], strides = [1, 1]} : vector<1024x512xf32> to vector<1024x128xf32>
    %tanh3A_292 = math.tanh %slice3A_291 : vector<1024x128xf32>
    %slice3A_293 = vector.extract_strided_slice %add3A_288 {offsets = [0, 256], sizes = [1024, 128], strides = [1, 1]} : vector<1024x512xf32> to vector<1024x128xf32>
    %tanh3A_294 = math.tanh %slice3A_293 : vector<1024x128xf32>
    %slice3A_295 = vector.extract_strided_slice %add3A_288 {offsets = [0, 384], sizes = [1024, 128], strides = [1, 1]} : vector<1024x512xf32> to vector<1024x128xf32>
    %tanh3A_296 = math.tanh %slice3A_295 : vector<1024x128xf32>
    %add3A_297 = arith.constant 1.000000e+00 : f32
    %add3A_298 = vector.broadcast %add3A_297 : f32 to vector<1024x128xf32>
    %add3A_299 = arith.addf %tanh3A_292, %add3A_298 : vector<1024x128xf32>
    %mul3A_300 = arith.mulf %add3A_299, %mul3A_219 : vector<1024x128xf32>
    %add3A_301 = arith.constant 1.000000e+00 : f32
    %add3A_302 = vector.broadcast %add3A_301 : f32 to vector<1024x128xf32>
    %add3A_303 = arith.addf %tanh3A_290, %add3A_302 : vector<1024x128xf32>
    %mul3A_304 = arith.mulf %add3A_303, %tanh3A_294 : vector<1024x128xf32>
    %add3A_305 = arith.addf %mul3A_300, %mul3A_304 : vector<1024x128xf32>
    %mul3A_306 = arith.constant 5.000000e-01 : f32
    %mul3A_307 = vector.broadcast %mul3A_306 : f32 to vector<1024x128xf32>
    %mul3A_308 = arith.mulf %mul3A_307, %add3A_305 : vector<1024x128xf32>
    %tanh3A_309 = math.tanh %mul3A_308 : vector<1024x128xf32>
    %mul3A_310 = arith.constant 5.000000e-01 : f32
    %mul3A_311 = vector.broadcast %mul3A_310 : f32 to vector<1024x128xf32>
    %mul3A_312 = arith.mulf %mul3A_311, %tanh3A_309 : vector<1024x128xf32>
    %add3A_313 = arith.constant 1.000000e+00 : f32
    %add3A_314 = vector.broadcast %add3A_313 : f32 to vector<1024x128xf32>
    %add3A_315 = arith.addf %tanh3A_296, %add3A_314 : vector<1024x128xf32>
    %mul3A_316 = arith.mulf %mul3A_312, %add3A_315 : vector<1024x128xf32>
    %get3A_317 = arith.constant 0 : index
    %get3A_318 = arith.constant 0 : index
    %get3A_319 = vector.load %arg6[%get3A_317, %get3A_318] : memref<256x512xf32, #tpu.memory_space<vmem>>, vector<256x512xf32>
    %get3A_320 = arith.constant 0 : index
    %get3A_321 = arith.constant 0 : index
    %get3A_322 = vector.load %arg7[%get3A_320, %get3A_321] : memref<1x512xf32, #tpu.memory_space<vmem>>, vector<1x512xf32>
    %concatenate3A_323 = tpu.concatenate %mul3A_316, %mul3A_266 in 1 : vector<1024x128xf32>, vector<1024x128xf32> -> vector<1024x256xf32>
    %dot_general3A_324 = arith.constant dense<0.000000e+00> : vector<1024x512xf32>
    %dot_general3A_325 = tpu.matmul %concatenate3A_323, %get3A_319, %dot_general3A_324 {dimension_numbers = #tpu.dot_dimension_numbers<[1], [0], [0], [1], [0, 0, 1, 1], [], []>, transpose_lhs_hint = false} : vector<1024x256xf32>, vector<256x512xf32>, vector<1024x512xf32> -> vector<1024x512xf32>
    %add3A_326 = vector.broadcast %get3A_322 : vector<1x512xf32> to vector<1024x512xf32>
    %add3A_327 = arith.addf %dot_general3A_325, %add3A_326 : vector<1024x512xf32>
    %slice3A_328 = vector.extract_strided_slice %add3A_327 {offsets = [0, 0], sizes = [1024, 128], strides = [1, 1]} : vector<1024x512xf32> to vector<1024x128xf32>
    %tanh3A_329 = math.tanh %slice3A_328 : vector<1024x128xf32>
    %slice3A_330 = vector.extract_strided_slice %add3A_327 {offsets = [0, 128], sizes = [1024, 128], strides = [1, 1]} : vector<1024x512xf32> to vector<1024x128xf32>
    %tanh3A_331 = math.tanh %slice3A_330 : vector<1024x128xf32>
    %slice3A_332 = vector.extract_strided_slice %add3A_327 {offsets = [0, 256], sizes = [1024, 128], strides = [1, 1]} : vector<1024x512xf32> to vector<1024x128xf32>
    %tanh3A_333 = math.tanh %slice3A_332 : vector<1024x128xf32>
    %slice3A_334 = vector.extract_strided_slice %add3A_327 {offsets = [0, 384], sizes = [1024, 128], strides = [1, 1]} : vector<1024x512xf32> to vector<1024x128xf32>
    %tanh3A_335 = math.tanh %slice3A_334 : vector<1024x128xf32>
    %add3A_336 = arith.constant 1.000000e+00 : f32
    %add3A_337 = vector.broadcast %add3A_336 : f32 to vector<1024x128xf32>
    %add3A_338 = arith.addf %tanh3A_331, %add3A_337 : vector<1024x128xf32>
    %mul3A_339 = arith.mulf %add3A_338, %mul3A_258 : vector<1024x128xf32>
    %add3A_340 = arith.constant 1.000000e+00 : f32
    %add3A_341 = vector.broadcast %add3A_340 : f32 to vector<1024x128xf32>
    %add3A_342 = arith.addf %tanh3A_329, %add3A_341 : vector<1024x128xf32>
    %mul3A_343 = arith.mulf %add3A_342, %tanh3A_333 : vector<1024x128xf32>
    %add3A_344 = arith.addf %mul3A_339, %mul3A_343 : vector<1024x128xf32>
    %mul3A_345 = arith.constant 5.000000e-01 : f32
    %mul3A_346 = vector.broadcast %mul3A_345 : f32 to vector<1024x128xf32>
    %mul3A_347 = arith.mulf %mul3A_346, %add3A_344 : vector<1024x128xf32>
    %tanh3A_348 = math.tanh %mul3A_347 : vector<1024x128xf32>
    %mul3A_349 = arith.constant 5.000000e-01 : f32
    %mul3A_350 = vector.broadcast %mul3A_349 : f32 to vector<1024x128xf32>
    %mul3A_351 = arith.mulf %mul3A_350, %tanh3A_348 : vector<1024x128xf32>
    %add3A_352 = arith.constant 1.000000e+00 : f32
    %add3A_353 = vector.broadcast %add3A_352 : f32 to vector<1024x128xf32>
    %add3A_354 = arith.addf %tanh3A_335, %add3A_353 : vector<1024x128xf32>
    %mul3A_355 = arith.mulf %mul3A_351, %add3A_354 : vector<1024x128xf32>
    %swap3A_356 = arith.constant 0 : index
    %swap3A_357 = arith.constant 3 : index
    %swap3A_358 = arith.constant 0 : index
    %swap3A_359 = vector.load %arg9[%swap3A_356, %swap3A_357, %swap3A_358] : memref<1024x8x128xf32, #tpu.memory_space<vmem>>, vector<1024x1x128xf32>
    %swap3A_360 = vector.shape_cast %swap3A_359 : vector<1024x1x128xf32> to vector<1024x128xf32>
    %swap3A_361 = vector.shape_cast %mul3A_355 : vector<1024x128xf32> to vector<1024x1x128xf32>
    tpu.vector_store %arg9[%swap3A_356, %swap3A_357, %swap3A_358], %swap3A_361 {strides = array<i32>} : memref<1024x8x128xf32, #tpu.memory_space<vmem>>, vector<1024x1x128xf32>,
    %get3A_362 = arith.constant 4 : index
    %get3A_363 = arith.constant 0 : index
    %get3A_364 = arith.constant 0 : index
    %get3A_365 = vector.load %arg1[%get3A_362, %get3A_363, %get3A_364] : memref<8x1024x128xf32, #tpu.memory_space<vmem>>, vector<1x1024x128xf32>
    %get3A_366 = vector.shape_cast %get3A_365 : vector<1x1024x128xf32> to vector<1024x128xf32>
    %get3A_367 = arith.constant 0 : index
    %get3A_368 = arith.constant 0 : index
    %get3A_369 = vector.load %arg4[%get3A_367, %get3A_368] : memref<256x512xf32, #tpu.memory_space<vmem>>, vector<256x512xf32>
    %get3A_370 = arith.constant 0 : index
    %get3A_371 = arith.constant 0 : index
    %get3A_372 = vector.load %arg5[%get3A_370, %get3A_371] : memref<1x512xf32, #tpu.memory_space<vmem>>, vector<1x512xf32>
    %concatenate3A_373 = tpu.concatenate %get3A_366, %mul3A_316 in 1 : vector<1024x128xf32>, vector<1024x128xf32> -> vector<1024x256xf32>
    %dot_general3A_374 = arith.constant dense<0.000000e+00> : vector<1024x512xf32>
    %dot_general3A_375 = tpu.matmul %concatenate3A_373, %get3A_369, %dot_general3A_374 {dimension_numbers = #tpu.dot_dimension_numbers<[1], [0], [0], [1], [0, 0, 1, 1], [], []>, transpose_lhs_hint = false} : vector<1024x256xf32>, vector<256x512xf32>, vector<1024x512xf32> -> vector<1024x512xf32>
    %add3A_376 = vector.broadcast %get3A_372 : vector<1x512xf32> to vector<1024x512xf32>
    %add3A_377 = arith.addf %dot_general3A_375, %add3A_376 : vector<1024x512xf32>
    %slice3A_378 = vector.extract_strided_slice %add3A_377 {offsets = [0, 0], sizes = [1024, 128], strides = [1, 1]} : vector<1024x512xf32> to vector<1024x128xf32>
    %tanh3A_379 = math.tanh %slice3A_378 : vector<1024x128xf32>
    %slice3A_380 = vector.extract_strided_slice %add3A_377 {offsets = [0, 128], sizes = [1024, 128], strides = [1, 1]} : vector<1024x512xf32> to vector<1024x128xf32>
    %tanh3A_381 = math.tanh %slice3A_380 : vector<1024x128xf32>
    %slice3A_382 = vector.extract_strided_slice %add3A_377 {offsets = [0, 256], sizes = [1024, 128], strides = [1, 1]} : vector<1024x512xf32> to vector<1024x128xf32>
    %tanh3A_383 = math.tanh %slice3A_382 : vector<1024x128xf32>
    %slice3A_384 = vector.extract_strided_slice %add3A_377 {offsets = [0, 384], sizes = [1024, 128], strides = [1, 1]} : vector<1024x512xf32> to vector<1024x128xf32>
    %tanh3A_385 = math.tanh %slice3A_384 : vector<1024x128xf32>
    %add3A_386 = arith.constant 1.000000e+00 : f32
    %add3A_387 = vector.broadcast %add3A_386 : f32 to vector<1024x128xf32>
    %add3A_388 = arith.addf %tanh3A_381, %add3A_387 : vector<1024x128xf32>
    %mul3A_389 = arith.mulf %add3A_388, %mul3A_308 : vector<1024x128xf32>
    %add3A_390 = arith.constant 1.000000e+00 : f32
    %add3A_391 = vector.broadcast %add3A_390 : f32 to vector<1024x128xf32>
    %add3A_392 = arith.addf %tanh3A_379, %add3A_391 : vector<1024x128xf32>
    %mul3A_393 = arith.mulf %add3A_392, %tanh3A_383 : vector<1024x128xf32>
    %add3A_394 = arith.addf %mul3A_389, %mul3A_393 : vector<1024x128xf32>
    %mul3A_395 = arith.constant 5.000000e-01 : f32
    %mul3A_396 = vector.broadcast %mul3A_395 : f32 to vector<1024x128xf32>
    %mul3A_397 = arith.mulf %mul3A_396, %add3A_394 : vector<1024x128xf32>
    %tanh3A_398 = math.tanh %mul3A_397 : vector<1024x128xf32>
    %mul3A_399 = arith.constant 5.000000e-01 : f32
    %mul3A_400 = vector.broadcast %mul3A_399 : f32 to vector<1024x128xf32>
    %mul3A_401 = arith.mulf %mul3A_400, %tanh3A_398 : vector<1024x128xf32>
    %add3A_402 = arith.constant 1.000000e+00 : f32
    %add3A_403 = vector.broadcast %add3A_402 : f32 to vector<1024x128xf32>
    %add3A_404 = arith.addf %tanh3A_385, %add3A_403 : vector<1024x128xf32>
    %mul3A_405 = arith.mulf %mul3A_401, %add3A_404 : vector<1024x128xf32>
    %get3A_406 = arith.constant 0 : index
    %get3A_407 = arith.constant 0 : index
    %get3A_408 = vector.load %arg6[%get3A_406, %get3A_407] : memref<256x512xf32, #tpu.memory_space<vmem>>, vector<256x512xf32>
    %get3A_409 = arith.constant 0 : index
    %get3A_410 = arith.constant 0 : index
    %get3A_411 = vector.load %arg7[%get3A_409, %get3A_410] : memref<1x512xf32, #tpu.memory_space<vmem>>, vector<1x512xf32>
    %concatenate3A_412 = tpu.concatenate %mul3A_405, %mul3A_355 in 1 : vector<1024x128xf32>, vector<1024x128xf32> -> vector<1024x256xf32>
    %dot_general3A_413 = arith.constant dense<0.000000e+00> : vector<1024x512xf32>
    %dot_general3A_414 = tpu.matmul %concatenate3A_412, %get3A_408, %dot_general3A_413 {dimension_numbers = #tpu.dot_dimension_numbers<[1], [0], [0], [1], [0, 0, 1, 1], [], []>, transpose_lhs_hint = false} : vector<1024x256xf32>, vector<256x512xf32>, vector<1024x512xf32> -> vector<1024x512xf32>
    %add3A_415 = vector.broadcast %get3A_411 : vector<1x512xf32> to vector<1024x512xf32>
    %add3A_416 = arith.addf %dot_general3A_414, %add3A_415 : vector<1024x512xf32>
    %slice3A_417 = vector.extract_strided_slice %add3A_416 {offsets = [0, 0], sizes = [1024, 128], strides = [1, 1]} : vector<1024x512xf32> to vector<1024x128xf32>
    %tanh3A_418 = math.tanh %slice3A_417 : vector<1024x128xf32>
    %slice3A_419 = vector.extract_strided_slice %add3A_416 {offsets = [0, 128], sizes = [1024, 128], strides = [1, 1]} : vector<1024x512xf32> to vector<1024x128xf32>
    %tanh3A_420 = math.tanh %slice3A_419 : vector<1024x128xf32>
    %slice3A_421 = vector.extract_strided_slice %add3A_416 {offsets = [0, 256], sizes = [1024, 128], strides = [1, 1]} : vector<1024x512xf32> to vector<1024x128xf32>
    %tanh3A_422 = math.tanh %slice3A_421 : vector<1024x128xf32>
    %slice3A_423 = vector.extract_strided_slice %add3A_416 {offsets = [0, 384], sizes = [1024, 128], strides = [1, 1]} : vector<1024x512xf32> to vector<1024x128xf32>
    %tanh3A_424 = math.tanh %slice3A_423 : vector<1024x128xf32>
    %add3A_425 = arith.constant 1.000000e+00 : f32
    %add3A_426 = vector.broadcast %add3A_425 : f32 to vector<1024x128xf32>
    %add3A_427 = arith.addf %tanh3A_420, %add3A_426 : vector<1024x128xf32>
    %mul3A_428 = arith.mulf %add3A_427, %mul3A_347 : vector<1024x128xf32>
    %add3A_429 = arith.constant 1.000000e+00 : f32
    %add3A_430 = vector.broadcast %add3A_429 : f32 to vector<1024x128xf32>
    %add3A_431 = arith.addf %tanh3A_418, %add3A_430 : vector<1024x128xf32>
    %mul3A_432 = arith.mulf %add3A_431, %tanh3A_422 : vector<1024x128xf32>
    %add3A_433 = arith.addf %mul3A_428, %mul3A_432 : vector<1024x128xf32>
    %mul3A_434 = arith.constant 5.000000e-01 : f32
    %mul3A_435 = vector.broadcast %mul3A_434 : f32 to vector<1024x128xf32>
    %mul3A_436 = arith.mulf %mul3A_435, %add3A_433 : vector<1024x128xf32>
    %tanh3A_437 = math.tanh %mul3A_436 : vector<1024x128xf32>
    %mul3A_438 = arith.constant 5.000000e-01 : f32
    %mul3A_439 = vector.broadcast %mul3A_438 : f32 to vector<1024x128xf32>
    %mul3A_440 = arith.mulf %mul3A_439, %tanh3A_437 : vector<1024x128xf32>
    %add3A_441 = arith.constant 1.000000e+00 : f32
    %add3A_442 = vector.broadcast %add3A_441 : f32 to vector<1024x128xf32>
    %add3A_443 = arith.addf %tanh3A_424, %add3A_442 : vector<1024x128xf32>
    %mul3A_444 = arith.mulf %mul3A_440, %add3A_443 : vector<1024x128xf32>
    %swap3A_445 = arith.constant 0 : index
    %swap3A_446 = arith.constant 4 : index
    %swap3A_447 = arith.constant 0 : index
    %swap3A_448 = vector.load %arg9[%swap3A_445, %swap3A_446, %swap3A_447] : memref<1024x8x128xf32, #tpu.memory_space<vmem>>, vector<1024x1x128xf32>
    %swap3A_449 = vector.shape_cast %swap3A_448 : vector<1024x1x128xf32> to vector<1024x128xf32>
    %swap3A_450 = vector.shape_cast %mul3A_444 : vector<1024x128xf32> to vector<1024x1x128xf32>
    tpu.vector_store %arg9[%swap3A_445, %swap3A_446, %swap3A_447], %swap3A_450 {strides = array<i32>} : memref<1024x8x128xf32, #tpu.memory_space<vmem>>, vector<1024x1x128xf32>,
    %get3A_451 = arith.constant 5 : index
    %get3A_452 = arith.constant 0 : index
    %get3A_453 = arith.constant 0 : index
    %get3A_454 = vector.load %arg1[%get3A_451, %get3A_452, %get3A_453] : memref<8x1024x128xf32, #tpu.memory_space<vmem>>, vector<1x1024x128xf32>
    %get3A_455 = vector.shape_cast %get3A_454 : vector<1x1024x128xf32> to vector<1024x128xf32>
    %get3A_456 = arith.constant 0 : index
    %get3A_457 = arith.constant 0 : index
    %get3A_458 = vector.load %arg4[%get3A_456, %get3A_457] : memref<256x512xf32, #tpu.memory_space<vmem>>, vector<256x512xf32>
    %get3A_459 = arith.constant 0 : index
    %get3A_460 = arith.constant 0 : index
    %get3A_461 = vector.load %arg5[%get3A_459, %get3A_460] : memref<1x512xf32, #tpu.memory_space<vmem>>, vector<1x512xf32>
    %concatenate3A_462 = tpu.concatenate %get3A_455, %mul3A_405 in 1 : vector<1024x128xf32>, vector<1024x128xf32> -> vector<1024x256xf32>
    %dot_general3A_463 = arith.constant dense<0.000000e+00> : vector<1024x512xf32>
    %dot_general3A_464 = tpu.matmul %concatenate3A_462, %get3A_458, %dot_general3A_463 {dimension_numbers = #tpu.dot_dimension_numbers<[1], [0], [0], [1], [0, 0, 1, 1], [], []>, transpose_lhs_hint = false} : vector<1024x256xf32>, vector<256x512xf32>, vector<1024x512xf32> -> vector<1024x512xf32>
    %add3A_465 = vector.broadcast %get3A_461 : vector<1x512xf32> to vector<1024x512xf32>
    %add3A_466 = arith.addf %dot_general3A_464, %add3A_465 : vector<1024x512xf32>
    %slice3A_467 = vector.extract_strided_slice %add3A_466 {offsets = [0, 0], sizes = [1024, 128], strides = [1, 1]} : vector<1024x512xf32> to vector<1024x128xf32>
    %tanh3A_468 = math.tanh %slice3A_467 : vector<1024x128xf32>
    %slice3A_469 = vector.extract_strided_slice %add3A_466 {offsets = [0, 128], sizes = [1024, 128], strides = [1, 1]} : vector<1024x512xf32> to vector<1024x128xf32>
    %tanh3A_470 = math.tanh %slice3A_469 : vector<1024x128xf32>
    %slice3A_471 = vector.extract_strided_slice %add3A_466 {offsets = [0, 256], sizes = [1024, 128], strides = [1, 1]} : vector<1024x512xf32> to vector<1024x128xf32>
    %tanh3A_472 = math.tanh %slice3A_471 : vector<1024x128xf32>
    %slice3A_473 = vector.extract_strided_slice %add3A_466 {offsets = [0, 384], sizes = [1024, 128], strides = [1, 1]} : vector<1024x512xf32> to vector<1024x128xf32>
    %tanh3A_474 = math.tanh %slice3A_473 : vector<1024x128xf32>
    %add3A_475 = arith.constant 1.000000e+00 : f32
    %add3A_476 = vector.broadcast %add3A_475 : f32 to vector<1024x128xf32>
    %add3A_477 = arith.addf %tanh3A_470, %add3A_476 : vector<1024x128xf32>
    %mul3A_478 = arith.mulf %add3A_477, %mul3A_397 : vector<1024x128xf32>
    %add3A_479 = arith.constant 1.000000e+00 : f32
    %add3A_480 = vector.broadcast %add3A_479 : f32 to vector<1024x128xf32>
    %add3A_481 = arith.addf %tanh3A_468, %add3A_480 : vector<1024x128xf32>
    %mul3A_482 = arith.mulf %add3A_481, %tanh3A_472 : vector<1024x128xf32>
    %add3A_483 = arith.addf %mul3A_478, %mul3A_482 : vector<1024x128xf32>
    %mul3A_484 = arith.constant 5.000000e-01 : f32
    %mul3A_485 = vector.broadcast %mul3A_484 : f32 to vector<1024x128xf32>
    %mul3A_486 = arith.mulf %mul3A_485, %add3A_483 : vector<1024x128xf32>
    %tanh3A_487 = math.tanh %mul3A_486 : vector<1024x128xf32>
    %mul3A_488 = arith.constant 5.000000e-01 : f32
    %mul3A_489 = vector.broadcast %mul3A_488 : f32 to vector<1024x128xf32>
    %mul3A_490 = arith.mulf %mul3A_489, %tanh3A_487 : vector<1024x128xf32>
    %add3A_491 = arith.constant 1.000000e+00 : f32
    %add3A_492 = vector.broadcast %add3A_491 : f32 to vector<1024x128xf32>
    %add3A_493 = arith.addf %tanh3A_474, %add3A_492 : vector<1024x128xf32>
    %mul3A_494 = arith.mulf %mul3A_490, %add3A_493 : vector<1024x128xf32>
    %get3A_495 = arith.constant 0 : index
    %get3A_496 = arith.constant 0 : index
    %get3A_497 = vector.load %arg6[%get3A_495, %get3A_496] : memref<256x512xf32, #tpu.memory_space<vmem>>, vector<256x512xf32>
    %get3A_498 = arith.constant 0 : index
    %get3A_499 = arith.constant 0 : index
    %get3A_500 = vector.load %arg7[%get3A_498, %get3A_499] : memref<1x512xf32, #tpu.memory_space<vmem>>, vector<1x512xf32>
    %concatenate3A_501 = tpu.concatenate %mul3A_494, %mul3A_444 in 1 : vector<1024x128xf32>, vector<1024x128xf32> -> vector<1024x256xf32>
    %dot_general3A_502 = arith.constant dense<0.000000e+00> : vector<1024x512xf32>
    %dot_general3A_503 = tpu.matmul %concatenate3A_501, %get3A_497, %dot_general3A_502 {dimension_numbers = #tpu.dot_dimension_numbers<[1], [0], [0], [1], [0, 0, 1, 1], [], []>, transpose_lhs_hint = false} : vector<1024x256xf32>, vector<256x512xf32>, vector<1024x512xf32> -> vector<1024x512xf32>
    %add3A_504 = vector.broadcast %get3A_500 : vector<1x512xf32> to vector<1024x512xf32>
    %add3A_505 = arith.addf %dot_general3A_503, %add3A_504 : vector<1024x512xf32>
    %slice3A_506 = vector.extract_strided_slice %add3A_505 {offsets = [0, 0], sizes = [1024, 128], strides = [1, 1]} : vector<1024x512xf32> to vector<1024x128xf32>
    %tanh3A_507 = math.tanh %slice3A_506 : vector<1024x128xf32>
    %slice3A_508 = vector.extract_strided_slice %add3A_505 {offsets = [0, 128], sizes = [1024, 128], strides = [1, 1]} : vector<1024x512xf32> to vector<1024x128xf32>
    %tanh3A_509 = math.tanh %slice3A_508 : vector<1024x128xf32>
    %slice3A_510 = vector.extract_strided_slice %add3A_505 {offsets = [0, 256], sizes = [1024, 128], strides = [1, 1]} : vector<1024x512xf32> to vector<1024x128xf32>
    %tanh3A_511 = math.tanh %slice3A_510 : vector<1024x128xf32>
    %slice3A_512 = vector.extract_strided_slice %add3A_505 {offsets = [0, 384], sizes = [1024, 128], strides = [1, 1]} : vector<1024x512xf32> to vector<1024x128xf32>
    %tanh3A_513 = math.tanh %slice3A_512 : vector<1024x128xf32>
    %add3A_514 = arith.constant 1.000000e+00 : f32
    %add3A_515 = vector.broadcast %add3A_514 : f32 to vector<1024x128xf32>
    %add3A_516 = arith.addf %tanh3A_509, %add3A_515 : vector<1024x128xf32>
    %mul3A_517 = arith.mulf %add3A_516, %mul3A_436 : vector<1024x128xf32>
    %add3A_518 = arith.constant 1.000000e+00 : f32
    %add3A_519 = vector.broadcast %add3A_518 : f32 to vector<1024x128xf32>
    %add3A_520 = arith.addf %tanh3A_507, %add3A_519 : vector<1024x128xf32>
    %mul3A_521 = arith.mulf %add3A_520, %tanh3A_511 : vector<1024x128xf32>
    %add3A_522 = arith.addf %mul3A_517, %mul3A_521 : vector<1024x128xf32>
    %mul3A_523 = arith.constant 5.000000e-01 : f32
    %mul3A_524 = vector.broadcast %mul3A_523 : f32 to vector<1024x128xf32>
    %mul3A_525 = arith.mulf %mul3A_524, %add3A_522 : vector<1024x128xf32>
    %tanh3A_526 = math.tanh %mul3A_525 : vector<1024x128xf32>
    %mul3A_527 = arith.constant 5.000000e-01 : f32
    %mul3A_528 = vector.broadcast %mul3A_527 : f32 to vector<1024x128xf32>
    %mul3A_529 = arith.mulf %mul3A_528, %tanh3A_526 : vector<1024x128xf32>
    %add3A_530 = arith.constant 1.000000e+00 : f32
    %add3A_531 = vector.broadcast %add3A_530 : f32 to vector<1024x128xf32>
    %add3A_532 = arith.addf %tanh3A_513, %add3A_531 : vector<1024x128xf32>
    %mul3A_533 = arith.mulf %mul3A_529, %add3A_532 : vector<1024x128xf32>
    %swap3A_534 = arith.constant 0 : index
    %swap3A_535 = arith.constant 5 : index
    %swap3A_536 = arith.constant 0 : index
    %swap3A_537 = vector.load %arg9[%swap3A_534, %swap3A_535, %swap3A_536] : memref<1024x8x128xf32, #tpu.memory_space<vmem>>, vector<1024x1x128xf32>
    %swap3A_538 = vector.shape_cast %swap3A_537 : vector<1024x1x128xf32> to vector<1024x128xf32>
    %swap3A_539 = vector.shape_cast %mul3A_533 : vector<1024x128xf32> to vector<1024x1x128xf32>
    tpu.vector_store %arg9[%swap3A_534, %swap3A_535, %swap3A_536], %swap3A_539 {strides = array<i32>} : memref<1024x8x128xf32, #tpu.memory_space<vmem>>, vector<1024x1x128xf32>,
    %get3A_540 = arith.constant 6 : index
    %get3A_541 = arith.constant 0 : index
    %get3A_542 = arith.constant 0 : index
    %get3A_543 = vector.load %arg1[%get3A_540, %get3A_541, %get3A_542] : memref<8x1024x128xf32, #tpu.memory_space<vmem>>, vector<1x1024x128xf32>
    %get3A_544 = vector.shape_cast %get3A_543 : vector<1x1024x128xf32> to vector<1024x128xf32>
    %get3A_545 = arith.constant 0 : index
    %get3A_546 = arith.constant 0 : index
    %get3A_547 = vector.load %arg4[%get3A_545, %get3A_546] : memref<256x512xf32, #tpu.memory_space<vmem>>, vector<256x512xf32>
    %get3A_548 = arith.constant 0 : index
    %get3A_549 = arith.constant 0 : index
    %get3A_550 = vector.load %arg5[%get3A_548, %get3A_549] : memref<1x512xf32, #tpu.memory_space<vmem>>, vector<1x512xf32>
    %concatenate3A_551 = tpu.concatenate %get3A_544, %mul3A_494 in 1 : vector<1024x128xf32>, vector<1024x128xf32> -> vector<1024x256xf32>
    %dot_general3A_552 = arith.constant dense<0.000000e+00> : vector<1024x512xf32>
    %dot_general3A_553 = tpu.matmul %concatenate3A_551, %get3A_547, %dot_general3A_552 {dimension_numbers = #tpu.dot_dimension_numbers<[1], [0], [0], [1], [0, 0, 1, 1], [], []>, transpose_lhs_hint = false} : vector<1024x256xf32>, vector<256x512xf32>, vector<1024x512xf32> -> vector<1024x512xf32>
    %add3A_554 = vector.broadcast %get3A_550 : vector<1x512xf32> to vector<1024x512xf32>
    %add3A_555 = arith.addf %dot_general3A_553, %add3A_554 : vector<1024x512xf32>
    %slice3A_556 = vector.extract_strided_slice %add3A_555 {offsets = [0, 0], sizes = [1024, 128], strides = [1, 1]} : vector<1024x512xf32> to vector<1024x128xf32>
    %tanh3A_557 = math.tanh %slice3A_556 : vector<1024x128xf32>
    %slice3A_558 = vector.extract_strided_slice %add3A_555 {offsets = [0, 128], sizes = [1024, 128], strides = [1, 1]} : vector<1024x512xf32> to vector<1024x128xf32>
    %tanh3A_559 = math.tanh %slice3A_558 : vector<1024x128xf32>
    %slice3A_560 = vector.extract_strided_slice %add3A_555 {offsets = [0, 256], sizes = [1024, 128], strides = [1, 1]} : vector<1024x512xf32> to vector<1024x128xf32>
    %tanh3A_561 = math.tanh %slice3A_560 : vector<1024x128xf32>
    %slice3A_562 = vector.extract_strided_slice %add3A_555 {offsets = [0, 384], sizes = [1024, 128], strides = [1, 1]} : vector<1024x512xf32> to vector<1024x128xf32>
    %tanh3A_563 = math.tanh %slice3A_562 : vector<1024x128xf32>
    %add3A_564 = arith.constant 1.000000e+00 : f32
    %add3A_565 = vector.broadcast %add3A_564 : f32 to vector<1024x128xf32>
    %add3A_566 = arith.addf %tanh3A_559, %add3A_565 : vector<1024x128xf32>
    %mul3A_567 = arith.mulf %add3A_566, %mul3A_486 : vector<1024x128xf32>
    %add3A_568 = arith.constant 1.000000e+00 : f32
    %add3A_569 = vector.broadcast %add3A_568 : f32 to vector<1024x128xf32>
    %add3A_570 = arith.addf %tanh3A_557, %add3A_569 : vector<1024x128xf32>
    %mul3A_571 = arith.mulf %add3A_570, %tanh3A_561 : vector<1024x128xf32>
    %add3A_572 = arith.addf %mul3A_567, %mul3A_571 : vector<1024x128xf32>
    %mul3A_573 = arith.constant 5.000000e-01 : f32
    %mul3A_574 = vector.broadcast %mul3A_573 : f32 to vector<1024x128xf32>
    %mul3A_575 = arith.mulf %mul3A_574, %add3A_572 : vector<1024x128xf32>
    %tanh3A_576 = math.tanh %mul3A_575 : vector<1024x128xf32>
    %mul3A_577 = arith.constant 5.000000e-01 : f32
    %mul3A_578 = vector.broadcast %mul3A_577 : f32 to vector<1024x128xf32>
    %mul3A_579 = arith.mulf %mul3A_578, %tanh3A_576 : vector<1024x128xf32>
    %add3A_580 = arith.constant 1.000000e+00 : f32
    %add3A_581 = vector.broadcast %add3A_580 : f32 to vector<1024x128xf32>
    %add3A_582 = arith.addf %tanh3A_563, %add3A_581 : vector<1024x128xf32>
    %mul3A_583 = arith.mulf %mul3A_579, %add3A_582 : vector<1024x128xf32>
    %get3A_584 = arith.constant 0 : index
    %get3A_585 = arith.constant 0 : index
    %get3A_586 = vector.load %arg6[%get3A_584, %get3A_585] : memref<256x512xf32, #tpu.memory_space<vmem>>, vector<256x512xf32>
    %get3A_587 = arith.constant 0 : index
    %get3A_588 = arith.constant 0 : index
    %get3A_589 = vector.load %arg7[%get3A_587, %get3A_588] : memref<1x512xf32, #tpu.memory_space<vmem>>, vector<1x512xf32>
    %concatenate3A_590 = tpu.concatenate %mul3A_583, %mul3A_533 in 1 : vector<1024x128xf32>, vector<1024x128xf32> -> vector<1024x256xf32>
    %dot_general3A_591 = arith.constant dense<0.000000e+00> : vector<1024x512xf32>
    %dot_general3A_592 = tpu.matmul %concatenate3A_590, %get3A_586, %dot_general3A_591 {dimension_numbers = #tpu.dot_dimension_numbers<[1], [0], [0], [1], [0, 0, 1, 1], [], []>, transpose_lhs_hint = false} : vector<1024x256xf32>, vector<256x512xf32>, vector<1024x512xf32> -> vector<1024x512xf32>
    %add3A_593 = vector.broadcast %get3A_589 : vector<1x512xf32> to vector<1024x512xf32>
    %add3A_594 = arith.addf %dot_general3A_592, %add3A_593 : vector<1024x512xf32>
    %slice3A_595 = vector.extract_strided_slice %add3A_594 {offsets = [0, 0], sizes = [1024, 128], strides = [1, 1]} : vector<1024x512xf32> to vector<1024x128xf32>
    %tanh3A_596 = math.tanh %slice3A_595 : vector<1024x128xf32>
    %slice3A_597 = vector.extract_strided_slice %add3A_594 {offsets = [0, 128], sizes = [1024, 128], strides = [1, 1]} : vector<1024x512xf32> to vector<1024x128xf32>
    %tanh3A_598 = math.tanh %slice3A_597 : vector<1024x128xf32>
    %slice3A_599 = vector.extract_strided_slice %add3A_594 {offsets = [0, 256], sizes = [1024, 128], strides = [1, 1]} : vector<1024x512xf32> to vector<1024x128xf32>
    %tanh3A_600 = math.tanh %slice3A_599 : vector<1024x128xf32>
    %slice3A_601 = vector.extract_strided_slice %add3A_594 {offsets = [0, 384], sizes = [1024, 128], strides = [1, 1]} : vector<1024x512xf32> to vector<1024x128xf32>
    %tanh3A_602 = math.tanh %slice3A_601 : vector<1024x128xf32>
    %add3A_603 = arith.constant 1.000000e+00 : f32
    %add3A_604 = vector.broadcast %add3A_603 : f32 to vector<1024x128xf32>
    %add3A_605 = arith.addf %tanh3A_598, %add3A_604 : vector<1024x128xf32>
    %mul3A_606 = arith.mulf %add3A_605, %mul3A_525 : vector<1024x128xf32>
    %add3A_607 = arith.constant 1.000000e+00 : f32
    %add3A_608 = vector.broadcast %add3A_607 : f32 to vector<1024x128xf32>
    %add3A_609 = arith.addf %tanh3A_596, %add3A_608 : vector<1024x128xf32>
    %mul3A_610 = arith.mulf %add3A_609, %tanh3A_600 : vector<1024x128xf32>
    %add3A_611 = arith.addf %mul3A_606, %mul3A_610 : vector<1024x128xf32>
    %mul3A_612 = arith.constant 5.000000e-01 : f32
    %mul3A_613 = vector.broadcast %mul3A_612 : f32 to vector<1024x128xf32>
    %mul3A_614 = arith.mulf %mul3A_613, %add3A_611 : vector<1024x128xf32>
    %tanh3A_615 = math.tanh %mul3A_614 : vector<1024x128xf32>
    %mul3A_616 = arith.constant 5.000000e-01 : f32
    %mul3A_617 = vector.broadcast %mul3A_616 : f32 to vector<1024x128xf32>
    %mul3A_618 = arith.mulf %mul3A_617, %tanh3A_615 : vector<1024x128xf32>
    %add3A_619 = arith.constant 1.000000e+00 : f32
    %add3A_620 = vector.broadcast %add3A_619 : f32 to vector<1024x128xf32>
    %add3A_621 = arith.addf %tanh3A_602, %add3A_620 : vector<1024x128xf32>
    %mul3A_622 = arith.mulf %mul3A_618, %add3A_621 : vector<1024x128xf32>
    %swap3A_623 = arith.constant 0 : index
    %swap3A_624 = arith.constant 6 : index
    %swap3A_625 = arith.constant 0 : index
    %swap3A_626 = vector.load %arg9[%swap3A_623, %swap3A_624, %swap3A_625] : memref<1024x8x128xf32, #tpu.memory_space<vmem>>, vector<1024x1x128xf32>
    %swap3A_627 = vector.shape_cast %swap3A_626 : vector<1024x1x128xf32> to vector<1024x128xf32>
    %swap3A_628 = vector.shape_cast %mul3A_622 : vector<1024x128xf32> to vector<1024x1x128xf32>
    tpu.vector_store %arg9[%swap3A_623, %swap3A_624, %swap3A_625], %swap3A_628 {strides = array<i32>} : memref<1024x8x128xf32, #tpu.memory_space<vmem>>, vector<1024x1x128xf32>,
    %get3A_629 = arith.constant 7 : index
    %get3A_630 = arith.constant 0 : index
    %get3A_631 = arith.constant 0 : index
    %get3A_632 = vector.load %arg1[%get3A_629, %get3A_630, %get3A_631] : memref<8x1024x128xf32, #tpu.memory_space<vmem>>, vector<1x1024x128xf32>
    %get3A_633 = vector.shape_cast %get3A_632 : vector<1x1024x128xf32> to vector<1024x128xf32>
    %get3A_634 = arith.constant 0 : index
    %get3A_635 = arith.constant 0 : index
    %get3A_636 = vector.load %arg4[%get3A_634, %get3A_635] : memref<256x512xf32, #tpu.memory_space<vmem>>, vector<256x512xf32>
    %get3A_637 = arith.constant 0 : index
    %get3A_638 = arith.constant 0 : index
    %get3A_639 = vector.load %arg5[%get3A_637, %get3A_638] : memref<1x512xf32, #tpu.memory_space<vmem>>, vector<1x512xf32>
    %concatenate3A_640 = tpu.concatenate %get3A_633, %mul3A_583 in 1 : vector<1024x128xf32>, vector<1024x128xf32> -> vector<1024x256xf32>
    %dot_general3A_641 = arith.constant dense<0.000000e+00> : vector<1024x512xf32>
    %dot_general3A_642 = tpu.matmul %concatenate3A_640, %get3A_636, %dot_general3A_641 {dimension_numbers = #tpu.dot_dimension_numbers<[1], [0], [0], [1], [0, 0, 1, 1], [], []>, transpose_lhs_hint = false} : vector<1024x256xf32>, vector<256x512xf32>, vector<1024x512xf32> -> vector<1024x512xf32>
    %add3A_643 = vector.broadcast %get3A_639 : vector<1x512xf32> to vector<1024x512xf32>
    %add3A_644 = arith.addf %dot_general3A_642, %add3A_643 : vector<1024x512xf32>
    %slice3A_645 = vector.extract_strided_slice %add3A_644 {offsets = [0, 0], sizes = [1024, 128], strides = [1, 1]} : vector<1024x512xf32> to vector<1024x128xf32>
    %tanh3A_646 = math.tanh %slice3A_645 : vector<1024x128xf32>
    %slice3A_647 = vector.extract_strided_slice %add3A_644 {offsets = [0, 128], sizes = [1024, 128], strides = [1, 1]} : vector<1024x512xf32> to vector<1024x128xf32>
    %tanh3A_648 = math.tanh %slice3A_647 : vector<1024x128xf32>
    %slice3A_649 = vector.extract_strided_slice %add3A_644 {offsets = [0, 256], sizes = [1024, 128], strides = [1, 1]} : vector<1024x512xf32> to vector<1024x128xf32>
    %tanh3A_650 = math.tanh %slice3A_649 : vector<1024x128xf32>
    %slice3A_651 = vector.extract_strided_slice %add3A_644 {offsets = [0, 384], sizes = [1024, 128], strides = [1, 1]} : vector<1024x512xf32> to vector<1024x128xf32>
    %tanh3A_652 = math.tanh %slice3A_651 : vector<1024x128xf32>
    %add3A_653 = arith.constant 1.000000e+00 : f32
    %add3A_654 = vector.broadcast %add3A_653 : f32 to vector<1024x128xf32>
    %add3A_655 = arith.addf %tanh3A_648, %add3A_654 : vector<1024x128xf32>
    %mul3A_656 = arith.mulf %add3A_655, %mul3A_575 : vector<1024x128xf32>
    %add3A_657 = arith.constant 1.000000e+00 : f32
    %add3A_658 = vector.broadcast %add3A_657 : f32 to vector<1024x128xf32>
    %add3A_659 = arith.addf %tanh3A_646, %add3A_658 : vector<1024x128xf32>
    %mul3A_660 = arith.mulf %add3A_659, %tanh3A_650 : vector<1024x128xf32>
    %add3A_661 = arith.addf %mul3A_656, %mul3A_660 : vector<1024x128xf32>
    %mul3A_662 = arith.constant 5.000000e-01 : f32
    %mul3A_663 = vector.broadcast %mul3A_662 : f32 to vector<1024x128xf32>
    %mul3A_664 = arith.mulf %mul3A_663, %add3A_661 : vector<1024x128xf32>
    %tanh3A_665 = math.tanh %mul3A_664 : vector<1024x128xf32>
    %mul3A_666 = arith.constant 5.000000e-01 : f32
    %mul3A_667 = vector.broadcast %mul3A_666 : f32 to vector<1024x128xf32>
    %mul3A_668 = arith.mulf %mul3A_667, %tanh3A_665 : vector<1024x128xf32>
    %add3A_669 = arith.constant 1.000000e+00 : f32
    %add3A_670 = vector.broadcast %add3A_669 : f32 to vector<1024x128xf32>
    %add3A_671 = arith.addf %tanh3A_652, %add3A_670 : vector<1024x128xf32>
    %mul3A_672 = arith.mulf %mul3A_668, %add3A_671 : vector<1024x128xf32>
    %get3A_673 = arith.constant 0 : index
    %get3A_674 = arith.constant 0 : index
    %get3A_675 = vector.load %arg6[%get3A_673, %get3A_674] : memref<256x512xf32, #tpu.memory_space<vmem>>, vector<256x512xf32>
    %get3A_676 = arith.constant 0 : index
    %get3A_677 = arith.constant 0 : index
    %get3A_678 = vector.load %arg7[%get3A_676, %get3A_677] : memref<1x512xf32, #tpu.memory_space<vmem>>, vector<1x512xf32>
    %concatenate3A_679 = tpu.concatenate %mul3A_672, %mul3A_622 in 1 : vector<1024x128xf32>, vector<1024x128xf32> -> vector<1024x256xf32>
    %dot_general3A_680 = arith.constant dense<0.000000e+00> : vector<1024x512xf32>
    %dot_general3A_681 = tpu.matmul %concatenate3A_679, %get3A_675, %dot_general3A_680 {dimension_numbers = #tpu.dot_dimension_numbers<[1], [0], [0], [1], [0, 0, 1, 1], [], []>, transpose_lhs_hint = false} : vector<1024x256xf32>, vector<256x512xf32>, vector<1024x512xf32> -> vector<1024x512xf32>
    %add3A_682 = vector.broadcast %get3A_678 : vector<1x512xf32> to vector<1024x512xf32>
    %add3A_683 = arith.addf %dot_general3A_681, %add3A_682 : vector<1024x512xf32>
    %slice3A_684 = vector.extract_strided_slice %add3A_683 {offsets = [0, 0], sizes = [1024, 128], strides = [1, 1]} : vector<1024x512xf32> to vector<1024x128xf32>
    %tanh3A_685 = math.tanh %slice3A_684 : vector<1024x128xf32>
    %slice3A_686 = vector.extract_strided_slice %add3A_683 {offsets = [0, 128], sizes = [1024, 128], strides = [1, 1]} : vector<1024x512xf32> to vector<1024x128xf32>
    %tanh3A_687 = math.tanh %slice3A_686 : vector<1024x128xf32>
    %slice3A_688 = vector.extract_strided_slice %add3A_683 {offsets = [0, 256], sizes = [1024, 128], strides = [1, 1]} : vector<1024x512xf32> to vector<1024x128xf32>
    %tanh3A_689 = math.tanh %slice3A_688 : vector<1024x128xf32>
    %slice3A_690 = vector.extract_strided_slice %add3A_683 {offsets = [0, 384], sizes = [1024, 128], strides = [1, 1]} : vector<1024x512xf32> to vector<1024x128xf32>
    %tanh3A_691 = math.tanh %slice3A_690 : vector<1024x128xf32>
    %add3A_692 = arith.constant 1.000000e+00 : f32
    %add3A_693 = vector.broadcast %add3A_692 : f32 to vector<1024x128xf32>
    %add3A_694 = arith.addf %tanh3A_687, %add3A_693 : vector<1024x128xf32>
    %mul3A_695 = arith.mulf %add3A_694, %mul3A_614 : vector<1024x128xf32>
    %add3A_696 = arith.constant 1.000000e+00 : f32
    %add3A_697 = vector.broadcast %add3A_696 : f32 to vector<1024x128xf32>
    %add3A_698 = arith.addf %tanh3A_685, %add3A_697 : vector<1024x128xf32>
    %mul3A_699 = arith.mulf %add3A_698, %tanh3A_689 : vector<1024x128xf32>
    %add3A_700 = arith.addf %mul3A_695, %mul3A_699 : vector<1024x128xf32>
    %mul3A_701 = arith.constant 5.000000e-01 : f32
    %mul3A_702 = vector.broadcast %mul3A_701 : f32 to vector<1024x128xf32>
    %mul3A_703 = arith.mulf %mul3A_702, %add3A_700 : vector<1024x128xf32>
    %tanh3A_704 = math.tanh %mul3A_703 : vector<1024x128xf32>
    %mul3A_705 = arith.constant 5.000000e-01 : f32
    %mul3A_706 = vector.broadcast %mul3A_705 : f32 to vector<1024x128xf32>
    %mul3A_707 = arith.mulf %mul3A_706, %tanh3A_704 : vector<1024x128xf32>
    %add3A_708 = arith.constant 1.000000e+00 : f32
    %add3A_709 = vector.broadcast %add3A_708 : f32 to vector<1024x128xf32>
    %add3A_710 = arith.addf %tanh3A_691, %add3A_709 : vector<1024x128xf32>
    %mul3A_711 = arith.mulf %mul3A_707, %add3A_710 : vector<1024x128xf32>
    %swap3A_712 = arith.constant 0 : index
    %swap3A_713 = arith.constant 7 : index
    %swap3A_714 = arith.constant 0 : index
    %swap3A_715 = vector.load %arg9[%swap3A_712, %swap3A_713, %swap3A_714] : memref<1024x8x128xf32, #tpu.memory_space<vmem>>, vector<1024x1x128xf32>
    %swap3A_716 = vector.shape_cast %swap3A_715 : vector<1024x1x128xf32> to vector<1024x128xf32>
    %swap3A_717 = vector.shape_cast %mul3A_711 : vector<1024x128xf32> to vector<1024x1x128xf32>
    tpu.vector_store %arg9[%swap3A_712, %swap3A_713, %swap3A_714], %swap3A_717 {strides = array<i32>} : memref<1024x8x128xf32, #tpu.memory_space<vmem>>, vector<1024x1x128xf32>,
    %swap3A_718 = arith.constant 0 : index
    %swap3A_719 = arith.constant 0 : index
    %swap3A_720 = vector.load %arg12[%swap3A_718, %swap3A_719] : memref<1024x128xf32, #tpu.memory_space<vmem>>, vector<1024x128xf32>
    tpu.vector_store %arg12[%swap3A_718, %swap3A_719], %mul3A_672 {strides = array<i32>} : memref<1024x128xf32, #tpu.memory_space<vmem>>, vector<1024x128xf32>,
    %swap3A_721 = arith.constant 0 : index
    %swap3A_722 = arith.constant 0 : index
    %swap3A_723 = vector.load %arg13[%swap3A_721, %swap3A_722] : memref<1024x128xf32, #tpu.memory_space<vmem>>, vector<1024x128xf32>
    tpu.vector_store %arg13[%swap3A_721, %swap3A_722], %mul3A_664 {strides = array<i32>} : memref<1024x128xf32, #tpu.memory_space<vmem>>, vector<1024x128xf32>,
    %swap3A_724 = arith.constant 0 : index
    %swap3A_725 = arith.constant 0 : index
    %swap3A_726 = vector.load %arg14[%swap3A_724, %swap3A_725] : memref<1024x128xf32, #tpu.memory_space<vmem>>, vector<1024x128xf32>
    tpu.vector_store %arg14[%swap3A_724, %swap3A_725], %mul3A_711 {strides = array<i32>} : memref<1024x128xf32, #tpu.memory_space<vmem>>, vector<1024x128xf32>,
    %swap3A_727 = arith.constant 0 : index
    %swap3A_728 = arith.constant 0 : index
    %swap3A_729 = vector.load %arg15[%swap3A_727, %swap3A_728] : memref<1024x128xf32, #tpu.memory_space<vmem>>, vector<1024x128xf32>
    tpu.vector_store %arg15[%swap3A_727, %swap3A_728], %mul3A_703 {strides = array<i32>} : memref<1024x128xf32, #tpu.memory_space<vmem>>, vector<1024x128xf32>,
    %eq3A_730 = arith.constant 7 : i32
    %eq3A_731 = arith.cmpi eq, %arg0, %eq3A_730 : i32
    %convert_element_type3A_732 = arith.extui %eq3A_731 : i1 to i32
    %cond3A_733 = arith.constant 0 : i32
    %cond3A_734 = arith.cmpi ne, %convert_element_type3A_732, %cond3A_733 : i32
    scf.if %cond3A_734 {
      %swap3A_735 = arith.constant 0 : index
      %swap3A_736 = arith.constant 0 : index
      %swap3A_737 = arith.constant 0 : index
      %swap3A_738 = vector.load %arg10[%swap3A_735, %swap3A_736, %swap3A_737] : memref<2x1024x128xf32, #tpu.memory_space<vmem>>, vector<1x1024x128xf32>
      %swap3A_739 = vector.shape_cast %swap3A_738 : vector<1x1024x128xf32> to vector<1024x128xf32>
      %swap3A_740 = vector.shape_cast %mul3A_672 : vector<1024x128xf32> to vector<1x1024x128xf32>
      tpu.vector_store %arg10[%swap3A_735, %swap3A_736, %swap3A_737], %swap3A_740 {strides = array<i32>} : memref<2x1024x128xf32, #tpu.memory_space<vmem>>, vector<1x1024x128xf32>,
      %swap3A_741 = arith.constant 1 : index
      %swap3A_742 = arith.constant 0 : index
      %swap3A_743 = arith.constant 0 : index
      %swap3A_744 = vector.load %arg10[%swap3A_741, %swap3A_742, %swap3A_743] : memref<2x1024x128xf32, #tpu.memory_space<vmem>>, vector<1x1024x128xf32>
      %swap3A_745 = vector.shape_cast %swap3A_744 : vector<1x1024x128xf32> to vector<1024x128xf32>
      %swap3A_746 = vector.shape_cast %mul3A_711 : vector<1024x128xf32> to vector<1x1024x128xf32>
      tpu.vector_store %arg10[%swap3A_741, %swap3A_742, %swap3A_743], %swap3A_746 {strides = array<i32>} : memref<2x1024x128xf32, #tpu.memory_space<vmem>>, vector<1x1024x128xf32>,
      %swap3A_747 = arith.constant 0 : index
      %swap3A_748 = arith.constant 0 : index
      %swap3A_749 = arith.constant 0 : index
      %swap3A_750 = vector.load %arg11[%swap3A_747, %swap3A_748, %swap3A_749] : memref<2x1024x128xf32, #tpu.memory_space<vmem>>, vector<1x1024x128xf32>
      %swap3A_751 = vector.shape_cast %swap3A_750 : vector<1x1024x128xf32> to vector<1024x128xf32>
      %swap3A_752 = vector.shape_cast %mul3A_664 : vector<1024x128xf32> to vector<1x1024x128xf32>
      tpu.vector_store %arg11[%swap3A_747, %swap3A_748, %swap3A_749], %swap3A_752 {strides = array<i32>} : memref<2x1024x128xf32, #tpu.memory_space<vmem>>, vector<1x1024x128xf32>,
      %swap3A_753 = arith.constant 1 : index
      %swap3A_754 = arith.constant 0 : index
      %swap3A_755 = arith.constant 0 : index
      %swap3A_756 = vector.load %arg11[%swap3A_753, %swap3A_754, %swap3A_755] : memref<2x1024x128xf32, #tpu.memory_space<vmem>>, vector<1x1024x128xf32>
      %swap3A_757 = vector.shape_cast %swap3A_756 : vector<1x1024x128xf32> to vector<1024x128xf32>
      %swap3A_758 = vector.shape_cast %mul3A_703 : vector<1024x128xf32> to vector<1x1024x128xf32>
      tpu.vector_store %arg11[%swap3A_753, %swap3A_754, %swap3A_755], %swap3A_758 {strides = array<i32>} : memref<2x1024x128xf32, #tpu.memory_space<vmem>>, vector<1x1024x128xf32>,
    } else {
    }
    return
  }
  func.func @transform_0(%arg0: i32) -> (i32, i32, i32) {
    %c0_i32 = arith.constant 0 : i32
    %c0_i32_0 = arith.constant 0 : i32
    %c0_i32_1 = arith.constant 0 : i32
    return %arg0, %c0_i32, %c0_i32_0 : i32, i32, i32
  }
  func.func @transform_1(%arg0: i32) -> (i32, i32, i32) {
    %c0_i32 = arith.constant 0 : i32
    %c0_i32_0 = arith.constant 0 : i32
    %c0_i32_1 = arith.constant 0 : i32
    %c0_i32_2 = arith.constant 0 : i32
    return %c0_i32, %c0_i32_0, %c0_i32_1 : i32, i32, i32
  }
  func.func @transform_2(%arg0: i32) -> (i32, i32, i32) {
    %c0_i32 = arith.constant 0 : i32
    %c0_i32_0 = arith.constant 0 : i32
    %c0_i32_1 = arith.constant 0 : i32
    %c0_i32_2 = arith.constant 0 : i32
    return %c0_i32, %c0_i32_0, %c0_i32_1 : i32, i32, i32
  }
  func.func @transform_3(%arg0: i32) -> (i32, i32) {
    %c0_i32 = arith.constant 0 : i32
    %c0_i32_0 = arith.constant 0 : i32
    %c0_i32_1 = arith.constant 0 : i32
    return %c0_i32, %c0_i32_0 : i32, i32
  }
  func.func @transform_4(%arg0: i32) -> (i32, i32) {
    %c0_i32 = arith.constant 0 : i32
    %c0_i32_0 = arith.constant 0 : i32
    %c0_i32_1 = arith.constant 0 : i32
    return %c0_i32, %c0_i32_0 : i32, i32
  }
  func.func @transform_5(%arg0: i32) -> (i32, i32) {
    %c0_i32 = arith.constant 0 : i32
    %c0_i32_0 = arith.constant 0 : i32
    %c0_i32_1 = arith.constant 0 : i32
    return %c0_i32, %c0_i32_0 : i32, i32
  }
  func.func @transform_6(%arg0: i32) -> (i32, i32) {
    %c0_i32 = arith.constant 0 : i32
    %c0_i32_0 = arith.constant 0 : i32
    %c0_i32_1 = arith.constant 0 : i32
    return %c0_i32, %c0_i32_0 : i32, i32
  }
  func.func @transform_8(%arg0: i32) -> (i32, i32, i32) {
    %add3A = arith.constant 6 : i32
    %add3A_0 = arith.addi %add3A, %arg0 : i32
    %c0_i32 = arith.constant 0 : i32
    %c0_i32_1 = arith.constant 0 : i32
    %c0_i32_2 = arith.constant 0 : i32
    return %c0_i32, %add3A_0, %c0_i32_1 : i32, i32, i32
  }
  func.func @transform_9(%arg0: i32) -> (i32, i32, i32) {
    %c0_i32 = arith.constant 0 : i32
    %c0_i32_0 = arith.constant 0 : i32
    %c0_i32_1 = arith.constant 0 : i32
    %c0_i32_2 = arith.constant 0 : i32
    return %c0_i32, %c0_i32_0, %c0_i32_1 : i32, i32, i32
  }
  func.func @transform_10(%arg0: i32) -> (i32, i32, i32) {
    %c0_i32 = arith.constant 0 : i32
    %c0_i32_0 = arith.constant 0 : i32
    %c0_i32_1 = arith.constant 0 : i32
    %c0_i32_2 = arith.constant 0 : i32
    return %c0_i32, %c0_i32_0, %c0_i32_1 : i32, i32, i32
  }
}

module attributes {stable_mosaic.version = 14 : i64} {
  func.func @body(%arg0: i32, %arg1: memref<8x1024x128xf32, #tpu.memory_space<vmem>>, %arg2: memref<2x1024x128xf32, #tpu.memory_space<vmem>>, %arg3: memref<2x1024x128xf32, #tpu.memory_space<vmem>>, %arg4: memref<256x512xf32, #tpu.memory_space<vmem>>, %arg5: memref<1x512xf32, #tpu.memory_space<vmem>>, %arg6: memref<256x512xf32, #tpu.memory_space<vmem>>, %arg7: memref<1x512xf32, #tpu.memory_space<vmem>>, %arg8: memref<1024x200x128xf32, #tpu.memory_space<any>>, %arg9: memref<1024x8x128xf32, #tpu.memory_space<vmem>>, %arg10: memref<2x1024x128xf32, #tpu.memory_space<vmem>>, %arg11: memref<2x1024x128xf32, #tpu.memory_space<vmem>>, %arg12: memref<1024x128xf32, #tpu.memory_space<vmem>>, %arg13: memref<1024x128xf32, #tpu.memory_space<vmem>>, %arg14: memref<1024x128xf32, #tpu.memory_space<vmem>>, %arg15: memref<1024x128xf32, #tpu.memory_space<vmem>>) attributes {dimension_semantics = [#tpu.dimension_semantics<arbitrary>], iteration_bounds = array<i64: 11>, scalar_prefetch = 0 : i64, scratch_operands = 4 : i64, tpu.core_type = #tpu.core_type<tc>, window_params = [{transform_indices = @transform_0, window_bounds = array<i64: 8, 1024, 128>}, {pipeline_mode = #tpu.pipeline_mode<synchronous>, transform_indices = @transform_1, window_bounds = array<i64: 2, 1024, 128>}, {pipeline_mode = #tpu.pipeline_mode<synchronous>, transform_indices = @transform_2, window_bounds = array<i64: 2, 1024, 128>}, {pipeline_mode = #tpu.pipeline_mode<synchronous>, transform_indices = @transform_3, window_bounds = array<i64: 256, 512>}, {pipeline_mode = #tpu.pipeline_mode<synchronous>, transform_indices = @transform_4, window_bounds = array<i64: 1, 512>}, {pipeline_mode = #tpu.pipeline_mode<synchronous>, transform_indices = @transform_5, window_bounds = array<i64: 256, 512>}, {pipeline_mode = #tpu.pipeline_mode<synchronous>, transform_indices = @transform_6, window_bounds = array<i64: 1, 512>}, {}, {transform_indices = @transform_8, window_bounds = array<i64: 1024, 8, 128>}, {pipeline_mode = #tpu.pipeline_mode<synchronous>, transform_indices = @transform_9, window_bounds = array<i64: 2, 1024, 128>}, {pipeline_mode = #tpu.pipeline_mode<synchronous>, transform_indices = @transform_10, window_bounds = array<i64: 2, 1024, 128>}]} {
    %eq3A = arith.constant 0 : i32
    %eq3A_0 = arith.cmpi eq, %arg0, %eq3A : i32
    %convert_element_type3A = arith.extui %eq3A_0 : i1 to i32
    %cond3A = arith.constant 0 : i32
    %cond3A_1 = arith.cmpi ne, %convert_element_type3A, %cond3A : i32
    scf.if %cond3A_1 {
      %get3A_735 = arith.constant 0 : index
      %get3A_736 = arith.constant 0 : index
      %get3A_737 = arith.constant 0 : index
      %get3A_738 = vector.load %arg2[%get3A_735, %get3A_736, %get3A_737] : memref<2x1024x128xf32, #tpu.memory_space<vmem>>, vector<1x1024x128xf32>
      %get3A_739 = vector.shape_cast %get3A_738 : vector<1x1024x128xf32> to vector<1024x128xf32>
      %swap3A_740 = arith.constant 0 : index
      %swap3A_741 = arith.constant 0 : index
      %swap3A_742 = vector.load %arg12[%swap3A_740, %swap3A_741] : memref<1024x128xf32, #tpu.memory_space<vmem>>, vector<1024x128xf32>
      tpu.vector_store %arg12[%swap3A_740, %swap3A_741], %get3A_739 {strides = array<i32>} : memref<1024x128xf32, #tpu.memory_space<vmem>>, vector<1024x128xf32>,
      %get3A_743 = arith.constant 0 : index
      %get3A_744 = arith.constant 0 : index
      %get3A_745 = arith.constant 0 : index
      %get3A_746 = vector.load %arg3[%get3A_743, %get3A_744, %get3A_745] : memref<2x1024x128xf32, #tpu.memory_space<vmem>>, vector<1x1024x128xf32>
      %get3A_747 = vector.shape_cast %get3A_746 : vector<1x1024x128xf32> to vector<1024x128xf32>
      %swap3A_748 = arith.constant 0 : index
      %swap3A_749 = arith.constant 0 : index
      %swap3A_750 = vector.load %arg13[%swap3A_748, %swap3A_749] : memref<1024x128xf32, #tpu.memory_space<vmem>>, vector<1024x128xf32>
      tpu.vector_store %arg13[%swap3A_748, %swap3A_749], %get3A_747 {strides = array<i32>} : memref<1024x128xf32, #tpu.memory_space<vmem>>, vector<1024x128xf32>,
      %get3A_751 = arith.constant 1 : index
      %get3A_752 = arith.constant 0 : index
      %get3A_753 = arith.constant 0 : index
      %get3A_754 = vector.load %arg2[%get3A_751, %get3A_752, %get3A_753] : memref<2x1024x128xf32, #tpu.memory_space<vmem>>, vector<1x1024x128xf32>
      %get3A_755 = vector.shape_cast %get3A_754 : vector<1x1024x128xf32> to vector<1024x128xf32>
      %swap3A_756 = arith.constant 0 : index
      %swap3A_757 = arith.constant 0 : index
      %swap3A_758 = vector.load %arg14[%swap3A_756, %swap3A_757] : memref<1024x128xf32, #tpu.memory_space<vmem>>, vector<1024x128xf32>
      tpu.vector_store %arg14[%swap3A_756, %swap3A_757], %get3A_755 {strides = array<i32>} : memref<1024x128xf32, #tpu.memory_space<vmem>>, vector<1024x128xf32>,
      %get3A_759 = arith.constant 1 : index
      %get3A_760 = arith.constant 0 : index
      %get3A_761 = arith.constant 0 : index
      %get3A_762 = vector.load %arg3[%get3A_759, %get3A_760, %get3A_761] : memref<2x1024x128xf32, #tpu.memory_space<vmem>>, vector<1x1024x128xf32>
      %get3A_763 = vector.shape_cast %get3A_762 : vector<1x1024x128xf32> to vector<1024x128xf32>
      %swap3A_764 = arith.constant 0 : index
      %swap3A_765 = arith.constant 0 : index
      %swap3A_766 = vector.load %arg15[%swap3A_764, %swap3A_765] : memref<1024x128xf32, #tpu.memory_space<vmem>>, vector<1024x128xf32>
      tpu.vector_store %arg15[%swap3A_764, %swap3A_765], %get3A_763 {strides = array<i32>} : memref<1024x128xf32, #tpu.memory_space<vmem>>, vector<1024x128xf32>,
    } else {
    }
    %get3A = arith.constant 0 : index
    %get3A_2 = arith.constant 0 : index
    %get3A_3 = vector.load %arg12[%get3A, %get3A_2] : memref<1024x128xf32, #tpu.memory_space<vmem>>, vector<1024x128xf32>
    %get3A_4 = arith.constant 0 : index
    %get3A_5 = arith.constant 0 : index
    %get3A_6 = vector.load %arg13[%get3A_4, %get3A_5] : memref<1024x128xf32, #tpu.memory_space<vmem>>, vector<1024x128xf32>
    %get3A_7 = arith.constant 0 : index
    %get3A_8 = arith.constant 0 : index
    %get3A_9 = vector.load %arg14[%get3A_7, %get3A_8] : memref<1024x128xf32, #tpu.memory_space<vmem>>, vector<1024x128xf32>
    %get3A_10 = arith.constant 0 : index
    %get3A_11 = arith.constant 0 : index
    %get3A_12 = vector.load %arg15[%get3A_10, %get3A_11] : memref<1024x128xf32, #tpu.memory_space<vmem>>, vector<1024x128xf32>
    %get3A_13 = arith.constant 0 : index
    %get3A_14 = arith.constant 0 : index
    %get3A_15 = arith.constant 0 : index
    %get3A_16 = vector.load %arg1[%get3A_13, %get3A_14, %get3A_15] : memref<8x1024x128xf32, #tpu.memory_space<vmem>>, vector<1x1024x128xf32>
    %get3A_17 = vector.shape_cast %get3A_16 : vector<1x1024x128xf32> to vector<1024x128xf32>
    %get3A_18 = arith.constant 0 : index
    %get3A_19 = arith.constant 0 : index
    %get3A_20 = vector.load %arg4[%get3A_18, %get3A_19] : memref<256x512xf32, #tpu.memory_space<vmem>>, vector<256x512xf32>
    %get3A_21 = arith.constant 0 : index
    %get3A_22 = arith.constant 0 : index
    %get3A_23 = vector.load %arg5[%get3A_21, %get3A_22] : memref<1x512xf32, #tpu.memory_space<vmem>>, vector<1x512xf32>
    %concatenate3A = tpu.concatenate %get3A_17, %get3A_3 in 1 : vector<1024x128xf32>, vector<1024x128xf32> -> vector<1024x256xf32>
    %dot_general3A = arith.constant dense<0.000000e+00> : vector<1024x512xf32>
    %dot_general3A_24 = tpu.matmul %concatenate3A, %get3A_20, %dot_general3A {dimension_numbers = #tpu.dot_dimension_numbers<[1], [0], [0], [1], [0, 0, 1, 1], [], []>, transpose_lhs_hint = false} : vector<1024x256xf32>, vector<256x512xf32>, vector<1024x512xf32> -> vector<1024x512xf32>
    %add3A = vector.broadcast %get3A_23 : vector<1x512xf32> to vector<1024x512xf32>
    %add3A_25 = arith.addf %dot_general3A_24, %add3A : vector<1024x512xf32>
    %slice3A = vector.extract_strided_slice %add3A_25 {offsets = [0, 0], sizes = [1024, 128], strides = [1, 1]} : vector<1024x512xf32> to vector<1024x128xf32>
    %tanh3A = math.tanh %slice3A : vector<1024x128xf32>
    %slice3A_26 = vector.extract_strided_slice %add3A_25 {offsets = [0, 128], sizes = [1024, 128], strides = [1, 1]} : vector<1024x512xf32> to vector<1024x128xf32>
    %tanh3A_27 = math.tanh %slice3A_26 : vector<1024x128xf32>
    %slice3A_28 = vector.extract_strided_slice %add3A_25 {offsets = [0, 256], sizes = [1024, 128], strides = [1, 1]} : vector<1024x512xf32> to vector<1024x128xf32>
    %tanh3A_29 = math.tanh %slice3A_28 : vector<1024x128xf32>
    %slice3A_30 = vector.extract_strided_slice %add3A_25 {offsets = [0, 384], sizes = [1024, 128], strides = [1, 1]} : vector<1024x512xf32> to vector<1024x128xf32>
    %tanh3A_31 = math.tanh %slice3A_30 : vector<1024x128xf32>
    %add3A_32 = arith.constant 1.000000e+00 : f32
    %add3A_33 = vector.broadcast %add3A_32 : f32 to vector<1024x128xf32>
    %add3A_34 = arith.addf %tanh3A_27, %add3A_33 : vector<1024x128xf32>
    %mul3A = arith.mulf %add3A_34, %get3A_6 : vector<1024x128xf32>
    %add3A_35 = arith.constant 1.000000e+00 : f32
    %add3A_36 = vector.broadcast %add3A_35 : f32 to vector<1024x128xf32>
    %add3A_37 = arith.addf %tanh3A, %add3A_36 : vector<1024x128xf32>
    %mul3A_38 = arith.mulf %add3A_37, %tanh3A_29 : vector<1024x128xf32>
    %add3A_39 = arith.addf %mul3A, %mul3A_38 : vector<1024x128xf32>
    %mul3A_40 = arith.constant 5.000000e-01 : f32
    %mul3A_41 = vector.broadcast %mul3A_40 : f32 to vector<1024x128xf32>
    %mul3A_42 = arith.mulf %mul3A_41, %add3A_39 : vector<1024x128xf32>
    %tanh3A_43 = math.tanh %mul3A_42 : vector<1024x128xf32>
    %mul3A_44 = arith.constant 5.000000e-01 : f32
    %mul3A_45 = vector.broadcast %mul3A_44 : f32 to vector<1024x128xf32>
    %mul3A_46 = arith.mulf %mul3A_45, %tanh3A_43 : vector<1024x128xf32>
    %add3A_47 = arith.constant 1.000000e+00 : f32
    %add3A_48 = vector.broadcast %add3A_47 : f32 to vector<1024x128xf32>
    %add3A_49 = arith.addf %tanh3A_31, %add3A_48 : vector<1024x128xf32>
    %mul3A_50 = arith.mulf %mul3A_46, %add3A_49 : vector<1024x128xf32>
    %get3A_51 = arith.constant 0 : index
    %get3A_52 = arith.constant 0 : index
    %get3A_53 = vector.load %arg6[%get3A_51, %get3A_52] : memref<256x512xf32, #tpu.memory_space<vmem>>, vector<256x512xf32>
    %get3A_54 = arith.constant 0 : index
    %get3A_55 = arith.constant 0 : index
    %get3A_56 = vector.load %arg7[%get3A_54, %get3A_55] : memref<1x512xf32, #tpu.memory_space<vmem>>, vector<1x512xf32>
    %concatenate3A_57 = tpu.concatenate %mul3A_50, %get3A_9 in 1 : vector<1024x128xf32>, vector<1024x128xf32> -> vector<1024x256xf32>
    %dot_general3A_58 = arith.constant dense<0.000000e+00> : vector<1024x512xf32>
    %dot_general3A_59 = tpu.matmul %concatenate3A_57, %get3A_53, %dot_general3A_58 {dimension_numbers = #tpu.dot_dimension_numbers<[1], [0], [0], [1], [0, 0, 1, 1], [], []>, transpose_lhs_hint = false} : vector<1024x256xf32>, vector<256x512xf32>, vector<1024x512xf32> -> vector<1024x512xf32>
    %add3A_60 = vector.broadcast %get3A_56 : vector<1x512xf32> to vector<1024x512xf32>
    %add3A_61 = arith.addf %dot_general3A_59, %add3A_60 : vector<1024x512xf32>
    %slice3A_62 = vector.extract_strided_slice %add3A_61 {offsets = [0, 0], sizes = [1024, 128], strides = [1, 1]} : vector<1024x512xf32> to vector<1024x128xf32>
    %tanh3A_63 = math.tanh %slice3A_62 : vector<1024x128xf32>
    %slice3A_64 = vector.extract_strided_slice %add3A_61 {offsets = [0, 128], sizes = [1024, 128], strides = [1, 1]} : vector<1024x512xf32> to vector<1024x128xf32>
    %tanh3A_65 = math.tanh %slice3A_64 : vector<1024x128xf32>
    %slice3A_66 = vector.extract_strided_slice %add3A_61 {offsets = [0, 256], sizes = [1024, 128], strides = [1, 1]} : vector<1024x512xf32> to vector<1024x128xf32>
    %tanh3A_67 = math.tanh %slice3A_66 : vector<1024x128xf32>
    %slice3A_68 = vector.extract_strided_slice %add3A_61 {offsets = [0, 384], sizes = [1024, 128], strides = [1, 1]} : vector<1024x512xf32> to vector<1024x128xf32>
    %tanh3A_69 = math.tanh %slice3A_68 : vector<1024x128xf32>
    %add3A_70 = arith.constant 1.000000e+00 : f32
    %add3A_71 = vector.broadcast %add3A_70 : f32 to vector<1024x128xf32>
    %add3A_72 = arith.addf %tanh3A_65, %add3A_71 : vector<1024x128xf32>
    %mul3A_73 = arith.mulf %add3A_72, %get3A_12 : vector<1024x128xf32>
    %add3A_74 = arith.constant 1.000000e+00 : f32
    %add3A_75 = vector.broadcast %add3A_74 : f32 to vector<1024x128xf32>
    %add3A_76 = arith.addf %tanh3A_63, %add3A_75 : vector<1024x128xf32>
    %mul3A_77 = arith.mulf %add3A_76, %tanh3A_67 : vector<1024x128xf32>
    %add3A_78 = arith.addf %mul3A_73, %mul3A_77 : vector<1024x128xf32>
    %mul3A_79 = arith.constant 5.000000e-01 : f32
    %mul3A_80 = vector.broadcast %mul3A_79 : f32 to vector<1024x128xf32>
    %mul3A_81 = arith.mulf %mul3A_80, %add3A_78 : vector<1024x128xf32>
    %tanh3A_82 = math.tanh %mul3A_81 : vector<1024x128xf32>
    %mul3A_83 = arith.constant 5.000000e-01 : f32
    %mul3A_84 = vector.broadcast %mul3A_83 : f32 to vector<1024x128xf32>
    %mul3A_85 = arith.mulf %mul3A_84, %tanh3A_82 : vector<1024x128xf32>
    %add3A_86 = arith.constant 1.000000e+00 : f32
    %add3A_87 = vector.broadcast %add3A_86 : f32 to vector<1024x128xf32>
    %add3A_88 = arith.addf %tanh3A_69, %add3A_87 : vector<1024x128xf32>
    %mul3A_89 = arith.mulf %mul3A_85, %add3A_88 : vector<1024x128xf32>
    %swap3A = arith.constant 0 : index
    %swap3A_90 = arith.constant 0 : index
    %swap3A_91 = arith.constant 0 : index
    %swap3A_92 = vector.load %arg9[%swap3A, %swap3A_90, %swap3A_91] : memref<1024x8x128xf32, #tpu.memory_space<vmem>>, vector<1024x1x128xf32>
    %swap3A_93 = vector.shape_cast %swap3A_92 : vector<1024x1x128xf32> to vector<1024x128xf32>
    %swap3A_94 = vector.shape_cast %mul3A_89 : vector<1024x128xf32> to vector<1024x1x128xf32>
    tpu.vector_store %arg9[%swap3A, %swap3A_90, %swap3A_91], %swap3A_94 {strides = array<i32>} : memref<1024x8x128xf32, #tpu.memory_space<vmem>>, vector<1024x1x128xf32>,
    %get3A_95 = arith.constant 1 : index
    %get3A_96 = arith.constant 0 : index
    %get3A_97 = arith.constant 0 : index
    %get3A_98 = vector.load %arg1[%get3A_95, %get3A_96, %get3A_97] : memref<8x1024x128xf32, #tpu.memory_space<vmem>>, vector<1x1024x128xf32>
    %get3A_99 = vector.shape_cast %get3A_98 : vector<1x1024x128xf32> to vector<1024x128xf32>
    %get3A_100 = arith.constant 0 : index
    %get3A_101 = arith.constant 0 : index
    %get3A_102 = vector.load %arg4[%get3A_100, %get3A_101] : memref<256x512xf32, #tpu.memory_space<vmem>>, vector<256x512xf32>
    %get3A_103 = arith.constant 0 : index
    %get3A_104 = arith.constant 0 : index
    %get3A_105 = vector.load %arg5[%get3A_103, %get3A_104] : memref<1x512xf32, #tpu.memory_space<vmem>>, vector<1x512xf32>
    %concatenate3A_106 = tpu.concatenate %get3A_99, %mul3A_50 in 1 : vector<1024x128xf32>, vector<1024x128xf32> -> vector<1024x256xf32>
    %dot_general3A_107 = arith.constant dense<0.000000e+00> : vector<1024x512xf32>
    %dot_general3A_108 = tpu.matmul %concatenate3A_106, %get3A_102, %dot_general3A_107 {dimension_numbers = #tpu.dot_dimension_numbers<[1], [0], [0], [1], [0, 0, 1, 1], [], []>, transpose_lhs_hint = false} : vector<1024x256xf32>, vector<256x512xf32>, vector<1024x512xf32> -> vector<1024x512xf32>
    %add3A_109 = vector.broadcast %get3A_105 : vector<1x512xf32> to vector<1024x512xf32>
    %add3A_110 = arith.addf %dot_general3A_108, %add3A_109 : vector<1024x512xf32>
    %slice3A_111 = vector.extract_strided_slice %add3A_110 {offsets = [0, 0], sizes = [1024, 128], strides = [1, 1]} : vector<1024x512xf32> to vector<1024x128xf32>
    %tanh3A_112 = math.tanh %slice3A_111 : vector<1024x128xf32>
    %slice3A_113 = vector.extract_strided_slice %add3A_110 {offsets = [0, 128], sizes = [1024, 128], strides = [1, 1]} : vector<1024x512xf32> to vector<1024x128xf32>
    %tanh3A_114 = math.tanh %slice3A_113 : vector<1024x128xf32>
    %slice3A_115 = vector.extract_strided_slice %add3A_110 {offsets = [0, 256], sizes = [1024, 128], strides = [1, 1]} : vector<1024x512xf32> to vector<1024x128xf32>
    %tanh3A_116 = math.tanh %slice3A_115 : vector<1024x128xf32>
    %slice3A_117 = vector.extract_strided_slice %add3A_110 {offsets = [0, 384], sizes = [1024, 128], strides = [1, 1]} : vector<1024x512xf32> to vector<1024x128xf32>
    %tanh3A_118 = math.tanh %slice3A_117 : vector<1024x128xf32>
    %add3A_119 = arith.constant 1.000000e+00 : f32
    %add3A_120 = vector.broadcast %add3A_119 : f32 to vector<1024x128xf32>
    %add3A_121 = arith.addf %tanh3A_114, %add3A_120 : vector<1024x128xf32>
    %mul3A_122 = arith.mulf %add3A_121, %mul3A_42 : vector<1024x128xf32>
    %add3A_123 = arith.constant 1.000000e+00 : f32
    %add3A_124 = vector.broadcast %add3A_123 : f32 to vector<1024x128xf32>
    %add3A_125 = arith.addf %tanh3A_112, %add3A_124 : vector<1024x128xf32>
    %mul3A_126 = arith.mulf %add3A_125, %tanh3A_116 : vector<1024x128xf32>
    %add3A_127 = arith.addf %mul3A_122, %mul3A_126 : vector<1024x128xf32>
    %mul3A_128 = arith.constant 5.000000e-01 : f32
    %mul3A_129 = vector.broadcast %mul3A_128 : f32 to vector<1024x128xf32>
    %mul3A_130 = arith.mulf %mul3A_129, %add3A_127 : vector<1024x128xf32>
    %tanh3A_131 = math.tanh %mul3A_130 : vector<1024x128xf32>
    %mul3A_132 = arith.constant 5.000000e-01 : f32
    %mul3A_133 = vector.broadcast %mul3A_132 : f32 to vector<1024x128xf32>
    %mul3A_134 = arith.mulf %mul3A_133, %tanh3A_131 : vector<1024x128xf32>
    %add3A_135 = arith.constant 1.000000e+00 : f32
    %add3A_136 = vector.broadcast %add3A_135 : f32 to vector<1024x128xf32>
    %add3A_137 = arith.addf %tanh3A_118, %add3A_136 : vector<1024x128xf32>
    %mul3A_138 = arith.mulf %mul3A_134, %add3A_137 : vector<1024x128xf32>
    %get3A_139 = arith.constant 0 : index
    %get3A_140 = arith.constant 0 : index
    %get3A_141 = vector.load %arg6[%get3A_139, %get3A_140] : memref<256x512xf32, #tpu.memory_space<vmem>>, vector<256x512xf32>
    %get3A_142 = arith.constant 0 : index
    %get3A_143 = arith.constant 0 : index
    %get3A_144 = vector.load %arg7[%get3A_142, %get3A_143] : memref<1x512xf32, #tpu.memory_space<vmem>>, vector<1x512xf32>
    %concatenate3A_145 = tpu.concatenate %mul3A_138, %mul3A_89 in 1 : vector<1024x128xf32>, vector<1024x128xf32> -> vector<1024x256xf32>
    %dot_general3A_146 = arith.constant dense<0.000000e+00> : vector<1024x512xf32>
    %dot_general3A_147 = tpu.matmul %concatenate3A_145, %get3A_141, %dot_general3A_146 {dimension_numbers = #tpu.dot_dimension_numbers<[1], [0], [0], [1], [0, 0, 1, 1], [], []>, transpose_lhs_hint = false} : vector<1024x256xf32>, vector<256x512xf32>, vector<1024x512xf32> -> vector<1024x512xf32>
    %add3A_148 = vector.broadcast %get3A_144 : vector<1x512xf32> to vector<1024x512xf32>
    %add3A_149 = arith.addf %dot_general3A_147, %add3A_148 : vector<1024x512xf32>
    %slice3A_150 = vector.extract_strided_slice %add3A_149 {offsets = [0, 0], sizes = [1024, 128], strides = [1, 1]} : vector<1024x512xf32> to vector<1024x128xf32>
    %tanh3A_151 = math.tanh %slice3A_150 : vector<1024x128xf32>
    %slice3A_152 = vector.extract_strided_slice %add3A_149 {offsets = [0, 128], sizes = [1024, 128], strides = [1, 1]} : vector<1024x512xf32> to vector<1024x128xf32>
    %tanh3A_153 = math.tanh %slice3A_152 : vector<1024x128xf32>
    %slice3A_154 = vector.extract_strided_slice %add3A_149 {offsets = [0, 256], sizes = [1024, 128], strides = [1, 1]} : vector<1024x512xf32> to vector<1024x128xf32>
    %tanh3A_155 = math.tanh %slice3A_154 : vector<1024x128xf32>
    %slice3A_156 = vector.extract_strided_slice %add3A_149 {offsets = [0, 384], sizes = [1024, 128], strides = [1, 1]} : vector<1024x512xf32> to vector<1024x128xf32>
    %tanh3A_157 = math.tanh %slice3A_156 : vector<1024x128xf32>
    %add3A_158 = arith.constant 1.000000e+00 : f32
    %add3A_159 = vector.broadcast %add3A_158 : f32 to vector<1024x128xf32>
    %add3A_160 = arith.addf %tanh3A_153, %add3A_159 : vector<1024x128xf32>
    %mul3A_161 = arith.mulf %add3A_160, %mul3A_81 : vector<1024x128xf32>
    %add3A_162 = arith.constant 1.000000e+00 : f32
    %add3A_163 = vector.broadcast %add3A_162 : f32 to vector<1024x128xf32>
    %add3A_164 = arith.addf %tanh3A_151, %add3A_163 : vector<1024x128xf32>
    %mul3A_165 = arith.mulf %add3A_164, %tanh3A_155 : vector<1024x128xf32>
    %add3A_166 = arith.addf %mul3A_161, %mul3A_165 : vector<1024x128xf32>
    %mul3A_167 = arith.constant 5.000000e-01 : f32
    %mul3A_168 = vector.broadcast %mul3A_167 : f32 to vector<1024x128xf32>
    %mul3A_169 = arith.mulf %mul3A_168, %add3A_166 : vector<1024x128xf32>
    %tanh3A_170 = math.tanh %mul3A_169 : vector<1024x128xf32>
    %mul3A_171 = arith.constant 5.000000e-01 : f32
    %mul3A_172 = vector.broadcast %mul3A_171 : f32 to vector<1024x128xf32>
    %mul3A_173 = arith.mulf %mul3A_172, %tanh3A_170 : vector<1024x128xf32>
    %add3A_174 = arith.constant 1.000000e+00 : f32
    %add3A_175 = vector.broadcast %add3A_174 : f32 to vector<1024x128xf32>
    %add3A_176 = arith.addf %tanh3A_157, %add3A_175 : vector<1024x128xf32>
    %mul3A_177 = arith.mulf %mul3A_173, %add3A_176 : vector<1024x128xf32>
    %swap3A_178 = arith.constant 0 : index
    %swap3A_179 = arith.constant 1 : index
    %swap3A_180 = arith.constant 0 : index
    %swap3A_181 = vector.load %arg9[%swap3A_178, %swap3A_179, %swap3A_180] : memref<1024x8x128xf32, #tpu.memory_space<vmem>>, vector<1024x1x128xf32>
    %swap3A_182 = vector.shape_cast %swap3A_181 : vector<1024x1x128xf32> to vector<1024x128xf32>
    %swap3A_183 = vector.shape_cast %mul3A_177 : vector<1024x128xf32> to vector<1024x1x128xf32>
    tpu.vector_store %arg9[%swap3A_178, %swap3A_179, %swap3A_180], %swap3A_183 {strides = array<i32>} : memref<1024x8x128xf32, #tpu.memory_space<vmem>>, vector<1024x1x128xf32>,
    %get3A_184 = arith.constant 2 : index
    %get3A_185 = arith.constant 0 : index
    %get3A_186 = arith.constant 0 : index
    %get3A_187 = vector.load %arg1[%get3A_184, %get3A_185, %get3A_186] : memref<8x1024x128xf32, #tpu.memory_space<vmem>>, vector<1x1024x128xf32>
    %get3A_188 = vector.shape_cast %get3A_187 : vector<1x1024x128xf32> to vector<1024x128xf32>
    %get3A_189 = arith.constant 0 : index
    %get3A_190 = arith.constant 0 : index
    %get3A_191 = vector.load %arg4[%get3A_189, %get3A_190] : memref<256x512xf32, #tpu.memory_space<vmem>>, vector<256x512xf32>
    %get3A_192 = arith.constant 0 : index
    %get3A_193 = arith.constant 0 : index
    %get3A_194 = vector.load %arg5[%get3A_192, %get3A_193] : memref<1x512xf32, #tpu.memory_space<vmem>>, vector<1x512xf32>
    %concatenate3A_195 = tpu.concatenate %get3A_188, %mul3A_138 in 1 : vector<1024x128xf32>, vector<1024x128xf32> -> vector<1024x256xf32>
    %dot_general3A_196 = arith.constant dense<0.000000e+00> : vector<1024x512xf32>
    %dot_general3A_197 = tpu.matmul %concatenate3A_195, %get3A_191, %dot_general3A_196 {dimension_numbers = #tpu.dot_dimension_numbers<[1], [0], [0], [1], [0, 0, 1, 1], [], []>, transpose_lhs_hint = false} : vector<1024x256xf32>, vector<256x512xf32>, vector<1024x512xf32> -> vector<1024x512xf32>
    %add3A_198 = vector.broadcast %get3A_194 : vector<1x512xf32> to vector<1024x512xf32>
    %add3A_199 = arith.addf %dot_general3A_197, %add3A_198 : vector<1024x512xf32>
    %slice3A_200 = vector.extract_strided_slice %add3A_199 {offsets = [0, 0], sizes = [1024, 128], strides = [1, 1]} : vector<1024x512xf32> to vector<1024x128xf32>
    %tanh3A_201 = math.tanh %slice3A_200 : vector<1024x128xf32>
    %slice3A_202 = vector.extract_strided_slice %add3A_199 {offsets = [0, 128], sizes = [1024, 128], strides = [1, 1]} : vector<1024x512xf32> to vector<1024x128xf32>
    %tanh3A_203 = math.tanh %slice3A_202 : vector<1024x128xf32>
    %slice3A_204 = vector.extract_strided_slice %add3A_199 {offsets = [0, 256], sizes = [1024, 128], strides = [1, 1]} : vector<1024x512xf32> to vector<1024x128xf32>
    %tanh3A_205 = math.tanh %slice3A_204 : vector<1024x128xf32>
    %slice3A_206 = vector.extract_strided_slice %add3A_199 {offsets = [0, 384], sizes = [1024, 128], strides = [1, 1]} : vector<1024x512xf32> to vector<1024x128xf32>
    %tanh3A_207 = math.tanh %slice3A_206 : vector<1024x128xf32>
    %add3A_208 = arith.constant 1.000000e+00 : f32
    %add3A_209 = vector.broadcast %add3A_208 : f32 to vector<1024x128xf32>
    %add3A_210 = arith.addf %tanh3A_203, %add3A_209 : vector<1024x128xf32>
    %mul3A_211 = arith.mulf %add3A_210, %mul3A_130 : vector<1024x128xf32>
    %add3A_212 = arith.constant 1.000000e+00 : f32
    %add3A_213 = vector.broadcast %add3A_212 : f32 to vector<1024x128xf32>
    %add3A_214 = arith.addf %tanh3A_201, %add3A_213 : vector<1024x128xf32>
    %mul3A_215 = arith.mulf %add3A_214, %tanh3A_205 : vector<1024x128xf32>
    %add3A_216 = arith.addf %mul3A_211, %mul3A_215 : vector<1024x128xf32>
    %mul3A_217 = arith.constant 5.000000e-01 : f32
    %mul3A_218 = vector.broadcast %mul3A_217 : f32 to vector<1024x128xf32>
    %mul3A_219 = arith.mulf %mul3A_218, %add3A_216 : vector<1024x128xf32>
    %tanh3A_220 = math.tanh %mul3A_219 : vector<1024x128xf32>
    %mul3A_221 = arith.constant 5.000000e-01 : f32
    %mul3A_222 = vector.broadcast %mul3A_221 : f32 to vector<1024x128xf32>
    %mul3A_223 = arith.mulf %mul3A_222, %tanh3A_220 : vector<1024x128xf32>
    %add3A_224 = arith.constant 1.000000e+00 : f32
    %add3A_225 = vector.broadcast %add3A_224 : f32 to vector<1024x128xf32>
    %add3A_226 = arith.addf %tanh3A_207, %add3A_225 : vector<1024x128xf32>
    %mul3A_227 = arith.mulf %mul3A_223, %add3A_226 : vector<1024x128xf32>
    %get3A_228 = arith.constant 0 : index
    %get3A_229 = arith.constant 0 : index
    %get3A_230 = vector.load %arg6[%get3A_228, %get3A_229] : memref<256x512xf32, #tpu.memory_space<vmem>>, vector<256x512xf32>
    %get3A_231 = arith.constant 0 : index
    %get3A_232 = arith.constant 0 : index
    %get3A_233 = vector.load %arg7[%get3A_231, %get3A_232] : memref<1x512xf32, #tpu.memory_space<vmem>>, vector<1x512xf32>
    %concatenate3A_234 = tpu.concatenate %mul3A_227, %mul3A_177 in 1 : vector<1024x128xf32>, vector<1024x128xf32> -> vector<1024x256xf32>
    %dot_general3A_235 = arith.constant dense<0.000000e+00> : vector<1024x512xf32>
    %dot_general3A_236 = tpu.matmul %concatenate3A_234, %get3A_230, %dot_general3A_235 {dimension_numbers = #tpu.dot_dimension_numbers<[1], [0], [0], [1], [0, 0, 1, 1], [], []>, transpose_lhs_hint = false} : vector<1024x256xf32>, vector<256x512xf32>, vector<1024x512xf32> -> vector<1024x512xf32>
    %add3A_237 = vector.broadcast %get3A_233 : vector<1x512xf32> to vector<1024x512xf32>
    %add3A_238 = arith.addf %dot_general3A_236, %add3A_237 : vector<1024x512xf32>
    %slice3A_239 = vector.extract_strided_slice %add3A_238 {offsets = [0, 0], sizes = [1024, 128], strides = [1, 1]} : vector<1024x512xf32> to vector<1024x128xf32>
    %tanh3A_240 = math.tanh %slice3A_239 : vector<1024x128xf32>
    %slice3A_241 = vector.extract_strided_slice %add3A_238 {offsets = [0, 128], sizes = [1024, 128], strides = [1, 1]} : vector<1024x512xf32> to vector<1024x128xf32>
    %tanh3A_242 = math.tanh %slice3A_241 : vector<1024x128xf32>
    %slice3A_243 = vector.extract_strided_slice %add3A_238 {offsets = [0, 256], sizes = [1024, 128], strides = [1, 1]} : vector<1024x512xf32> to vector<1024x128xf32>
    %tanh3A_244 = math.tanh %slice3A_243 : vector<1024x128xf32>
    %slice3A_245 = vector.extract_strided_slice %add3A_238 {offsets = [0, 384], sizes = [1024, 128], strides = [1, 1]} : vector<1024x512xf32> to vector<1024x128xf32>
    %tanh3A_246 = math.tanh %slice3A_245 : vector<1024x128xf32>
    %add3A_247 = arith.constant 1.000000e+00 : f32
    %add3A_248 = vector.broadcast %add3A_247 : f32 to vector<1024x128xf32>
    %add3A_249 = arith.addf %tanh3A_242, %add3A_248 : vector<1024x128xf32>
    %mul3A_250 = arith.mulf %add3A_249, %mul3A_169 : vector<1024x128xf32>
    %add3A_251 = arith.constant 1.000000e+00 : f32
    %add3A_252 = vector.broadcast %add3A_251 : f32 to vector<1024x128xf32>
    %add3A_253 = arith.addf %tanh3A_240, %add3A_252 : vector<1024x128xf32>
    %mul3A_254 = arith.mulf %add3A_253, %tanh3A_244 : vector<1024x128xf32>
    %add3A_255 = arith.addf %mul3A_250, %mul3A_254 : vector<1024x128xf32>
    %mul3A_256 = arith.constant 5.000000e-01 : f32
    %mul3A_257 = vector.broadcast %mul3A_256 : f32 to vector<1024x128xf32>
    %mul3A_258 = arith.mulf %mul3A_257, %add3A_255 : vector<1024x128xf32>
    %tanh3A_259 = math.tanh %mul3A_258 : vector<1024x128xf32>
    %mul3A_260 = arith.constant 5.000000e-01 : f32
    %mul3A_261 = vector.broadcast %mul3A_260 : f32 to vector<1024x128xf32>
    %mul3A_262 = arith.mulf %mul3A_261, %tanh3A_259 : vector<1024x128xf32>
    %add3A_263 = arith.constant 1.000000e+00 : f32
    %add3A_264 = vector.broadcast %add3A_263 : f32 to vector<1024x128xf32>
    %add3A_265 = arith.addf %tanh3A_246, %add3A_264 : vector<1024x128xf32>
    %mul3A_266 = arith.mulf %mul3A_262, %add3A_265 : vector<1024x128xf32>
    %swap3A_267 = arith.constant 0 : index
    %swap3A_268 = arith.constant 2 : index
    %swap3A_269 = arith.constant 0 : index
    %swap3A_270 = vector.load %arg9[%swap3A_267, %swap3A_268, %swap3A_269] : memref<1024x8x128xf32, #tpu.memory_space<vmem>>, vector<1024x1x128xf32>
    %swap3A_271 = vector.shape_cast %swap3A_270 : vector<1024x1x128xf32> to vector<1024x128xf32>
    %swap3A_272 = vector.shape_cast %mul3A_266 : vector<1024x128xf32> to vector<1024x1x128xf32>
    tpu.vector_store %arg9[%swap3A_267, %swap3A_268, %swap3A_269], %swap3A_272 {strides = array<i32>} : memref<1024x8x128xf32, #tpu.memory_space<vmem>>, vector<1024x1x128xf32>,
    %get3A_273 = arith.constant 3 : index
    %get3A_274 = arith.constant 0 : index
    %get3A_275 = arith.constant 0 : index
    %get3A_276 = vector.load %arg1[%get3A_273, %get3A_274, %get3A_275] : memref<8x1024x128xf32, #tpu.memory_space<vmem>>, vector<1x1024x128xf32>
    %get3A_277 = vector.shape_cast %get3A_276 : vector<1x1024x128xf32> to vector<1024x128xf32>
    %get3A_278 = arith.constant 0 : index
    %get3A_279 = arith.constant 0 : index
    %get3A_280 = vector.load %arg4[%get3A_278, %get3A_279] : memref<256x512xf32, #tpu.memory_space<vmem>>, vector<256x512xf32>
    %get3A_281 = arith.constant 0 : index
    %get3A_282 = arith.constant 0 : index
    %get3A_283 = vector.load %arg5[%get3A_281, %get3A_282] : memref<1x512xf32, #tpu.memory_space<vmem>>, vector<1x512xf32>
    %concatenate3A_284 = tpu.concatenate %get3A_277, %mul3A_227 in 1 : vector<1024x128xf32>, vector<1024x128xf32> -> vector<1024x256xf32>
    %dot_general3A_285 = arith.constant dense<0.000000e+00> : vector<1024x512xf32>
    %dot_general3A_286 = tpu.matmul %concatenate3A_284, %get3A_280, %dot_general3A_285 {dimension_numbers = #tpu.dot_dimension_numbers<[1], [0], [0], [1], [0, 0, 1, 1], [], []>, transpose_lhs_hint = false} : vector<1024x256xf32>, vector<256x512xf32>, vector<1024x512xf32> -> vector<1024x512xf32>
    %add3A_287 = vector.broadcast %get3A_283 : vector<1x512xf32> to vector<1024x512xf32>
    %add3A_288 = arith.addf %dot_general3A_286, %add3A_287 : vector<1024x512xf32>
    %slice3A_289 = vector.extract_strided_slice %add3A_288 {offsets = [0, 0], sizes = [1024, 128], strides = [1, 1]} : vector<1024x512xf32> to vector<1024x128xf32>
    %tanh3A_290 = math.tanh %slice3A_289 : vector<1024x128xf32>
    %slice3A_291 = vector.extract_strided_slice %add3A_288 {offsets = [0, 128], sizes = [1024, 128], strides = [1, 1]} : vector<1024x512xf32> to vector<1024x128xf32>
    %tanh3A_292 = math.tanh %slice3A_291 : vector<1024x128xf32>
    %slice3A_293 = vector.extract_strided_slice %add3A_288 {offsets = [0, 256], sizes = [1024, 128], strides = [1, 1]} : vector<1024x512xf32> to vector<1024x128xf32>
    %tanh3A_294 = math.tanh %slice3A_293 : vector<1024x128xf32>
    %slice3A_295 = vector.extract_strided_slice %add3A_288 {offsets = [0, 384], sizes = [1024, 128], strides = [1, 1]} : vector<1024x512xf32> to vector<1024x128xf32>
    %tanh3A_296 = math.tanh %slice3A_295 : vector<1024x128xf32>
    %add3A_297 = arith.constant 1.000000e+00 : f32
    %add3A_298 = vector.broadcast %add3A_297 : f32 to vector<1024x128xf32>
    %add3A_299 = arith.addf %tanh3A_292, %add3A_298 : vector<1024x128xf32>
    %mul3A_300 = arith.mulf %add3A_299, %mul3A_219 : vector<1024x128xf32>
    %add3A_301 = arith.constant 1.000000e+00 : f32
    %add3A_302 = vector.broadcast %add3A_301 : f32 to vector<1024x128xf32>
    %add3A_303 = arith.addf %tanh3A_290, %add3A_302 : vector<1024x128xf32>
    %mul3A_304 = arith.mulf %add3A_303, %tanh3A_294 : vector<1024x128xf32>
    %add3A_305 = arith.addf %mul3A_300, %mul3A_304 : vector<1024x128xf32>
    %mul3A_306 = arith.constant 5.000000e-01 : f32
    %mul3A_307 = vector.broadcast %mul3A_306 : f32 to vector<1024x128xf32>
    %mul3A_308 = arith.mulf %mul3A_307, %add3A_305 : vector<1024x128xf32>
    %tanh3A_309 = math.tanh %mul3A_308 : vector<1024x128xf32>
    %mul3A_310 = arith.constant 5.000000e-01 : f32
    %mul3A_311 = vector.broadcast %mul3A_310 : f32 to vector<1024x128xf32>
    %mul3A_312 = arith.mulf %mul3A_311, %tanh3A_309 : vector<1024x128xf32>
    %add3A_313 = arith.constant 1.000000e+00 : f32
    %add3A_314 = vector.broadcast %add3A_313 : f32 to vector<1024x128xf32>
    %add3A_315 = arith.addf %tanh3A_296, %add3A_314 : vector<1024x128xf32>
    %mul3A_316 = arith.mulf %mul3A_312, %add3A_315 : vector<1024x128xf32>
    %get3A_317 = arith.constant 0 : index
    %get3A_318 = arith.constant 0 : index
    %get3A_319 = vector.load %arg6[%get3A_317, %get3A_318] : memref<256x512xf32, #tpu.memory_space<vmem>>, vector<256x512xf32>
    %get3A_320 = arith.constant 0 : index
    %get3A_321 = arith.constant 0 : index
    %get3A_322 = vector.load %arg7[%get3A_320, %get3A_321] : memref<1x512xf32, #tpu.memory_space<vmem>>, vector<1x512xf32>
    %concatenate3A_323 = tpu.concatenate %mul3A_316, %mul3A_266 in 1 : vector<1024x128xf32>, vector<1024x128xf32> -> vector<1024x256xf32>
    %dot_general3A_324 = arith.constant dense<0.000000e+00> : vector<1024x512xf32>
    %dot_general3A_325 = tpu.matmul %concatenate3A_323, %get3A_319, %dot_general3A_324 {dimension_numbers = #tpu.dot_dimension_numbers<[1], [0], [0], [1], [0, 0, 1, 1], [], []>, transpose_lhs_hint = false} : vector<1024x256xf32>, vector<256x512xf32>, vector<1024x512xf32> -> vector<1024x512xf32>
    %add3A_326 = vector.broadcast %get3A_322 : vector<1x512xf32> to vector<1024x512xf32>
    %add3A_327 = arith.addf %dot_general3A_325, %add3A_326 : vector<1024x512xf32>
    %slice3A_328 = vector.extract_strided_slice %add3A_327 {offsets = [0, 0], sizes = [1024, 128], strides = [1, 1]} : vector<1024x512xf32> to vector<1024x128xf32>
    %tanh3A_329 = math.tanh %slice3A_328 : vector<1024x128xf32>
    %slice3A_330 = vector.extract_strided_slice %add3A_327 {offsets = [0, 128], sizes = [1024, 128], strides = [1, 1]} : vector<1024x512xf32> to vector<1024x128xf32>
    %tanh3A_331 = math.tanh %slice3A_330 : vector<1024x128xf32>
    %slice3A_332 = vector.extract_strided_slice %add3A_327 {offsets = [0, 256], sizes = [1024, 128], strides = [1, 1]} : vector<1024x512xf32> to vector<1024x128xf32>
    %tanh3A_333 = math.tanh %slice3A_332 : vector<1024x128xf32>
    %slice3A_334 = vector.extract_strided_slice %add3A_327 {offsets = [0, 384], sizes = [1024, 128], strides = [1, 1]} : vector<1024x512xf32> to vector<1024x128xf32>
    %tanh3A_335 = math.tanh %slice3A_334 : vector<1024x128xf32>
    %add3A_336 = arith.constant 1.000000e+00 : f32
    %add3A_337 = vector.broadcast %add3A_336 : f32 to vector<1024x128xf32>
    %add3A_338 = arith.addf %tanh3A_331, %add3A_337 : vector<1024x128xf32>
    %mul3A_339 = arith.mulf %add3A_338, %mul3A_258 : vector<1024x128xf32>
    %add3A_340 = arith.constant 1.000000e+00 : f32
    %add3A_341 = vector.broadcast %add3A_340 : f32 to vector<1024x128xf32>
    %add3A_342 = arith.addf %tanh3A_329, %add3A_341 : vector<1024x128xf32>
    %mul3A_343 = arith.mulf %add3A_342, %tanh3A_333 : vector<1024x128xf32>
    %add3A_344 = arith.addf %mul3A_339, %mul3A_343 : vector<1024x128xf32>
    %mul3A_345 = arith.constant 5.000000e-01 : f32
    %mul3A_346 = vector.broadcast %mul3A_345 : f32 to vector<1024x128xf32>
    %mul3A_347 = arith.mulf %mul3A_346, %add3A_344 : vector<1024x128xf32>
    %tanh3A_348 = math.tanh %mul3A_347 : vector<1024x128xf32>
    %mul3A_349 = arith.constant 5.000000e-01 : f32
    %mul3A_350 = vector.broadcast %mul3A_349 : f32 to vector<1024x128xf32>
    %mul3A_351 = arith.mulf %mul3A_350, %tanh3A_348 : vector<1024x128xf32>
    %add3A_352 = arith.constant 1.000000e+00 : f32
    %add3A_353 = vector.broadcast %add3A_352 : f32 to vector<1024x128xf32>
    %add3A_354 = arith.addf %tanh3A_335, %add3A_353 : vector<1024x128xf32>
    %mul3A_355 = arith.mulf %mul3A_351, %add3A_354 : vector<1024x128xf32>
    %swap3A_356 = arith.constant 0 : index
    %swap3A_357 = arith.constant 3 : index
    %swap3A_358 = arith.constant 0 : index
    %swap3A_359 = vector.load %arg9[%swap3A_356, %swap3A_357, %swap3A_358] : memref<1024x8x128xf32, #tpu.memory_space<vmem>>, vector<1024x1x128xf32>
    %swap3A_360 = vector.shape_cast %swap3A_359 : vector<1024x1x128xf32> to vector<1024x128xf32>
    %swap3A_361 = vector.shape_cast %mul3A_355 : vector<1024x128xf32> to vector<1024x1x128xf32>
    tpu.vector_store %arg9[%swap3A_356, %swap3A_357, %swap3A_358], %swap3A_361 {strides = array<i32>} : memref<1024x8x128xf32, #tpu.memory_space<vmem>>, vector<1024x1x128xf32>,
    %get3A_362 = arith.constant 4 : index
    %get3A_363 = arith.constant 0 : index
    %get3A_364 = arith.constant 0 : index
    %get3A_365 = vector.load %arg1[%get3A_362, %get3A_363, %get3A_364] : memref<8x1024x128xf32, #tpu.memory_space<vmem>>, vector<1x1024x128xf32>
    %get3A_366 = vector.shape_cast %get3A_365 : vector<1x1024x128xf32> to vector<1024x128xf32>
    %get3A_367 = arith.constant 0 : index
    %get3A_368 = arith.constant 0 : index
    %get3A_369 = vector.load %arg4[%get3A_367, %get3A_368] : memref<256x512xf32, #tpu.memory_space<vmem>>, vector<256x512xf32>
    %get3A_370 = arith.constant 0 : index
    %get3A_371 = arith.constant 0 : index
    %get3A_372 = vector.load %arg5[%get3A_370, %get3A_371] : memref<1x512xf32, #tpu.memory_space<vmem>>, vector<1x512xf32>
    %concatenate3A_373 = tpu.concatenate %get3A_366, %mul3A_316 in 1 : vector<1024x128xf32>, vector<1024x128xf32> -> vector<1024x256xf32>
    %dot_general3A_374 = arith.constant dense<0.000000e+00> : vector<1024x512xf32>
    %dot_general3A_375 = tpu.matmul %concatenate3A_373, %get3A_369, %dot_general3A_374 {dimension_numbers = #tpu.dot_dimension_numbers<[1], [0], [0], [1], [0, 0, 1, 1], [], []>, transpose_lhs_hint = false} : vector<1024x256xf32>, vector<256x512xf32>, vector<1024x512xf32> -> vector<1024x512xf32>
    %add3A_376 = vector.broadcast %get3A_372 : vector<1x512xf32> to vector<1024x512xf32>
    %add3A_377 = arith.addf %dot_general3A_375, %add3A_376 : vector<1024x512xf32>
    %slice3A_378 = vector.extract_strided_slice %add3A_377 {offsets = [0, 0], sizes = [1024, 128], strides = [1, 1]} : vector<1024x512xf32> to vector<1024x128xf32>
    %tanh3A_379 = math.tanh %slice3A_378 : vector<1024x128xf32>
    %slice3A_380 = vector.extract_strided_slice %add3A_377 {offsets = [0, 128], sizes = [1024, 128], strides = [1, 1]} : vector<1024x512xf32> to vector<1024x128xf32>
    %tanh3A_381 = math.tanh %slice3A_380 : vector<1024x128xf32>
    %slice3A_382 = vector.extract_strided_slice %add3A_377 {offsets = [0, 256], sizes = [1024, 128], strides = [1, 1]} : vector<1024x512xf32> to vector<1024x128xf32>
    %tanh3A_383 = math.tanh %slice3A_382 : vector<1024x128xf32>
    %slice3A_384 = vector.extract_strided_slice %add3A_377 {offsets = [0, 384], sizes = [1024, 128], strides = [1, 1]} : vector<1024x512xf32> to vector<1024x128xf32>
    %tanh3A_385 = math.tanh %slice3A_384 : vector<1024x128xf32>
    %add3A_386 = arith.constant 1.000000e+00 : f32
    %add3A_387 = vector.broadcast %add3A_386 : f32 to vector<1024x128xf32>
    %add3A_388 = arith.addf %tanh3A_381, %add3A_387 : vector<1024x128xf32>
    %mul3A_389 = arith.mulf %add3A_388, %mul3A_308 : vector<1024x128xf32>
    %add3A_390 = arith.constant 1.000000e+00 : f32
    %add3A_391 = vector.broadcast %add3A_390 : f32 to vector<1024x128xf32>
    %add3A_392 = arith.addf %tanh3A_379, %add3A_391 : vector<1024x128xf32>
    %mul3A_393 = arith.mulf %add3A_392, %tanh3A_383 : vector<1024x128xf32>
    %add3A_394 = arith.addf %mul3A_389, %mul3A_393 : vector<1024x128xf32>
    %mul3A_395 = arith.constant 5.000000e-01 : f32
    %mul3A_396 = vector.broadcast %mul3A_395 : f32 to vector<1024x128xf32>
    %mul3A_397 = arith.mulf %mul3A_396, %add3A_394 : vector<1024x128xf32>
    %tanh3A_398 = math.tanh %mul3A_397 : vector<1024x128xf32>
    %mul3A_399 = arith.constant 5.000000e-01 : f32
    %mul3A_400 = vector.broadcast %mul3A_399 : f32 to vector<1024x128xf32>
    %mul3A_401 = arith.mulf %mul3A_400, %tanh3A_398 : vector<1024x128xf32>
    %add3A_402 = arith.constant 1.000000e+00 : f32
    %add3A_403 = vector.broadcast %add3A_402 : f32 to vector<1024x128xf32>
    %add3A_404 = arith.addf %tanh3A_385, %add3A_403 : vector<1024x128xf32>
    %mul3A_405 = arith.mulf %mul3A_401, %add3A_404 : vector<1024x128xf32>
    %get3A_406 = arith.constant 0 : index
    %get3A_407 = arith.constant 0 : index
    %get3A_408 = vector.load %arg6[%get3A_406, %get3A_407] : memref<256x512xf32, #tpu.memory_space<vmem>>, vector<256x512xf32>
    %get3A_409 = arith.constant 0 : index
    %get3A_410 = arith.constant 0 : index
    %get3A_411 = vector.load %arg7[%get3A_409, %get3A_410] : memref<1x512xf32, #tpu.memory_space<vmem>>, vector<1x512xf32>
    %concatenate3A_412 = tpu.concatenate %mul3A_405, %mul3A_355 in 1 : vector<1024x128xf32>, vector<1024x128xf32> -> vector<1024x256xf32>
    %dot_general3A_413 = arith.constant dense<0.000000e+00> : vector<1024x512xf32>
    %dot_general3A_414 = tpu.matmul %concatenate3A_412, %get3A_408, %dot_general3A_413 {dimension_numbers = #tpu.dot_dimension_numbers<[1], [0], [0], [1], [0, 0, 1, 1], [], []>, transpose_lhs_hint = false} : vector<1024x256xf32>, vector<256x512xf32>, vector<1024x512xf32> -> vector<1024x512xf32>
    %add3A_415 = vector.broadcast %get3A_411 : vector<1x512xf32> to vector<1024x512xf32>
    %add3A_416 = arith.addf %dot_general3A_414, %add3A_415 : vector<1024x512xf32>
    %slice3A_417 = vector.extract_strided_slice %add3A_416 {offsets = [0, 0], sizes = [1024, 128], strides = [1, 1]} : vector<1024x512xf32> to vector<1024x128xf32>
    %tanh3A_418 = math.tanh %slice3A_417 : vector<1024x128xf32>
    %slice3A_419 = vector.extract_strided_slice %add3A_416 {offsets = [0, 128], sizes = [1024, 128], strides = [1, 1]} : vector<1024x512xf32> to vector<1024x128xf32>
    %tanh3A_420 = math.tanh %slice3A_419 : vector<1024x128xf32>
    %slice3A_421 = vector.extract_strided_slice %add3A_416 {offsets = [0, 256], sizes = [1024, 128], strides = [1, 1]} : vector<1024x512xf32> to vector<1024x128xf32>
    %tanh3A_422 = math.tanh %slice3A_421 : vector<1024x128xf32>
    %slice3A_423 = vector.extract_strided_slice %add3A_416 {offsets = [0, 384], sizes = [1024, 128], strides = [1, 1]} : vector<1024x512xf32> to vector<1024x128xf32>
    %tanh3A_424 = math.tanh %slice3A_423 : vector<1024x128xf32>
    %add3A_425 = arith.constant 1.000000e+00 : f32
    %add3A_426 = vector.broadcast %add3A_425 : f32 to vector<1024x128xf32>
    %add3A_427 = arith.addf %tanh3A_420, %add3A_426 : vector<1024x128xf32>
    %mul3A_428 = arith.mulf %add3A_427, %mul3A_347 : vector<1024x128xf32>
    %add3A_429 = arith.constant 1.000000e+00 : f32
    %add3A_430 = vector.broadcast %add3A_429 : f32 to vector<1024x128xf32>
    %add3A_431 = arith.addf %tanh3A_418, %add3A_430 : vector<1024x128xf32>
    %mul3A_432 = arith.mulf %add3A_431, %tanh3A_422 : vector<1024x128xf32>
    %add3A_433 = arith.addf %mul3A_428, %mul3A_432 : vector<1024x128xf32>
    %mul3A_434 = arith.constant 5.000000e-01 : f32
    %mul3A_435 = vector.broadcast %mul3A_434 : f32 to vector<1024x128xf32>
    %mul3A_436 = arith.mulf %mul3A_435, %add3A_433 : vector<1024x128xf32>
    %tanh3A_437 = math.tanh %mul3A_436 : vector<1024x128xf32>
    %mul3A_438 = arith.constant 5.000000e-01 : f32
    %mul3A_439 = vector.broadcast %mul3A_438 : f32 to vector<1024x128xf32>
    %mul3A_440 = arith.mulf %mul3A_439, %tanh3A_437 : vector<1024x128xf32>
    %add3A_441 = arith.constant 1.000000e+00 : f32
    %add3A_442 = vector.broadcast %add3A_441 : f32 to vector<1024x128xf32>
    %add3A_443 = arith.addf %tanh3A_424, %add3A_442 : vector<1024x128xf32>
    %mul3A_444 = arith.mulf %mul3A_440, %add3A_443 : vector<1024x128xf32>
    %swap3A_445 = arith.constant 0 : index
    %swap3A_446 = arith.constant 4 : index
    %swap3A_447 = arith.constant 0 : index
    %swap3A_448 = vector.load %arg9[%swap3A_445, %swap3A_446, %swap3A_447] : memref<1024x8x128xf32, #tpu.memory_space<vmem>>, vector<1024x1x128xf32>
    %swap3A_449 = vector.shape_cast %swap3A_448 : vector<1024x1x128xf32> to vector<1024x128xf32>
    %swap3A_450 = vector.shape_cast %mul3A_444 : vector<1024x128xf32> to vector<1024x1x128xf32>
    tpu.vector_store %arg9[%swap3A_445, %swap3A_446, %swap3A_447], %swap3A_450 {strides = array<i32>} : memref<1024x8x128xf32, #tpu.memory_space<vmem>>, vector<1024x1x128xf32>,
    %get3A_451 = arith.constant 5 : index
    %get3A_452 = arith.constant 0 : index
    %get3A_453 = arith.constant 0 : index
    %get3A_454 = vector.load %arg1[%get3A_451, %get3A_452, %get3A_453] : memref<8x1024x128xf32, #tpu.memory_space<vmem>>, vector<1x1024x128xf32>
    %get3A_455 = vector.shape_cast %get3A_454 : vector<1x1024x128xf32> to vector<1024x128xf32>
    %get3A_456 = arith.constant 0 : index
    %get3A_457 = arith.constant 0 : index
    %get3A_458 = vector.load %arg4[%get3A_456, %get3A_457] : memref<256x512xf32, #tpu.memory_space<vmem>>, vector<256x512xf32>
    %get3A_459 = arith.constant 0 : index
    %get3A_460 = arith.constant 0 : index
    %get3A_461 = vector.load %arg5[%get3A_459, %get3A_460] : memref<1x512xf32, #tpu.memory_space<vmem>>, vector<1x512xf32>
    %concatenate3A_462 = tpu.concatenate %get3A_455, %mul3A_405 in 1 : vector<1024x128xf32>, vector<1024x128xf32> -> vector<1024x256xf32>
    %dot_general3A_463 = arith.constant dense<0.000000e+00> : vector<1024x512xf32>
    %dot_general3A_464 = tpu.matmul %concatenate3A_462, %get3A_458, %dot_general3A_463 {dimension_numbers = #tpu.dot_dimension_numbers<[1], [0], [0], [1], [0, 0, 1, 1], [], []>, transpose_lhs_hint = false} : vector<1024x256xf32>, vector<256x512xf32>, vector<1024x512xf32> -> vector<1024x512xf32>
    %add3A_465 = vector.broadcast %get3A_461 : vector<1x512xf32> to vector<1024x512xf32>
    %add3A_466 = arith.addf %dot_general3A_464, %add3A_465 : vector<1024x512xf32>
    %slice3A_467 = vector.extract_strided_slice %add3A_466 {offsets = [0, 0], sizes = [1024, 128], strides = [1, 1]} : vector<1024x512xf32> to vector<1024x128xf32>
    %tanh3A_468 = math.tanh %slice3A_467 : vector<1024x128xf32>
    %slice3A_469 = vector.extract_strided_slice %add3A_466 {offsets = [0, 128], sizes = [1024, 128], strides = [1, 1]} : vector<1024x512xf32> to vector<1024x128xf32>
    %tanh3A_470 = math.tanh %slice3A_469 : vector<1024x128xf32>
    %slice3A_471 = vector.extract_strided_slice %add3A_466 {offsets = [0, 256], sizes = [1024, 128], strides = [1, 1]} : vector<1024x512xf32> to vector<1024x128xf32>
    %tanh3A_472 = math.tanh %slice3A_471 : vector<1024x128xf32>
    %slice3A_473 = vector.extract_strided_slice %add3A_466 {offsets = [0, 384], sizes = [1024, 128], strides = [1, 1]} : vector<1024x512xf32> to vector<1024x128xf32>
    %tanh3A_474 = math.tanh %slice3A_473 : vector<1024x128xf32>
    %add3A_475 = arith.constant 1.000000e+00 : f32
    %add3A_476 = vector.broadcast %add3A_475 : f32 to vector<1024x128xf32>
    %add3A_477 = arith.addf %tanh3A_470, %add3A_476 : vector<1024x128xf32>
    %mul3A_478 = arith.mulf %add3A_477, %mul3A_397 : vector<1024x128xf32>
    %add3A_479 = arith.constant 1.000000e+00 : f32
    %add3A_480 = vector.broadcast %add3A_479 : f32 to vector<1024x128xf32>
    %add3A_481 = arith.addf %tanh3A_468, %add3A_480 : vector<1024x128xf32>
    %mul3A_482 = arith.mulf %add3A_481, %tanh3A_472 : vector<1024x128xf32>
    %add3A_483 = arith.addf %mul3A_478, %mul3A_482 : vector<1024x128xf32>
    %mul3A_484 = arith.constant 5.000000e-01 : f32
    %mul3A_485 = vector.broadcast %mul3A_484 : f32 to vector<1024x128xf32>
    %mul3A_486 = arith.mulf %mul3A_485, %add3A_483 : vector<1024x128xf32>
    %tanh3A_487 = math.tanh %mul3A_486 : vector<1024x128xf32>
    %mul3A_488 = arith.constant 5.000000e-01 : f32
    %mul3A_489 = vector.broadcast %mul3A_488 : f32 to vector<1024x128xf32>
    %mul3A_490 = arith.mulf %mul3A_489, %tanh3A_487 : vector<1024x128xf32>
    %add3A_491 = arith.constant 1.000000e+00 : f32
    %add3A_492 = vector.broadcast %add3A_491 : f32 to vector<1024x128xf32>
    %add3A_493 = arith.addf %tanh3A_474, %add3A_492 : vector<1024x128xf32>
    %mul3A_494 = arith.mulf %mul3A_490, %add3A_493 : vector<1024x128xf32>
    %get3A_495 = arith.constant 0 : index
    %get3A_496 = arith.constant 0 : index
    %get3A_497 = vector.load %arg6[%get3A_495, %get3A_496] : memref<256x512xf32, #tpu.memory_space<vmem>>, vector<256x512xf32>
    %get3A_498 = arith.constant 0 : index
    %get3A_499 = arith.constant 0 : index
    %get3A_500 = vector.load %arg7[%get3A_498, %get3A_499] : memref<1x512xf32, #tpu.memory_space<vmem>>, vector<1x512xf32>
    %concatenate3A_501 = tpu.concatenate %mul3A_494, %mul3A_444 in 1 : vector<1024x128xf32>, vector<1024x128xf32> -> vector<1024x256xf32>
    %dot_general3A_502 = arith.constant dense<0.000000e+00> : vector<1024x512xf32>
    %dot_general3A_503 = tpu.matmul %concatenate3A_501, %get3A_497, %dot_general3A_502 {dimension_numbers = #tpu.dot_dimension_numbers<[1], [0], [0], [1], [0, 0, 1, 1], [], []>, transpose_lhs_hint = false} : vector<1024x256xf32>, vector<256x512xf32>, vector<1024x512xf32> -> vector<1024x512xf32>
    %add3A_504 = vector.broadcast %get3A_500 : vector<1x512xf32> to vector<1024x512xf32>
    %add3A_505 = arith.addf %dot_general3A_503, %add3A_504 : vector<1024x512xf32>
    %slice3A_506 = vector.extract_strided_slice %add3A_505 {offsets = [0, 0], sizes = [1024, 128], strides = [1, 1]} : vector<1024x512xf32> to vector<1024x128xf32>
    %tanh3A_507 = math.tanh %slice3A_506 : vector<1024x128xf32>
    %slice3A_508 = vector.extract_strided_slice %add3A_505 {offsets = [0, 128], sizes = [1024, 128], strides = [1, 1]} : vector<1024x512xf32> to vector<1024x128xf32>
    %tanh3A_509 = math.tanh %slice3A_508 : vector<1024x128xf32>
    %slice3A_510 = vector.extract_strided_slice %add3A_505 {offsets = [0, 256], sizes = [1024, 128], strides = [1, 1]} : vector<1024x512xf32> to vector<1024x128xf32>
    %tanh3A_511 = math.tanh %slice3A_510 : vector<1024x128xf32>
    %slice3A_512 = vector.extract_strided_slice %add3A_505 {offsets = [0, 384], sizes = [1024, 128], strides = [1, 1]} : vector<1024x512xf32> to vector<1024x128xf32>
    %tanh3A_513 = math.tanh %slice3A_512 : vector<1024x128xf32>
    %add3A_514 = arith.constant 1.000000e+00 : f32
    %add3A_515 = vector.broadcast %add3A_514 : f32 to vector<1024x128xf32>
    %add3A_516 = arith.addf %tanh3A_509, %add3A_515 : vector<1024x128xf32>
    %mul3A_517 = arith.mulf %add3A_516, %mul3A_436 : vector<1024x128xf32>
    %add3A_518 = arith.constant 1.000000e+00 : f32
    %add3A_519 = vector.broadcast %add3A_518 : f32 to vector<1024x128xf32>
    %add3A_520 = arith.addf %tanh3A_507, %add3A_519 : vector<1024x128xf32>
    %mul3A_521 = arith.mulf %add3A_520, %tanh3A_511 : vector<1024x128xf32>
    %add3A_522 = arith.addf %mul3A_517, %mul3A_521 : vector<1024x128xf32>
    %mul3A_523 = arith.constant 5.000000e-01 : f32
    %mul3A_524 = vector.broadcast %mul3A_523 : f32 to vector<1024x128xf32>
    %mul3A_525 = arith.mulf %mul3A_524, %add3A_522 : vector<1024x128xf32>
    %tanh3A_526 = math.tanh %mul3A_525 : vector<1024x128xf32>
    %mul3A_527 = arith.constant 5.000000e-01 : f32
    %mul3A_528 = vector.broadcast %mul3A_527 : f32 to vector<1024x128xf32>
    %mul3A_529 = arith.mulf %mul3A_528, %tanh3A_526 : vector<1024x128xf32>
    %add3A_530 = arith.constant 1.000000e+00 : f32
    %add3A_531 = vector.broadcast %add3A_530 : f32 to vector<1024x128xf32>
    %add3A_532 = arith.addf %tanh3A_513, %add3A_531 : vector<1024x128xf32>
    %mul3A_533 = arith.mulf %mul3A_529, %add3A_532 : vector<1024x128xf32>
    %swap3A_534 = arith.constant 0 : index
    %swap3A_535 = arith.constant 5 : index
    %swap3A_536 = arith.constant 0 : index
    %swap3A_537 = vector.load %arg9[%swap3A_534, %swap3A_535, %swap3A_536] : memref<1024x8x128xf32, #tpu.memory_space<vmem>>, vector<1024x1x128xf32>
    %swap3A_538 = vector.shape_cast %swap3A_537 : vector<1024x1x128xf32> to vector<1024x128xf32>
    %swap3A_539 = vector.shape_cast %mul3A_533 : vector<1024x128xf32> to vector<1024x1x128xf32>
    tpu.vector_store %arg9[%swap3A_534, %swap3A_535, %swap3A_536], %swap3A_539 {strides = array<i32>} : memref<1024x8x128xf32, #tpu.memory_space<vmem>>, vector<1024x1x128xf32>,
    %get3A_540 = arith.constant 6 : index
    %get3A_541 = arith.constant 0 : index
    %get3A_542 = arith.constant 0 : index
    %get3A_543 = vector.load %arg1[%get3A_540, %get3A_541, %get3A_542] : memref<8x1024x128xf32, #tpu.memory_space<vmem>>, vector<1x1024x128xf32>
    %get3A_544 = vector.shape_cast %get3A_543 : vector<1x1024x128xf32> to vector<1024x128xf32>
    %get3A_545 = arith.constant 0 : index
    %get3A_546 = arith.constant 0 : index
    %get3A_547 = vector.load %arg4[%get3A_545, %get3A_546] : memref<256x512xf32, #tpu.memory_space<vmem>>, vector<256x512xf32>
    %get3A_548 = arith.constant 0 : index
    %get3A_549 = arith.constant 0 : index
    %get3A_550 = vector.load %arg5[%get3A_548, %get3A_549] : memref<1x512xf32, #tpu.memory_space<vmem>>, vector<1x512xf32>
    %concatenate3A_551 = tpu.concatenate %get3A_544, %mul3A_494 in 1 : vector<1024x128xf32>, vector<1024x128xf32> -> vector<1024x256xf32>
    %dot_general3A_552 = arith.constant dense<0.000000e+00> : vector<1024x512xf32>
    %dot_general3A_553 = tpu.matmul %concatenate3A_551, %get3A_547, %dot_general3A_552 {dimension_numbers = #tpu.dot_dimension_numbers<[1], [0], [0], [1], [0, 0, 1, 1], [], []>, transpose_lhs_hint = false} : vector<1024x256xf32>, vector<256x512xf32>, vector<1024x512xf32> -> vector<1024x512xf32>
    %add3A_554 = vector.broadcast %get3A_550 : vector<1x512xf32> to vector<1024x512xf32>
    %add3A_555 = arith.addf %dot_general3A_553, %add3A_554 : vector<1024x512xf32>
    %slice3A_556 = vector.extract_strided_slice %add3A_555 {offsets = [0, 0], sizes = [1024, 128], strides = [1, 1]} : vector<1024x512xf32> to vector<1024x128xf32>
    %tanh3A_557 = math.tanh %slice3A_556 : vector<1024x128xf32>
    %slice3A_558 = vector.extract_strided_slice %add3A_555 {offsets = [0, 128], sizes = [1024, 128], strides = [1, 1]} : vector<1024x512xf32> to vector<1024x128xf32>
    %tanh3A_559 = math.tanh %slice3A_558 : vector<1024x128xf32>
    %slice3A_560 = vector.extract_strided_slice %add3A_555 {offsets = [0, 256], sizes = [1024, 128], strides = [1, 1]} : vector<1024x512xf32> to vector<1024x128xf32>
    %tanh3A_561 = math.tanh %slice3A_560 : vector<1024x128xf32>
    %slice3A_562 = vector.extract_strided_slice %add3A_555 {offsets = [0, 384], sizes = [1024, 128], strides = [1, 1]} : vector<1024x512xf32> to vector<1024x128xf32>
    %tanh3A_563 = math.tanh %slice3A_562 : vector<1024x128xf32>
    %add3A_564 = arith.constant 1.000000e+00 : f32
    %add3A_565 = vector.broadcast %add3A_564 : f32 to vector<1024x128xf32>
    %add3A_566 = arith.addf %tanh3A_559, %add3A_565 : vector<1024x128xf32>
    %mul3A_567 = arith.mulf %add3A_566, %mul3A_486 : vector<1024x128xf32>
    %add3A_568 = arith.constant 1.000000e+00 : f32
    %add3A_569 = vector.broadcast %add3A_568 : f32 to vector<1024x128xf32>
    %add3A_570 = arith.addf %tanh3A_557, %add3A_569 : vector<1024x128xf32>
    %mul3A_571 = arith.mulf %add3A_570, %tanh3A_561 : vector<1024x128xf32>
    %add3A_572 = arith.addf %mul3A_567, %mul3A_571 : vector<1024x128xf32>
    %mul3A_573 = arith.constant 5.000000e-01 : f32
    %mul3A_574 = vector.broadcast %mul3A_573 : f32 to vector<1024x128xf32>
    %mul3A_575 = arith.mulf %mul3A_574, %add3A_572 : vector<1024x128xf32>
    %tanh3A_576 = math.tanh %mul3A_575 : vector<1024x128xf32>
    %mul3A_577 = arith.constant 5.000000e-01 : f32
    %mul3A_578 = vector.broadcast %mul3A_577 : f32 to vector<1024x128xf32>
    %mul3A_579 = arith.mulf %mul3A_578, %tanh3A_576 : vector<1024x128xf32>
    %add3A_580 = arith.constant 1.000000e+00 : f32
    %add3A_581 = vector.broadcast %add3A_580 : f32 to vector<1024x128xf32>
    %add3A_582 = arith.addf %tanh3A_563, %add3A_581 : vector<1024x128xf32>
    %mul3A_583 = arith.mulf %mul3A_579, %add3A_582 : vector<1024x128xf32>
    %get3A_584 = arith.constant 0 : index
    %get3A_585 = arith.constant 0 : index
    %get3A_586 = vector.load %arg6[%get3A_584, %get3A_585] : memref<256x512xf32, #tpu.memory_space<vmem>>, vector<256x512xf32>
    %get3A_587 = arith.constant 0 : index
    %get3A_588 = arith.constant 0 : index
    %get3A_589 = vector.load %arg7[%get3A_587, %get3A_588] : memref<1x512xf32, #tpu.memory_space<vmem>>, vector<1x512xf32>
    %concatenate3A_590 = tpu.concatenate %mul3A_583, %mul3A_533 in 1 : vector<1024x128xf32>, vector<1024x128xf32> -> vector<1024x256xf32>
    %dot_general3A_591 = arith.constant dense<0.000000e+00> : vector<1024x512xf32>
    %dot_general3A_592 = tpu.matmul %concatenate3A_590, %get3A_586, %dot_general3A_591 {dimension_numbers = #tpu.dot_dimension_numbers<[1], [0], [0], [1], [0, 0, 1, 1], [], []>, transpose_lhs_hint = false} : vector<1024x256xf32>, vector<256x512xf32>, vector<1024x512xf32> -> vector<1024x512xf32>
    %add3A_593 = vector.broadcast %get3A_589 : vector<1x512xf32> to vector<1024x512xf32>
    %add3A_594 = arith.addf %dot_general3A_592, %add3A_593 : vector<1024x512xf32>
    %slice3A_595 = vector.extract_strided_slice %add3A_594 {offsets = [0, 0], sizes = [1024, 128], strides = [1, 1]} : vector<1024x512xf32> to vector<1024x128xf32>
    %tanh3A_596 = math.tanh %slice3A_595 : vector<1024x128xf32>
    %slice3A_597 = vector.extract_strided_slice %add3A_594 {offsets = [0, 128], sizes = [1024, 128], strides = [1, 1]} : vector<1024x512xf32> to vector<1024x128xf32>
    %tanh3A_598 = math.tanh %slice3A_597 : vector<1024x128xf32>
    %slice3A_599 = vector.extract_strided_slice %add3A_594 {offsets = [0, 256], sizes = [1024, 128], strides = [1, 1]} : vector<1024x512xf32> to vector<1024x128xf32>
    %tanh3A_600 = math.tanh %slice3A_599 : vector<1024x128xf32>
    %slice3A_601 = vector.extract_strided_slice %add3A_594 {offsets = [0, 384], sizes = [1024, 128], strides = [1, 1]} : vector<1024x512xf32> to vector<1024x128xf32>
    %tanh3A_602 = math.tanh %slice3A_601 : vector<1024x128xf32>
    %add3A_603 = arith.constant 1.000000e+00 : f32
    %add3A_604 = vector.broadcast %add3A_603 : f32 to vector<1024x128xf32>
    %add3A_605 = arith.addf %tanh3A_598, %add3A_604 : vector<1024x128xf32>
    %mul3A_606 = arith.mulf %add3A_605, %mul3A_525 : vector<1024x128xf32>
    %add3A_607 = arith.constant 1.000000e+00 : f32
    %add3A_608 = vector.broadcast %add3A_607 : f32 to vector<1024x128xf32>
    %add3A_609 = arith.addf %tanh3A_596, %add3A_608 : vector<1024x128xf32>
    %mul3A_610 = arith.mulf %add3A_609, %tanh3A_600 : vector<1024x128xf32>
    %add3A_611 = arith.addf %mul3A_606, %mul3A_610 : vector<1024x128xf32>
    %mul3A_612 = arith.constant 5.000000e-01 : f32
    %mul3A_613 = vector.broadcast %mul3A_612 : f32 to vector<1024x128xf32>
    %mul3A_614 = arith.mulf %mul3A_613, %add3A_611 : vector<1024x128xf32>
    %tanh3A_615 = math.tanh %mul3A_614 : vector<1024x128xf32>
    %mul3A_616 = arith.constant 5.000000e-01 : f32
    %mul3A_617 = vector.broadcast %mul3A_616 : f32 to vector<1024x128xf32>
    %mul3A_618 = arith.mulf %mul3A_617, %tanh3A_615 : vector<1024x128xf32>
    %add3A_619 = arith.constant 1.000000e+00 : f32
    %add3A_620 = vector.broadcast %add3A_619 : f32 to vector<1024x128xf32>
    %add3A_621 = arith.addf %tanh3A_602, %add3A_620 : vector<1024x128xf32>
    %mul3A_622 = arith.mulf %mul3A_618, %add3A_621 : vector<1024x128xf32>
    %swap3A_623 = arith.constant 0 : index
    %swap3A_624 = arith.constant 6 : index
    %swap3A_625 = arith.constant 0 : index
    %swap3A_626 = vector.load %arg9[%swap3A_623, %swap3A_624, %swap3A_625] : memref<1024x8x128xf32, #tpu.memory_space<vmem>>, vector<1024x1x128xf32>
    %swap3A_627 = vector.shape_cast %swap3A_626 : vector<1024x1x128xf32> to vector<1024x128xf32>
    %swap3A_628 = vector.shape_cast %mul3A_622 : vector<1024x128xf32> to vector<1024x1x128xf32>
    tpu.vector_store %arg9[%swap3A_623, %swap3A_624, %swap3A_625], %swap3A_628 {strides = array<i32>} : memref<1024x8x128xf32, #tpu.memory_space<vmem>>, vector<1024x1x128xf32>,
    %get3A_629 = arith.constant 7 : index
    %get3A_630 = arith.constant 0 : index
    %get3A_631 = arith.constant 0 : index
    %get3A_632 = vector.load %arg1[%get3A_629, %get3A_630, %get3A_631] : memref<8x1024x128xf32, #tpu.memory_space<vmem>>, vector<1x1024x128xf32>
    %get3A_633 = vector.shape_cast %get3A_632 : vector<1x1024x128xf32> to vector<1024x128xf32>
    %get3A_634 = arith.constant 0 : index
    %get3A_635 = arith.constant 0 : index
    %get3A_636 = vector.load %arg4[%get3A_634, %get3A_635] : memref<256x512xf32, #tpu.memory_space<vmem>>, vector<256x512xf32>
    %get3A_637 = arith.constant 0 : index
    %get3A_638 = arith.constant 0 : index
    %get3A_639 = vector.load %arg5[%get3A_637, %get3A_638] : memref<1x512xf32, #tpu.memory_space<vmem>>, vector<1x512xf32>
    %concatenate3A_640 = tpu.concatenate %get3A_633, %mul3A_583 in 1 : vector<1024x128xf32>, vector<1024x128xf32> -> vector<1024x256xf32>
    %dot_general3A_641 = arith.constant dense<0.000000e+00> : vector<1024x512xf32>
    %dot_general3A_642 = tpu.matmul %concatenate3A_640, %get3A_636, %dot_general3A_641 {dimension_numbers = #tpu.dot_dimension_numbers<[1], [0], [0], [1], [0, 0, 1, 1], [], []>, transpose_lhs_hint = false} : vector<1024x256xf32>, vector<256x512xf32>, vector<1024x512xf32> -> vector<1024x512xf32>
    %add3A_643 = vector.broadcast %get3A_639 : vector<1x512xf32> to vector<1024x512xf32>
    %add3A_644 = arith.addf %dot_general3A_642, %add3A_643 : vector<1024x512xf32>
    %slice3A_645 = vector.extract_strided_slice %add3A_644 {offsets = [0, 0], sizes = [1024, 128], strides = [1, 1]} : vector<1024x512xf32> to vector<1024x128xf32>
    %tanh3A_646 = math.tanh %slice3A_645 : vector<1024x128xf32>
    %slice3A_647 = vector.extract_strided_slice %add3A_644 {offsets = [0, 128], sizes = [1024, 128], strides = [1, 1]} : vector<1024x512xf32> to vector<1024x128xf32>
    %tanh3A_648 = math.tanh %slice3A_647 : vector<1024x128xf32>
    %slice3A_649 = vector.extract_strided_slice %add3A_644 {offsets = [0, 256], sizes = [1024, 128], strides = [1, 1]} : vector<1024x512xf32> to vector<1024x128xf32>
    %tanh3A_650 = math.tanh %slice3A_649 : vector<1024x128xf32>
    %slice3A_651 = vector.extract_strided_slice %add3A_644 {offsets = [0, 384], sizes = [1024, 128], strides = [1, 1]} : vector<1024x512xf32> to vector<1024x128xf32>
    %tanh3A_652 = math.tanh %slice3A_651 : vector<1024x128xf32>
    %add3A_653 = arith.constant 1.000000e+00 : f32
    %add3A_654 = vector.broadcast %add3A_653 : f32 to vector<1024x128xf32>
    %add3A_655 = arith.addf %tanh3A_648, %add3A_654 : vector<1024x128xf32>
    %mul3A_656 = arith.mulf %add3A_655, %mul3A_575 : vector<1024x128xf32>
    %add3A_657 = arith.constant 1.000000e+00 : f32
    %add3A_658 = vector.broadcast %add3A_657 : f32 to vector<1024x128xf32>
    %add3A_659 = arith.addf %tanh3A_646, %add3A_658 : vector<1024x128xf32>
    %mul3A_660 = arith.mulf %add3A_659, %tanh3A_650 : vector<1024x128xf32>
    %add3A_661 = arith.addf %mul3A_656, %mul3A_660 : vector<1024x128xf32>
    %mul3A_662 = arith.constant 5.000000e-01 : f32
    %mul3A_663 = vector.broadcast %mul3A_662 : f32 to vector<1024x128xf32>
    %mul3A_664 = arith.mulf %mul3A_663, %add3A_661 : vector<1024x128xf32>
    %tanh3A_665 = math.tanh %mul3A_664 : vector<1024x128xf32>
    %mul3A_666 = arith.constant 5.000000e-01 : f32
    %mul3A_667 = vector.broadcast %mul3A_666 : f32 to vector<1024x128xf32>
    %mul3A_668 = arith.mulf %mul3A_667, %tanh3A_665 : vector<1024x128xf32>
    %add3A_669 = arith.constant 1.000000e+00 : f32
    %add3A_670 = vector.broadcast %add3A_669 : f32 to vector<1024x128xf32>
    %add3A_671 = arith.addf %tanh3A_652, %add3A_670 : vector<1024x128xf32>
    %mul3A_672 = arith.mulf %mul3A_668, %add3A_671 : vector<1024x128xf32>
    %get3A_673 = arith.constant 0 : index
    %get3A_674 = arith.constant 0 : index
    %get3A_675 = vector.load %arg6[%get3A_673, %get3A_674] : memref<256x512xf32, #tpu.memory_space<vmem>>, vector<256x512xf32>
    %get3A_676 = arith.constant 0 : index
    %get3A_677 = arith.constant 0 : index
    %get3A_678 = vector.load %arg7[%get3A_676, %get3A_677] : memref<1x512xf32, #tpu.memory_space<vmem>>, vector<1x512xf32>
    %concatenate3A_679 = tpu.concatenate %mul3A_672, %mul3A_622 in 1 : vector<1024x128xf32>, vector<1024x128xf32> -> vector<1024x256xf32>
    %dot_general3A_680 = arith.constant dense<0.000000e+00> : vector<1024x512xf32>
    %dot_general3A_681 = tpu.matmul %concatenate3A_679, %get3A_675, %dot_general3A_680 {dimension_numbers = #tpu.dot_dimension_numbers<[1], [0], [0], [1], [0, 0, 1, 1], [], []>, transpose_lhs_hint = false} : vector<1024x256xf32>, vector<256x512xf32>, vector<1024x512xf32> -> vector<1024x512xf32>
    %add3A_682 = vector.broadcast %get3A_678 : vector<1x512xf32> to vector<1024x512xf32>
    %add3A_683 = arith.addf %dot_general3A_681, %add3A_682 : vector<1024x512xf32>
    %slice3A_684 = vector.extract_strided_slice %add3A_683 {offsets = [0, 0], sizes = [1024, 128], strides = [1, 1]} : vector<1024x512xf32> to vector<1024x128xf32>
    %tanh3A_685 = math.tanh %slice3A_684 : vector<1024x128xf32>
    %slice3A_686 = vector.extract_strided_slice %add3A_683 {offsets = [0, 128], sizes = [1024, 128], strides = [1, 1]} : vector<1024x512xf32> to vector<1024x128xf32>
    %tanh3A_687 = math.tanh %slice3A_686 : vector<1024x128xf32>
    %slice3A_688 = vector.extract_strided_slice %add3A_683 {offsets = [0, 256], sizes = [1024, 128], strides = [1, 1]} : vector<1024x512xf32> to vector<1024x128xf32>
    %tanh3A_689 = math.tanh %slice3A_688 : vector<1024x128xf32>
    %slice3A_690 = vector.extract_strided_slice %add3A_683 {offsets = [0, 384], sizes = [1024, 128], strides = [1, 1]} : vector<1024x512xf32> to vector<1024x128xf32>
    %tanh3A_691 = math.tanh %slice3A_690 : vector<1024x128xf32>
    %add3A_692 = arith.constant 1.000000e+00 : f32
    %add3A_693 = vector.broadcast %add3A_692 : f32 to vector<1024x128xf32>
    %add3A_694 = arith.addf %tanh3A_687, %add3A_693 : vector<1024x128xf32>
    %mul3A_695 = arith.mulf %add3A_694, %mul3A_614 : vector<1024x128xf32>
    %add3A_696 = arith.constant 1.000000e+00 : f32
    %add3A_697 = vector.broadcast %add3A_696 : f32 to vector<1024x128xf32>
    %add3A_698 = arith.addf %tanh3A_685, %add3A_697 : vector<1024x128xf32>
    %mul3A_699 = arith.mulf %add3A_698, %tanh3A_689 : vector<1024x128xf32>
    %add3A_700 = arith.addf %mul3A_695, %mul3A_699 : vector<1024x128xf32>
    %mul3A_701 = arith.constant 5.000000e-01 : f32
    %mul3A_702 = vector.broadcast %mul3A_701 : f32 to vector<1024x128xf32>
    %mul3A_703 = arith.mulf %mul3A_702, %add3A_700 : vector<1024x128xf32>
    %tanh3A_704 = math.tanh %mul3A_703 : vector<1024x128xf32>
    %mul3A_705 = arith.constant 5.000000e-01 : f32
    %mul3A_706 = vector.broadcast %mul3A_705 : f32 to vector<1024x128xf32>
    %mul3A_707 = arith.mulf %mul3A_706, %tanh3A_704 : vector<1024x128xf32>
    %add3A_708 = arith.constant 1.000000e+00 : f32
    %add3A_709 = vector.broadcast %add3A_708 : f32 to vector<1024x128xf32>
    %add3A_710 = arith.addf %tanh3A_691, %add3A_709 : vector<1024x128xf32>
    %mul3A_711 = arith.mulf %mul3A_707, %add3A_710 : vector<1024x128xf32>
    %swap3A_712 = arith.constant 0 : index
    %swap3A_713 = arith.constant 7 : index
    %swap3A_714 = arith.constant 0 : index
    %swap3A_715 = vector.load %arg9[%swap3A_712, %swap3A_713, %swap3A_714] : memref<1024x8x128xf32, #tpu.memory_space<vmem>>, vector<1024x1x128xf32>
    %swap3A_716 = vector.shape_cast %swap3A_715 : vector<1024x1x128xf32> to vector<1024x128xf32>
    %swap3A_717 = vector.shape_cast %mul3A_711 : vector<1024x128xf32> to vector<1024x1x128xf32>
    tpu.vector_store %arg9[%swap3A_712, %swap3A_713, %swap3A_714], %swap3A_717 {strides = array<i32>} : memref<1024x8x128xf32, #tpu.memory_space<vmem>>, vector<1024x1x128xf32>,
    %swap3A_718 = arith.constant 0 : index
    %swap3A_719 = arith.constant 0 : index
    %swap3A_720 = vector.load %arg12[%swap3A_718, %swap3A_719] : memref<1024x128xf32, #tpu.memory_space<vmem>>, vector<1024x128xf32>
    tpu.vector_store %arg12[%swap3A_718, %swap3A_719], %mul3A_672 {strides = array<i32>} : memref<1024x128xf32, #tpu.memory_space<vmem>>, vector<1024x128xf32>,
    %swap3A_721 = arith.constant 0 : index
    %swap3A_722 = arith.constant 0 : index
    %swap3A_723 = vector.load %arg13[%swap3A_721, %swap3A_722] : memref<1024x128xf32, #tpu.memory_space<vmem>>, vector<1024x128xf32>
    tpu.vector_store %arg13[%swap3A_721, %swap3A_722], %mul3A_664 {strides = array<i32>} : memref<1024x128xf32, #tpu.memory_space<vmem>>, vector<1024x128xf32>,
    %swap3A_724 = arith.constant 0 : index
    %swap3A_725 = arith.constant 0 : index
    %swap3A_726 = vector.load %arg14[%swap3A_724, %swap3A_725] : memref<1024x128xf32, #tpu.memory_space<vmem>>, vector<1024x128xf32>
    tpu.vector_store %arg14[%swap3A_724, %swap3A_725], %mul3A_711 {strides = array<i32>} : memref<1024x128xf32, #tpu.memory_space<vmem>>, vector<1024x128xf32>,
    %swap3A_727 = arith.constant 0 : index
    %swap3A_728 = arith.constant 0 : index
    %swap3A_729 = vector.load %arg15[%swap3A_727, %swap3A_728] : memref<1024x128xf32, #tpu.memory_space<vmem>>, vector<1024x128xf32>
    tpu.vector_store %arg15[%swap3A_727, %swap3A_728], %mul3A_703 {strides = array<i32>} : memref<1024x128xf32, #tpu.memory_space<vmem>>, vector<1024x128xf32>,
    %eq3A_730 = arith.constant 10 : i32
    %eq3A_731 = arith.cmpi eq, %arg0, %eq3A_730 : i32
    %convert_element_type3A_732 = arith.extui %eq3A_731 : i1 to i32
    %cond3A_733 = arith.constant 0 : i32
    %cond3A_734 = arith.cmpi ne, %convert_element_type3A_732, %cond3A_733 : i32
    scf.if %cond3A_734 {
      %swap3A_735 = arith.constant 0 : index
      %swap3A_736 = arith.constant 0 : index
      %swap3A_737 = arith.constant 0 : index
      %swap3A_738 = vector.load %arg10[%swap3A_735, %swap3A_736, %swap3A_737] : memref<2x1024x128xf32, #tpu.memory_space<vmem>>, vector<1x1024x128xf32>
      %swap3A_739 = vector.shape_cast %swap3A_738 : vector<1x1024x128xf32> to vector<1024x128xf32>
      %swap3A_740 = vector.shape_cast %mul3A_672 : vector<1024x128xf32> to vector<1x1024x128xf32>
      tpu.vector_store %arg10[%swap3A_735, %swap3A_736, %swap3A_737], %swap3A_740 {strides = array<i32>} : memref<2x1024x128xf32, #tpu.memory_space<vmem>>, vector<1x1024x128xf32>,
      %swap3A_741 = arith.constant 1 : index
      %swap3A_742 = arith.constant 0 : index
      %swap3A_743 = arith.constant 0 : index
      %swap3A_744 = vector.load %arg10[%swap3A_741, %swap3A_742, %swap3A_743] : memref<2x1024x128xf32, #tpu.memory_space<vmem>>, vector<1x1024x128xf32>
      %swap3A_745 = vector.shape_cast %swap3A_744 : vector<1x1024x128xf32> to vector<1024x128xf32>
      %swap3A_746 = vector.shape_cast %mul3A_711 : vector<1024x128xf32> to vector<1x1024x128xf32>
      tpu.vector_store %arg10[%swap3A_741, %swap3A_742, %swap3A_743], %swap3A_746 {strides = array<i32>} : memref<2x1024x128xf32, #tpu.memory_space<vmem>>, vector<1x1024x128xf32>,
      %swap3A_747 = arith.constant 0 : index
      %swap3A_748 = arith.constant 0 : index
      %swap3A_749 = arith.constant 0 : index
      %swap3A_750 = vector.load %arg11[%swap3A_747, %swap3A_748, %swap3A_749] : memref<2x1024x128xf32, #tpu.memory_space<vmem>>, vector<1x1024x128xf32>
      %swap3A_751 = vector.shape_cast %swap3A_750 : vector<1x1024x128xf32> to vector<1024x128xf32>
      %swap3A_752 = vector.shape_cast %mul3A_664 : vector<1024x128xf32> to vector<1x1024x128xf32>
      tpu.vector_store %arg11[%swap3A_747, %swap3A_748, %swap3A_749], %swap3A_752 {strides = array<i32>} : memref<2x1024x128xf32, #tpu.memory_space<vmem>>, vector<1x1024x128xf32>,
      %swap3A_753 = arith.constant 1 : index
      %swap3A_754 = arith.constant 0 : index
      %swap3A_755 = arith.constant 0 : index
      %swap3A_756 = vector.load %arg11[%swap3A_753, %swap3A_754, %swap3A_755] : memref<2x1024x128xf32, #tpu.memory_space<vmem>>, vector<1x1024x128xf32>
      %swap3A_757 = vector.shape_cast %swap3A_756 : vector<1x1024x128xf32> to vector<1024x128xf32>
      %swap3A_758 = vector.shape_cast %mul3A_703 : vector<1024x128xf32> to vector<1x1024x128xf32>
      tpu.vector_store %arg11[%swap3A_753, %swap3A_754, %swap3A_755], %swap3A_758 {strides = array<i32>} : memref<2x1024x128xf32, #tpu.memory_space<vmem>>, vector<1x1024x128xf32>,
    } else {
    }
    return
  }
  func.func @transform_0(%arg0: i32) -> (i32, i32, i32) {
    %c0_i32 = arith.constant 0 : i32
    %c0_i32_0 = arith.constant 0 : i32
    %c0_i32_1 = arith.constant 0 : i32
    return %arg0, %c0_i32, %c0_i32_0 : i32, i32, i32
  }
  func.func @transform_1(%arg0: i32) -> (i32, i32, i32) {
    %c0_i32 = arith.constant 0 : i32
    %c0_i32_0 = arith.constant 0 : i32
    %c0_i32_1 = arith.constant 0 : i32
    %c0_i32_2 = arith.constant 0 : i32
    return %c0_i32, %c0_i32_0, %c0_i32_1 : i32, i32, i32
  }
  func.func @transform_2(%arg0: i32) -> (i32, i32, i32) {
    %c0_i32 = arith.constant 0 : i32
    %c0_i32_0 = arith.constant 0 : i32
    %c0_i32_1 = arith.constant 0 : i32
    %c0_i32_2 = arith.constant 0 : i32
    return %c0_i32, %c0_i32_0, %c0_i32_1 : i32, i32, i32
  }
  func.func @transform_3(%arg0: i32) -> (i32, i32) {
    %c0_i32 = arith.constant 0 : i32
    %c0_i32_0 = arith.constant 0 : i32
    %c0_i32_1 = arith.constant 0 : i32
    return %c0_i32, %c0_i32_0 : i32, i32
  }
  func.func @transform_4(%arg0: i32) -> (i32, i32) {
    %c0_i32 = arith.constant 0 : i32
    %c0_i32_0 = arith.constant 0 : i32
    %c0_i32_1 = arith.constant 0 : i32
    return %c0_i32, %c0_i32_0 : i32, i32
  }
  func.func @transform_5(%arg0: i32) -> (i32, i32) {
    %c0_i32 = arith.constant 0 : i32
    %c0_i32_0 = arith.constant 0 : i32
    %c0_i32_1 = arith.constant 0 : i32
    return %c0_i32, %c0_i32_0 : i32, i32
  }
  func.func @transform_6(%arg0: i32) -> (i32, i32) {
    %c0_i32 = arith.constant 0 : i32
    %c0_i32_0 = arith.constant 0 : i32
    %c0_i32_1 = arith.constant 0 : i32
    return %c0_i32, %c0_i32_0 : i32, i32
  }
  func.func @transform_8(%arg0: i32) -> (i32, i32, i32) {
    %add3A = arith.constant 14 : i32
    %add3A_0 = arith.addi %add3A, %arg0 : i32
    %c0_i32 = arith.constant 0 : i32
    %c0_i32_1 = arith.constant 0 : i32
    %c0_i32_2 = arith.constant 0 : i32
    return %c0_i32, %add3A_0, %c0_i32_1 : i32, i32, i32
  }
  func.func @transform_9(%arg0: i32) -> (i32, i32, i32) {
    %c0_i32 = arith.constant 0 : i32
    %c0_i32_0 = arith.constant 0 : i32
    %c0_i32_1 = arith.constant 0 : i32
    %c0_i32_2 = arith.constant 0 : i32
    return %c0_i32, %c0_i32_0, %c0_i32_1 : i32, i32, i32
  }
  func.func @transform_10(%arg0: i32) -> (i32, i32, i32) {
    %c0_i32 = arith.constant 0 : i32
    %c0_i32_0 = arith.constant 0 : i32
    %c0_i32_1 = arith.constant 0 : i32
    %c0_i32_2 = arith.constant 0 : i32
    return %c0_i32, %c0_i32_0, %c0_i32_1 : i32, i32, i32
  }
}

</mosaic_0001>

<sc_bundles>
// kernel: kernel.10.cloned.1.call-start
scs
__scs_entry_jumppad:
0x0: {  	(pc) =	sbr.rel $0x88, $3  }
0x1: {  	(tag) =	ssettag $0x0;
	lr =	simm.s32 $0x1  }
0x2: {  	[smem:$0x3F95] =	sst lr;
	_ =	strace $0xD0000000  }
0x3: {  	_ = 	snop  }
0x4: {  	_ = 	snop  }
0x5: {  	_ = 	snop  }
0x6: {  	_ = 	snop  }
0x7: {  	_ = 	snop  }
__scs_overlays_trampoline_lowered:
0x8: {  	[smem:$0x3FA4] =	sst s0  }
0x9: {  	[smem:$0x3FA5] =	sst s1  }
0xa: {  	[smem:$0x3FA6] =	sst s2  }
0xb: {  	[smem:$0x3FA7] =	sst s3  }
0xc: {  	[smem:$0x3FA8] =	sst s4  }
0xd: {  	[smem:$0x3FA9] =	sst s5  }
0xe: {  	[smem:$0x3FAA] =	sst s6  }
0xf: {  	[smem:$0x3FAB] =	sst s7  }
0x10: {  	[smem:$0x3FAC] =	sst s8  }
0x11: {  	[smem:$0x3FAD] =	sst s9;
	s0 =	simm.s32 @!p0 $0x0  }
0x12: {  	s1 =	sld [smem:$0x3F93];
	s0 =	simm.s32 @p0 $0x1  }
0x13: {  	[smem:$0x3FAE] =	sst s0;
	s0 =	simm.s32 @!p1 $0x0  }
0x14: {  	s2 =	sld [smem:$0x3F92];
	s0 =	simm.s32 @p1 $0x1  }
0x15: {  	[smem:$0x3FAF] =	sst s0;
	s0 =	simm.s32 @!p2 $0x0  }
0x16: {  	s3 =	sld [smem:$0x3FDB];
	s0 =	simm.s32 @p2 $0x1  }
0x17: {  	s4 =	simm.s32 $0x1BF5;
	[smem:$0x3FB1] =	sst s0  }
0x18: {  	s0 =	sld [smem:$0x3F94];
	_ =	swait.ge [sflag:s4], $0x0  }
0x19: {  	s7 =	sld [smem:$0x3F95]  }
0x1a: {  	s8 =	sadd.s32 $0xFFFFE003, lr  }
0x1b: {  	s9 =	sadd.s32 $0xFFFFFEF7, lr;
	s5 =	simm.s32 $0xFFFFFFFF;
	p2 =	slt.u32 s8, $0xFFFFF086  }
0x1c: {  	p1 =	slt.u32 s9, $0xF7A;
	s5 =	simm.s32 @!p2 $0x0  }
0x1d: {  	s5 =	simm.s32 @p1 $0x1;
	p0 =	seq.s32 s7, s2  }
0x1e: {  	s7 =	smul.u32 @!p0 $0xF7A, s2;
	p2 =	seq.s32 @!p0 s5, $0x0  }
0x1f: {  	s9 =	smul.u32 $0xF7A, s1;
	s8 =	simm.s32 @!p0 $0x1BF5;
	p2 =	por !p2, p0  }
0x20: {  	[sflag:s8] =	ssyncset.s32 @!p0 $0xFFFFF086;
	s6 =	sadd.s32 @!p0 s3, s7;
	s7 =	simm.s32 @!p0 $0x108  }
0x21: {  	s3 =	sadd.s32 s3, s9;
	s6 =	sadd.s32 @!p0 $0x88, s6;
	s7 =	simm.s32 @p2 $0x1082  }
0x22: {  	[simem:s7], [sflag:s8] =	dma.local @!p0 [hbm:s6], $0xF7A  }
0x23: {  	s9 =	sor.u32 $0xD0000000, s2;
	s6 =	simm.s32 $0x108;
	_ =	swait.ge @!p0 [sflag:s8], $0x0  }
0x24: {  	s3 =	sadd.s32 $0x88, s3;
	s6 =	simm.s32 @!p1 $0x1082;
	[sflag:s4] =	ssyncset.s32 $0xFFFFF086  }
0x25: {  	[simem:s6], [sflag:s4] =	dma.local [hbm:s3], $0xF7A  }
0x26: {  	[smem:$0x3F95] =	sst s1;
	(tag) =	ssettag s2;
	_ =	strace s9  }
0x27: {  	s1 =	sld [smem:$0x3FA5]  }
0x28: {  	s2 =	sld [smem:$0x3FA6]  }
0x29: {  	s4 =	sld [smem:$0x3FA8]  }
0x2a: {  	p0 =	seq.s32 s5, $0x0;
	s5 =	sld [smem:$0x3FA9]  }
0x2b: {  	s6 =	sld [smem:$0x3FAA]  }
0x2c: {  	s7 =	sld [smem:$0x3FAB]  }
0x2d: {  	s3 =	simm.s32 $0x108;
	s8 =	sld [smem:$0x3FAC]  }
0x2e: {  	s3 =	simm.s32 @!p0 $0x1082;
	s9 =	sld [smem:$0x3FAD]  }
0x2f: {  	lr =	sadd.s32 s0, s3;
	s0 =	sld [smem:$0x3FA4]  }
0x30: {  	s3 =	sld [smem:$0x3FA7]  }
0x31: {  	[smem:$0x3FB0] =	sst s10  }
0x32: {  	s10 =	sld [smem:$0x3FAE];
	_ =	sdelay $0x3  }
0x33: {  	p0 =	seq.s32 s10, $0x1;
	s10 =	sld [smem:$0x3FB0];
	_ =	sdelay $0x3  }
0x34: {  	[smem:$0x3FB0] =	sst s10  }
0x35: {  	s10 =	sld [smem:$0x3FAF];
	_ =	sdelay $0x3  }
0x36: {  	p1 =	seq.s32 s10, $0x1;
	s10 =	sld [smem:$0x3FB0];
	_ =	sdelay $0x3  }
0x37: {  	[smem:$0x3FB0] =	sst s10  }
0x38: {  	s10 =	sld [smem:$0x3FB1]  }
0x39: {  	_ = 	snop;
	(pc) =	sbr.ind lr, $3  }
0x3a: {  	_ = 	snop  }
0x3b: {  	_ = 	snop  }
0x3c: {  	p2 =	seq.s32 s10, $0x1;
	s10 =	sld [smem:$0x3FB0]  }
0x3d: {  	_ =	shalt  }
0x3e: {  	_ =	shalt  }
0x3f: {  	_ =	shalt  }
0x40: {  	_ =	shalt  }
0x41: {  	_ =	shalt  }
0x42: {  	_ =	shalt  }
0x43: {  	_ =	shalt  }
0x44: {  	_ =	shalt  }
0x45: {  	_ =	shalt  }
0x46: {  	_ =	shalt  }
0x47: {  	_ =	shalt  }
0x48: {  	_ =	shalt  }
0x49: {  	_ =	shalt  }
0x4a: {  	_ =	shalt  }
0x4b: {  	_ =	shalt  }
0x4c: {  	_ =	shalt  }
0x4d: {  	_ =	shalt  }
0x4e: {  	_ =	shalt  }
0x4f: {  	_ =	shalt  }
0x50: {  	_ =	shalt  }
0x51: {  	_ =	shalt  }
0x52: {  	_ =	shalt  }
0x53: {  	_ =	shalt  }
0x54: {  	_ =	shalt  }
0x55: {  	_ =	shalt  }
0x56: {  	_ =	shalt  }
0x57: {  	_ =	shalt  }
0x58: {  	_ =	shalt  }
0x59: {  	_ =	shalt  }
0x5a: {  	_ =	shalt  }
0x5b: {  	_ =	shalt  }
0x5c: {  	_ =	shalt  }
0x5d: {  	_ =	shalt  }
0x5e: {  	_ =	shalt  }
0x5f: {  	_ =	shalt  }
0x60: {  	_ =	shalt  }
0x61: {  	_ =	shalt  }
0x62: {  	_ =	shalt  }
0x63: {  	_ =	shalt  }
0x64: {  	_ =	shalt  }
0x65: {  	_ =	shalt  }
0x66: {  	_ =	shalt  }
0x67: {  	_ =	shalt  }
0x68: {  	_ =	shalt  }
0x69: {  	_ =	shalt  }
0x6a: {  	_ =	shalt  }
0x6b: {  	_ =	shalt  }
0x6c: {  	_ =	shalt  }
0x6d: {  	_ =	shalt  }
0x6e: {  	_ =	shalt  }
0x6f: {  	_ =	shalt  }
0x70: {  	_ =	shalt  }
0x71: {  	_ =	shalt  }
0x72: {  	_ =	shalt  }
0x73: {  	_ =	shalt  }
0x74: {  	_ =	shalt  }
0x75: {  	_ =	shalt  }
0x76: {  	_ =	shalt  }
0x77: {  	_ =	shalt  }
0x78: {  	_ =	shalt  }
0x79: {  	_ =	shalt  }
0x7a: {  	_ =	shalt  }
0x7b: {  	_ =	shalt  }
0x7c: {  	_ =	shalt  }
0x7d: {  	_ =	shalt  }
0x7e: {  	_ =	shalt  }
0x7f: {  	_ =	shalt  }
0x80: {  	_ =	shalt  }
0x81: {  	_ =	shalt  }
0x82: {  	_ =	shalt  }
0x83: {  	_ =	shalt  }
0x84: {  	_ =	shalt  }
0x85: {  	_ =	shalt  }
0x86: {  	_ =	shalt  }
0x87: {  	_ =	shalt  }
.Lfunc_end0:
.L_simem_size_0:
called_computation_lowered:
.L_overlay_start_0:
0x88: {  	s2 =	sld [smem:$0x3FD9]  }
0x89: {  	s3 =	sld [smem:$0x3FFE];
	_ =	sdelay $0x1  }
0x8a: {  	s1 =	srdreg.scid  }
0x8b: {  	s0 =	sand.u32 $0x1, s1  }
0x8c: {  	s14 =	sshll.u32 s0, $0xA;
	s2 =	sadd.s32 s3, s2  }
0x8d: {  	s2 =	sadd.s32 s2, s14  }
0x8e: {  	[smem:$0x3FBC] =	sst s2  }
0x8f: {  	_ = 	snop  }
0x90: {  	s2 =	sld [smem:$0x3FD0];
	_ =	sdelay $0x2  }
0x91: {  	s4 =	simm.s32 $0xD;
	s5 =	simm.s32 $0x10;
	s15 =	sld [smem:$0x3FC6]  }
0x92: {  	[smem:s5], [sflag:s4] =	dma.local [hbm:s2], $0x1  }
0x93: {  	_ =	swait.eq [sflag:s4], $0x1  }
0x94: {  	[sflag:s4] =	ssyncset.done $0x0  }
0x95: {  	[sflag:s4] =	ssyncadd.s32 $0xFFFFFFFF  }
0x96: {  	s16 =	sld [smem:$0x10];
	(tm) =	ssettm $0x1  }
0x97: {  	s17 =	sld [smem:$0x3FFB];
	_ =	sdelay $0x3  }
0x98: {  	_ =	strace s17  }
0x99: {  	s4 =	sld [smem:$0x3FFC];
	_ =	sdelay $0x3  }
0x9a: {  	_ =	strace s4  }
0x9b: {  	s4 =	sld [smem:$0x3FFD];
	_ =	sdelay $0x3  }
0x9c: {  	_ =	strace s4  }
0x9d: {  	_ =	strace $0x8FFFFFFF  }
0x9e: {  	s18 =	sld [smem:$0x3FDB];
	_ =	sdelay $0x1  }
0x9f: {  	s19 =	simm.s32 $_scs_section_size  }
0xa0: {  	s6 =	simm.s32 $_size__tile_overlayer_lowered;
	s7 =	simm.s32 $_tile_overlayer_lowered  }
0xa1: {  	s22 =	simm.s32 $0x1BFF;
	s21 =	sshll.u32 s7, $0x1;
	s4 =	sadd.s32 s19, s18  }
0xa2: {  	s8 =	simm.s32 $0x0;
	s20 =	sshll.u32 s6, $0x1;
	s6 =	sadd.s32 s21, s4  }
0xa3: {  	[timem:s8], [sflag:s22] =	dma.local [hbm:s6], s20  }
0xa4: {  	_ =	swait.ge [sflag:s22], s20  }
0xa5: {  	s5 =	ssub.s32 $0x0, s20;
	[sflag:s22] =	ssyncset.done $0x0  }
0xa6: {  	[sflag:s22] =	ssyncadd.s32 s5;
	_ =	sdelay $0x1  }
0xa7: {  	s23 =	simm.s32 $0x1B8B  }
0xa8: {  	_ =	swait.ge [sflag:s23], $0x1  }
0xa9: {  	[sflag:s23] =	ssyncset.done $0x0  }
0xaa: {  	s25 =	simm.s32 $0x1B8E;
	s24 =	sld [smem:$0x3FFE];
	[sflag:s23] =	ssyncadd.s32 $0xFFFFFFFF  }
0xab: {  	s26 =	simm.s32 $execute0_lowered;
	[smem:$0x3FD2] =	sst s25  }
0xac: {  	s6 =	sshll.u32 s26, $0x1;
	_ =	strace $0x80000046;
	[dreg:$0x1] =	wrdreg $0xFFFFFFFF  }
0xad: {  	s28 =	simm.s32 $_size_execute0_lowered;
	s4 =	sadd.s32 s4, s6;
	[dreg:$0x0] =	wrdreg $0x0  }
0xae: {  	s6 =	sshll.u32 s28, $0x1;
	[dreg:$0x2] =	wrdreg s4  }
0xaf: {  	[dreg:$0x3] =	wrdreg s6  }
0xb0: {  	[dreg:$0x4] =	wrdreg $0xC0  }
0xb1: {  	_ =	task [dreg:s8], $0x5FFFF  }
0xb2: {  	[dreg:$0x1] =	wrdreg $0xFFFFFFFF  }
0xb3: {  	[dreg:$0x0] =	wrdreg $0x60  }
0xb4: {  	[dreg:$0x2] =	wrdreg s15  }
0xb5: {  	[dreg:$0x3] =	wrdreg s24  }
0xb6: {  	[dreg:$0x4] =	wrdreg s16  }
0xb7: {  	[dreg:$0x5] =	wrdreg $0x9  }
0xb8: {  	_ =	task.clear_ibuf [dreg:s8], $0x6FFFF;
	_ =	strace $0x90000046  }
0xb9: {  	s29 =	simm.s32 $0x9;
	_ =	strace $0x80000048  }
0xba: {  	_ =	swait.ge [sflag:s29], $0x1  }
0xbb: {  	[sflag:s29] =	ssyncadd.s32 $0xFFFFFFFF  }
0xbc: {  	_ =	strace $0x90000048  }
0xbd: {  	_ =	sfence  }
0xbe: {  	s30 =	sld [smem:$0x0];
	_ =	sdelay $0x2  }
0xbf: {  	s31 =	sshll.u32 s1, $0xD;
	s1 =	sshrl.u32 s1, $0x2  }
0xc0: {  	s3 =	sand.u32 $0x4000, s31;
	s1 =	sadd.s32 s1, s30  }
0xc1: {  	s0 =	sor.u32 s3, s0;
	s1 =	sshll.u32 s1, $0x11  }
0xc2: {  	s0 =	sor.u32 s1, s0  }
0xc3: {  	s0 =	sadd.s32 $0x8F2B, s0  }
0xc4: {  	[sflag:s0] =	ssyncadd.remote.s32 $0x1  }
0xc5: {  	_ =	sfence.sel $0xFFFF  }
0xc6: {  	[dreg:$0x0] =	wrdreg $0xFFFFFFFF;
	(pc) =	sbr.abs _section_cstart, $3  }
0xc7: {  	[dreg:$0x1] =	wrdreg $0xFFFFFFFF  }
0xc8: {  	_ =	task.clear_ibuf [dreg:s8], $0x2FFFF;
	_ =	strace $0x9FFFFFFF  }
0xc9: {  	(tm) =	ssettm $0x7FFFFFFF  }
tec
execute0_lowered:
.L_overlay_start_1:
0x0: {  	(tag) =	ssettag $0x1  }
0x1: {  	s2 =	srdreg.scid  }
0x2: {  	s1 =	rddreg [dreg:$0x0];
	s0 =	stileid.u32;
	s15 =	sand.u32 $0x1, s2  }
0x3: {  	s4 =	rddreg [dreg:$0x1];
	s31 =	sshll.u32 s0, $0xA;
	s3 =	sshll.u32 s15, $0x9  }
0x4: {  	s10 =	rddreg [dreg:$0x2];
	s9 =	sor.u32 s3, s31  }
0x5: {  	s2 =	rddreg [dreg:$0x3];
	s3 =	simm.s32 $0x0;
	s5 =	sshrl.u32 s9, $0x3  }
0x6: {  	[smem:$0x7FF] =	sst s3;
	s4 =	sadd.s32 s5, s4  }
0x7: {  	_ =	strace $0x80000047;
	s5 =	sadd.s32 $0x3400, s4;
	s4 =	simm.s32 $0x2  }
0x8: {  	[tilespmem:s3], [sflag:$0x2] =	stream.linear.gather [hbm4b:s5+s3], $0x200, $0x38;
	[tilespmem:$0x8200] =	vst v63  }
0x9: {  	_ =	swait.ge [sflag:s4], $0x200  }
0xa: {  	s6 =	simm.s32 $0x80;
	[sflag:s4] =	ssyncset.done $0x0  }
0xb: {  	s7 =	simm.s32 $0x200;
	s8 =	simm.s32 $0x1;
	[sflag:s4] =	ssyncadd.s32 $0xFFFFFE00  }
0xc: {  	[tilespmem:s7], [sflag:$0x1] =	stream.indirect.gather [hbm4b:s1+s6], $0x80, s3, s6, $0xb8;
	[tilespmem:$0x8200] =	vst v63  }
0xd: {  	_ =	swait.ge [sflag:s8], $0x4000  }
0xe: {  	[sflag:s8] =	ssyncset.done $0x0  }
0xf: {  	s11 =	sshll.u32 s9, $0x4;
	s9 =	simm.s32 $0x4200;
	[sflag:s8] =	ssyncadd.s32 $0xFFFFC000  }
0x10: {  	[tilespmem:s9], [sflag:$0x1] =	stream.indirect.gather [hbm4b:s1+s6], $0x80, s6, s6, $0xb8;
	[tilespmem:$0x8200] =	vst v63  }
0x11: {  	s10 =	sadd.s32 s10, s11  }
0x12: {  	[hbm4b:s10+s3] =	stream.linear.scatter [tilespmem:s7], [sflag:$0x2], $0x4000, $0x38;
	[tilespmem:$0x8200] =	vst v63  }
0x13: {  	_ =	swait.ge [sflag:s4], $0x4000  }
0x14: {  	[sflag:s4] =	ssyncset.done $0x0  }
0x15: {  	[sflag:s4] =	ssyncadd.s32 $0xFFFFC000  }
0x16: {  	_ =	swait.ge [sflag:s8], $0x4000  }
0x17: {  	[sflag:s8] =	ssyncset.done $0x0  }
0x18: {  	s11 =	simm.s32 $0x100;
	[sflag:s8] =	ssyncadd.s32 $0xFFFFC000  }
0x19: {  	[tilespmem:s7], [sflag:$0x1] =	stream.indirect.gather [hbm4b:s1+s6], $0x80, s11, s6, $0xb8;
	[tilespmem:$0x8200] =	vst v63  }
0x1a: {  	s12 =	sadd.s32 $0x800, s10  }
0x1b: {  	[hbm4b:s12+s3] =	stream.linear.scatter [tilespmem:s9], [sflag:$0x2], $0x4000, $0x38;
	[tilespmem:$0x8200] =	vst v63  }
0x1c: {  	_ =	swait.ge [sflag:s4], $0x4000  }
0x1d: {  	[sflag:s4] =	ssyncset.done $0x0  }
0x1e: {  	[sflag:s4] =	ssyncadd.s32 $0xFFFFC000  }
0x1f: {  	_ =	swait.ge [sflag:s8], $0x4000  }
0x20: {  	[sflag:s8] =	ssyncset.done $0x0  }
0x21: {  	s13 =	simm.s32 $0x180;
	[sflag:s8] =	ssyncadd.s32 $0xFFFFC000  }
0x22: {  	[tilespmem:s9], [sflag:$0x1] =	stream.indirect.gather [hbm4b:s1+s6], $0x80, s13, s6, $0xb8;
	[tilespmem:$0x8200] =	vst v63  }
0x23: {  	s15 =	ssub.s32 $0x2, s15;
	s14 =	sadd.s32 $0x1000, s10  }
0x24: {  	[hbm4b:s14+s3] =	stream.linear.scatter [tilespmem:s7], [sflag:$0x2], $0x4000, $0x38;
	[tilespmem:$0x8200] =	vst v63  }
0x25: {  	s16 =	sshrl.u32 s15, $0x1;
	_ =	swait.ge [sflag:s4], $0x4000  }
0x26: {  	s15 =	ssub.s32 s15, s16;
	[sflag:s4] =	ssyncset.done $0x0  }
0x27: {  	s16 =	smax.u32 s15, $0x1;
	[sflag:s4] =	ssyncadd.s32 $0xFFFFC000  }
0x28: {  	p0 =	sne.s32 s16, $0x1;
	_ =	swait.ge [sflag:s8], $0x4000  }
.Ltmp0:
0x29: {  	[sflag:s8] =	ssyncset.done $0x0;
	(pc) =	sbr.rel @!p0 .LBB2_2-.Ltmp0, $4  }
0x2a: {  	s15 =	sadd.s32 $0x1800, s10;
	[sflag:s8] =	ssyncadd.s32 $0xFFFFC000  }
0x2b: {  	[hbm4b:s15+s3] =	stream.linear.scatter [tilespmem:s9], [sflag:$0x2], $0x4000, $0x38;
	[tilespmem:$0x8200] =	vst v63  }
0x2c: {  	_ =	swait.ge [sflag:s4], $0x4000  }
0x2d: {  	s16 =	sadd.s32 $0xFFFFFFFF, s16;
	[sflag:s4] =	ssyncset.done $0x0  }
.LBB2_1:
0x2e: {  	p0 =	sne.s32 s16, $0x1;
	s16 =	sadd.s32 $0xFFFFFFFF, s16;
	[sflag:s4] =	ssyncadd.s32 $0xFFFFC000  }
0x2f: {  	[tilespmem:s3], [sflag:$0x2] =	stream.linear.gather [hbm4b:s5+s3], $0x200, $0x38;
	[tilespmem:$0x8200] =	vst v63  }
0x30: {  	_ =	swait.ge [sflag:s4], $0x200  }
0x31: {  	[sflag:s4] =	ssyncset.done $0x0  }
0x32: {  	[sflag:s4] =	ssyncadd.s32 $0xFFFFFE00  }
0x33: {  	[tilespmem:s7], [sflag:$0x1] =	stream.indirect.gather [hbm4b:s1+s6], $0x80, s3, s6, $0xb8;
	[tilespmem:$0x8200] =	vst v63  }
0x34: {  	_ =	swait.ge [sflag:s8], $0x4000  }
0x35: {  	[sflag:s8] =	ssyncset.done $0x0  }
0x36: {  	[sflag:s8] =	ssyncadd.s32 $0xFFFFC000  }
0x37: {  	[tilespmem:s9], [sflag:$0x1] =	stream.indirect.gather [hbm4b:s1+s6], $0x80, s6, s6, $0xb8;
	[tilespmem:$0x8200] =	vst v63  }
0x38: {  	_ = 	snop  }
0x39: {  	[hbm4b:s10+s3] =	stream.linear.scatter [tilespmem:s7], [sflag:$0x2], $0x4000, $0x38;
	[tilespmem:$0x8200] =	vst v63  }
0x3a: {  	_ =	swait.ge [sflag:s4], $0x4000  }
0x3b: {  	[sflag:s4] =	ssyncset.done $0x0  }
0x3c: {  	[sflag:s4] =	ssyncadd.s32 $0xFFFFC000  }
0x3d: {  	_ =	swait.ge [sflag:s8], $0x4000  }
0x3e: {  	[sflag:s8] =	ssyncset.done $0x0  }
0x3f: {  	[sflag:s8] =	ssyncadd.s32 $0xFFFFC000  }
0x40: {  	[tilespmem:s7], [sflag:$0x1] =	stream.indirect.gather [hbm4b:s1+s6], $0x80, s11, s6, $0xb8;
	[tilespmem:$0x8200] =	vst v63  }
0x41: {  	_ = 	snop  }
0x42: {  	[hbm4b:s12+s3] =	stream.linear.scatter [tilespmem:s9], [sflag:$0x2], $0x4000, $0x38;
	[tilespmem:$0x8200] =	vst v63  }
0x43: {  	_ =	swait.ge [sflag:s4], $0x4000  }
0x44: {  	[sflag:s4] =	ssyncset.done $0x0  }
0x45: {  	[sflag:s4] =	ssyncadd.s32 $0xFFFFC000  }
0x46: {  	_ =	swait.ge [sflag:s8], $0x4000  }
0x47: {  	[sflag:s8] =	ssyncset.done $0x0  }
0x48: {  	[sflag:s8] =	ssyncadd.s32 $0xFFFFC000  }
0x49: {  	[tilespmem:s9], [sflag:$0x1] =	stream.indirect.gather [hbm4b:s1+s6], $0x80, s13, s6, $0xb8;
	[tilespmem:$0x8200] =	vst v63  }
0x4a: {  	_ = 	snop  }
0x4b: {  	[hbm4b:s14+s3] =	stream.linear.scatter [tilespmem:s7], [sflag:$0x2], $0x4000, $0x38;
	[tilespmem:$0x8200] =	vst v63  }
0x4c: {  	_ =	swait.ge [sflag:s4], $0x4000  }
0x4d: {  	[sflag:s4] =	ssyncset.done $0x0  }
0x4e: {  	[sflag:s4] =	ssyncadd.s32 $0xFFFFC000  }
0x4f: {  	_ =	swait.ge [sflag:s8], $0x4000  }
.Ltmp1:
0x50: {  	[sflag:s8] =	ssyncset.done $0x0;
	(pc) =	sbr.rel @p0 .LBB2_1-.Ltmp1, $4  }
0x51: {  	[sflag:s8] =	ssyncadd.s32 $0xFFFFC000  }
0x52: {  	[hbm4b:s15+s3] =	stream.linear.scatter [tilespmem:s9], [sflag:$0x2], $0x4000, $0x38;
	[tilespmem:$0x8200] =	vst v63  }
0x53: {  	_ =	swait.ge [sflag:s4], $0x4000  }
0x54: {  	[sflag:s4] =	ssyncset.done $0x0  }
.LBB2_2:
0x55: {  	[sflag:s4] =	ssyncadd.s32 $0xFFFFC000  }
0x56: {  	_ =	sfence.sel $0x180000  }
0x57: {  	[bflag:$0x0] =	sbarrier.arrive $0xFFFF  }
0x58: {  	p0 =	sne.s32 s0, $0x0;
	_ =	strace $0x90000047  }
0x59: {  	s0 =	sadd.s32 @!p0 $0x100000, s2;
	[bflag:$0x2] =	sbarrier.arrive $0xFFFF  }
0x5a: {  	[sflag:s0] =	ssyncadd.tile.s32 @!p0 $0x1;
	_ =	shalt  }
.Lfunc_end2:
_tile_overlayer_lowered:
.L_overlay_start_2:
0x5b: {  	(tag) =	ssettag $0x2  }
0x5c: {  	s0 =	rddreg [dreg:$0x0];
	s2 =	stileid.u32  }
0x5d: {  	s1 =	rddreg [dreg:$0x1];
	p0 =	sne.s32 s2, $0x0  }
0x5e: {  	s3 =	rddreg [dreg:$0x2];
	[bflag:$0x3] =	sbarrier.arrive $0xFFFF;
	s2 =	simm.s32 @!p0 $0x1C02  }
0x5f: {  	[timem:s3], [sflag:s2] =	dma.local @!p0 [hbm:s0], s1  }
0x60: {  	s0 =	simm.s32 @!p0 $0x2  }
0x61: {  	_ =	swait.ge @!p0 [sflag:s0], s1  }
0x62: {  	s1 =	ssub.s32 @!p0 $0x0, s1;
	[sflag:s0] =	ssyncset.done @!p0 $0x0  }
0x63: {  	[sflag:s0] =	ssyncadd.s32 @!p0 s1  }
0x64: {  	[bflag:$0x3] =	sbarrier.arrive $0xFFFF  }
0x65: {  	_ =	shalt  }

// kernel: kernel.13.cloned.1.call-start
scs
__scs_entry_jumppad:
0x0: {  	(pc) =	sbr.rel $0x88, $3  }
0x1: {  	(tag) =	ssettag $0x0;
	lr =	simm.s32 $0x1  }
0x2: {  	[smem:$0x3F95] =	sst lr;
	_ =	strace $0xD0000000  }
0x3: {  	_ = 	snop  }
0x4: {  	_ = 	snop  }
0x5: {  	_ = 	snop  }
0x6: {  	_ = 	snop  }
0x7: {  	_ = 	snop  }
__scs_overlays_trampoline_lowered:
0x8: {  	[smem:$0x3FA4] =	sst s0  }
0x9: {  	[smem:$0x3FA5] =	sst s1  }
0xa: {  	[smem:$0x3FA6] =	sst s2  }
0xb: {  	[smem:$0x3FA7] =	sst s3  }
0xc: {  	[smem:$0x3FA8] =	sst s4  }
0xd: {  	[smem:$0x3FA9] =	sst s5  }
0xe: {  	[smem:$0x3FAA] =	sst s6  }
0xf: {  	[smem:$0x3FAB] =	sst s7  }
0x10: {  	[smem:$0x3FAC] =	sst s8  }
0x11: {  	[smem:$0x3FAD] =	sst s9;
	s0 =	simm.s32 @!p0 $0x0  }
0x12: {  	s1 =	sld [smem:$0x3F93];
	s0 =	simm.s32 @p0 $0x1  }
0x13: {  	[smem:$0x3FAE] =	sst s0;
	s0 =	simm.s32 @!p1 $0x0  }
0x14: {  	s2 =	sld [smem:$0x3F92];
	s0 =	simm.s32 @p1 $0x1  }
0x15: {  	[smem:$0x3FAF] =	sst s0;
	s0 =	simm.s32 @!p2 $0x0  }
0x16: {  	s3 =	sld [smem:$0x3FDB];
	s0 =	simm.s32 @p2 $0x1  }
0x17: {  	s4 =	simm.s32 $0x1BF5;
	[smem:$0x3FB1] =	sst s0  }
0x18: {  	s0 =	sld [smem:$0x3F94];
	_ =	swait.ge [sflag:s4], $0x0  }
0x19: {  	s7 =	sld [smem:$0x3F95]  }
0x1a: {  	s8 =	sadd.s32 $0xFFFFE003, lr  }
0x1b: {  	s9 =	sadd.s32 $0xFFFFFEF7, lr;
	s5 =	simm.s32 $0xFFFFFFFF;
	p2 =	slt.u32 s8, $0xFFFFF086  }
0x1c: {  	p1 =	slt.u32 s9, $0xF7A;
	s5 =	simm.s32 @!p2 $0x0  }
0x1d: {  	s5 =	simm.s32 @p1 $0x1;
	p0 =	seq.s32 s7, s2  }
0x1e: {  	s7 =	smul.u32 @!p0 $0xF7A, s2;
	p2 =	seq.s32 @!p0 s5, $0x0  }
0x1f: {  	s9 =	smul.u32 $0xF7A, s1;
	s8 =	simm.s32 @!p0 $0x1BF5;
	p2 =	por !p2, p0  }
0x20: {  	[sflag:s8] =	ssyncset.s32 @!p0 $0xFFFFF086;
	s6 =	sadd.s32 @!p0 s3, s7;
	s7 =	simm.s32 @!p0 $0x108  }
0x21: {  	s3 =	sadd.s32 s3, s9;
	s6 =	sadd.s32 @!p0 $0x88, s6;
	s7 =	simm.s32 @p2 $0x1082  }
0x22: {  	[simem:s7], [sflag:s8] =	dma.local @!p0 [hbm:s6], $0xF7A  }
0x23: {  	s9 =	sor.u32 $0xD0000000, s2;
	s6 =	simm.s32 $0x108;
	_ =	swait.ge @!p0 [sflag:s8], $0x0  }
0x24: {  	s3 =	sadd.s32 $0x88, s3;
	s6 =	simm.s32 @!p1 $0x1082;
	[sflag:s4] =	ssyncset.s32 $0xFFFFF086  }
0x25: {  	[simem:s6], [sflag:s4] =	dma.local [hbm:s3], $0xF7A  }
0x26: {  	[smem:$0x3F95] =	sst s1;
	(tag) =	ssettag s2;
	_ =	strace s9  }
0x27: {  	s1 =	sld [smem:$0x3FA5]  }
0x28: {  	s2 =	sld [smem:$0x3FA6]  }
0x29: {  	s4 =	sld [smem:$0x3FA8]  }
0x2a: {  	p0 =	seq.s32 s5, $0x0;
	s5 =	sld [smem:$0x3FA9]  }
0x2b: {  	s6 =	sld [smem:$0x3FAA]  }
0x2c: {  	s7 =	sld [smem:$0x3FAB]  }
0x2d: {  	s3 =	simm.s32 $0x108;
	s8 =	sld [smem:$0x3FAC]  }
0x2e: {  	s3 =	simm.s32 @!p0 $0x1082;
	s9 =	sld [smem:$0x3FAD]  }
0x2f: {  	lr =	sadd.s32 s0, s3;
	s0 =	sld [smem:$0x3FA4]  }
0x30: {  	s3 =	sld [smem:$0x3FA7]  }
0x31: {  	[smem:$0x3FB0] =	sst s10  }
0x32: {  	s10 =	sld [smem:$0x3FAE];
	_ =	sdelay $0x3  }
0x33: {  	p0 =	seq.s32 s10, $0x1;
	s10 =	sld [smem:$0x3FB0];
	_ =	sdelay $0x3  }
0x34: {  	[smem:$0x3FB0] =	sst s10  }
0x35: {  	s10 =	sld [smem:$0x3FAF];
	_ =	sdelay $0x3  }
0x36: {  	p1 =	seq.s32 s10, $0x1;
	s10 =	sld [smem:$0x3FB0];
	_ =	sdelay $0x3  }
0x37: {  	[smem:$0x3FB0] =	sst s10  }
0x38: {  	s10 =	sld [smem:$0x3FB1]  }
0x39: {  	_ = 	snop;
	(pc) =	sbr.ind lr, $3  }
0x3a: {  	_ = 	snop  }
0x3b: {  	_ = 	snop  }
0x3c: {  	p2 =	seq.s32 s10, $0x1;
	s10 =	sld [smem:$0x3FB0]  }
0x3d: {  	_ =	shalt  }
0x3e: {  	_ =	shalt  }
0x3f: {  	_ =	shalt  }
0x40: {  	_ =	shalt  }
0x41: {  	_ =	shalt  }
0x42: {  	_ =	shalt  }
0x43: {  	_ =	shalt  }
0x44: {  	_ =	shalt  }
0x45: {  	_ =	shalt  }
0x46: {  	_ =	shalt  }
0x47: {  	_ =	shalt  }
0x48: {  	_ =	shalt  }
0x49: {  	_ =	shalt  }
0x4a: {  	_ =	shalt  }
0x4b: {  	_ =	shalt  }
0x4c: {  	_ =	shalt  }
0x4d: {  	_ =	shalt  }
0x4e: {  	_ =	shalt  }
0x4f: {  	_ =	shalt  }
0x50: {  	_ =	shalt  }
0x51: {  	_ =	shalt  }
0x52: {  	_ =	shalt  }
0x53: {  	_ =	shalt  }
0x54: {  	_ =	shalt  }
0x55: {  	_ =	shalt  }
0x56: {  	_ =	shalt  }
0x57: {  	_ =	shalt  }
0x58: {  	_ =	shalt  }
0x59: {  	_ =	shalt  }
0x5a: {  	_ =	shalt  }
0x5b: {  	_ =	shalt  }
0x5c: {  	_ =	shalt  }
0x5d: {  	_ =	shalt  }
0x5e: {  	_ =	shalt  }
0x5f: {  	_ =	shalt  }
0x60: {  	_ =	shalt  }
0x61: {  	_ =	shalt  }
0x62: {  	_ =	shalt  }
0x63: {  	_ =	shalt  }
0x64: {  	_ =	shalt  }
0x65: {  	_ =	shalt  }
0x66: {  	_ =	shalt  }
0x67: {  	_ =	shalt  }
0x68: {  	_ =	shalt  }
0x69: {  	_ =	shalt  }
0x6a: {  	_ =	shalt  }
0x6b: {  	_ =	shalt  }
0x6c: {  	_ =	shalt  }
0x6d: {  	_ =	shalt  }
0x6e: {  	_ =	shalt  }
0x6f: {  	_ =	shalt  }
0x70: {  	_ =	shalt  }
0x71: {  	_ =	shalt  }
0x72: {  	_ =	shalt  }
0x73: {  	_ =	shalt  }
0x74: {  	_ =	shalt  }
0x75: {  	_ =	shalt  }
0x76: {  	_ =	shalt  }
0x77: {  	_ =	shalt  }
0x78: {  	_ =	shalt  }
0x79: {  	_ =	shalt  }
0x7a: {  	_ =	shalt  }
0x7b: {  	_ =	shalt  }
0x7c: {  	_ =	shalt  }
0x7d: {  	_ =	shalt  }
0x7e: {  	_ =	shalt  }
0x7f: {  	_ =	shalt  }
0x80: {  	_ =	shalt  }
0x81: {  	_ =	shalt  }
0x82: {  	_ =	shalt  }
0x83: {  	_ =	shalt  }
0x84: {  	_ =	shalt  }
0x85: {  	_ =	shalt  }
0x86: {  	_ =	shalt  }
0x87: {  	_ =	shalt  }
.Lfunc_end0:
.L_simem_size_0:
called_computation.1_lowered:
.L_overlay_start_0:
0x88: {  	s2 =	sld [smem:$0x3FD9]  }
0x89: {  	s3 =	sld [smem:$0x3FFE];
	_ =	sdelay $0x1  }
0x8a: {  	s1 =	srdreg.scid  }
0x8b: {  	s0 =	sand.u32 $0x1, s1  }
0x8c: {  	s17 =	sshll.u32 s0, $0xA;
	s2 =	sadd.s32 s3, s2  }
0x8d: {  	s2 =	sadd.s32 s2, s17  }
0x8e: {  	[smem:$0x3FBC] =	sst s2  }
0x8f: {  	_ = 	snop  }
0x90: {  	s18 =	sld [smem:$0x3FC6];
	(tm) =	ssettm $0x1  }
0x91: {  	s19 =	sld [smem:$0x3FFB];
	_ =	sdelay $0x3  }
0x92: {  	_ =	strace s19  }
0x93: {  	s2 =	sld [smem:$0x3FFC];
	_ =	sdelay $0x3  }
0x94: {  	_ =	strace s2  }
0x95: {  	s2 =	sld [smem:$0x3FFD];
	_ =	sdelay $0x3  }
0x96: {  	_ =	strace s2  }
0x97: {  	_ =	strace $0x8FFFFFFF  }
0x98: {  	s20 =	sld [smem:$0x3FDB];
	_ =	sdelay $0x1  }
0x99: {  	s4 =	simm.s32 $_scs_section_size  }
0x9a: {  	s5 =	simm.s32 $_size__tile_overlayer_lowered;
	s6 =	simm.s32 $_tile_overlayer_lowered  }
0x9b: {  	s7 =	simm.s32 $0x1BFF;
	s21 =	sshll.u32 s6, $0x1;
	s4 =	sadd.s32 s4, s20  }
0x9c: {  	s22 =	simm.s32 $0x0;
	s5 =	sshll.u32 s5, $0x1;
	s6 =	sadd.s32 s21, s4  }
0x9d: {  	[timem:s22], [sflag:s7] =	dma.local [hbm:s6], s5  }
0x9e: {  	_ =	swait.ge [sflag:s7], s5  }
0x9f: {  	s5 =	ssub.s32 $0x0, s5;
	[sflag:s7] =	ssyncset.done $0x0  }
0xa0: {  	[sflag:s7] =	ssyncadd.s32 s5;
	_ =	sdelay $0x1  }
0xa1: {  	s23 =	simm.s32 $0x1B8B  }
0xa2: {  	_ =	swait.ge [sflag:s23], $0x1  }
0xa3: {  	[sflag:s23] =	ssyncset.done $0x0  }
0xa4: {  	[sflag:s23] =	ssyncadd.s32 $0xFFFFFFFF  }
0xa5: {  	s5 =	sld [smem:$0x0]  }
0xa6: {  	s6 =	sand.u32 $0xFFFFFFFE, s1  }
0xa7: {  	p0 =	sne.s32 s1, s6  }
0xa8: {  	s6 =	sshll.u32 @p0 s6, $0xE  }
0xa9: {  	s6 =	sadd.s32 @p0 $0x11B8D, s6;
	s7 =	sshll.u32 @p0 s5, $0x11  }
0xaa: {  	s6 =	sor.u32 @p0 s7, s6  }
0xab: {  	[sflag:s6] =	ssyncadd.remote.s32 @p0 $0x1;
	_ =	sdelay $0x1  }
0xac: {  	s6 =	simm.s32 @p0 $0x1B8D  }
0xad: {  	_ =	swait.eq @p0 [sflag:s6], $0x1  }
0xae: {  	[sflag:s6] =	ssyncadd.s32 @p0 $0xFFFFFFFF  }
0xaf: {  	s7 =	sshll.u32 @!p0 s1, $0xE  }
0xb0: {  	s7 =	sor.u32 @!p0 $0x4000, s7;
	s6 =	simm.s32 @!p0 $0x1B8D  }
0xb1: {  	s5 =	sshll.u32 @!p0 s5, $0x11;
	s7 =	sadd.s32 @!p0 $0x11B8D, s7;
	_ =	swait.eq @!p0 [sflag:s6], $0x1  }
0xb2: {  	s5 =	sor.u32 @!p0 s5, s7;
	[sflag:s6] =	ssyncadd.s32 @!p0 $0xFFFFFFFF  }
0xb3: {  	s25 =	simm.s32 $0x1B8E;
	s24 =	sld [smem:$0x3FFE];
	[sflag:s5] =	ssyncadd.remote.s32 @!p0 $0x1  }
0xb4: {  	s26 =	simm.s32 $execute0_lowered;
	[smem:$0x3FD2] =	sst s25  }
0xb5: {  	s6 =	sshll.u32 s26, $0x1;
	_ =	strace $0x80000049;
	[dreg:$0x1] =	wrdreg $0xFFFFFFFF  }
0xb6: {  	s28 =	simm.s32 $_size_execute0_lowered;
	s4 =	sadd.s32 s4, s6;
	[dreg:$0x0] =	wrdreg $0x0  }
0xb7: {  	s6 =	sshll.u32 s28, $0x1;
	[dreg:$0x2] =	wrdreg s4  }
0xb8: {  	[dreg:$0x3] =	wrdreg s6  }
0xb9: {  	[dreg:$0x4] =	wrdreg $0xC0  }
0xba: {  	_ =	task [dreg:s22], $0x5FFFF  }
0xbb: {  	[dreg:$0x1] =	wrdreg $0xFFFFFFFF  }
0xbc: {  	[dreg:$0x0] =	wrdreg $0x60  }
0xbd: {  	[dreg:$0x2] =	wrdreg s18  }
0xbe: {  	[dreg:$0x3] =	wrdreg s24  }
0xbf: {  	[dreg:$0x4] =	wrdreg $0xA  }
0xc0: {  	_ =	task.clear_ibuf [dreg:s22], $0x5FFFF;
	_ =	strace $0x90000049  }
0xc1: {  	s29 =	simm.s32 $0xA;
	_ =	strace $0x8000004B  }
0xc2: {  	_ =	swait.ge [sflag:s29], $0x1  }
0xc3: {  	[sflag:s29] =	ssyncadd.s32 $0xFFFFFFFF  }
0xc4: {  	_ =	strace $0x9000004B  }
0xc5: {  	_ =	sfence  }
0xc6: {  	s30 =	sld [smem:$0x0];
	_ =	sdelay $0x2  }
0xc7: {  	s31 =	sshll.u32 s1, $0xD;
	s1 =	sshrl.u32 s1, $0x2  }
0xc8: {  	s4 =	sand.u32 $0x4000, s31;
	s1 =	sadd.s32 s1, s30  }
0xc9: {  	s0 =	sor.u32 s4, s0;
	s1 =	sshll.u32 s1, $0x11  }
0xca: {  	s0 =	sor.u32 s1, s0  }
0xcb: {  	s0 =	sadd.s32 $0x8F2B, s0  }
0xcc: {  	[sflag:s0] =	ssyncadd.remote.s32 $0x1  }
0xcd: {  	_ =	sfence.sel $0xFFFF  }
0xce: {  	[dreg:$0x0] =	wrdreg $0xFFFFFFFF;
	(pc) =	sbr.abs _section_cstart, $3  }
0xcf: {  	[dreg:$0x1] =	wrdreg $0xFFFFFFFF  }
0xd0: {  	_ =	task.clear_ibuf [dreg:s22], $0x2FFFF;
	_ =	strace $0x9FFFFFFF  }
0xd1: {  	(tm) =	ssettm $0x7FFFFFFF  }
tec
execute0_lowered:
.L_overlay_start_1:
0x0: {  	(tag) =	ssettag $0x1  }
0x1: {  	s1 =	srdreg.scid  }
0x2: {  	s0 =	stileid.u32;
	s23 =	sand.u32 $0x1, s1  }
0x3: {  	s2 =	rddreg [dreg:$0x0];
	s31 =	sshll.u32 s0, $0xB;
	s3 =	sshll.u32 s23, $0xA  }
0x4: {  	s9 =	rddreg [dreg:$0x1];
	s10 =	sor.u32 s3, s31  }
0x5: {  	s1 =	rddreg [dreg:$0x2];
	s3 =	simm.s32 $0x0;
	s4 =	sshrl.u32 s10, $0x3  }
0x6: {  	[smem:$0x7FF] =	sst s3;
	s4 =	sadd.s32 s4, s9  }
0x7: {  	_ =	strace $0x8000004A;
	s5 =	sadd.s32 $0x3C00, s4;
	s4 =	simm.s32 $0x2  }
0x8: {  	[tilespmem:s3], [sflag:$0x2] =	stream.linear.gather [hbm4b:s5+s3], $0x400, $0x38;
	[tilespmem:$0x8400] =	vst v63  }
0x9: {  	_ =	swait.ge [sflag:s4], $0x400  }
0xa: {  	s6 =	simm.s32 $0x80;
	[sflag:s4] =	ssyncset.done $0x0  }
0xb: {  	s7 =	simm.s32 $0x400;
	s8 =	simm.s32 $0x1;
	[sflag:s4] =	ssyncadd.s32 $0xFFFFFC00  }
0xc: {  	[tilespmem:s7], [sflag:$0x1] =	stream.indirect.gather [hbm4b:s2+s6], $0x80, s3, s6, $0xb8;
	[tilespmem:$0x8400] =	vst v63  }
0xd: {  	_ =	swait.ge [sflag:s8], $0x4000  }
0xe: {  	s10 =	sshll.u32 s10, $0x4;
	[sflag:s8] =	ssyncset.done $0x0  }
0xf: {  	s24 =	sadd.s32 s10, s9;
	s9 =	simm.s32 $0x4400;
	[sflag:s8] =	ssyncadd.s32 $0xFFFFC000  }
0x10: {  	[tilespmem:s9], [sflag:$0x1] =	stream.indirect.gather [hbm4b:s2+s6], $0x80, s6, s6, $0xb8;
	[tilespmem:$0x8400] =	vst v63  }
0x11: {  	s10 =	sadd.s32 $0x4C00, s24  }
0x12: {  	[hbm4b:s10+s3] =	stream.linear.scatter [tilespmem:s7], [sflag:$0x2], $0x4000, $0x38;
	[tilespmem:$0x8400] =	vst v63  }
0x13: {  	_ =	swait.ge [sflag:s4], $0x4000  }
0x14: {  	[sflag:s4] =	ssyncset.done $0x0  }
0x15: {  	[sflag:s4] =	ssyncadd.s32 $0xFFFFC000  }
0x16: {  	_ =	swait.ge [sflag:s8], $0x4000  }
0x17: {  	[sflag:s8] =	ssyncset.done $0x0  }
0x18: {  	s11 =	simm.s32 $0x100;
	[sflag:s8] =	ssyncadd.s32 $0xFFFFC000  }
0x19: {  	[tilespmem:s7], [sflag:$0x1] =	stream.indirect.gather [hbm4b:s2+s6], $0x80, s11, s6, $0xb8;
	[tilespmem:$0x8400] =	vst v63  }
0x1a: {  	s12 =	sadd.s32 $0x5400, s24  }
0x1b: {  	[hbm4b:s12+s3] =	stream.linear.scatter [tilespmem:s9], [sflag:$0x2], $0x4000, $0x38;
	[tilespmem:$0x8400] =	vst v63  }
0x1c: {  	_ =	swait.ge [sflag:s4], $0x4000  }
0x1d: {  	[sflag:s4] =	ssyncset.done $0x0  }
0x1e: {  	[sflag:s4] =	ssyncadd.s32 $0xFFFFC000  }
0x1f: {  	_ =	swait.ge [sflag:s8], $0x4000  }
0x20: {  	[sflag:s8] =	ssyncset.done $0x0  }
0x21: {  	s13 =	simm.s32 $0x180;
	[sflag:s8] =	ssyncadd.s32 $0xFFFFC000  }
0x22: {  	[tilespmem:s9], [sflag:$0x1] =	stream.indirect.gather [hbm4b:s2+s6], $0x80, s13, s6, $0xb8;
	[tilespmem:$0x8400] =	vst v63  }
0x23: {  	s14 =	sadd.s32 $0x5C00, s24  }
0x24: {  	[hbm4b:s14+s3] =	stream.linear.scatter [tilespmem:s7], [sflag:$0x2], $0x4000, $0x38;
	[tilespmem:$0x8400] =	vst v63  }
0x25: {  	_ =	swait.ge [sflag:s4], $0x4000  }
0x26: {  	[sflag:s4] =	ssyncset.done $0x0  }
0x27: {  	[sflag:s4] =	ssyncadd.s32 $0xFFFFC000  }
0x28: {  	_ =	swait.ge [sflag:s8], $0x4000  }
0x29: {  	[sflag:s8] =	ssyncset.done $0x0  }
0x2a: {  	s15 =	simm.s32 $0x200;
	[sflag:s8] =	ssyncadd.s32 $0xFFFFC000  }
0x2b: {  	[tilespmem:s7], [sflag:$0x1] =	stream.indirect.gather [hbm4b:s2+s6], $0x80, s15, s6, $0xb8;
	[tilespmem:$0x8400] =	vst v63  }
0x2c: {  	s16 =	sadd.s32 $0x6400, s24  }
0x2d: {  	[hbm4b:s16+s3] =	stream.linear.scatter [tilespmem:s9], [sflag:$0x2], $0x4000, $0x38;
	[tilespmem:$0x8400] =	vst v63  }
0x2e: {  	_ =	swait.ge [sflag:s4], $0x4000  }
0x2f: {  	[sflag:s4] =	ssyncset.done $0x0  }
0x30: {  	[sflag:s4] =	ssyncadd.s32 $0xFFFFC000  }
0x31: {  	_ =	swait.ge [sflag:s8], $0x4000  }
0x32: {  	[sflag:s8] =	ssyncset.done $0x0  }
0x33: {  	s17 =	simm.s32 $0x280;
	[sflag:s8] =	ssyncadd.s32 $0xFFFFC000  }
0x34: {  	[tilespmem:s9], [sflag:$0x1] =	stream.indirect.gather [hbm4b:s2+s6], $0x80, s17, s6, $0xb8;
	[tilespmem:$0x8400] =	vst v63  }
0x35: {  	s18 =	sadd.s32 $0x6C00, s24  }
0x36: {  	[hbm4b:s18+s3] =	stream.linear.scatter [tilespmem:s7], [sflag:$0x2], $0x4000, $0x38;
	[tilespmem:$0x8400] =	vst v63  }
0x37: {  	_ =	swait.ge [sflag:s4], $0x4000  }
0x38: {  	[sflag:s4] =	ssyncset.done $0x0  }
0x39: {  	[sflag:s4] =	ssyncadd.s32 $0xFFFFC000  }
0x3a: {  	_ =	swait.ge [sflag:s8], $0x4000  }
0x3b: {  	[sflag:s8] =	ssyncset.done $0x0  }
0x3c: {  	s19 =	simm.s32 $0x300;
	[sflag:s8] =	ssyncadd.s32 $0xFFFFC000  }
0x3d: {  	[tilespmem:s7], [sflag:$0x1] =	stream.indirect.gather [hbm4b:s2+s6], $0x80, s19, s6, $0xb8;
	[tilespmem:$0x8400] =	vst v63  }
0x3e: {  	s20 =	sadd.s32 $0x7400, s24  }
0x3f: {  	[hbm4b:s20+s3] =	stream.linear.scatter [tilespmem:s9], [sflag:$0x2], $0x4000, $0x38;
	[tilespmem:$0x8400] =	vst v63  }
0x40: {  	_ =	swait.ge [sflag:s4], $0x4000  }
0x41: {  	[sflag:s4] =	ssyncset.done $0x0  }
0x42: {  	[sflag:s4] =	ssyncadd.s32 $0xFFFFC000  }
0x43: {  	_ =	swait.ge [sflag:s8], $0x4000  }
0x44: {  	[sflag:s8] =	ssyncset.done $0x0  }
0x45: {  	s21 =	simm.s32 $0x380;
	[sflag:s8] =	ssyncadd.s32 $0xFFFFC000  }
0x46: {  	[tilespmem:s9], [sflag:$0x1] =	stream.indirect.gather [hbm4b:s2+s6], $0x80, s21, s6, $0xb8;
	[tilespmem:$0x8400] =	vst v63  }
0x47: {  	s23 =	ssub.s32 $0x2, s23;
	s22 =	sadd.s32 $0x7C00, s24  }
0x48: {  	[hbm4b:s22+s3] =	stream.linear.scatter [tilespmem:s7], [sflag:$0x2], $0x4000, $0x38;
	[tilespmem:$0x8400] =	vst v63  }
0x49: {  	s25 =	sshrl.u32 s23, $0x1;
	_ =	swait.ge [sflag:s4], $0x4000  }
0x4a: {  	s23 =	ssub.s32 s23, s25;
	[sflag:s4] =	ssyncset.done $0x0  }
0x4b: {  	s25 =	smax.u32 s23, $0x1;
	[sflag:s4] =	ssyncadd.s32 $0xFFFFC000  }
0x4c: {  	p0 =	sne.s32 s25, $0x1;
	_ =	swait.ge [sflag:s8], $0x4000  }
.Ltmp0:
0x4d: {  	[sflag:s8] =	ssyncset.done $0x0;
	(pc) =	sbr.rel @!p0 .LBB2_2-.Ltmp0, $4  }
0x4e: {  	s23 =	sadd.s32 $0x8400, s24;
	[sflag:s8] =	ssyncadd.s32 $0xFFFFC000  }
0x4f: {  	[hbm4b:s23+s3] =	stream.linear.scatter [tilespmem:s9], [sflag:$0x2], $0x4000, $0x38;
	[tilespmem:$0x8400] =	vst v63  }
0x50: {  	_ =	swait.ge [sflag:s4], $0x4000  }
0x51: {  	s24 =	sadd.s32 $0xFFFFFFFF, s25;
	[sflag:s4] =	ssyncset.done $0x0  }
.LBB2_1:
0x52: {  	p0 =	sne.s32 s24, $0x1;
	s24 =	sadd.s32 $0xFFFFFFFF, s24;
	[sflag:s4] =	ssyncadd.s32 $0xFFFFC000  }
0x53: {  	[tilespmem:s3], [sflag:$0x2] =	stream.linear.gather [hbm4b:s5+s3], $0x400, $0x38;
	[tilespmem:$0x8400] =	vst v63  }
0x54: {  	_ =	swait.ge [sflag:s4], $0x400  }
0x55: {  	[sflag:s4] =	ssyncset.done $0x0  }
0x56: {  	[sflag:s4] =	ssyncadd.s32 $0xFFFFFC00  }
0x57: {  	[tilespmem:s7], [sflag:$0x1] =	stream.indirect.gather [hbm4b:s2+s6], $0x80, s3, s6, $0xb8;
	[tilespmem:$0x8400] =	vst v63  }
0x58: {  	_ =	swait.ge [sflag:s8], $0x4000  }
0x59: {  	[sflag:s8] =	ssyncset.done $0x0  }
0x5a: {  	[sflag:s8] =	ssyncadd.s32 $0xFFFFC000  }
0x5b: {  	[tilespmem:s9], [sflag:$0x1] =	stream.indirect.gather [hbm4b:s2+s6], $0x80, s6, s6, $0xb8;
	[tilespmem:$0x8400] =	vst v63  }
0x5c: {  	_ = 	snop  }
0x5d: {  	[hbm4b:s10+s3] =	stream.linear.scatter [tilespmem:s7], [sflag:$0x2], $0x4000, $0x38;
	[tilespmem:$0x8400] =	vst v63  }
0x5e: {  	_ =	swait.ge [sflag:s4], $0x4000  }
0x5f: {  	[sflag:s4] =	ssyncset.done $0x0  }
0x60: {  	[sflag:s4] =	ssyncadd.s32 $0xFFFFC000  }
0x61: {  	_ =	swait.ge [sflag:s8], $0x4000  }
0x62: {  	[sflag:s8] =	ssyncset.done $0x0  }
0x63: {  	[sflag:s8] =	ssyncadd.s32 $0xFFFFC000  }
0x64: {  	[tilespmem:s7], [sflag:$0x1] =	stream.indirect.gather [hbm4b:s2+s6], $0x80, s11, s6, $0xb8;
	[tilespmem:$0x8400] =	vst v63  }
0x65: {  	_ = 	snop  }
0x66: {  	[hbm4b:s12+s3] =	stream.linear.scatter [tilespmem:s9], [sflag:$0x2], $0x4000, $0x38;
	[tilespmem:$0x8400] =	vst v63  }
0x67: {  	_ =	swait.ge [sflag:s4], $0x4000  }
0x68: {  	[sflag:s4] =	ssyncset.done $0x0  }
0x69: {  	[sflag:s4] =	ssyncadd.s32 $0xFFFFC000  }
0x6a: {  	_ =	swait.ge [sflag:s8], $0x4000  }
0x6b: {  	[sflag:s8] =	ssyncset.done $0x0  }
0x6c: {  	[sflag:s8] =	ssyncadd.s32 $0xFFFFC000  }
0x6d: {  	[tilespmem:s9], [sflag:$0x1] =	stream.indirect.gather [hbm4b:s2+s6], $0x80, s13, s6, $0xb8;
	[tilespmem:$0x8400] =	vst v63  }
0x6e: {  	_ = 	snop  }
0x6f: {  	[hbm4b:s14+s3] =	stream.linear.scatter [tilespmem:s7], [sflag:$0x2], $0x4000, $0x38;
	[tilespmem:$0x8400] =	vst v63  }
0x70: {  	_ =	swait.ge [sflag:s4], $0x4000  }
0x71: {  	[sflag:s4] =	ssyncset.done $0x0  }
0x72: {  	[sflag:s4] =	ssyncadd.s32 $0xFFFFC000  }
0x73: {  	_ =	swait.ge [sflag:s8], $0x4000  }
0x74: {  	[sflag:s8] =	ssyncset.done $0x0  }
0x75: {  	[sflag:s8] =	ssyncadd.s32 $0xFFFFC000  }
0x76: {  	[tilespmem:s7], [sflag:$0x1] =	stream.indirect.gather [hbm4b:s2+s6], $0x80, s15, s6, $0xb8;
	[tilespmem:$0x8400] =	vst v63  }
0x77: {  	_ = 	snop  }
0x78: {  	[hbm4b:s16+s3] =	stream.linear.scatter [tilespmem:s9], [sflag:$0x2], $0x4000, $0x38;
	[tilespmem:$0x8400] =	vst v63  }
0x79: {  	_ =	swait.ge [sflag:s4], $0x4000  }
0x7a: {  	[sflag:s4] =	ssyncset.done $0x0  }
0x7b: {  	[sflag:s4] =	ssyncadd.s32 $0xFFFFC000  }
0x7c: {  	_ =	swait.ge [sflag:s8], $0x4000  }
0x7d: {  	[sflag:s8] =	ssyncset.done $0x0  }
0x7e: {  	[sflag:s8] =	ssyncadd.s32 $0xFFFFC000  }
0x7f: {  	[tilespmem:s9], [sflag:$0x1] =	stream.indirect.gather [hbm4b:s2+s6], $0x80, s17, s6, $0xb8;
	[tilespmem:$0x8400] =	vst v63  }
0x80: {  	_ = 	snop  }
0x81: {  	[hbm4b:s18+s3] =	stream.linear.scatter [tilespmem:s7], [sflag:$0x2], $0x4000, $0x38;
	[tilespmem:$0x8400] =	vst v63  }
0x82: {  	_ =	swait.ge [sflag:s4], $0x4000  }
0x83: {  	[sflag:s4] =	ssyncset.done $0x0  }
0x84: {  	[sflag:s4] =	ssyncadd.s32 $0xFFFFC000  }
0x85: {  	_ =	swait.ge [sflag:s8], $0x4000  }
0x86: {  	[sflag:s8] =	ssyncset.done $0x0  }
0x87: {  	[sflag:s8] =	ssyncadd.s32 $0xFFFFC000  }
0x88: {  	[tilespmem:s7], [sflag:$0x1] =	stream.indirect.gather [hbm4b:s2+s6], $0x80, s19, s6, $0xb8;
	[tilespmem:$0x8400] =	vst v63  }
0x89: {  	_ = 	snop  }
0x8a: {  	[hbm4b:s20+s3] =	stream.linear.scatter [tilespmem:s9], [sflag:$0x2], $0x4000, $0x38;
	[tilespmem:$0x8400] =	vst v63  }
0x8b: {  	_ =	swait.ge [sflag:s4], $0x4000  }
0x8c: {  	[sflag:s4] =	ssyncset.done $0x0  }
0x8d: {  	[sflag:s4] =	ssyncadd.s32 $0xFFFFC000  }
0x8e: {  	_ =	swait.ge [sflag:s8], $0x4000  }
0x8f: {  	[sflag:s8] =	ssyncset.done $0x0  }
0x90: {  	[sflag:s8] =	ssyncadd.s32 $0xFFFFC000  }
0x91: {  	[tilespmem:s9], [sflag:$0x1] =	stream.indirect.gather [hbm4b:s2+s6], $0x80, s21, s6, $0xb8;
	[tilespmem:$0x8400] =	vst v63  }
0x92: {  	_ = 	snop  }
0x93: {  	[hbm4b:s22+s3] =	stream.linear.scatter [tilespmem:s7], [sflag:$0x2], $0x4000, $0x38;
	[tilespmem:$0x8400] =	vst v63  }
0x94: {  	_ =	swait.ge [sflag:s4], $0x4000  }
0x95: {  	[sflag:s4] =	ssyncset.done $0x0  }
0x96: {  	[sflag:s4] =	ssyncadd.s32 $0xFFFFC000  }
0x97: {  	_ =	swait.ge [sflag:s8], $0x4000  }
.Ltmp1:
0x98: {  	[sflag:s8] =	ssyncset.done $0x0;
	(pc) =	sbr.rel @p0 .LBB2_1-.Ltmp1, $4  }
0x99: {  	[sflag:s8] =	ssyncadd.s32 $0xFFFFC000  }
0x9a: {  	[hbm4b:s23+s3] =	stream.linear.scatter [tilespmem:s9], [sflag:$0x2], $0x4000, $0x38;
	[tilespmem:$0x8400] =	vst v63  }
0x9b: {  	_ =	swait.ge [sflag:s4], $0x4000  }
0x9c: {  	[sflag:s4] =	ssyncset.done $0x0  }
.LBB2_2:
0x9d: {  	[sflag:s4] =	ssyncadd.s32 $0xFFFFC000  }
0x9e: {  	_ =	sfence.sel $0x180000  }
0x9f: {  	[bflag:$0x0] =	sbarrier.arrive $0xFFFF  }
0xa0: {  	p0 =	sne.s32 s0, $0x0;
	_ =	strace $0x9000004A  }
0xa1: {  	s0 =	sadd.s32 @!p0 $0x100000, s1;
	[bflag:$0x2] =	sbarrier.arrive $0xFFFF  }
0xa2: {  	[sflag:s0] =	ssyncadd.tile.s32 @!p0 $0x1;
	_ =	shalt  }
.Lfunc_end2:
_tile_overlayer_lowered:
.L_overlay_start_2:
0xa3: {  	(tag) =	ssettag $0x2  }
0xa4: {  	s0 =	rddreg [dreg:$0x0];
	s2 =	stileid.u32  }
0xa5: {  	s1 =	rddreg [dreg:$0x1];
	p0 =	sne.s32 s2, $0x0  }
0xa6: {  	s3 =	rddreg [dreg:$0x2];
	[bflag:$0x3] =	sbarrier.arrive $0xFFFF;
	s2 =	simm.s32 @!p0 $0x1C02  }
0xa7: {  	[timem:s3], [sflag:s2] =	dma.local @!p0 [hbm:s0], s1  }
0xa8: {  	s0 =	simm.s32 @!p0 $0x2  }
0xa9: {  	_ =	swait.ge @!p0 [sflag:s0], s1  }
0xaa: {  	s1 =	ssub.s32 @!p0 $0x0, s1;
	[sflag:s0] =	ssyncset.done @!p0 $0x0  }
0xab: {  	[sflag:s0] =	ssyncadd.s32 @!p0 s1  }
0xac: {  	[bflag:$0x3] =	sbarrier.arrive $0xFFFF  }
0xad: {  	_ =	shalt  }

// kernel: kernel.16.cloned.1.call-start
scs
__scs_entry_jumppad:
0x0: {  	(pc) =	sbr.rel $0x88, $3  }
0x1: {  	(tag) =	ssettag $0x0;
	lr =	simm.s32 $0x1  }
0x2: {  	[smem:$0x3F95] =	sst lr;
	_ =	strace $0xD0000000  }
0x3: {  	_ = 	snop  }
0x4: {  	_ = 	snop  }
0x5: {  	_ = 	snop  }
0x6: {  	_ = 	snop  }
0x7: {  	_ = 	snop  }
__scs_overlays_trampoline_lowered:
0x8: {  	[smem:$0x3FA4] =	sst s0  }
0x9: {  	[smem:$0x3FA5] =	sst s1  }
0xa: {  	[smem:$0x3FA6] =	sst s2  }
0xb: {  	[smem:$0x3FA7] =	sst s3  }
0xc: {  	[smem:$0x3FA8] =	sst s4  }
0xd: {  	[smem:$0x3FA9] =	sst s5  }
0xe: {  	[smem:$0x3FAA] =	sst s6  }
0xf: {  	[smem:$0x3FAB] =	sst s7  }
0x10: {  	[smem:$0x3FAC] =	sst s8  }
0x11: {  	[smem:$0x3FAD] =	sst s9;
	s0 =	simm.s32 @!p0 $0x0  }
0x12: {  	s1 =	sld [smem:$0x3F93];
	s0 =	simm.s32 @p0 $0x1  }
0x13: {  	[smem:$0x3FAE] =	sst s0;
	s0 =	simm.s32 @!p1 $0x0  }
0x14: {  	s2 =	sld [smem:$0x3F92];
	s0 =	simm.s32 @p1 $0x1  }
0x15: {  	[smem:$0x3FAF] =	sst s0;
	s0 =	simm.s32 @!p2 $0x0  }
0x16: {  	s3 =	sld [smem:$0x3FDB];
	s0 =	simm.s32 @p2 $0x1  }
0x17: {  	s4 =	simm.s32 $0x1BF5;
	[smem:$0x3FB1] =	sst s0  }
0x18: {  	s0 =	sld [smem:$0x3F94];
	_ =	swait.ge [sflag:s4], $0x0  }
0x19: {  	s7 =	sld [smem:$0x3F95]  }
0x1a: {  	s8 =	sadd.s32 $0xFFFFE003, lr  }
0x1b: {  	s9 =	sadd.s32 $0xFFFFFEF7, lr;
	s5 =	simm.s32 $0xFFFFFFFF;
	p2 =	slt.u32 s8, $0xFFFFF086  }
0x1c: {  	p1 =	slt.u32 s9, $0xF7A;
	s5 =	simm.s32 @!p2 $0x0  }
0x1d: {  	s5 =	simm.s32 @p1 $0x1;
	p0 =	seq.s32 s7, s2  }
0x1e: {  	s7 =	smul.u32 @!p0 $0xF7A, s2;
	p2 =	seq.s32 @!p0 s5, $0x0  }
0x1f: {  	s9 =	smul.u32 $0xF7A, s1;
	s8 =	simm.s32 @!p0 $0x1BF5;
	p2 =	por !p2, p0  }
0x20: {  	[sflag:s8] =	ssyncset.s32 @!p0 $0xFFFFF086;
	s6 =	sadd.s32 @!p0 s3, s7;
	s7 =	simm.s32 @!p0 $0x108  }
0x21: {  	s3 =	sadd.s32 s3, s9;
	s6 =	sadd.s32 @!p0 $0x88, s6;
	s7 =	simm.s32 @p2 $0x1082  }
0x22: {  	[simem:s7], [sflag:s8] =	dma.local @!p0 [hbm:s6], $0xF7A  }
0x23: {  	s9 =	sor.u32 $0xD0000000, s2;
	s6 =	simm.s32 $0x108;
	_ =	swait.ge @!p0 [sflag:s8], $0x0  }
0x24: {  	s3 =	sadd.s32 $0x88, s3;
	s6 =	simm.s32 @!p1 $0x1082;
	[sflag:s4] =	ssyncset.s32 $0xFFFFF086  }
0x25: {  	[simem:s6], [sflag:s4] =	dma.local [hbm:s3], $0xF7A  }
0x26: {  	[smem:$0x3F95] =	sst s1;
	(tag) =	ssettag s2;
	_ =	strace s9  }
0x27: {  	s1 =	sld [smem:$0x3FA5]  }
0x28: {  	s2 =	sld [smem:$0x3FA6]  }
0x29: {  	s4 =	sld [smem:$0x3FA8]  }
0x2a: {  	p0 =	seq.s32 s5, $0x0;
	s5 =	sld [smem:$0x3FA9]  }
0x2b: {  	s6 =	sld [smem:$0x3FAA]  }
0x2c: {  	s7 =	sld [smem:$0x3FAB]  }
0x2d: {  	s3 =	simm.s32 $0x108;
	s8 =	sld [smem:$0x3FAC]  }
0x2e: {  	s3 =	simm.s32 @!p0 $0x1082;
	s9 =	sld [smem:$0x3FAD]  }
0x2f: {  	lr =	sadd.s32 s0, s3;
	s0 =	sld [smem:$0x3FA4]  }
0x30: {  	s3 =	sld [smem:$0x3FA7]  }
0x31: {  	[smem:$0x3FB0] =	sst s10  }
0x32: {  	s10 =	sld [smem:$0x3FAE];
	_ =	sdelay $0x3  }
0x33: {  	p0 =	seq.s32 s10, $0x1;
	s10 =	sld [smem:$0x3FB0];
	_ =	sdelay $0x3  }
0x34: {  	[smem:$0x3FB0] =	sst s10  }
0x35: {  	s10 =	sld [smem:$0x3FAF];
	_ =	sdelay $0x3  }
0x36: {  	p1 =	seq.s32 s10, $0x1;
	s10 =	sld [smem:$0x3FB0];
	_ =	sdelay $0x3  }
0x37: {  	[smem:$0x3FB0] =	sst s10  }
0x38: {  	s10 =	sld [smem:$0x3FB1]  }
0x39: {  	_ = 	snop;
	(pc) =	sbr.ind lr, $3  }
0x3a: {  	_ = 	snop  }
0x3b: {  	_ = 	snop  }
0x3c: {  	p2 =	seq.s32 s10, $0x1;
	s10 =	sld [smem:$0x3FB0]  }
0x3d: {  	_ =	shalt  }
0x3e: {  	_ =	shalt  }
0x3f: {  	_ =	shalt  }
0x40: {  	_ =	shalt  }
0x41: {  	_ =	shalt  }
0x42: {  	_ =	shalt  }
0x43: {  	_ =	shalt  }
0x44: {  	_ =	shalt  }
0x45: {  	_ =	shalt  }
0x46: {  	_ =	shalt  }
0x47: {  	_ =	shalt  }
0x48: {  	_ =	shalt  }
0x49: {  	_ =	shalt  }
0x4a: {  	_ =	shalt  }
0x4b: {  	_ =	shalt  }
0x4c: {  	_ =	shalt  }
0x4d: {  	_ =	shalt  }
0x4e: {  	_ =	shalt  }
0x4f: {  	_ =	shalt  }
0x50: {  	_ =	shalt  }
0x51: {  	_ =	shalt  }
0x52: {  	_ =	shalt  }
0x53: {  	_ =	shalt  }
0x54: {  	_ =	shalt  }
0x55: {  	_ =	shalt  }
0x56: {  	_ =	shalt  }
0x57: {  	_ =	shalt  }
0x58: {  	_ =	shalt  }
0x59: {  	_ =	shalt  }
0x5a: {  	_ =	shalt  }
0x5b: {  	_ =	shalt  }
0x5c: {  	_ =	shalt  }
0x5d: {  	_ =	shalt  }
0x5e: {  	_ =	shalt  }
0x5f: {  	_ =	shalt  }
0x60: {  	_ =	shalt  }
0x61: {  	_ =	shalt  }
0x62: {  	_ =	shalt  }
0x63: {  	_ =	shalt  }
0x64: {  	_ =	shalt  }
0x65: {  	_ =	shalt  }
0x66: {  	_ =	shalt  }
0x67: {  	_ =	shalt  }
0x68: {  	_ =	shalt  }
0x69: {  	_ =	shalt  }
0x6a: {  	_ =	shalt  }
0x6b: {  	_ =	shalt  }
0x6c: {  	_ =	shalt  }
0x6d: {  	_ =	shalt  }
0x6e: {  	_ =	shalt  }
0x6f: {  	_ =	shalt  }
0x70: {  	_ =	shalt  }
0x71: {  	_ =	shalt  }
0x72: {  	_ =	shalt  }
0x73: {  	_ =	shalt  }
0x74: {  	_ =	shalt  }
0x75: {  	_ =	shalt  }
0x76: {  	_ =	shalt  }
0x77: {  	_ =	shalt  }
0x78: {  	_ =	shalt  }
0x79: {  	_ =	shalt  }
0x7a: {  	_ =	shalt  }
0x7b: {  	_ =	shalt  }
0x7c: {  	_ =	shalt  }
0x7d: {  	_ =	shalt  }
0x7e: {  	_ =	shalt  }
0x7f: {  	_ =	shalt  }
0x80: {  	_ =	shalt  }
0x81: {  	_ =	shalt  }
0x82: {  	_ =	shalt  }
0x83: {  	_ =	shalt  }
0x84: {  	_ =	shalt  }
0x85: {  	_ =	shalt  }
0x86: {  	_ =	shalt  }
0x87: {  	_ =	shalt  }
.Lfunc_end0:
.L_simem_size_0:
called_computation.2_lowered:
.L_overlay_start_0:
0x88: {  	s2 =	sld [smem:$0x3FD9]  }
0x89: {  	s3 =	sld [smem:$0x3FFE];
	_ =	sdelay $0x1  }
0x8a: {  	s1 =	srdreg.scid  }
0x8b: {  	s0 =	sand.u32 $0x1, s1  }
0x8c: {  	s15 =	sshll.u32 s0, $0xA;
	s2 =	sadd.s32 s3, s2  }
0x8d: {  	s2 =	sadd.s32 s2, s15  }
0x8e: {  	[smem:$0x3FBC] =	sst s2  }
0x8f: {  	_ = 	snop  }
0x90: {  	s16 =	sld [smem:$0x3FD0];
	_ =	sdelay $0x2  }
0x91: {  	s4 =	simm.s32 $0xD;
	s5 =	simm.s32 $0x10;
	s2 =	sld [smem:$0x3FC6]  }
0x92: {  	[smem:s5], [sflag:s4] =	dma.local [hbm:s16], $0x1  }
0x93: {  	_ =	swait.eq [sflag:s4], $0x1  }
0x94: {  	[sflag:s4] =	ssyncset.done $0x0  }
0x95: {  	[sflag:s4] =	ssyncadd.s32 $0xFFFFFFFF  }
0x96: {  	s17 =	sld [smem:$0x11];
	(tm) =	ssettm $0x1  }
0x97: {  	s18 =	sld [smem:$0x3FFB];
	_ =	sdelay $0x3  }
0x98: {  	_ =	strace s18  }
0x99: {  	s3 =	sld [smem:$0x3FFC];
	_ =	sdelay $0x3  }
0x9a: {  	_ =	strace s3  }
0x9b: {  	s3 =	sld [smem:$0x3FFD];
	_ =	sdelay $0x3  }
0x9c: {  	_ =	strace s3  }
0x9d: {  	_ =	strace $0x8FFFFFFF  }
0x9e: {  	s19 =	sld [smem:$0x3FDB];
	_ =	sdelay $0x1  }
0x9f: {  	s20 =	simm.s32 $_scs_section_size  }
0xa0: {  	s6 =	simm.s32 $_size__tile_overlayer_lowered;
	s7 =	simm.s32 $_tile_overlayer_lowered  }
0xa1: {  	s8 =	simm.s32 $0x1BFF;
	s21 =	sshll.u32 s7, $0x1;
	s5 =	sadd.s32 s20, s19  }
0xa2: {  	s22 =	simm.s32 $0x0;
	s6 =	sshll.u32 s6, $0x1;
	s7 =	sadd.s32 s21, s5  }
0xa3: {  	[timem:s22], [sflag:s8] =	dma.local [hbm:s7], s6  }
0xa4: {  	_ =	swait.ge [sflag:s8], s6  }
0xa5: {  	s6 =	ssub.s32 $0x0, s6;
	[sflag:s8] =	ssyncset.done $0x0  }
0xa6: {  	[sflag:s8] =	ssyncadd.s32 s6;
	_ =	sdelay $0x1  }
0xa7: {  	s23 =	simm.s32 $0x1B8B  }
0xa8: {  	_ =	swait.ge [sflag:s23], $0x1  }
0xa9: {  	[sflag:s23] =	ssyncset.done $0x0  }
0xaa: {  	[sflag:s23] =	ssyncadd.s32 $0xFFFFFFFF  }
0xab: {  	s6 =	sld [smem:$0x0]  }
0xac: {  	s7 =	sand.u32 $0xFFFFFFFE, s1  }
0xad: {  	p0 =	sne.s32 s1, s7  }
0xae: {  	s7 =	sshll.u32 @p0 s7, $0xE  }
0xaf: {  	s7 =	sadd.s32 @p0 $0x11B8D, s7;
	s8 =	sshll.u32 @p0 s6, $0x11  }
0xb0: {  	s7 =	sor.u32 @p0 s8, s7  }
0xb1: {  	[sflag:s7] =	ssyncadd.remote.s32 @p0 $0x1;
	_ =	sdelay $0x1  }
0xb2: {  	s7 =	simm.s32 @p0 $0x1B8D  }
0xb3: {  	_ =	swait.eq @p0 [sflag:s7], $0x1  }
0xb4: {  	[sflag:s7] =	ssyncadd.s32 @p0 $0xFFFFFFFF  }
0xb5: {  	s8 =	sshll.u32 @!p0 s1, $0xE  }
0xb6: {  	s8 =	sor.u32 @!p0 $0x4000, s8;
	s7 =	simm.s32 @!p0 $0x1B8D  }
0xb7: {  	s6 =	sshll.u32 @!p0 s6, $0x11;
	s8 =	sadd.s32 @!p0 $0x11B8D, s8;
	_ =	swait.eq @!p0 [sflag:s7], $0x1  }
0xb8: {  	s6 =	sor.u32 @!p0 s6, s8;
	[sflag:s7] =	ssyncadd.s32 @!p0 $0xFFFFFFFF  }
0xb9: {  	s25 =	simm.s32 $0x1B8E;
	s24 =	sld [smem:$0x3FFE];
	[sflag:s6] =	ssyncadd.remote.s32 @!p0 $0x1  }
0xba: {  	s26 =	simm.s32 $execute0_lowered;
	[smem:$0x3FD2] =	sst s25  }
0xbb: {  	s7 =	sshll.u32 s26, $0x1;
	_ =	strace $0x8000004C;
	[dreg:$0x1] =	wrdreg $0xFFFFFFFF  }
0xbc: {  	s28 =	simm.s32 $_size_execute0_lowered;
	s5 =	sadd.s32 s5, s7;
	[dreg:$0x0] =	wrdreg $0x0  }
0xbd: {  	s7 =	sshll.u32 s28, $0x1;
	[dreg:$0x2] =	wrdreg s5  }
0xbe: {  	[dreg:$0x3] =	wrdreg s7  }
0xbf: {  	[dreg:$0x4] =	wrdreg $0xC0  }
0xc0: {  	_ =	task [dreg:s22], $0x5FFFF  }
0xc1: {  	[dreg:$0x1] =	wrdreg $0xFFFFFFFF  }
0xc2: {  	[dreg:$0x0] =	wrdreg $0x60  }
0xc3: {  	[dreg:$0x2] =	wrdreg s2  }
0xc4: {  	[dreg:$0x3] =	wrdreg s17  }
0xc5: {  	[dreg:$0x4] =	wrdreg s24  }
0xc6: {  	[dreg:$0x5] =	wrdreg $0xB  }
0xc7: {  	_ =	task.clear_ibuf [dreg:s22], $0x6FFFF;
	_ =	strace $0x9000004C  }
0xc8: {  	s29 =	simm.s32 $0xB;
	_ =	strace $0x8000004E  }
0xc9: {  	_ =	swait.ge [sflag:s29], $0x1  }
0xca: {  	[sflag:s29] =	ssyncadd.s32 $0xFFFFFFFF  }
0xcb: {  	_ =	strace $0x9000004E  }
0xcc: {  	_ =	sfence  }
0xcd: {  	s30 =	sld [smem:$0x0];
	_ =	sdelay $0x2  }
0xce: {  	s31 =	sshll.u32 s1, $0xD;
	s1 =	sshrl.u32 s1, $0x2  }
0xcf: {  	s4 =	sand.u32 $0x4000, s31;
	s1 =	sadd.s32 s1, s30  }
0xd0: {  	s0 =	sor.u32 s4, s0;
	s1 =	sshll.u32 s1, $0x11  }
0xd1: {  	s0 =	sor.u32 s1, s0  }
0xd2: {  	s0 =	sadd.s32 $0x8F2B, s0  }
0xd3: {  	[sflag:s0] =	ssyncadd.remote.s32 $0x1  }
0xd4: {  	_ =	sfence.sel $0xFFFF  }
0xd5: {  	[dreg:$0x0] =	wrdreg $0xFFFFFFFF;
	(pc) =	sbr.abs _section_cstart, $3  }
0xd6: {  	[dreg:$0x1] =	wrdreg $0xFFFFFFFF  }
0xd7: {  	_ =	task.clear_ibuf [dreg:s22], $0x2FFFF;
	_ =	strace $0x9FFFFFFF  }
0xd8: {  	(tm) =	ssettm $0x7FFFFFFF  }
0xd9: {  	_ =	shalt  }
tec
execute0_lowered:
.L_overlay_start_1:
0x0: {  	(tag) =	ssettag $0x1  }
0x1: {  	s1 =	rddreg [dreg:$0x0]  }
0x2: {  	s4 =	rddreg [dreg:$0x1]  }
0x3: {  	s5 =	rddreg [dreg:$0x2]  }
0x4: {  	s0 =	rddreg [dreg:$0x3];
	s3 =	simm.s32 $0x0;
	s6 =	srdreg.scid  }
0x5: {  	s2 =	stileid.u32;
	s11 =	simm.s32 $0x80;
	s12 =	simm.s32 $0x4800  }
0x6: {  	s13 =	simm.s32 $0x0;
	[smem:$0x7FF] =	sst s3;
	s6 =	sand.u32 $0x1, s6  }
0x7: {  	s8 =	sshll.u32 s2, $0xC;
	s5 =	sadd.s32 $0x84C00, s5;
	s30 =	sshll.u32 s2, $0x10  }
0x8: {  	s7 =	ssub.s32 $0x2, s6;
	s9 =	sshll.u32 s6, $0xB;
	_ =	strace $0x8000004D  }
0x9: {  	s31 =	sshll.u32 s6, $0xF;
	s10 =	sshrl.u32 s7, $0x1;
	s8 =	sor.u32 s9, s8  }
0xa: {  	s7 =	ssub.s32 s7, s10;
	s9 =	sshrl.u32 s8, $0x3;
	s8 =	sshll.u32 s8, $0x4  }
0xb: {  	s10 =	simm.s32 $0x1;
	s4 =	sadd.s32 s4, s9;
	s8 =	sadd.s32 s5, s8  }
0xc: {  	s9 =	sadd.s32 s30, s5;
	s5 =	smax.u32 s7, $0x1;
	s6 =	sadd.s32 $0x7800, s8  }
0xd: {  	s7 =	sadd.s32 s31, s9;
	s8 =	simm.s32 $0x2;
	s9 =	simm.s32 $0x800  }
.LBB2_1:
0xe: {  	[tilespmem:s3], [sflag:$0x2] =	stream.linear.gather [hbm4b:s4+s3], $0x800, $0x38;
	[tilespmem:$0x8800] =	vst v63  }
0xf: {  	_ =	swait.ge [sflag:s8], $0x800  }
0x10: {  	[sflag:s8] =	ssyncset.done $0x0  }
0x11: {  	[sflag:s8] =	ssyncadd.s32 $0xFFFFF800  }
0x12: {  	[tilespmem:s9], [sflag:$0x1] =	stream.indirect.gather [hbm4b:s1+s11], $0x80, s3, s11, $0xb8;
	[tilespmem:$0x8800] =	vst v63  }
0x13: {  	s14 =	simm.s32 $0x4000;
	_ =	swait.ge [sflag:s10], $0x4000  }
0x14: {  	s15 =	simm.s32 $0x0;
	s14 =	sand.u32 $0x4000, s14;
	[sflag:s10] =	ssyncset.done $0x0  }
0x15: {  	s31 =	sand.u32 $0x4000, s15;
	s14 =	sor.u32 $0x800, s14;
	[sflag:s10] =	ssyncadd.s32 $0xFFFFC000  }
0x16: {  	[tilespmem:s14], [sflag:$0x1] =	stream.indirect.gather [hbm4b:s1+s11], $0x80, s11, s11, $0xb8;
	[tilespmem:$0x8800] =	vst v63  }
0x17: {  	s16 =	simm.s32 $0x80;
	s14 =	sor.u32 $0x800, s31  }
0x18: {  	[hbm4b:s7+s3] =	stream.linear.scatter [tilespmem:s14], [sflag:$0x2], $0x4000, $0x38;
	[tilespmem:$0x8800] =	vst v63  }
0x19: {  	s15 =	smov.u32 s7;
	s14 =	simm.s32 $0x8000;
	_ =	swait.ge [sflag:s8], $0x4000  }
.LBB2_2:
0x1a: {  	[sflag:s8] =	ssyncset.done $0x0  }
0x1b: {  	s15 =	sadd.s32 $0x800, s15;
	s16 =	sadd.s32 $0x80, s16;
	s17 =	smov.u32 s14  }
0x1c: {  	p0 =	sne.s32 s14, $0x3C000;
	s14 =	sadd.s32 $0x4000, s14;
	[sflag:s8] =	ssyncadd.s32 $0xFFFFC000  }
0x1d: {  	_ =	swait.ge [sflag:s10], $0x4000  }
0x1e: {  	s18 =	sand.u32 $0x4000, s17;
	[sflag:s10] =	ssyncset.done $0x0  }
0x1f: {  	s17 =	sadd.s32 $0xFFFFC000, s17;
	s18 =	sor.u32 $0x800, s18;
	[sflag:s10] =	ssyncadd.s32 $0xFFFFC000  }
0x20: {  	[tilespmem:s18], [sflag:$0x1] =	stream.indirect.gather [hbm4b:s1+s11], $0x80, s16, s11, $0xb8;
	[tilespmem:$0x8800] =	vst v63  }
.Ltmp0:
0x21: {  	_ = 	snop;
	(pc) =	sbr.rel @p0 .LBB2_2-.Ltmp0, $4  }
0x22: {  	s17 =	sand.u32 $0x4000, s17  }
0x23: {  	s17 =	sor.u32 $0x800, s17  }
0x24: {  	[hbm4b:s15+s3] =	stream.linear.scatter [tilespmem:s17], [sflag:$0x2], $0x4000, $0x38;
	[tilespmem:$0x8800] =	vst v63  }
0x25: {  	_ =	swait.ge [sflag:s8], $0x4000  }
0x26: {  	[sflag:s8] =	ssyncset.done $0x0  }
0x27: {  	[sflag:s8] =	ssyncadd.s32 $0xFFFFC000  }
0x28: {  	s13 =	sadd.s32 $0x1, s13;
	_ =	swait.ge [sflag:s10], $0x4000  }
0x29: {  	p0 =	sne.s32 s13, s5;
	[sflag:s10] =	ssyncset.done $0x0  }
.Ltmp1:
0x2a: {  	[sflag:s10] =	ssyncadd.s32 $0xFFFFC000;
	(pc) =	sbr.rel @p0 .LBB2_1-.Ltmp1, $4  }
0x2b: {  	[hbm4b:s6+s3] =	stream.linear.scatter [tilespmem:s12], [sflag:$0x2], $0x4000, $0x38;
	[tilespmem:$0x8800] =	vst v63  }
0x2c: {  	_ =	swait.ge [sflag:s8], $0x4000  }
0x2d: {  	[sflag:s8] =	ssyncset.done $0x0  }
0x2e: {  	[sflag:s8] =	ssyncadd.s32 $0xFFFFC000  }
0x2f: {  	_ =	sfence.sel $0x180000  }
0x30: {  	[bflag:$0x0] =	sbarrier.arrive $0xFFFF  }
0x31: {  	p0 =	sne.s32 s2, $0x0;
	_ =	strace $0x9000004D  }
0x32: {  	s0 =	sadd.s32 @!p0 $0x100000, s0;
	[bflag:$0x2] =	sbarrier.arrive $0xFFFF  }
0x33: {  	[sflag:s0] =	ssyncadd.tile.s32 @!p0 $0x1;
	_ =	shalt  }
.Lfunc_end2:
_tile_overlayer_lowered:
.L_overlay_start_2:
0x34: {  	(tag) =	ssettag $0x2  }
0x35: {  	s0 =	rddreg [dreg:$0x0];
	s2 =	stileid.u32  }
0x36: {  	s1 =	rddreg [dreg:$0x1];
	p0 =	sne.s32 s2, $0x0  }
0x37: {  	s3 =	rddreg [dreg:$0x2];
	[bflag:$0x3] =	sbarrier.arrive $0xFFFF;
	s2 =	simm.s32 @!p0 $0x1C02  }
0x38: {  	[timem:s3], [sflag:s2] =	dma.local @!p0 [hbm:s0], s1  }
0x39: {  	s0 =	simm.s32 @!p0 $0x2  }
0x3a: {  	_ =	swait.ge @!p0 [sflag:s0], s1  }
0x3b: {  	s1 =	ssub.s32 @!p0 $0x0, s1;
	[sflag:s0] =	ssyncset.done @!p0 $0x0  }
0x3c: {  	[sflag:s0] =	ssyncadd.s32 @!p0 s1  }
0x3d: {  	[bflag:$0x3] =	sbarrier.arrive $0xFFFF  }
0x3e: {  	_ =	shalt  }

// kernel: kernel.19.cloned.1.call-start
scs
__scs_entry_jumppad:
0x0: {  	(pc) =	sbr.rel $0x88, $3  }
0x1: {  	(tag) =	ssettag $0x0;
	lr =	simm.s32 $0x1  }
0x2: {  	[smem:$0x3F95] =	sst lr;
	_ =	strace $0xD0000000  }
0x3: {  	_ = 	snop  }
0x4: {  	_ = 	snop  }
0x5: {  	_ = 	snop  }
0x6: {  	_ = 	snop  }
0x7: {  	_ = 	snop  }
__scs_overlays_trampoline_lowered:
0x8: {  	[smem:$0x3FA4] =	sst s0  }
0x9: {  	[smem:$0x3FA5] =	sst s1  }
0xa: {  	[smem:$0x3FA6] =	sst s2  }
0xb: {  	[smem:$0x3FA7] =	sst s3  }
0xc: {  	[smem:$0x3FA8] =	sst s4  }
0xd: {  	[smem:$0x3FA9] =	sst s5  }
0xe: {  	[smem:$0x3FAA] =	sst s6  }
0xf: {  	[smem:$0x3FAB] =	sst s7  }
0x10: {  	[smem:$0x3FAC] =	sst s8  }
0x11: {  	[smem:$0x3FAD] =	sst s9;
	s0 =	simm.s32 @!p0 $0x0  }
0x12: {  	s1 =	sld [smem:$0x3F93];
	s0 =	simm.s32 @p0 $0x1  }
0x13: {  	[smem:$0x3FAE] =	sst s0;
	s0 =	simm.s32 @!p1 $0x0  }
0x14: {  	s2 =	sld [smem:$0x3F92];
	s0 =	simm.s32 @p1 $0x1  }
0x15: {  	[smem:$0x3FAF] =	sst s0;
	s0 =	simm.s32 @!p2 $0x0  }
0x16: {  	s3 =	sld [smem:$0x3FDB];
	s0 =	simm.s32 @p2 $0x1  }
0x17: {  	s4 =	simm.s32 $0x1BF5;
	[smem:$0x3FB1] =	sst s0  }
0x18: {  	s0 =	sld [smem:$0x3F94];
	_ =	swait.ge [sflag:s4], $0x0  }
0x19: {  	s7 =	sld [smem:$0x3F95]  }
0x1a: {  	s8 =	sadd.s32 $0xFFFFE003, lr  }
0x1b: {  	s9 =	sadd.s32 $0xFFFFFEF7, lr;
	s5 =	simm.s32 $0xFFFFFFFF;
	p2 =	slt.u32 s8, $0xFFFFF086  }
0x1c: {  	p1 =	slt.u32 s9, $0xF7A;
	s5 =	simm.s32 @!p2 $0x0  }
0x1d: {  	s5 =	simm.s32 @p1 $0x1;
	p0 =	seq.s32 s7, s2  }
0x1e: {  	s7 =	smul.u32 @!p0 $0xF7A, s2;
	p2 =	seq.s32 @!p0 s5, $0x0  }
0x1f: {  	s9 =	smul.u32 $0xF7A, s1;
	s8 =	simm.s32 @!p0 $0x1BF5;
	p2 =	por !p2, p0  }
0x20: {  	[sflag:s8] =	ssyncset.s32 @!p0 $0xFFFFF086;
	s6 =	sadd.s32 @!p0 s3, s7;
	s7 =	simm.s32 @!p0 $0x108  }
0x21: {  	s3 =	sadd.s32 s3, s9;
	s6 =	sadd.s32 @!p0 $0x88, s6;
	s7 =	simm.s32 @p2 $0x1082  }
0x22: {  	[simem:s7], [sflag:s8] =	dma.local @!p0 [hbm:s6], $0xF7A  }
0x23: {  	s9 =	sor.u32 $0xD0000000, s2;
	s6 =	simm.s32 $0x108;
	_ =	swait.ge @!p0 [sflag:s8], $0x0  }
0x24: {  	s3 =	sadd.s32 $0x88, s3;
	s6 =	simm.s32 @!p1 $0x1082;
	[sflag:s4] =	ssyncset.s32 $0xFFFFF086  }
0x25: {  	[simem:s6], [sflag:s4] =	dma.local [hbm:s3], $0xF7A  }
0x26: {  	[smem:$0x3F95] =	sst s1;
	(tag) =	ssettag s2;
	_ =	strace s9  }
0x27: {  	s1 =	sld [smem:$0x3FA5]  }
0x28: {  	s2 =	sld [smem:$0x3FA6]  }
0x29: {  	s4 =	sld [smem:$0x3FA8]  }
0x2a: {  	p0 =	seq.s32 s5, $0x0;
	s5 =	sld [smem:$0x3FA9]  }
0x2b: {  	s6 =	sld [smem:$0x3FAA]  }
0x2c: {  	s7 =	sld [smem:$0x3FAB]  }
0x2d: {  	s3 =	simm.s32 $0x108;
	s8 =	sld [smem:$0x3FAC]  }
0x2e: {  	s3 =	simm.s32 @!p0 $0x1082;
	s9 =	sld [smem:$0x3FAD]  }
0x2f: {  	lr =	sadd.s32 s0, s3;
	s0 =	sld [smem:$0x3FA4]  }
0x30: {  	s3 =	sld [smem:$0x3FA7]  }
0x31: {  	[smem:$0x3FB0] =	sst s10  }
0x32: {  	s10 =	sld [smem:$0x3FAE];
	_ =	sdelay $0x3  }
0x33: {  	p0 =	seq.s32 s10, $0x1;
	s10 =	sld [smem:$0x3FB0];
	_ =	sdelay $0x3  }
0x34: {  	[smem:$0x3FB0] =	sst s10  }
0x35: {  	s10 =	sld [smem:$0x3FAF];
	_ =	sdelay $0x3  }
0x36: {  	p1 =	seq.s32 s10, $0x1;
	s10 =	sld [smem:$0x3FB0];
	_ =	sdelay $0x3  }
0x37: {  	[smem:$0x3FB0] =	sst s10  }
0x38: {  	s10 =	sld [smem:$0x3FB1]  }
0x39: {  	_ = 	snop;
	(pc) =	sbr.ind lr, $3  }
0x3a: {  	_ = 	snop  }
0x3b: {  	_ = 	snop  }
0x3c: {  	p2 =	seq.s32 s10, $0x1;
	s10 =	sld [smem:$0x3FB0]  }
0x3d: {  	_ =	shalt  }
0x3e: {  	_ =	shalt  }
0x3f: {  	_ =	shalt  }
0x40: {  	_ =	shalt  }
0x41: {  	_ =	shalt  }
0x42: {  	_ =	shalt  }
0x43: {  	_ =	shalt  }
0x44: {  	_ =	shalt  }
0x45: {  	_ =	shalt  }
0x46: {  	_ =	shalt  }
0x47: {  	_ =	shalt  }
0x48: {  	_ =	shalt  }
0x49: {  	_ =	shalt  }
0x4a: {  	_ =	shalt  }
0x4b: {  	_ =	shalt  }
0x4c: {  	_ =	shalt  }
0x4d: {  	_ =	shalt  }
0x4e: {  	_ =	shalt  }
0x4f: {  	_ =	shalt  }
0x50: {  	_ =	shalt  }
0x51: {  	_ =	shalt  }
0x52: {  	_ =	shalt  }
0x53: {  	_ =	shalt  }
0x54: {  	_ =	shalt  }
0x55: {  	_ =	shalt  }
0x56: {  	_ =	shalt  }
0x57: {  	_ =	shalt  }
0x58: {  	_ =	shalt  }
0x59: {  	_ =	shalt  }
0x5a: {  	_ =	shalt  }
0x5b: {  	_ =	shalt  }
0x5c: {  	_ =	shalt  }
0x5d: {  	_ =	shalt  }
0x5e: {  	_ =	shalt  }
0x5f: {  	_ =	shalt  }
0x60: {  	_ =	shalt  }
0x61: {  	_ =	shalt  }
0x62: {  	_ =	shalt  }
0x63: {  	_ =	shalt  }
0x64: {  	_ =	shalt  }
0x65: {  	_ =	shalt  }
0x66: {  	_ =	shalt  }
0x67: {  	_ =	shalt  }
0x68: {  	_ =	shalt  }
0x69: {  	_ =	shalt  }
0x6a: {  	_ =	shalt  }
0x6b: {  	_ =	shalt  }
0x6c: {  	_ =	shalt  }
0x6d: {  	_ =	shalt  }
0x6e: {  	_ =	shalt  }
0x6f: {  	_ =	shalt  }
0x70: {  	_ =	shalt  }
0x71: {  	_ =	shalt  }
0x72: {  	_ =	shalt  }
0x73: {  	_ =	shalt  }
0x74: {  	_ =	shalt  }
0x75: {  	_ =	shalt  }
0x76: {  	_ =	shalt  }
0x77: {  	_ =	shalt  }
0x78: {  	_ =	shalt  }
0x79: {  	_ =	shalt  }
0x7a: {  	_ =	shalt  }
0x7b: {  	_ =	shalt  }
0x7c: {  	_ =	shalt  }
0x7d: {  	_ =	shalt  }
0x7e: {  	_ =	shalt  }
0x7f: {  	_ =	shalt  }
0x80: {  	_ =	shalt  }
0x81: {  	_ =	shalt  }
0x82: {  	_ =	shalt  }
0x83: {  	_ =	shalt  }
0x84: {  	_ =	shalt  }
0x85: {  	_ =	shalt  }
0x86: {  	_ =	shalt  }
0x87: {  	_ =	shalt  }
.Lfunc_end0:
.L_simem_size_0:
called_computation.3_lowered:
.L_overlay_start_0:
0x88: {  	s2 =	sld [smem:$0x3FD9]  }
0x89: {  	s3 =	sld [smem:$0x3FFE];
	_ =	sdelay $0x1  }
0x8a: {  	s1 =	srdreg.scid  }
0x8b: {  	s0 =	sand.u32 $0x1, s1  }
0x8c: {  	s15 =	sshll.u32 s0, $0xA;
	s2 =	sadd.s32 s3, s2  }
0x8d: {  	s2 =	sadd.s32 s2, s15  }
0x8e: {  	[smem:$0x3FBC] =	sst s2  }
0x8f: {  	_ = 	snop  }
0x90: {  	s16 =	sld [smem:$0x3FD0];
	_ =	sdelay $0x2  }
0x91: {  	s4 =	simm.s32 $0xD;
	s5 =	simm.s32 $0x10;
	s2 =	sld [smem:$0x3FC6]  }
0x92: {  	[smem:s5], [sflag:s4] =	dma.local [hbm:s16], $0x1  }
0x93: {  	_ =	swait.eq [sflag:s4], $0x1  }
0x94: {  	[sflag:s4] =	ssyncset.done $0x0  }
0x95: {  	[sflag:s4] =	ssyncadd.s32 $0xFFFFFFFF  }
0x96: {  	s17 =	sld [smem:$0x12];
	(tm) =	ssettm $0x1  }
0x97: {  	s18 =	sld [smem:$0x3FFB];
	_ =	sdelay $0x3  }
0x98: {  	_ =	strace s18  }
0x99: {  	s3 =	sld [smem:$0x3FFC];
	_ =	sdelay $0x3  }
0x9a: {  	_ =	strace s3  }
0x9b: {  	s3 =	sld [smem:$0x3FFD];
	_ =	sdelay $0x3  }
0x9c: {  	_ =	strace s3  }
0x9d: {  	_ =	strace $0x8FFFFFFF  }
0x9e: {  	s19 =	sld [smem:$0x3FDB];
	_ =	sdelay $0x1  }
0x9f: {  	s20 =	simm.s32 $_scs_section_size  }
0xa0: {  	s6 =	simm.s32 $_size__tile_overlayer_lowered;
	s7 =	simm.s32 $_tile_overlayer_lowered  }
0xa1: {  	s8 =	simm.s32 $0x1BFF;
	s21 =	sshll.u32 s7, $0x1;
	s5 =	sadd.s32 s20, s19  }
0xa2: {  	s22 =	simm.s32 $0x0;
	s6 =	sshll.u32 s6, $0x1;
	s7 =	sadd.s32 s21, s5  }
0xa3: {  	[timem:s22], [sflag:s8] =	dma.local [hbm:s7], s6  }
0xa4: {  	_ =	swait.ge [sflag:s8], s6  }
0xa5: {  	s6 =	ssub.s32 $0x0, s6;
	[sflag:s8] =	ssyncset.done $0x0  }
0xa6: {  	[sflag:s8] =	ssyncadd.s32 s6;
	_ =	sdelay $0x1  }
0xa7: {  	s23 =	simm.s32 $0x1B8B  }
0xa8: {  	_ =	swait.ge [sflag:s23], $0x1  }
0xa9: {  	[sflag:s23] =	ssyncset.done $0x0  }
0xaa: {  	[sflag:s23] =	ssyncadd.s32 $0xFFFFFFFF  }
0xab: {  	s6 =	sld [smem:$0x0]  }
0xac: {  	s7 =	sand.u32 $0xFFFFFFFE, s1  }
0xad: {  	p0 =	sne.s32 s1, s7  }
0xae: {  	s7 =	sshll.u32 @p0 s7, $0xE  }
0xaf: {  	s7 =	sadd.s32 @p0 $0x11B8D, s7;
	s8 =	sshll.u32 @p0 s6, $0x11  }
0xb0: {  	s7 =	sor.u32 @p0 s8, s7  }
0xb1: {  	[sflag:s7] =	ssyncadd.remote.s32 @p0 $0x1;
	_ =	sdelay $0x1  }
0xb2: {  	s7 =	simm.s32 @p0 $0x1B8D  }
0xb3: {  	_ =	swait.eq @p0 [sflag:s7], $0x1  }
0xb4: {  	[sflag:s7] =	ssyncadd.s32 @p0 $0xFFFFFFFF  }
0xb5: {  	s8 =	sshll.u32 @!p0 s1, $0xE  }
0xb6: {  	s8 =	sor.u32 @!p0 $0x4000, s8;
	s7 =	simm.s32 @!p0 $0x1B8D  }
0xb7: {  	s6 =	sshll.u32 @!p0 s6, $0x11;
	s8 =	sadd.s32 @!p0 $0x11B8D, s8;
	_ =	swait.eq @!p0 [sflag:s7], $0x1  }
0xb8: {  	s6 =	sor.u32 @!p0 s6, s8;
	[sflag:s7] =	ssyncadd.s32 @!p0 $0xFFFFFFFF  }
0xb9: {  	s25 =	simm.s32 $0x1B8E;
	s24 =	sld [smem:$0x3FFE];
	[sflag:s6] =	ssyncadd.remote.s32 @!p0 $0x1  }
0xba: {  	s26 =	simm.s32 $execute0_lowered;
	[smem:$0x3FD2] =	sst s25  }
0xbb: {  	s7 =	sshll.u32 s26, $0x1;
	_ =	strace $0x8000004F;
	[dreg:$0x1] =	wrdreg $0xFFFFFFFF  }
0xbc: {  	s28 =	simm.s32 $_size_execute0_lowered;
	s5 =	sadd.s32 s5, s7;
	[dreg:$0x0] =	wrdreg $0x0  }
0xbd: {  	s7 =	sshll.u32 s28, $0x1;
	[dreg:$0x2] =	wrdreg s5  }
0xbe: {  	[dreg:$0x3] =	wrdreg s7  }
0xbf: {  	[dreg:$0x4] =	wrdreg $0xC0  }
0xc0: {  	_ =	task [dreg:s22], $0x5FFFF  }
0xc1: {  	[dreg:$0x1] =	wrdreg $0xFFFFFFFF  }
0xc2: {  	[dreg:$0x0] =	wrdreg $0x60  }
0xc3: {  	[dreg:$0x2] =	wrdreg s2  }
0xc4: {  	[dreg:$0x3] =	wrdreg s17  }
0xc5: {  	[dreg:$0x4] =	wrdreg s24  }
0xc6: {  	[dreg:$0x5] =	wrdreg $0xC  }
0xc7: {  	_ =	task.clear_ibuf [dreg:s22], $0x6FFFF;
	_ =	strace $0x9000004F  }
0xc8: {  	s29 =	simm.s32 $0xC;
	_ =	strace $0x80000051  }
0xc9: {  	_ =	swait.ge [sflag:s29], $0x1  }
0xca: {  	[sflag:s29] =	ssyncadd.s32 $0xFFFFFFFF  }
0xcb: {  	_ =	strace $0x90000051  }
0xcc: {  	_ =	sfence  }
0xcd: {  	s30 =	sld [smem:$0x0];
	_ =	sdelay $0x2  }
0xce: {  	s31 =	sshll.u32 s1, $0xD;
	s1 =	sshrl.u32 s1, $0x2  }
0xcf: {  	s4 =	sand.u32 $0x4000, s31;
	s1 =	sadd.s32 s1, s30  }
0xd0: {  	s0 =	sor.u32 s4, s0;
	s1 =	sshll.u32 s1, $0x11  }
0xd1: {  	s0 =	sor.u32 s1, s0  }
0xd2: {  	s0 =	sadd.s32 $0x8F2B, s0  }
0xd3: {  	[sflag:s0] =	ssyncadd.remote.s32 $0x1  }
0xd4: {  	_ =	sfence.sel $0xFFFF  }
0xd5: {  	[dreg:$0x0] =	wrdreg $0xFFFFFFFF;
	(pc) =	sbr.abs _section_cstart, $3  }
0xd6: {  	[dreg:$0x1] =	wrdreg $0xFFFFFFFF  }
0xd7: {  	_ =	task.clear_ibuf [dreg:s22], $0x2FFFF;
	_ =	strace $0x9FFFFFFF  }
0xd8: {  	(tm) =	ssettm $0x7FFFFFFF  }
0xd9: {  	_ =	shalt  }
tec
execute0_lowered:
.L_overlay_start_1:
0x0: {  	(tag) =	ssettag $0x1  }
0x1: {  	s1 =	rddreg [dreg:$0x0];
	s2 =	srdreg.scid  }
0x2: {  	s0 =	stileid.u32;
	s4 =	rddreg [dreg:$0x1]  }
0x3: {  	s6 =	rddreg [dreg:$0x2];
	s3 =	simm.s32 $0x0;
	s12 =	simm.s32 $0x4C00  }
0x4: {  	s13 =	simm.s32 $0x0;
	s5 =	sand.u32 $0x1, s2;
	s2 =	rddreg [dreg:$0x3]  }
0x5: {  	s28 =	sshll.u32 s0, $0x1;
	[smem:$0x7FF] =	sst s3;
	s9 =	smul.u32 $0xB0000, s0  }
0x6: {  	s7 =	sor.u32 s5, s28;
	s10 =	ssub.s32 $0x2, s5;
	s5 =	smul.u32 $0x58000, s5  }
0x7: {  	s11 =	sadd.s32 $0x184C00, s6;
	s8 =	smul.u32 $0x58000, s7;
	s29 =	sshrl.u32 s10, $0x1  }
0x8: {  	_ =	strace $0x80000050;
	s7 =	smul.u32 $0x180, s7;
	s6 =	ssub.s32 s10, s29  }
0x9: {  	s5 =	sadd.s32 s5, s9;
	s9 =	simm.s32 $0xC00;
	s10 =	simm.s32 $0x1  }
0xa: {  	s8 =	sshrl.u32 s8, $0x3;
	s4 =	sadd.s32 s4, s7;
	s31 =	sshrl.u32 s5, $0x3  }
0xb: {  	s5 =	smax.u32 s6, $0x1;
	s30 =	sadd.s32 s11, s8;
	s7 =	sadd.s32 s31, s11  }
0xc: {  	s8 =	simm.s32 $0x2;
	s11 =	simm.s32 $0x80;
	s6 =	sadd.s32 $0xA800, s30  }
.LBB2_1:
0xd: {  	[tilespmem:s3], [sflag:$0x2] =	stream.linear.gather [hbm4b:s4+s3], $0xB00, $0x38;
	[tilespmem:$0x8C00] =	vst v63  }
0xe: {  	_ =	swait.ge [sflag:s8], $0xB00  }
0xf: {  	[sflag:s8] =	ssyncset.done $0x0  }
0x10: {  	[sflag:s8] =	ssyncadd.s32 $0xFFFFF500  }
0x11: {  	[tilespmem:s9], [sflag:$0x1] =	stream.indirect.gather [hbm4b:s1+s11], $0x80, s3, s11, $0xb8;
	[tilespmem:$0x8C00] =	vst v63  }
0x12: {  	s14 =	simm.s32 $0x4000;
	_ =	swait.ge [sflag:s10], $0x4000  }
0x13: {  	s15 =	simm.s32 $0x0;
	s14 =	sand.u32 $0x4000, s14;
	[sflag:s10] =	ssyncset.done $0x0  }
0x14: {  	s31 =	sand.u32 $0x4000, s15;
	s14 =	sor.u32 $0xC00, s14;
	[sflag:s10] =	ssyncadd.s32 $0xFFFFC000  }
0x15: {  	[tilespmem:s14], [sflag:$0x1] =	stream.indirect.gather [hbm4b:s1+s11], $0x80, s11, s11, $0xb8;
	[tilespmem:$0x8C00] =	vst v63  }
0x16: {  	s16 =	smov.u32 s7;
	s14 =	sor.u32 $0xC00, s31  }
0x17: {  	[hbm4b:s7+s3] =	stream.linear.scatter [tilespmem:s14], [sflag:$0x2], $0x4000, $0x38;
	[tilespmem:$0x8C00] =	vst v63  }
0x18: {  	s15 =	simm.s32 $0x80;
	s14 =	simm.s32 $0x8000;
	_ =	swait.ge [sflag:s8], $0x4000  }
.LBB2_2:
0x19: {  	[sflag:s8] =	ssyncset.done $0x0  }
0x1a: {  	s15 =	sadd.s32 $0x80, s15;
	s16 =	sadd.s32 $0x800, s16;
	s17 =	smov.u32 s14  }
0x1b: {  	p0 =	sne.s32 s14, $0x54000;
	s14 =	sadd.s32 $0x4000, s14;
	[sflag:s8] =	ssyncadd.s32 $0xFFFFC000  }
0x1c: {  	_ =	swait.ge [sflag:s10], $0x4000  }
0x1d: {  	s18 =	sand.u32 $0x4000, s17;
	[sflag:s10] =	ssyncset.done $0x0  }
0x1e: {  	s17 =	sadd.s32 $0xFFFFC000, s17;
	s18 =	sor.u32 $0xC00, s18;
	[sflag:s10] =	ssyncadd.s32 $0xFFFFC000  }
0x1f: {  	[tilespmem:s18], [sflag:$0x1] =	stream.indirect.gather [hbm4b:s1+s11], $0x80, s15, s11, $0xb8;
	[tilespmem:$0x8C00] =	vst v63  }
.Ltmp0:
0x20: {  	_ = 	snop;
	(pc) =	sbr.rel @p0 .LBB2_2-.Ltmp0, $4  }
0x21: {  	s17 =	sand.u32 $0x4000, s17  }
0x22: {  	s17 =	sor.u32 $0xC00, s17  }
0x23: {  	[hbm4b:s16+s3] =	stream.linear.scatter [tilespmem:s17], [sflag:$0x2], $0x4000, $0x38;
	[tilespmem:$0x8C00] =	vst v63  }
0x24: {  	_ =	swait.ge [sflag:s8], $0x4000  }
0x25: {  	[sflag:s8] =	ssyncset.done $0x0  }
0x26: {  	[sflag:s8] =	ssyncadd.s32 $0xFFFFC000  }
0x27: {  	s13 =	sadd.s32 $0x1, s13;
	_ =	swait.ge [sflag:s10], $0x4000  }
0x28: {  	p0 =	sne.s32 s13, s5;
	[sflag:s10] =	ssyncset.done $0x0  }
.Ltmp1:
0x29: {  	[sflag:s10] =	ssyncadd.s32 $0xFFFFC000;
	(pc) =	sbr.rel @p0 .LBB2_1-.Ltmp1, $4  }
0x2a: {  	[hbm4b:s6+s3] =	stream.linear.scatter [tilespmem:s12], [sflag:$0x2], $0x4000, $0x38;
	[tilespmem:$0x8C00] =	vst v63  }
0x2b: {  	_ =	swait.ge [sflag:s8], $0x4000  }
0x2c: {  	[sflag:s8] =	ssyncset.done $0x0  }
0x2d: {  	[sflag:s8] =	ssyncadd.s32 $0xFFFFC000  }
0x2e: {  	_ =	sfence.sel $0x180000  }
0x2f: {  	[bflag:$0x0] =	sbarrier.arrive $0xFFFF  }
0x30: {  	p0 =	sne.s32 s0, $0x0;
	_ =	strace $0x90000050  }
0x31: {  	s0 =	sadd.s32 @!p0 $0x100000, s2;
	[bflag:$0x2] =	sbarrier.arrive $0xFFFF  }
0x32: {  	[sflag:s0] =	ssyncadd.tile.s32 @!p0 $0x1;
	_ =	shalt  }
.Lfunc_end2:
_tile_overlayer_lowered:
.L_overlay_start_2:
0x33: {  	(tag) =	ssettag $0x2  }
0x34: {  	s0 =	rddreg [dreg:$0x0];
	s2 =	stileid.u32  }
0x35: {  	s1 =	rddreg [dreg:$0x1];
	p0 =	sne.s32 s2, $0x0  }
0x36: {  	s3 =	rddreg [dreg:$0x2];
	[bflag:$0x3] =	sbarrier.arrive $0xFFFF;
	s2 =	simm.s32 @!p0 $0x1C02  }
0x37: {  	[timem:s3], [sflag:s2] =	dma.local @!p0 [hbm:s0], s1  }
0x38: {  	s0 =	simm.s32 @!p0 $0x2  }
0x39: {  	_ =	swait.ge @!p0 [sflag:s0], s1  }
0x3a: {  	s1 =	ssub.s32 @!p0 $0x0, s1;
	[sflag:s0] =	ssyncset.done @!p0 $0x0  }
0x3b: {  	[sflag:s0] =	ssyncadd.s32 @!p0 s1  }
0x3c: {  	[bflag:$0x3] =	sbarrier.arrive $0xFFFF  }
0x3d: {  	_ =	shalt  }

</sc_bundles>
